<compile_context>
chip_gen: v7x
topology: tpu7x:2x2x1
jax: 0.10.2.dev20260603
libtpu: 0.0.44.dev20260713+nightly
codegen_flags: <defaults>
</compile_context>

<pallas_src>
import functools

import jax
import jax.numpy as jnp
from jax import lax
from jax.experimental import pallas as pl
from jax.experimental.pallas import tpu as pltpu
from jax.experimental.pallas import tpu_sc as plsc

N = 10000
E = 320000
IN_DIM = 128
HID = 1024
NUM_GRAPHS = 64
NCHUNK = HID // 128
MB = 1000
NMB = N // MB


def _mm1_body(x_ref, aggp_ref, degp_ref, wl_ref, bl_ref, wr_ref,
              out_ref, dinv_ref):
    deg = degp_ref[0, :, 0] + degp_ref[1, :, 0]
    invd = 1.0 / jnp.maximum(deg, 1.0)
    agg = aggp_ref[0] + aggp_ref[1]
    mean = agg * invd[:, None]
    h = jnp.dot(mean, wl_ref[...], preferred_element_type=jnp.float32)
    h = h + bl_ref[0, 0][None, :]
    h = h + jnp.dot(x_ref[...], wr_ref[...], preferred_element_type=jnp.float32)
    out_ref[0] = jnp.tanh(h)
    dinv_ref[...] = jnp.broadcast_to(invd[:, None], (MB, 16))


def _mm1(x, aggp, degp, Wl1, bl1, Wr1):
    return pl.pallas_call(
        _mm1_body,
        grid=(NMB, NCHUNK),
        in_specs=[
            pl.BlockSpec((MB, IN_DIM), lambda i, c: (i, 0)),
            pl.BlockSpec((2, MB, 128), lambda i, c: (0, i, 0)),
            pl.BlockSpec((2, MB, 128), lambda i, c: (0, i, 0)),
            pl.BlockSpec((IN_DIM, 128), lambda i, c: (0, c)),
            pl.BlockSpec((1, 1, 128), lambda i, c: (c, 0, 0)),
            pl.BlockSpec((IN_DIM, 128), lambda i, c: (0, c)),
        ],
        out_specs=[pl.BlockSpec((1, MB, 128), lambda i, c: (c, i, 0)),
                   pl.BlockSpec((MB, 16), lambda i, c: (i, 0))],
        out_shape=[jax.ShapeDtypeStruct((NCHUNK, N, 128), jnp.float32),
                   jax.ShapeDtypeStruct((N, 16), jnp.float32)],
    )(x, aggp, degp, Wl1, bl1.reshape(NCHUNK, 1, 128), Wr1)


def _mm2_body(h1_ref, agg2_ref, dinv_ref, wl_ref, bl_ref, wr_ref, b_ref,
              out_ref):
    invd = dinv_ref[:, 0]
    s1 = jnp.zeros((MB, HID), jnp.float32)
    s2 = jnp.zeros((MB, HID), jnp.float32)
    for c in range(NCHUNK):
        wl = wl_ref[pl.ds(c * 128, 128), :]
        wr = wr_ref[pl.ds(c * 128, 128), :]
        s1 = s1 + jnp.dot(agg2_ref[c], wl, preferred_element_type=jnp.float32)
        s2 = s2 + jnp.dot(h1_ref[c], wr, preferred_element_type=jnp.float32)
    h2 = jnp.tanh(s1 * invd[:, None] + bl_ref[0][None, :] + s2)
    b = b_ref[0, 0, :]
    onehot = (b[None, :] == lax.broadcasted_iota(jnp.int32, (NUM_GRAPHS, MB), 0)
              ).astype(jnp.float32)
    gp = jnp.dot(onehot, h2, preferred_element_type=jnp.float32)

    @pl.when(pl.program_id(0) == 0)
    def _():
        out_ref[...] = jnp.zeros_like(out_ref)

    out_ref[...] += gp


def _mm2(h1c, agg2c, dinv, Wl2, bl2, Wr2, batch):
    return pl.pallas_call(
        _mm2_body,
        grid=(NMB,),
        in_specs=[
            pl.BlockSpec((NCHUNK, MB, 128), lambda i: (0, i, 0)),
            pl.BlockSpec((NCHUNK, MB, 128), lambda i: (0, i, 0)),
            pl.BlockSpec((MB, 16), lambda i: (i, 0)),
            pl.BlockSpec((HID, HID), lambda i: (0, 0)),
            pl.BlockSpec((1, HID), lambda i: (0, 0)),
            pl.BlockSpec((HID, HID), lambda i: (0, 0)),
            pl.BlockSpec((1, 1, MB), lambda i: (i, 0, 0)),
        ],
        out_specs=pl.BlockSpec((NUM_GRAPHS, HID), lambda i: (0, 0)),
        out_shape=jax.ShapeDtypeStruct((NUM_GRAPHS, HID), jnp.float32),
    )(h1c, agg2c, dinv, Wl2, bl2.reshape(1, HID), Wr2,
      batch.reshape(NMB, 1, MB))


def _mm3_body(g_ref, wf1_ref, bf1_ref, wf2_ref, bf2_ref, out_ref):
    g1 = jnp.dot(g_ref[...], wf1_ref[...], preferred_element_type=jnp.float32)
    g1 = g1 + bf1_ref[0][None, :]
    g1 = jnp.where(g1 >= 0, g1, 0.2 * g1)
    o = jnp.dot(g1, wf2_ref[...], preferred_element_type=jnp.float32)
    out_ref[...] = o + bf2_ref[0][None, :]


def _mm3(g, Wf1, bf1, Wf2, bf2):
    return pl.pallas_call(
        _mm3_body,
        out_shape=jax.ShapeDtypeStruct((NUM_GRAPHS, 1), jnp.float32),
    )(g, Wf1, bf1.reshape(1, 128), Wf2, bf2.reshape(1, 1))


NCORE = 2
NTILE = 16
BATCH = 128
NB = E // BATCH
PIECE = 128
NPIECE = (N + PIECE - 1) // PIECE

def _sc_mesh():
    return plsc.VectorSubcoreMesh(
        core_axis_name="c", subcore_axis_name="s",
        num_cores=NCORE, num_subcores=NTILE)


def _fill_iota(ibuf, start, n):
    for j in range(n // 16):
        ibuf[pl.ds(j * 16, 16)] = (
            lax.iota(jnp.int32, 16) + (start + j * 16))


def _piece_start(t):
    return jnp.minimum(t * PIECE, N - PIECE)


def _sc1_body(x_hbm, src_hbm, dst_hbm, z128_hbm, ones_hbm,
              outagg, outdeg, acc, sbuf, dbuf, rows, ibuf, sem):
    cid = lax.axis_index("c")
    sid = lax.axis_index("s")

    w = sid * NCORE + cid

    def zero_acc(buf):
        def zbody(k, carry):
            t = sid + k * NTILE

            @pl.when(t < NPIECE)
            def _():
                _fill_iota(ibuf, _piece_start(t), PIECE)
                pltpu.sync_copy(buf, acc.at[ibuf])

            return carry

        lax.fori_loop(0, NPIECE // NTILE + 1, zbody, 0)

    def writeout(dst_ref):
        def wrbody(k, carry):
            t = sid + k * NTILE

            @pl.when(t < NPIECE)
            def _():
                p = _piece_start(t)
                _fill_iota(ibuf, p, PIECE)
                pltpu.sync_copy(acc.at[ibuf], rows)
                pltpu.sync_copy(rows, dst_ref.at[cid, pl.ds(p, PIECE), :])

            return carry

        lax.fori_loop(0, NPIECE // NTILE + 1, wrbody, 0)

    pltpu.sync_copy(z128_hbm, rows)
    zero_acc(rows)
    plsc.subcore_barrier()

    def body(i, carry):
        b = w + i * (NCORE * NTILE)

        @pl.when(b < NB)
        def _():
            base = b * BATCH
            pltpu.sync_copy(src_hbm.at[pl.ds(base, BATCH)], sbuf)
            pltpu.sync_copy(dst_hbm.at[pl.ds(base, BATCH)], dbuf)
            pltpu.async_copy(x_hbm.at[sbuf], rows, sem).wait()
            pltpu.sync_copy(rows, acc.at[dbuf], add=True)

        return carry

    lax.fori_loop(0, NB // (NCORE * NTILE) + 1, body, 0)
    plsc.subcore_barrier()
    writeout(outagg)
    plsc.subcore_barrier()

    pltpu.sync_copy(z128_hbm, rows)
    zero_acc(rows)
    pltpu.sync_copy(ones_hbm, rows)
    plsc.subcore_barrier()

    def dbody(i, carry):
        b = w + i * (NCORE * NTILE)

        @pl.when(b < NB)
        def _():
            base = b * BATCH
            pltpu.sync_copy(dst_hbm.at[pl.ds(base, BATCH)], dbuf)
            pltpu.sync_copy(rows, acc.at[dbuf], add=True)

        return carry

    lax.fori_loop(0, NB // (NCORE * NTILE) + 1, dbody, 0)
    plsc.subcore_barrier()
    writeout(outdeg)


def _sc_agg1(x, src, dst):
    z128 = jnp.zeros((PIECE, 128), jnp.float32)
    ones = jnp.ones((BATCH, 128), jnp.float32)
    return pl.kernel(
        _sc1_body,
        out_type=[jax.ShapeDtypeStruct((NCORE, N, 128), jnp.float32),
                  jax.ShapeDtypeStruct((NCORE, N, 128), jnp.float32)],
        mesh=_sc_mesh(),
        scratch_types=[
            pltpu.VMEM_SHARED((N, 128), jnp.float32),
            pltpu.VMEM((BATCH,), jnp.int32),
            pltpu.VMEM((BATCH,), jnp.int32),
            pltpu.VMEM((BATCH, 128), jnp.float32),
            pltpu.VMEM((PIECE,), jnp.int32),
            pltpu.SemaphoreType.DMA,
        ],
    )(x, src, dst, z128, ones)


GRP = 4


def _sc2_body(h1_hbm, src_hbm, dst_hbm, z128_hbm, out, acc,
              sbuf, dbuf, gbuf, rowsA, rowsB, ibuf, semA, semB):
    cid = lax.axis_index("c")
    sid = lax.axis_index("s")

    rows = [rowsA, rowsB]
    sems = [semA, semB]
    NG = NB // GRP

    for q in range(NCHUNK // NCORE):
        c = cid * (NCHUNK // NCORE) + q

        pltpu.sync_copy(z128_hbm, rowsA)

        def zbody(k, carry):
            t = sid + k * NTILE

            @pl.when(t < NPIECE)
            def _():
                _fill_iota(ibuf, _piece_start(t), PIECE)
                pltpu.sync_copy(rowsA, acc.at[ibuf])

            return carry

        lax.fori_loop(0, NPIECE // NTILE + 1, zbody, 0)
        plsc.subcore_barrier()

        def body(i, carry):
            g = sid + i * NTILE

            @pl.when(g < NG)
            def _():
                pltpu.sync_copy(src_hbm.at[g], sbuf)
                pltpu.sync_copy(dst_hbm.at[g], dbuf)
                for j in range(GRP):
                    for k in range(BATCH // 16):
                        gbuf[j, pl.ds(k * 16, 16)] = (
                            sbuf[j, pl.ds(k * 16, 16)] + c * N)
                cps = [None, None]
                cps[0] = pltpu.async_copy(
                    h1_hbm.at[gbuf.at[0]], rows[0], sems[0])
                cps[1] = pltpu.async_copy(
                    h1_hbm.at[gbuf.at[1]], rows[1], sems[1])
                for j in range(GRP):
                    cps[j % 2].wait()
                    pltpu.sync_copy(rows[j % 2], acc.at[dbuf.at[j]],
                                    add=True)
                    if j + 2 < GRP:
                        cps[j % 2] = pltpu.async_copy(
                            h1_hbm.at[gbuf.at[j + 2]], rows[j % 2],
                            sems[j % 2])

            return carry

        lax.fori_loop(0, NG // NTILE + 1, body, 0)
        plsc.subcore_barrier()

        def wrbody(k, carry):
            t = sid + k * NTILE

            @pl.when(t < NPIECE)
            def _():
                p = _piece_start(t)
                _fill_iota(ibuf, p, PIECE)
                pltpu.sync_copy(acc.at[ibuf], rowsA)
                pltpu.sync_copy(rowsA, out.at[pl.ds(c * N + p, PIECE)])

            return carry

        lax.fori_loop(0, NPIECE // NTILE + 1, wrbody, 0)
        plsc.subcore_barrier()


def _sc_agg2(h1flat, src2d, dst2d):
    z128 = jnp.zeros((PIECE, 128), jnp.float32)
    return pl.kernel(
        _sc2_body,
        out_type=jax.ShapeDtypeStruct((NCHUNK * N, 128), jnp.float32),
        mesh=_sc_mesh(),
        scratch_types=[
            pltpu.VMEM_SHARED((N, 128), jnp.float32),
            pltpu.VMEM((GRP, BATCH), jnp.int32),
            pltpu.VMEM((GRP, BATCH), jnp.int32),
            pltpu.VMEM((GRP, BATCH), jnp.int32),
            pltpu.VMEM((BATCH, 128), jnp.float32),
            pltpu.VMEM((BATCH, 128), jnp.float32),
            pltpu.VMEM((PIECE,), jnp.int32),
            pltpu.SemaphoreType.DMA,
            pltpu.SemaphoreType.DMA,
        ],
    )(h1flat, src2d, dst2d, z128)


def kernel(x, edge_index, batch, Wl1, bl1, Wr1, Wl2, bl2, Wr2, Wf1, bf1,
           Wf2, bf2):
    src = edge_index[0]
    dst = edge_index[1]

    aggp, degp = _sc_agg1(x, src, dst)

    h1c, dinv = _mm1(x, aggp, degp, Wl1, bl1, Wr1)

    agg2c = _sc_agg2(h1c.reshape(NCHUNK * N, 128),
                     src.reshape(NB // GRP, GRP, BATCH),
                     dst.reshape(NB // GRP, GRP, BATCH)
                     ).reshape(NCHUNK, N, 128)

    g = _mm2(h1c, agg2c, dinv, Wl2, bl2, Wr2, batch)
    return _mm3(g, Wf1, bf1, Wf2, bf2)

# --- scband reference (transcript-rebuilt; emitter-appended) ---
"""Pipeline reference for scband-gnn-28595892257116 (READ-ONLY COPY).

The authoritative reference and input builder live on the scoring server;
editing this copy changes nothing except your own understanding.
"""

import jax, jax.numpy as jnp
import numpy as np

N = 10000
E = 320000
IN_DIM = 128
HID = 1024
NUM_GRAPHS = 64


def setup_inputs(seed: int = 0) -> dict:
    key = jax.random.key(seed)
    ks = jax.random.split(key, 16)
    x = jax.random.normal(ks[0], (N, IN_DIM), dtype=jnp.float32)
    edge_index = jax.random.randint(ks[1], (2, E), 0, N, dtype=jnp.int32)
    batch = jnp.sort(jax.random.randint(ks[2], (N,), 0, NUM_GRAPHS, dtype=jnp.int32))
    s1 = float(1.0 / np.sqrt(IN_DIM))
    s2 = float(1.0 / np.sqrt(HID))
    s3 = float(1.0 / np.sqrt(128.0))
    Wl1 = jax.random.uniform(ks[3], (IN_DIM, HID), jnp.float32, -s1, s1)
    bl1 = jax.random.uniform(ks[4], (HID,), jnp.float32, -s1, s1)
    Wr1 = jax.random.uniform(ks[5], (IN_DIM, HID), jnp.float32, -s1, s1)
    Wl2 = jax.random.uniform(ks[6], (HID, HID), jnp.float32, -s2, s2)
    bl2 = jax.random.uniform(ks[7], (HID,), jnp.float32, -s2, s2)
    Wr2 = jax.random.uniform(ks[8], (HID, HID), jnp.float32, -s2, s2)
    Wf1 = jax.random.uniform(ks[9], (HID, 128), jnp.float32, -s2, s2)
    bf1 = jax.random.uniform(ks[10], (128,), jnp.float32, -s2, s2)
    Wf2 = jax.random.uniform(ks[11], (128, 1), jnp.float32, -s3, s3)
    bf2 = jax.random.uniform(ks[12], (1,), jnp.float32, -s3, s3)
    return {"x": x, "edge_index": edge_index, "batch": batch,
            "Wl1": Wl1, "bl1": bl1, "Wr1": Wr1,
            "Wl2": Wl2, "bl2": bl2, "Wr2": Wr2,
            "Wf1": Wf1, "bf1": bf1, "Wf2": Wf2, "bf2": bf2}


def _sage(h, src, dst, Wl, bl, Wr):
    # PyG SAGEConv(aggr='mean'): lin_l(mean_aggr(x_j)) + lin_r(x_root)
    msgs = jnp.take(h, src, axis=0)
    agg = jax.ops.segment_sum(msgs, dst, num_segments=N)
    deg = jax.ops.segment_sum(jnp.ones((src.shape[0],), h.dtype), dst, num_segments=N)
    mean = agg / jnp.maximum(deg, 1.0)[:, None]
    return mean @ Wl + bl + h @ Wr


def reference(x, edge_index, batch, Wl1, bl1, Wr1, Wl2, bl2, Wr2, Wf1, bf1, Wf2, bf2):
    src = edge_index[0]
    dst = edge_index[1]
    h = jnp.tanh(_sage(x, src, dst, Wl1, bl1, Wr1))
    h = jnp.tanh(_sage(h, src, dst, Wl2, bl2, Wr2))
    g = jax.ops.segment_sum(h, batch, num_segments=NUM_GRAPHS)
    g = g @ Wf1 + bf1
    g = jnp.where(g >= 0, g, 0.2 * g)  # leaky_relu, negative_slope=0.2
    out = g @ Wf2 + bf2
    return out

if __name__ == "__main__":
    import jax
    _d = setup_inputs()
    print(jax.jit(kernel)(*tuple(_d.values())))

</pallas_src>

<mosaic_0001>
#map = affine_map<(d0, d1) -> (0, 0)>
#map1 = affine_map<(d0, d1) -> (0)>
#map2 = affine_map<(d0, d1) -> (0, 0, 0)>
module attributes {stable_mosaic.version = 14 : i64} {
  func.func @_sc1_body(%arg0: i32, %arg1: i32, %arg2: memref<10000x128xf32, #tpu.memory_space<hbm>>, %arg3: memref<320000xi32, #tpu.memory_space<hbm>>, %arg4: memref<320000xi32, #tpu.memory_space<hbm>>, %arg5: memref<128x128xf32, #tpu.memory_space<hbm>>, %arg6: memref<128x128xf32, #tpu.memory_space<hbm>>, %arg7: memref<2x10000x128xf32, #tpu.memory_space<hbm>>, %arg8: memref<2x10000x128xf32, #tpu.memory_space<hbm>>, %arg9: memref<10000x128xf32, #tpu.memory_space<vmem_shared>>, %arg10: memref<128xi32, #tpu.memory_space<vmem>>, %arg11: memref<128xi32, #tpu.memory_space<vmem>>, %arg12: memref<128x128xf32, #tpu.memory_space<vmem>>, %arg13: memref<128xi32, #tpu.memory_space<vmem>>, %arg14: memref<!tpu.dma_semaphore, #tpu.memory_space<semaphore_mem>>) attributes {dimension_semantics = [#tpu.dimension_semantics<core_parallel>, #tpu.dimension_semantics<subcore_parallel>], iteration_bounds = array<i64: 2, 16>, scalar_prefetch = 0 : i64, scratch_operands = 6 : i64, tpu.core_type = #tpu.core_type<sc_vector_subcore>, window_params = [{transform_indices = #map}, {transform_indices = #map1}, {transform_indices = #map1}, {transform_indices = #map}, {transform_indices = #map}, {transform_indices = #map2}, {transform_indices = #map2}]} {
    %mul3A = arith.constant 2 : i32
    %mul3A_0 = arith.muli %arg1, %mul3A : i32
    %add3A = arith.addi %mul3A_0, %arg0 : i32
    "tpu.region"() ({
      %run_scoped3A = tpu.sem_alloc : memref<!tpu.dma_semaphore, #tpu.memory_space<semaphore_mem>>
      tpu.enqueue_dma source(%arg5 : memref<128x128xf32, #tpu.memory_space<hbm>>) target(%arg12 : memref<128x128xf32, #tpu.memory_space<vmem>>) target_semaphore(%run_scoped3A : memref<!tpu.dma_semaphore, #tpu.memory_space<semaphore_mem>>)
      tpu.wait_dma2 semaphore(%run_scoped3A : memref<!tpu.dma_semaphore, #tpu.memory_space<semaphore_mem>>) src(%arg5 : memref<128x128xf32, #tpu.memory_space<hbm>>) dst(%arg12 : memref<128x128xf32, #tpu.memory_space<vmem>>)
      tpu.yield
    }) : () -> ()
    %scan3A = arith.constant 0 : i32
    %scan3A_1 = arith.constant 0 : i32
    %scan3A_2 = arith.constant 5 : i32
    %scan3A_3 = arith.addi %scan3A_1, %scan3A_2 : i32
    %scan3A_4 = arith.constant 1 : i32
    scf.for %scan3A_40 = %scan3A_1 to %scan3A_3 step %scan3A_4  : i32 {
      %mul3A_41 = arith.constant 16 : i32
      %mul3A_42 = arith.muli %scan3A_40, %mul3A_41 : i32
      %add3A_43 = arith.addi %arg1, %mul3A_42 : i32
      %lt3A = arith.constant 79 : i32
      %lt3A_44 = arith.cmpi slt, %add3A_43, %lt3A : i32
      %convert_element_type3A = arith.extui %lt3A_44 : i1 to i32
      %cond3A = arith.constant 0 : i32
      %cond3A_45 = arith.cmpi ne, %convert_element_type3A, %cond3A : i32
      scf.if %cond3A_45 {
        %mul3A_46 = arith.constant 128 : i32
        %mul3A_47 = arith.muli %add3A_43, %mul3A_46 : i32
        %min3A = arith.constant 9872 : i32
        %min3A_48 = arith.minsi %mul3A_47, %min3A : i32
        %iota3A = tpu.iota {dimensions = array<i32: 0>} : vector<16xi32>
        %add3A_49 = arith.constant 0 : i32
        %add3A_50 = arith.addi %min3A_48, %add3A_49 : i32
        %add3A_51 = vector.broadcast %add3A_50 : i32 to vector<16xi32>
        %add3A_52 = arith.addi %iota3A, %add3A_51 : vector<16xi32>
        %swap3A = arith.constant 0 : index
        %swap3A_53 = tpu.vector_load %arg13[%swap3A] {strides = array<i32>} : memref<128xi32, #tpu.memory_space<vmem>>, vector<16xi32>,
        %swap3A_54 = vector.shape_cast %swap3A_53 : vector<16xi32> to vector<16xi32>
        %swap3A_55 = vector.shape_cast %add3A_52 : vector<16xi32> to vector<16xi32>
        tpu.vector_store %arg13[%swap3A], %swap3A_55 {strides = array<i32>} : memref<128xi32, #tpu.memory_space<vmem>>, vector<16xi32>,
        %iota3A_56 = tpu.iota {dimensions = array<i32: 0>} : vector<16xi32>
        %add3A_57 = arith.constant 16 : i32
        %add3A_58 = arith.addi %min3A_48, %add3A_57 : i32
        %add3A_59 = vector.broadcast %add3A_58 : i32 to vector<16xi32>
        %add3A_60 = arith.addi %iota3A_56, %add3A_59 : vector<16xi32>
        %swap3A_61 = arith.constant 16 : index
        %swap3A_62 = tpu.vector_load %arg13[%swap3A_61] {strides = array<i32>} : memref<128xi32, #tpu.memory_space<vmem>>, vector<16xi32>,
        %swap3A_63 = vector.shape_cast %swap3A_62 : vector<16xi32> to vector<16xi32>
        %swap3A_64 = vector.shape_cast %add3A_60 : vector<16xi32> to vector<16xi32>
        tpu.vector_store %arg13[%swap3A_61], %swap3A_64 {strides = array<i32>} : memref<128xi32, #tpu.memory_space<vmem>>, vector<16xi32>,
        %iota3A_65 = tpu.iota {dimensions = array<i32: 0>} : vector<16xi32>
        %add3A_66 = arith.constant 32 : i32
        %add3A_67 = arith.addi %min3A_48, %add3A_66 : i32
        %add3A_68 = vector.broadcast %add3A_67 : i32 to vector<16xi32>
        %add3A_69 = arith.addi %iota3A_65, %add3A_68 : vector<16xi32>
        %swap3A_70 = arith.constant 32 : index
        %swap3A_71 = tpu.vector_load %arg13[%swap3A_70] {strides = array<i32>} : memref<128xi32, #tpu.memory_space<vmem>>, vector<16xi32>,
        %swap3A_72 = vector.shape_cast %swap3A_71 : vector<16xi32> to vector<16xi32>
        %swap3A_73 = vector.shape_cast %add3A_69 : vector<16xi32> to vector<16xi32>
        tpu.vector_store %arg13[%swap3A_70], %swap3A_73 {strides = array<i32>} : memref<128xi32, #tpu.memory_space<vmem>>, vector<16xi32>,
        %iota3A_74 = tpu.iota {dimensions = array<i32: 0>} : vector<16xi32>
        %add3A_75 = arith.constant 48 : i32
        %add3A_76 = arith.addi %min3A_48, %add3A_75 : i32
        %add3A_77 = vector.broadcast %add3A_76 : i32 to vector<16xi32>
        %add3A_78 = arith.addi %iota3A_74, %add3A_77 : vector<16xi32>
        %swap3A_79 = arith.constant 48 : index
        %swap3A_80 = tpu.vector_load %arg13[%swap3A_79] {strides = array<i32>} : memref<128xi32, #tpu.memory_space<vmem>>, vector<16xi32>,
        %swap3A_81 = vector.shape_cast %swap3A_80 : vector<16xi32> to vector<16xi32>
        %swap3A_82 = vector.shape_cast %add3A_78 : vector<16xi32> to vector<16xi32>
        tpu.vector_store %arg13[%swap3A_79], %swap3A_82 {strides = array<i32>} : memref<128xi32, #tpu.memory_space<vmem>>, vector<16xi32>,
        %iota3A_83 = tpu.iota {dimensions = array<i32: 0>} : vector<16xi32>
        %add3A_84 = arith.constant 64 : i32
        %add3A_85 = arith.addi %min3A_48, %add3A_84 : i32
        %add3A_86 = vector.broadcast %add3A_85 : i32 to vector<16xi32>
        %add3A_87 = arith.addi %iota3A_83, %add3A_86 : vector<16xi32>
        %swap3A_88 = arith.constant 64 : index
        %swap3A_89 = tpu.vector_load %arg13[%swap3A_88] {strides = array<i32>} : memref<128xi32, #tpu.memory_space<vmem>>, vector<16xi32>,
        %swap3A_90 = vector.shape_cast %swap3A_89 : vector<16xi32> to vector<16xi32>
        %swap3A_91 = vector.shape_cast %add3A_87 : vector<16xi32> to vector<16xi32>
        tpu.vector_store %arg13[%swap3A_88], %swap3A_91 {strides = array<i32>} : memref<128xi32, #tpu.memory_space<vmem>>, vector<16xi32>,
        %iota3A_92 = tpu.iota {dimensions = array<i32: 0>} : vector<16xi32>
        %add3A_93 = arith.constant 80 : i32
        %add3A_94 = arith.addi %min3A_48, %add3A_93 : i32
        %add3A_95 = vector.broadcast %add3A_94 : i32 to vector<16xi32>
        %add3A_96 = arith.addi %iota3A_92, %add3A_95 : vector<16xi32>
        %swap3A_97 = arith.constant 80 : index
        %swap3A_98 = tpu.vector_load %arg13[%swap3A_97] {strides = array<i32>} : memref<128xi32, #tpu.memory_space<vmem>>, vector<16xi32>,
        %swap3A_99 = vector.shape_cast %swap3A_98 : vector<16xi32> to vector<16xi32>
        %swap3A_100 = vector.shape_cast %add3A_96 : vector<16xi32> to vector<16xi32>
        tpu.vector_store %arg13[%swap3A_97], %swap3A_100 {strides = array<i32>} : memref<128xi32, #tpu.memory_space<vmem>>, vector<16xi32>,
        %iota3A_101 = tpu.iota {dimensions = array<i32: 0>} : vector<16xi32>
        %add3A_102 = arith.constant 96 : i32
        %add3A_103 = arith.addi %min3A_48, %add3A_102 : i32
        %add3A_104 = vector.broadcast %add3A_103 : i32 to vector<16xi32>
        %add3A_105 = arith.addi %iota3A_101, %add3A_104 : vector<16xi32>
        %swap3A_106 = arith.constant 96 : index
        %swap3A_107 = tpu.vector_load %arg13[%swap3A_106] {strides = array<i32>} : memref<128xi32, #tpu.memory_space<vmem>>, vector<16xi32>,
        %swap3A_108 = vector.shape_cast %swap3A_107 : vector<16xi32> to vector<16xi32>
        %swap3A_109 = vector.shape_cast %add3A_105 : vector<16xi32> to vector<16xi32>
        tpu.vector_store %arg13[%swap3A_106], %swap3A_109 {strides = array<i32>} : memref<128xi32, #tpu.memory_space<vmem>>, vector<16xi32>,
        %iota3A_110 = tpu.iota {dimensions = array<i32: 0>} : vector<16xi32>
        %add3A_111 = arith.constant 112 : i32
        %add3A_112 = arith.addi %min3A_48, %add3A_111 : i32
        %add3A_113 = vector.broadcast %add3A_112 : i32 to vector<16xi32>
        %add3A_114 = arith.addi %iota3A_110, %add3A_113 : vector<16xi32>
        %swap3A_115 = arith.constant 112 : index
        %swap3A_116 = tpu.vector_load %arg13[%swap3A_115] {strides = array<i32>} : memref<128xi32, #tpu.memory_space<vmem>>, vector<16xi32>,
        %swap3A_117 = vector.shape_cast %swap3A_116 : vector<16xi32> to vector<16xi32>
        %swap3A_118 = vector.shape_cast %add3A_114 : vector<16xi32> to vector<16xi32>
        tpu.vector_store %arg13[%swap3A_115], %swap3A_118 {strides = array<i32>} : memref<128xi32, #tpu.memory_space<vmem>>, vector<16xi32>,
        "tpu.region"() ({
          %run_scoped3A = tpu.sem_alloc : memref<!tpu.dma_semaphore, #tpu.memory_space<semaphore_mem>>
          %dma_start3A = arith.constant 0 : i32
          %dma_start3A_119 = arith.constant 0 : i32
          %dma_start3A_120 = tpu.memref_slice %arg9[%dma_start3A, %dma_start3A_119] : memref<10000x128xf32, #tpu.memory_space<vmem_shared>> -> memref<10000x128xf32, #tpu.memory_space<vmem_shared>>
          tpu.enqueue_indirect_dma source(%arg12 : memref<128x128xf32, #tpu.memory_space<vmem>>) target(%dma_start3A_120 : memref<10000x128xf32, #tpu.memory_space<vmem_shared>>) offsets(%arg13 : memref<128xi32, #tpu.memory_space<vmem>>) semaphore(%run_scoped3A : memref<!tpu.dma_semaphore, #tpu.memory_space<semaphore_mem>>)
          %dma_wait3A = arith.constant 0 : i32
          %dma_wait3A_121 = arith.constant 0 : i32
          %dma_wait3A_122 = tpu.memref_slice %arg9[%dma_wait3A, %dma_wait3A_121] : memref<10000x128xf32, #tpu.memory_space<vmem_shared>> -> memref<10000x128xf32, #tpu.memory_space<vmem_shared>>
          tpu.wait_indirect_dma semaphore(%run_scoped3A : memref<!tpu.dma_semaphore, #tpu.memory_space<semaphore_mem>>) src(%arg12 : memref<128x128xf32, #tpu.memory_space<vmem>>) dst(%dma_wait3A_122 : memref<10000x128xf32, #tpu.memory_space<vmem_shared>>)
          tpu.yield
        }) : () -> ()
      } else {
      }
    }
    %scan3A_5 = arith.constant 5 : i32
    %barrier3A = arith.constant 0 : index
    tpu.barrier barrier_id(%barrier3A)
    %scan3A_6 = arith.constant 0 : i32
    %scan3A_7 = arith.constant 0 : i32
    %scan3A_8 = arith.constant 79 : i32
    %scan3A_9 = arith.addi %scan3A_7, %scan3A_8 : i32
    %scan3A_10 = arith.constant 1 : i32
    scf.for %scan3A_40 = %scan3A_7 to %scan3A_9 step %scan3A_10  : i32 {
      %mul3A_41 = arith.constant 32 : i32
      %mul3A_42 = arith.muli %scan3A_40, %mul3A_41 : i32
      %add3A_43 = arith.addi %add3A, %mul3A_42 : i32
      %lt3A = arith.constant 2500 : i32
      %lt3A_44 = arith.cmpi slt, %add3A_43, %lt3A : i32
      %convert_element_type3A = arith.extui %lt3A_44 : i1 to i32
      %cond3A = arith.constant 0 : i32
      %cond3A_45 = arith.cmpi ne, %convert_element_type3A, %cond3A : i32
      scf.if %cond3A_45 {
        %mul3A_46 = arith.constant 128 : i32
        %mul3A_47 = arith.muli %add3A_43, %mul3A_46 : i32
        "tpu.region"() ({
          %run_scoped3A = tpu.sem_alloc : memref<!tpu.dma_semaphore, #tpu.memory_space<semaphore_mem>>
          %dma_start3A_52 = tpu.memref_slice %arg3[%mul3A_47] : memref<320000xi32, #tpu.memory_space<hbm>> -> memref<128xi32, #tpu.memory_space<hbm>>
          %dma_start3A_53 = tpu.memref_slice %arg3[%mul3A_47] : memref<320000xi32, #tpu.memory_space<hbm>> -> memref<128xi32, #tpu.memory_space<hbm>>
          tpu.enqueue_dma source(%dma_start3A_53 : memref<128xi32, #tpu.memory_space<hbm>>) target(%arg10 : memref<128xi32, #tpu.memory_space<vmem>>) target_semaphore(%run_scoped3A : memref<!tpu.dma_semaphore, #tpu.memory_space<semaphore_mem>>)
          %dma_wait3A_54 = tpu.memref_slice %arg3[%mul3A_47] : memref<320000xi32, #tpu.memory_space<hbm>> -> memref<128xi32, #tpu.memory_space<hbm>>
          %dma_wait3A_55 = tpu.memref_slice %arg3[%mul3A_47] : memref<320000xi32, #tpu.memory_space<hbm>> -> memref<128xi32, #tpu.memory_space<hbm>>
          tpu.wait_dma2 semaphore(%run_scoped3A : memref<!tpu.dma_semaphore, #tpu.memory_space<semaphore_mem>>) src(%dma_wait3A_55 : memref<128xi32, #tpu.memory_space<hbm>>) dst(%arg10 : memref<128xi32, #tpu.memory_space<vmem>>)
          tpu.yield
        }) : () -> ()
        "tpu.region"() ({
          %run_scoped3A = tpu.sem_alloc : memref<!tpu.dma_semaphore, #tpu.memory_space<semaphore_mem>>
          %dma_start3A_52 = tpu.memref_slice %arg4[%mul3A_47] : memref<320000xi32, #tpu.memory_space<hbm>> -> memref<128xi32, #tpu.memory_space<hbm>>
          %dma_start3A_53 = tpu.memref_slice %arg4[%mul3A_47] : memref<320000xi32, #tpu.memory_space<hbm>> -> memref<128xi32, #tpu.memory_space<hbm>>
          tpu.enqueue_dma source(%dma_start3A_53 : memref<128xi32, #tpu.memory_space<hbm>>) target(%arg11 : memref<128xi32, #tpu.memory_space<vmem>>) target_semaphore(%run_scoped3A : memref<!tpu.dma_semaphore, #tpu.memory_space<semaphore_mem>>)
          %dma_wait3A_54 = tpu.memref_slice %arg4[%mul3A_47] : memref<320000xi32, #tpu.memory_space<hbm>> -> memref<128xi32, #tpu.memory_space<hbm>>
          %dma_wait3A_55 = tpu.memref_slice %arg4[%mul3A_47] : memref<320000xi32, #tpu.memory_space<hbm>> -> memref<128xi32, #tpu.memory_space<hbm>>
          tpu.wait_dma2 semaphore(%run_scoped3A : memref<!tpu.dma_semaphore, #tpu.memory_space<semaphore_mem>>) src(%dma_wait3A_55 : memref<128xi32, #tpu.memory_space<hbm>>) dst(%arg11 : memref<128xi32, #tpu.memory_space<vmem>>)
          tpu.yield
        }) : () -> ()
        %dma_start3A = arith.constant 0 : i32
        %dma_start3A_48 = arith.constant 0 : i32
        %dma_start3A_49 = tpu.memref_slice %arg2[%dma_start3A, %dma_start3A_48] : memref<10000x128xf32, #tpu.memory_space<hbm>> -> memref<10000x128xf32, #tpu.memory_space<hbm>>
        tpu.enqueue_indirect_dma source(%dma_start3A_49 : memref<10000x128xf32, #tpu.memory_space<hbm>>) target(%arg12 : memref<128x128xf32, #tpu.memory_space<vmem>>) offsets(%arg10 : memref<128xi32, #tpu.memory_space<vmem>>) semaphore(%arg14 : memref<!tpu.dma_semaphore, #tpu.memory_space<semaphore_mem>>)
        %dma_wait3A = arith.constant 0 : i32
        %dma_wait3A_50 = arith.constant 0 : i32
        %dma_wait3A_51 = tpu.memref_slice %arg2[%dma_wait3A, %dma_wait3A_50] : memref<10000x128xf32, #tpu.memory_space<hbm>> -> memref<10000x128xf32, #tpu.memory_space<hbm>>
        tpu.wait_indirect_dma semaphore(%arg14 : memref<!tpu.dma_semaphore, #tpu.memory_space<semaphore_mem>>) src(%dma_wait3A_51 : memref<10000x128xf32, #tpu.memory_space<hbm>>) dst(%arg12 : memref<128x128xf32, #tpu.memory_space<vmem>>)
        "tpu.region"() ({
          %run_scoped3A = tpu.sem_alloc : memref<!tpu.dma_semaphore, #tpu.memory_space<semaphore_mem>>
          %dma_start3A_52 = arith.constant 0 : i32
          %dma_start3A_53 = arith.constant 0 : i32
          %dma_start3A_54 = tpu.memref_slice %arg9[%dma_start3A_52, %dma_start3A_53] : memref<10000x128xf32, #tpu.memory_space<vmem_shared>> -> memref<10000x128xf32, #tpu.memory_space<vmem_shared>>
          tpu.enqueue_indirect_dma source(%arg12 : memref<128x128xf32, #tpu.memory_space<vmem>>) target(%dma_start3A_54 : memref<10000x128xf32, #tpu.memory_space<vmem_shared>>) offsets(%arg11 : memref<128xi32, #tpu.memory_space<vmem>>) semaphore(%run_scoped3A : memref<!tpu.dma_semaphore, #tpu.memory_space<semaphore_mem>>) {add = true}
          %dma_wait3A_55 = arith.constant 0 : i32
          %dma_wait3A_56 = arith.constant 0 : i32
          %dma_wait3A_57 = tpu.memref_slice %arg9[%dma_wait3A_55, %dma_wait3A_56] : memref<10000x128xf32, #tpu.memory_space<vmem_shared>> -> memref<10000x128xf32, #tpu.memory_space<vmem_shared>>
          tpu.wait_indirect_dma semaphore(%run_scoped3A : memref<!tpu.dma_semaphore, #tpu.memory_space<semaphore_mem>>) src(%arg12 : memref<128x128xf32, #tpu.memory_space<vmem>>) dst(%dma_wait3A_57 : memref<10000x128xf32, #tpu.memory_space<vmem_shared>>)
          tpu.yield
        }) : () -> ()
      } else {
      }
    }
    %scan3A_11 = arith.constant 79 : i32
    %barrier3A_12 = arith.constant 0 : index
    tpu.barrier barrier_id(%barrier3A_12)
    %scan3A_13 = arith.constant 0 : i32
    %scan3A_14 = arith.constant 0 : i32
    %scan3A_15 = arith.constant 5 : i32
    %scan3A_16 = arith.addi %scan3A_14, %scan3A_15 : i32
    %scan3A_17 = arith.constant 1 : i32
    scf.for %scan3A_40 = %scan3A_14 to %scan3A_16 step %scan3A_17  : i32 {
      %mul3A_41 = arith.constant 16 : i32
      %mul3A_42 = arith.muli %scan3A_40, %mul3A_41 : i32
      %add3A_43 = arith.addi %arg1, %mul3A_42 : i32
      %lt3A = arith.constant 79 : i32
      %lt3A_44 = arith.cmpi slt, %add3A_43, %lt3A : i32
      %convert_element_type3A = arith.extui %lt3A_44 : i1 to i32
      %cond3A = arith.constant 0 : i32
      %cond3A_45 = arith.cmpi ne, %convert_element_type3A, %cond3A : i32
      scf.if %cond3A_45 {
        %mul3A_46 = arith.constant 128 : i32
        %mul3A_47 = arith.muli %add3A_43, %mul3A_46 : i32
        %min3A = arith.constant 9872 : i32
        %min3A_48 = arith.minsi %mul3A_47, %min3A : i32
        %iota3A = tpu.iota {dimensions = array<i32: 0>} : vector<16xi32>
        %add3A_49 = arith.constant 0 : i32
        %add3A_50 = arith.addi %min3A_48, %add3A_49 : i32
        %add3A_51 = vector.broadcast %add3A_50 : i32 to vector<16xi32>
        %add3A_52 = arith.addi %iota3A, %add3A_51 : vector<16xi32>
        %swap3A = arith.constant 0 : index
        %swap3A_53 = tpu.vector_load %arg13[%swap3A] {strides = array<i32>} : memref<128xi32, #tpu.memory_space<vmem>>, vector<16xi32>,
        %swap3A_54 = vector.shape_cast %swap3A_53 : vector<16xi32> to vector<16xi32>
        %swap3A_55 = vector.shape_cast %add3A_52 : vector<16xi32> to vector<16xi32>
        tpu.vector_store %arg13[%swap3A], %swap3A_55 {strides = array<i32>} : memref<128xi32, #tpu.memory_space<vmem>>, vector<16xi32>,
        %iota3A_56 = tpu.iota {dimensions = array<i32: 0>} : vector<16xi32>
        %add3A_57 = arith.constant 16 : i32
        %add3A_58 = arith.addi %min3A_48, %add3A_57 : i32
        %add3A_59 = vector.broadcast %add3A_58 : i32 to vector<16xi32>
        %add3A_60 = arith.addi %iota3A_56, %add3A_59 : vector<16xi32>
        %swap3A_61 = arith.constant 16 : index
        %swap3A_62 = tpu.vector_load %arg13[%swap3A_61] {strides = array<i32>} : memref<128xi32, #tpu.memory_space<vmem>>, vector<16xi32>,
        %swap3A_63 = vector.shape_cast %swap3A_62 : vector<16xi32> to vector<16xi32>
        %swap3A_64 = vector.shape_cast %add3A_60 : vector<16xi32> to vector<16xi32>
        tpu.vector_store %arg13[%swap3A_61], %swap3A_64 {strides = array<i32>} : memref<128xi32, #tpu.memory_space<vmem>>, vector<16xi32>,
        %iota3A_65 = tpu.iota {dimensions = array<i32: 0>} : vector<16xi32>
        %add3A_66 = arith.constant 32 : i32
        %add3A_67 = arith.addi %min3A_48, %add3A_66 : i32
        %add3A_68 = vector.broadcast %add3A_67 : i32 to vector<16xi32>
        %add3A_69 = arith.addi %iota3A_65, %add3A_68 : vector<16xi32>
        %swap3A_70 = arith.constant 32 : index
        %swap3A_71 = tpu.vector_load %arg13[%swap3A_70] {strides = array<i32>} : memref<128xi32, #tpu.memory_space<vmem>>, vector<16xi32>,
        %swap3A_72 = vector.shape_cast %swap3A_71 : vector<16xi32> to vector<16xi32>
        %swap3A_73 = vector.shape_cast %add3A_69 : vector<16xi32> to vector<16xi32>
        tpu.vector_store %arg13[%swap3A_70], %swap3A_73 {strides = array<i32>} : memref<128xi32, #tpu.memory_space<vmem>>, vector<16xi32>,
        %iota3A_74 = tpu.iota {dimensions = array<i32: 0>} : vector<16xi32>
        %add3A_75 = arith.constant 48 : i32
        %add3A_76 = arith.addi %min3A_48, %add3A_75 : i32
        %add3A_77 = vector.broadcast %add3A_76 : i32 to vector<16xi32>
        %add3A_78 = arith.addi %iota3A_74, %add3A_77 : vector<16xi32>
        %swap3A_79 = arith.constant 48 : index
        %swap3A_80 = tpu.vector_load %arg13[%swap3A_79] {strides = array<i32>} : memref<128xi32, #tpu.memory_space<vmem>>, vector<16xi32>,
        %swap3A_81 = vector.shape_cast %swap3A_80 : vector<16xi32> to vector<16xi32>
        %swap3A_82 = vector.shape_cast %add3A_78 : vector<16xi32> to vector<16xi32>
        tpu.vector_store %arg13[%swap3A_79], %swap3A_82 {strides = array<i32>} : memref<128xi32, #tpu.memory_space<vmem>>, vector<16xi32>,
        %iota3A_83 = tpu.iota {dimensions = array<i32: 0>} : vector<16xi32>
        %add3A_84 = arith.constant 64 : i32
        %add3A_85 = arith.addi %min3A_48, %add3A_84 : i32
        %add3A_86 = vector.broadcast %add3A_85 : i32 to vector<16xi32>
        %add3A_87 = arith.addi %iota3A_83, %add3A_86 : vector<16xi32>
        %swap3A_88 = arith.constant 64 : index
        %swap3A_89 = tpu.vector_load %arg13[%swap3A_88] {strides = array<i32>} : memref<128xi32, #tpu.memory_space<vmem>>, vector<16xi32>,
        %swap3A_90 = vector.shape_cast %swap3A_89 : vector<16xi32> to vector<16xi32>
        %swap3A_91 = vector.shape_cast %add3A_87 : vector<16xi32> to vector<16xi32>
        tpu.vector_store %arg13[%swap3A_88], %swap3A_91 {strides = array<i32>} : memref<128xi32, #tpu.memory_space<vmem>>, vector<16xi32>,
        %iota3A_92 = tpu.iota {dimensions = array<i32: 0>} : vector<16xi32>
        %add3A_93 = arith.constant 80 : i32
        %add3A_94 = arith.addi %min3A_48, %add3A_93 : i32
        %add3A_95 = vector.broadcast %add3A_94 : i32 to vector<16xi32>
        %add3A_96 = arith.addi %iota3A_92, %add3A_95 : vector<16xi32>
        %swap3A_97 = arith.constant 80 : index
        %swap3A_98 = tpu.vector_load %arg13[%swap3A_97] {strides = array<i32>} : memref<128xi32, #tpu.memory_space<vmem>>, vector<16xi32>,
        %swap3A_99 = vector.shape_cast %swap3A_98 : vector<16xi32> to vector<16xi32>
        %swap3A_100 = vector.shape_cast %add3A_96 : vector<16xi32> to vector<16xi32>
        tpu.vector_store %arg13[%swap3A_97], %swap3A_100 {strides = array<i32>} : memref<128xi32, #tpu.memory_space<vmem>>, vector<16xi32>,
        %iota3A_101 = tpu.iota {dimensions = array<i32: 0>} : vector<16xi32>
        %add3A_102 = arith.constant 96 : i32
        %add3A_103 = arith.addi %min3A_48, %add3A_102 : i32
        %add3A_104 = vector.broadcast %add3A_103 : i32 to vector<16xi32>
        %add3A_105 = arith.addi %iota3A_101, %add3A_104 : vector<16xi32>
        %swap3A_106 = arith.constant 96 : index
        %swap3A_107 = tpu.vector_load %arg13[%swap3A_106] {strides = array<i32>} : memref<128xi32, #tpu.memory_space<vmem>>, vector<16xi32>,
        %swap3A_108 = vector.shape_cast %swap3A_107 : vector<16xi32> to vector<16xi32>
        %swap3A_109 = vector.shape_cast %add3A_105 : vector<16xi32> to vector<16xi32>
        tpu.vector_store %arg13[%swap3A_106], %swap3A_109 {strides = array<i32>} : memref<128xi32, #tpu.memory_space<vmem>>, vector<16xi32>,
        %iota3A_110 = tpu.iota {dimensions = array<i32: 0>} : vector<16xi32>
        %add3A_111 = arith.constant 112 : i32
        %add3A_112 = arith.addi %min3A_48, %add3A_111 : i32
        %add3A_113 = vector.broadcast %add3A_112 : i32 to vector<16xi32>
        %add3A_114 = arith.addi %iota3A_110, %add3A_113 : vector<16xi32>
        %swap3A_115 = arith.constant 112 : index
        %swap3A_116 = tpu.vector_load %arg13[%swap3A_115] {strides = array<i32>} : memref<128xi32, #tpu.memory_space<vmem>>, vector<16xi32>,
        %swap3A_117 = vector.shape_cast %swap3A_116 : vector<16xi32> to vector<16xi32>
        %swap3A_118 = vector.shape_cast %add3A_114 : vector<16xi32> to vector<16xi32>
        tpu.vector_store %arg13[%swap3A_115], %swap3A_118 {strides = array<i32>} : memref<128xi32, #tpu.memory_space<vmem>>, vector<16xi32>,
        "tpu.region"() ({
          %run_scoped3A = tpu.sem_alloc : memref<!tpu.dma_semaphore, #tpu.memory_space<semaphore_mem>>
          %dma_start3A = arith.constant 0 : i32
          %dma_start3A_119 = arith.constant 0 : i32
          %dma_start3A_120 = tpu.memref_slice %arg9[%dma_start3A, %dma_start3A_119] : memref<10000x128xf32, #tpu.memory_space<vmem_shared>> -> memref<10000x128xf32, #tpu.memory_space<vmem_shared>>
          tpu.enqueue_indirect_dma source(%dma_start3A_120 : memref<10000x128xf32, #tpu.memory_space<vmem_shared>>) target(%arg12 : memref<128x128xf32, #tpu.memory_space<vmem>>) offsets(%arg13 : memref<128xi32, #tpu.memory_space<vmem>>) semaphore(%run_scoped3A : memref<!tpu.dma_semaphore, #tpu.memory_space<semaphore_mem>>)
          %dma_wait3A = arith.constant 0 : i32
          %dma_wait3A_121 = arith.constant 0 : i32
          %dma_wait3A_122 = tpu.memref_slice %arg9[%dma_wait3A, %dma_wait3A_121] : memref<10000x128xf32, #tpu.memory_space<vmem_shared>> -> memref<10000x128xf32, #tpu.memory_space<vmem_shared>>
          tpu.wait_indirect_dma semaphore(%run_scoped3A : memref<!tpu.dma_semaphore, #tpu.memory_space<semaphore_mem>>) src(%dma_wait3A_122 : memref<10000x128xf32, #tpu.memory_space<vmem_shared>>) dst(%arg12 : memref<128x128xf32, #tpu.memory_space<vmem>>)
          tpu.yield
        }) : () -> ()
        "tpu.region"() ({
          %run_scoped3A = tpu.sem_alloc : memref<!tpu.dma_semaphore, #tpu.memory_space<semaphore_mem>>
          %dma_start3A = arith.constant 0 : i32
          %dma_start3A_119 = tpu.memref_slice %arg7[%arg0, %min3A_48, %dma_start3A] : memref<2x10000x128xf32, #tpu.memory_space<hbm>> -> memref<1x128x128xf32, #tpu.memory_space<hbm>>
          %dma_start3A_120 = tpu.memref_squeeze %dma_start3A_119 : memref<1x128x128xf32, #tpu.memory_space<hbm>> -> memref<128x128xf32, #tpu.memory_space<hbm>>
          %dma_start3A_121 = arith.constant 0 : i32
          %dma_start3A_122 = tpu.memref_slice %arg7[%arg0, %min3A_48, %dma_start3A_121] : memref<2x10000x128xf32, #tpu.memory_space<hbm>> -> memref<1x128x128xf32, #tpu.memory_space<hbm>>
          %dma_start3A_123 = tpu.memref_squeeze %dma_start3A_122 : memref<1x128x128xf32, #tpu.memory_space<hbm>> -> memref<128x128xf32, #tpu.memory_space<hbm>>
          tpu.enqueue_dma source(%arg12 : memref<128x128xf32, #tpu.memory_space<vmem>>) target(%dma_start3A_123 : memref<128x128xf32, #tpu.memory_space<hbm>>) target_semaphore(%run_scoped3A : memref<!tpu.dma_semaphore, #tpu.memory_space<semaphore_mem>>)
          %dma_wait3A = arith.constant 0 : i32
          %dma_wait3A_124 = tpu.memref_slice %arg7[%arg0, %min3A_48, %dma_wait3A] : memref<2x10000x128xf32, #tpu.memory_space<hbm>> -> memref<1x128x128xf32, #tpu.memory_space<hbm>>
          %dma_wait3A_125 = tpu.memref_squeeze %dma_wait3A_124 : memref<1x128x128xf32, #tpu.memory_space<hbm>> -> memref<128x128xf32, #tpu.memory_space<hbm>>
          %dma_wait3A_126 = arith.constant 0 : i32
          %dma_wait3A_127 = tpu.memref_slice %arg7[%arg0, %min3A_48, %dma_wait3A_126] : memref<2x10000x128xf32, #tpu.memory_space<hbm>> -> memref<1x128x128xf32, #tpu.memory_space<hbm>>
          %dma_wait3A_128 = tpu.memref_squeeze %dma_wait3A_127 : memref<1x128x128xf32, #tpu.memory_space<hbm>> -> memref<128x128xf32, #tpu.memory_space<hbm>>
          tpu.wait_dma2 semaphore(%run_scoped3A : memref<!tpu.dma_semaphore, #tpu.memory_space<semaphore_mem>>) src(%arg12 : memref<128x128xf32, #tpu.memory_space<vmem>>) dst(%dma_wait3A_128 : memref<128x128xf32, #tpu.memory_space<hbm>>)
          tpu.yield
        }) : () -> ()
      } else {
      }
    }
    %scan3A_18 = arith.constant 5 : i32
    %barrier3A_19 = arith.constant 0 : index
    tpu.barrier barrier_id(%barrier3A_19)
    "tpu.region"() ({
      %run_scoped3A = tpu.sem_alloc : memref<!tpu.dma_semaphore, #tpu.memory_space<semaphore_mem>>
      tpu.enqueue_dma source(%arg5 : memref<128x128xf32, #tpu.memory_space<hbm>>) target(%arg12 : memref<128x128xf32, #tpu.memory_space<vmem>>) target_semaphore(%run_scoped3A : memref<!tpu.dma_semaphore, #tpu.memory_space<semaphore_mem>>)
      tpu.wait_dma2 semaphore(%run_scoped3A : memref<!tpu.dma_semaphore, #tpu.memory_space<semaphore_mem>>) src(%arg5 : memref<128x128xf32, #tpu.memory_space<hbm>>) dst(%arg12 : memref<128x128xf32, #tpu.memory_space<vmem>>)
      tpu.yield
    }) : () -> ()
    %scan3A_20 = arith.constant 0 : i32
    %scan3A_21 = arith.constant 0 : i32
    %scan3A_22 = arith.constant 5 : i32
    %scan3A_23 = arith.addi %scan3A_21, %scan3A_22 : i32
    %scan3A_24 = arith.constant 1 : i32
    scf.for %scan3A_40 = %scan3A_21 to %scan3A_23 step %scan3A_24  : i32 {
      %mul3A_41 = arith.constant 16 : i32
      %mul3A_42 = arith.muli %scan3A_40, %mul3A_41 : i32
      %add3A_43 = arith.addi %arg1, %mul3A_42 : i32
      %lt3A = arith.constant 79 : i32
      %lt3A_44 = arith.cmpi slt, %add3A_43, %lt3A : i32
      %convert_element_type3A = arith.extui %lt3A_44 : i1 to i32
      %cond3A = arith.constant 0 : i32
      %cond3A_45 = arith.cmpi ne, %convert_element_type3A, %cond3A : i32
      scf.if %cond3A_45 {
        %mul3A_46 = arith.constant 128 : i32
        %mul3A_47 = arith.muli %add3A_43, %mul3A_46 : i32
        %min3A = arith.constant 9872 : i32
        %min3A_48 = arith.minsi %mul3A_47, %min3A : i32
        %iota3A = tpu.iota {dimensions = array<i32: 0>} : vector<16xi32>
        %add3A_49 = arith.constant 0 : i32
        %add3A_50 = arith.addi %min3A_48, %add3A_49 : i32
        %add3A_51 = vector.broadcast %add3A_50 : i32 to vector<16xi32>
        %add3A_52 = arith.addi %iota3A, %add3A_51 : vector<16xi32>
        %swap3A = arith.constant 0 : index
        %swap3A_53 = tpu.vector_load %arg13[%swap3A] {strides = array<i32>} : memref<128xi32, #tpu.memory_space<vmem>>, vector<16xi32>,
        %swap3A_54 = vector.shape_cast %swap3A_53 : vector<16xi32> to vector<16xi32>
        %swap3A_55 = vector.shape_cast %add3A_52 : vector<16xi32> to vector<16xi32>
        tpu.vector_store %arg13[%swap3A], %swap3A_55 {strides = array<i32>} : memref<128xi32, #tpu.memory_space<vmem>>, vector<16xi32>,
        %iota3A_56 = tpu.iota {dimensions = array<i32: 0>} : vector<16xi32>
        %add3A_57 = arith.constant 16 : i32
        %add3A_58 = arith.addi %min3A_48, %add3A_57 : i32
        %add3A_59 = vector.broadcast %add3A_58 : i32 to vector<16xi32>
        %add3A_60 = arith.addi %iota3A_56, %add3A_59 : vector<16xi32>
        %swap3A_61 = arith.constant 16 : index
        %swap3A_62 = tpu.vector_load %arg13[%swap3A_61] {strides = array<i32>} : memref<128xi32, #tpu.memory_space<vmem>>, vector<16xi32>,
        %swap3A_63 = vector.shape_cast %swap3A_62 : vector<16xi32> to vector<16xi32>
        %swap3A_64 = vector.shape_cast %add3A_60 : vector<16xi32> to vector<16xi32>
        tpu.vector_store %arg13[%swap3A_61], %swap3A_64 {strides = array<i32>} : memref<128xi32, #tpu.memory_space<vmem>>, vector<16xi32>,
        %iota3A_65 = tpu.iota {dimensions = array<i32: 0>} : vector<16xi32>
        %add3A_66 = arith.constant 32 : i32
        %add3A_67 = arith.addi %min3A_48, %add3A_66 : i32
        %add3A_68 = vector.broadcast %add3A_67 : i32 to vector<16xi32>
        %add3A_69 = arith.addi %iota3A_65, %add3A_68 : vector<16xi32>
        %swap3A_70 = arith.constant 32 : index
        %swap3A_71 = tpu.vector_load %arg13[%swap3A_70] {strides = array<i32>} : memref<128xi32, #tpu.memory_space<vmem>>, vector<16xi32>,
        %swap3A_72 = vector.shape_cast %swap3A_71 : vector<16xi32> to vector<16xi32>
        %swap3A_73 = vector.shape_cast %add3A_69 : vector<16xi32> to vector<16xi32>
        tpu.vector_store %arg13[%swap3A_70], %swap3A_73 {strides = array<i32>} : memref<128xi32, #tpu.memory_space<vmem>>, vector<16xi32>,
        %iota3A_74 = tpu.iota {dimensions = array<i32: 0>} : vector<16xi32>
        %add3A_75 = arith.constant 48 : i32
        %add3A_76 = arith.addi %min3A_48, %add3A_75 : i32
        %add3A_77 = vector.broadcast %add3A_76 : i32 to vector<16xi32>
        %add3A_78 = arith.addi %iota3A_74, %add3A_77 : vector<16xi32>
        %swap3A_79 = arith.constant 48 : index
        %swap3A_80 = tpu.vector_load %arg13[%swap3A_79] {strides = array<i32>} : memref<128xi32, #tpu.memory_space<vmem>>, vector<16xi32>,
        %swap3A_81 = vector.shape_cast %swap3A_80 : vector<16xi32> to vector<16xi32>
        %swap3A_82 = vector.shape_cast %add3A_78 : vector<16xi32> to vector<16xi32>
        tpu.vector_store %arg13[%swap3A_79], %swap3A_82 {strides = array<i32>} : memref<128xi32, #tpu.memory_space<vmem>>, vector<16xi32>,
        %iota3A_83 = tpu.iota {dimensions = array<i32: 0>} : vector<16xi32>
        %add3A_84 = arith.constant 64 : i32
        %add3A_85 = arith.addi %min3A_48, %add3A_84 : i32
        %add3A_86 = vector.broadcast %add3A_85 : i32 to vector<16xi32>
        %add3A_87 = arith.addi %iota3A_83, %add3A_86 : vector<16xi32>
        %swap3A_88 = arith.constant 64 : index
        %swap3A_89 = tpu.vector_load %arg13[%swap3A_88] {strides = array<i32>} : memref<128xi32, #tpu.memory_space<vmem>>, vector<16xi32>,
        %swap3A_90 = vector.shape_cast %swap3A_89 : vector<16xi32> to vector<16xi32>
        %swap3A_91 = vector.shape_cast %add3A_87 : vector<16xi32> to vector<16xi32>
        tpu.vector_store %arg13[%swap3A_88], %swap3A_91 {strides = array<i32>} : memref<128xi32, #tpu.memory_space<vmem>>, vector<16xi32>,
        %iota3A_92 = tpu.iota {dimensions = array<i32: 0>} : vector<16xi32>
        %add3A_93 = arith.constant 80 : i32
        %add3A_94 = arith.addi %min3A_48, %add3A_93 : i32
        %add3A_95 = vector.broadcast %add3A_94 : i32 to vector<16xi32>
        %add3A_96 = arith.addi %iota3A_92, %add3A_95 : vector<16xi32>
        %swap3A_97 = arith.constant 80 : index
        %swap3A_98 = tpu.vector_load %arg13[%swap3A_97] {strides = array<i32>} : memref<128xi32, #tpu.memory_space<vmem>>, vector<16xi32>,
        %swap3A_99 = vector.shape_cast %swap3A_98 : vector<16xi32> to vector<16xi32>
        %swap3A_100 = vector.shape_cast %add3A_96 : vector<16xi32> to vector<16xi32>
        tpu.vector_store %arg13[%swap3A_97], %swap3A_100 {strides = array<i32>} : memref<128xi32, #tpu.memory_space<vmem>>, vector<16xi32>,
        %iota3A_101 = tpu.iota {dimensions = array<i32: 0>} : vector<16xi32>
        %add3A_102 = arith.constant 96 : i32
        %add3A_103 = arith.addi %min3A_48, %add3A_102 : i32
        %add3A_104 = vector.broadcast %add3A_103 : i32 to vector<16xi32>
        %add3A_105 = arith.addi %iota3A_101, %add3A_104 : vector<16xi32>
        %swap3A_106 = arith.constant 96 : index
        %swap3A_107 = tpu.vector_load %arg13[%swap3A_106] {strides = array<i32>} : memref<128xi32, #tpu.memory_space<vmem>>, vector<16xi32>,
        %swap3A_108 = vector.shape_cast %swap3A_107 : vector<16xi32> to vector<16xi32>
        %swap3A_109 = vector.shape_cast %add3A_105 : vector<16xi32> to vector<16xi32>
        tpu.vector_store %arg13[%swap3A_106], %swap3A_109 {strides = array<i32>} : memref<128xi32, #tpu.memory_space<vmem>>, vector<16xi32>,
        %iota3A_110 = tpu.iota {dimensions = array<i32: 0>} : vector<16xi32>
        %add3A_111 = arith.constant 112 : i32
        %add3A_112 = arith.addi %min3A_48, %add3A_111 : i32
        %add3A_113 = vector.broadcast %add3A_112 : i32 to vector<16xi32>
        %add3A_114 = arith.addi %iota3A_110, %add3A_113 : vector<16xi32>
        %swap3A_115 = arith.constant 112 : index
        %swap3A_116 = tpu.vector_load %arg13[%swap3A_115] {strides = array<i32>} : memref<128xi32, #tpu.memory_space<vmem>>, vector<16xi32>,
        %swap3A_117 = vector.shape_cast %swap3A_116 : vector<16xi32> to vector<16xi32>
        %swap3A_118 = vector.shape_cast %add3A_114 : vector<16xi32> to vector<16xi32>
        tpu.vector_store %arg13[%swap3A_115], %swap3A_118 {strides = array<i32>} : memref<128xi32, #tpu.memory_space<vmem>>, vector<16xi32>,
        "tpu.region"() ({
          %run_scoped3A = tpu.sem_alloc : memref<!tpu.dma_semaphore, #tpu.memory_space<semaphore_mem>>
          %dma_start3A = arith.constant 0 : i32
          %dma_start3A_119 = arith.constant 0 : i32
          %dma_start3A_120 = tpu.memref_slice %arg9[%dma_start3A, %dma_start3A_119] : memref<10000x128xf32, #tpu.memory_space<vmem_shared>> -> memref<10000x128xf32, #tpu.memory_space<vmem_shared>>
          tpu.enqueue_indirect_dma source(%arg12 : memref<128x128xf32, #tpu.memory_space<vmem>>) target(%dma_start3A_120 : memref<10000x128xf32, #tpu.memory_space<vmem_shared>>) offsets(%arg13 : memref<128xi32, #tpu.memory_space<vmem>>) semaphore(%run_scoped3A : memref<!tpu.dma_semaphore, #tpu.memory_space<semaphore_mem>>)
          %dma_wait3A = arith.constant 0 : i32
          %dma_wait3A_121 = arith.constant 0 : i32
          %dma_wait3A_122 = tpu.memref_slice %arg9[%dma_wait3A, %dma_wait3A_121] : memref<10000x128xf32, #tpu.memory_space<vmem_shared>> -> memref<10000x128xf32, #tpu.memory_space<vmem_shared>>
          tpu.wait_indirect_dma semaphore(%run_scoped3A : memref<!tpu.dma_semaphore, #tpu.memory_space<semaphore_mem>>) src(%arg12 : memref<128x128xf32, #tpu.memory_space<vmem>>) dst(%dma_wait3A_122 : memref<10000x128xf32, #tpu.memory_space<vmem_shared>>)
          tpu.yield
        }) : () -> ()
      } else {
      }
    }
    %scan3A_25 = arith.constant 5 : i32
    "tpu.region"() ({
      %run_scoped3A = tpu.sem_alloc : memref<!tpu.dma_semaphore, #tpu.memory_space<semaphore_mem>>
      tpu.enqueue_dma source(%arg6 : memref<128x128xf32, #tpu.memory_space<hbm>>) target(%arg12 : memref<128x128xf32, #tpu.memory_space<vmem>>) target_semaphore(%run_scoped3A : memref<!tpu.dma_semaphore, #tpu.memory_space<semaphore_mem>>)
      tpu.wait_dma2 semaphore(%run_scoped3A : memref<!tpu.dma_semaphore, #tpu.memory_space<semaphore_mem>>) src(%arg6 : memref<128x128xf32, #tpu.memory_space<hbm>>) dst(%arg12 : memref<128x128xf32, #tpu.memory_space<vmem>>)
      tpu.yield
    }) : () -> ()
    %barrier3A_26 = arith.constant 0 : index
    tpu.barrier barrier_id(%barrier3A_26)
    %scan3A_27 = arith.constant 0 : i32
    %scan3A_28 = arith.constant 0 : i32
    %scan3A_29 = arith.constant 79 : i32
    %scan3A_30 = arith.addi %scan3A_28, %scan3A_29 : i32
    %scan3A_31 = arith.constant 1 : i32
    scf.for %scan3A_40 = %scan3A_28 to %scan3A_30 step %scan3A_31  : i32 {
      %mul3A_41 = arith.constant 32 : i32
      %mul3A_42 = arith.muli %scan3A_40, %mul3A_41 : i32
      %add3A_43 = arith.addi %add3A, %mul3A_42 : i32
      %lt3A = arith.constant 2500 : i32
      %lt3A_44 = arith.cmpi slt, %add3A_43, %lt3A : i32
      %convert_element_type3A = arith.extui %lt3A_44 : i1 to i32
      %cond3A = arith.constant 0 : i32
      %cond3A_45 = arith.cmpi ne, %convert_element_type3A, %cond3A : i32
      scf.if %cond3A_45 {
        %mul3A_46 = arith.constant 128 : i32
        %mul3A_47 = arith.muli %add3A_43, %mul3A_46 : i32
        "tpu.region"() ({
          %run_scoped3A = tpu.sem_alloc : memref<!tpu.dma_semaphore, #tpu.memory_space<semaphore_mem>>
          %dma_start3A = tpu.memref_slice %arg4[%mul3A_47] : memref<320000xi32, #tpu.memory_space<hbm>> -> memref<128xi32, #tpu.memory_space<hbm>>
          %dma_start3A_48 = tpu.memref_slice %arg4[%mul3A_47] : memref<320000xi32, #tpu.memory_space<hbm>> -> memref<128xi32, #tpu.memory_space<hbm>>
          tpu.enqueue_dma source(%dma_start3A_48 : memref<128xi32, #tpu.memory_space<hbm>>) target(%arg11 : memref<128xi32, #tpu.memory_space<vmem>>) target_semaphore(%run_scoped3A : memref<!tpu.dma_semaphore, #tpu.memory_space<semaphore_mem>>)
          %dma_wait3A = tpu.memref_slice %arg4[%mul3A_47] : memref<320000xi32, #tpu.memory_space<hbm>> -> memref<128xi32, #tpu.memory_space<hbm>>
          %dma_wait3A_49 = tpu.memref_slice %arg4[%mul3A_47] : memref<320000xi32, #tpu.memory_space<hbm>> -> memref<128xi32, #tpu.memory_space<hbm>>
          tpu.wait_dma2 semaphore(%run_scoped3A : memref<!tpu.dma_semaphore, #tpu.memory_space<semaphore_mem>>) src(%dma_wait3A_49 : memref<128xi32, #tpu.memory_space<hbm>>) dst(%arg11 : memref<128xi32, #tpu.memory_space<vmem>>)
          tpu.yield
        }) : () -> ()
        "tpu.region"() ({
          %run_scoped3A = tpu.sem_alloc : memref<!tpu.dma_semaphore, #tpu.memory_space<semaphore_mem>>
          %dma_start3A = arith.constant 0 : i32
          %dma_start3A_48 = arith.constant 0 : i32
          %dma_start3A_49 = tpu.memref_slice %arg9[%dma_start3A, %dma_start3A_48] : memref<10000x128xf32, #tpu.memory_space<vmem_shared>> -> memref<10000x128xf32, #tpu.memory_space<vmem_shared>>
          tpu.enqueue_indirect_dma source(%arg12 : memref<128x128xf32, #tpu.memory_space<vmem>>) target(%dma_start3A_49 : memref<10000x128xf32, #tpu.memory_space<vmem_shared>>) offsets(%arg11 : memref<128xi32, #tpu.memory_space<vmem>>) semaphore(%run_scoped3A : memref<!tpu.dma_semaphore, #tpu.memory_space<semaphore_mem>>) {add = true}
          %dma_wait3A = arith.constant 0 : i32
          %dma_wait3A_50 = arith.constant 0 : i32
          %dma_wait3A_51 = tpu.memref_slice %arg9[%dma_wait3A, %dma_wait3A_50] : memref<10000x128xf32, #tpu.memory_space<vmem_shared>> -> memref<10000x128xf32, #tpu.memory_space<vmem_shared>>
          tpu.wait_indirect_dma semaphore(%run_scoped3A : memref<!tpu.dma_semaphore, #tpu.memory_space<semaphore_mem>>) src(%arg12 : memref<128x128xf32, #tpu.memory_space<vmem>>) dst(%dma_wait3A_51 : memref<10000x128xf32, #tpu.memory_space<vmem_shared>>)
          tpu.yield
        }) : () -> ()
      } else {
      }
    }
    %scan3A_32 = arith.constant 79 : i32
    %barrier3A_33 = arith.constant 0 : index
    tpu.barrier barrier_id(%barrier3A_33)
    %scan3A_34 = arith.constant 0 : i32
    %scan3A_35 = arith.constant 0 : i32
    %scan3A_36 = arith.constant 5 : i32
    %scan3A_37 = arith.addi %scan3A_35, %scan3A_36 : i32
    %scan3A_38 = arith.constant 1 : i32
    scf.for %scan3A_40 = %scan3A_35 to %scan3A_37 step %scan3A_38  : i32 {
      %mul3A_41 = arith.constant 16 : i32
      %mul3A_42 = arith.muli %scan3A_40, %mul3A_41 : i32
      %add3A_43 = arith.addi %arg1, %mul3A_42 : i32
      %lt3A = arith.constant 79 : i32
      %lt3A_44 = arith.cmpi slt, %add3A_43, %lt3A : i32
      %convert_element_type3A = arith.extui %lt3A_44 : i1 to i32
      %cond3A = arith.constant 0 : i32
      %cond3A_45 = arith.cmpi ne, %convert_element_type3A, %cond3A : i32
      scf.if %cond3A_45 {
        %mul3A_46 = arith.constant 128 : i32
        %mul3A_47 = arith.muli %add3A_43, %mul3A_46 : i32
        %min3A = arith.constant 9872 : i32
        %min3A_48 = arith.minsi %mul3A_47, %min3A : i32
        %iota3A = tpu.iota {dimensions = array<i32: 0>} : vector<16xi32>
        %add3A_49 = arith.constant 0 : i32
        %add3A_50 = arith.addi %min3A_48, %add3A_49 : i32
        %add3A_51 = vector.broadcast %add3A_50 : i32 to vector<16xi32>
        %add3A_52 = arith.addi %iota3A, %add3A_51 : vector<16xi32>
        %swap3A = arith.constant 0 : index
        %swap3A_53 = tpu.vector_load %arg13[%swap3A] {strides = array<i32>} : memref<128xi32, #tpu.memory_space<vmem>>, vector<16xi32>,
        %swap3A_54 = vector.shape_cast %swap3A_53 : vector<16xi32> to vector<16xi32>
        %swap3A_55 = vector.shape_cast %add3A_52 : vector<16xi32> to vector<16xi32>
        tpu.vector_store %arg13[%swap3A], %swap3A_55 {strides = array<i32>} : memref<128xi32, #tpu.memory_space<vmem>>, vector<16xi32>,
        %iota3A_56 = tpu.iota {dimensions = array<i32: 0>} : vector<16xi32>
        %add3A_57 = arith.constant 16 : i32
        %add3A_58 = arith.addi %min3A_48, %add3A_57 : i32
        %add3A_59 = vector.broadcast %add3A_58 : i32 to vector<16xi32>
        %add3A_60 = arith.addi %iota3A_56, %add3A_59 : vector<16xi32>
        %swap3A_61 = arith.constant 16 : index
        %swap3A_62 = tpu.vector_load %arg13[%swap3A_61] {strides = array<i32>} : memref<128xi32, #tpu.memory_space<vmem>>, vector<16xi32>,
        %swap3A_63 = vector.shape_cast %swap3A_62 : vector<16xi32> to vector<16xi32>
        %swap3A_64 = vector.shape_cast %add3A_60 : vector<16xi32> to vector<16xi32>
        tpu.vector_store %arg13[%swap3A_61], %swap3A_64 {strides = array<i32>} : memref<128xi32, #tpu.memory_space<vmem>>, vector<16xi32>,
        %iota3A_65 = tpu.iota {dimensions = array<i32: 0>} : vector<16xi32>
        %add3A_66 = arith.constant 32 : i32
        %add3A_67 = arith.addi %min3A_48, %add3A_66 : i32
        %add3A_68 = vector.broadcast %add3A_67 : i32 to vector<16xi32>
        %add3A_69 = arith.addi %iota3A_65, %add3A_68 : vector<16xi32>
        %swap3A_70 = arith.constant 32 : index
        %swap3A_71 = tpu.vector_load %arg13[%swap3A_70] {strides = array<i32>} : memref<128xi32, #tpu.memory_space<vmem>>, vector<16xi32>,
        %swap3A_72 = vector.shape_cast %swap3A_71 : vector<16xi32> to vector<16xi32>
        %swap3A_73 = vector.shape_cast %add3A_69 : vector<16xi32> to vector<16xi32>
        tpu.vector_store %arg13[%swap3A_70], %swap3A_73 {strides = array<i32>} : memref<128xi32, #tpu.memory_space<vmem>>, vector<16xi32>,
        %iota3A_74 = tpu.iota {dimensions = array<i32: 0>} : vector<16xi32>
        %add3A_75 = arith.constant 48 : i32
        %add3A_76 = arith.addi %min3A_48, %add3A_75 : i32
        %add3A_77 = vector.broadcast %add3A_76 : i32 to vector<16xi32>
        %add3A_78 = arith.addi %iota3A_74, %add3A_77 : vector<16xi32>
        %swap3A_79 = arith.constant 48 : index
        %swap3A_80 = tpu.vector_load %arg13[%swap3A_79] {strides = array<i32>} : memref<128xi32, #tpu.memory_space<vmem>>, vector<16xi32>,
        %swap3A_81 = vector.shape_cast %swap3A_80 : vector<16xi32> to vector<16xi32>
        %swap3A_82 = vector.shape_cast %add3A_78 : vector<16xi32> to vector<16xi32>
        tpu.vector_store %arg13[%swap3A_79], %swap3A_82 {strides = array<i32>} : memref<128xi32, #tpu.memory_space<vmem>>, vector<16xi32>,
        %iota3A_83 = tpu.iota {dimensions = array<i32: 0>} : vector<16xi32>
        %add3A_84 = arith.constant 64 : i32
        %add3A_85 = arith.addi %min3A_48, %add3A_84 : i32
        %add3A_86 = vector.broadcast %add3A_85 : i32 to vector<16xi32>
        %add3A_87 = arith.addi %iota3A_83, %add3A_86 : vector<16xi32>
        %swap3A_88 = arith.constant 64 : index
        %swap3A_89 = tpu.vector_load %arg13[%swap3A_88] {strides = array<i32>} : memref<128xi32, #tpu.memory_space<vmem>>, vector<16xi32>,
        %swap3A_90 = vector.shape_cast %swap3A_89 : vector<16xi32> to vector<16xi32>
        %swap3A_91 = vector.shape_cast %add3A_87 : vector<16xi32> to vector<16xi32>
        tpu.vector_store %arg13[%swap3A_88], %swap3A_91 {strides = array<i32>} : memref<128xi32, #tpu.memory_space<vmem>>, vector<16xi32>,
        %iota3A_92 = tpu.iota {dimensions = array<i32: 0>} : vector<16xi32>
        %add3A_93 = arith.constant 80 : i32
        %add3A_94 = arith.addi %min3A_48, %add3A_93 : i32
        %add3A_95 = vector.broadcast %add3A_94 : i32 to vector<16xi32>
        %add3A_96 = arith.addi %iota3A_92, %add3A_95 : vector<16xi32>
        %swap3A_97 = arith.constant 80 : index
        %swap3A_98 = tpu.vector_load %arg13[%swap3A_97] {strides = array<i32>} : memref<128xi32, #tpu.memory_space<vmem>>, vector<16xi32>,
        %swap3A_99 = vector.shape_cast %swap3A_98 : vector<16xi32> to vector<16xi32>
        %swap3A_100 = vector.shape_cast %add3A_96 : vector<16xi32> to vector<16xi32>
        tpu.vector_store %arg13[%swap3A_97], %swap3A_100 {strides = array<i32>} : memref<128xi32, #tpu.memory_space<vmem>>, vector<16xi32>,
        %iota3A_101 = tpu.iota {dimensions = array<i32: 0>} : vector<16xi32>
        %add3A_102 = arith.constant 96 : i32
        %add3A_103 = arith.addi %min3A_48, %add3A_102 : i32
        %add3A_104 = vector.broadcast %add3A_103 : i32 to vector<16xi32>
        %add3A_105 = arith.addi %iota3A_101, %add3A_104 : vector<16xi32>
        %swap3A_106 = arith.constant 96 : index
        %swap3A_107 = tpu.vector_load %arg13[%swap3A_106] {strides = array<i32>} : memref<128xi32, #tpu.memory_space<vmem>>, vector<16xi32>,
        %swap3A_108 = vector.shape_cast %swap3A_107 : vector<16xi32> to vector<16xi32>
        %swap3A_109 = vector.shape_cast %add3A_105 : vector<16xi32> to vector<16xi32>
        tpu.vector_store %arg13[%swap3A_106], %swap3A_109 {strides = array<i32>} : memref<128xi32, #tpu.memory_space<vmem>>, vector<16xi32>,
        %iota3A_110 = tpu.iota {dimensions = array<i32: 0>} : vector<16xi32>
        %add3A_111 = arith.constant 112 : i32
        %add3A_112 = arith.addi %min3A_48, %add3A_111 : i32
        %add3A_113 = vector.broadcast %add3A_112 : i32 to vector<16xi32>
        %add3A_114 = arith.addi %iota3A_110, %add3A_113 : vector<16xi32>
        %swap3A_115 = arith.constant 112 : index
        %swap3A_116 = tpu.vector_load %arg13[%swap3A_115] {strides = array<i32>} : memref<128xi32, #tpu.memory_space<vmem>>, vector<16xi32>,
        %swap3A_117 = vector.shape_cast %swap3A_116 : vector<16xi32> to vector<16xi32>
        %swap3A_118 = vector.shape_cast %add3A_114 : vector<16xi32> to vector<16xi32>
        tpu.vector_store %arg13[%swap3A_115], %swap3A_118 {strides = array<i32>} : memref<128xi32, #tpu.memory_space<vmem>>, vector<16xi32>,
        "tpu.region"() ({
          %run_scoped3A = tpu.sem_alloc : memref<!tpu.dma_semaphore, #tpu.memory_space<semaphore_mem>>
          %dma_start3A = arith.constant 0 : i32
          %dma_start3A_119 = arith.constant 0 : i32
          %dma_start3A_120 = tpu.memref_slice %arg9[%dma_start3A, %dma_start3A_119] : memref<10000x128xf32, #tpu.memory_space<vmem_shared>> -> memref<10000x128xf32, #tpu.memory_space<vmem_shared>>
          tpu.enqueue_indirect_dma source(%dma_start3A_120 : memref<10000x128xf32, #tpu.memory_space<vmem_shared>>) target(%arg12 : memref<128x128xf32, #tpu.memory_space<vmem>>) offsets(%arg13 : memref<128xi32, #tpu.memory_space<vmem>>) semaphore(%run_scoped3A : memref<!tpu.dma_semaphore, #tpu.memory_space<semaphore_mem>>)
          %dma_wait3A = arith.constant 0 : i32
          %dma_wait3A_121 = arith.constant 0 : i32
          %dma_wait3A_122 = tpu.memref_slice %arg9[%dma_wait3A, %dma_wait3A_121] : memref<10000x128xf32, #tpu.memory_space<vmem_shared>> -> memref<10000x128xf32, #tpu.memory_space<vmem_shared>>
          tpu.wait_indirect_dma semaphore(%run_scoped3A : memref<!tpu.dma_semaphore, #tpu.memory_space<semaphore_mem>>) src(%dma_wait3A_122 : memref<10000x128xf32, #tpu.memory_space<vmem_shared>>) dst(%arg12 : memref<128x128xf32, #tpu.memory_space<vmem>>)
          tpu.yield
        }) : () -> ()
        "tpu.region"() ({
          %run_scoped3A = tpu.sem_alloc : memref<!tpu.dma_semaphore, #tpu.memory_space<semaphore_mem>>
          %dma_start3A = arith.constant 0 : i32
          %dma_start3A_119 = tpu.memref_slice %arg8[%arg0, %min3A_48, %dma_start3A] : memref<2x10000x128xf32, #tpu.memory_space<hbm>> -> memref<1x128x128xf32, #tpu.memory_space<hbm>>
          %dma_start3A_120 = tpu.memref_squeeze %dma_start3A_119 : memref<1x128x128xf32, #tpu.memory_space<hbm>> -> memref<128x128xf32, #tpu.memory_space<hbm>>
          %dma_start3A_121 = arith.constant 0 : i32
          %dma_start3A_122 = tpu.memref_slice %arg8[%arg0, %min3A_48, %dma_start3A_121] : memref<2x10000x128xf32, #tpu.memory_space<hbm>> -> memref<1x128x128xf32, #tpu.memory_space<hbm>>
          %dma_start3A_123 = tpu.memref_squeeze %dma_start3A_122 : memref<1x128x128xf32, #tpu.memory_space<hbm>> -> memref<128x128xf32, #tpu.memory_space<hbm>>
          tpu.enqueue_dma source(%arg12 : memref<128x128xf32, #tpu.memory_space<vmem>>) target(%dma_start3A_123 : memref<128x128xf32, #tpu.memory_space<hbm>>) target_semaphore(%run_scoped3A : memref<!tpu.dma_semaphore, #tpu.memory_space<semaphore_mem>>)
          %dma_wait3A = arith.constant 0 : i32
          %dma_wait3A_124 = tpu.memref_slice %arg8[%arg0, %min3A_48, %dma_wait3A] : memref<2x10000x128xf32, #tpu.memory_space<hbm>> -> memref<1x128x128xf32, #tpu.memory_space<hbm>>
          %dma_wait3A_125 = tpu.memref_squeeze %dma_wait3A_124 : memref<1x128x128xf32, #tpu.memory_space<hbm>> -> memref<128x128xf32, #tpu.memory_space<hbm>>
          %dma_wait3A_126 = arith.constant 0 : i32
          %dma_wait3A_127 = tpu.memref_slice %arg8[%arg0, %min3A_48, %dma_wait3A_126] : memref<2x10000x128xf32, #tpu.memory_space<hbm>> -> memref<1x128x128xf32, #tpu.memory_space<hbm>>
          %dma_wait3A_128 = tpu.memref_squeeze %dma_wait3A_127 : memref<1x128x128xf32, #tpu.memory_space<hbm>> -> memref<128x128xf32, #tpu.memory_space<hbm>>
          tpu.wait_dma2 semaphore(%run_scoped3A : memref<!tpu.dma_semaphore, #tpu.memory_space<semaphore_mem>>) src(%arg12 : memref<128x128xf32, #tpu.memory_space<vmem>>) dst(%dma_wait3A_128 : memref<128x128xf32, #tpu.memory_space<hbm>>)
          tpu.yield
        }) : () -> ()
      } else {
      }
    }
    %scan3A_39 = arith.constant 5 : i32
    return
  }
}

#map = affine_map<(d0, d1) -> (0, 0)>
#map1 = affine_map<(d0, d1) -> (0, 0, 0)>
module attributes {stable_mosaic.version = 14 : i64} {
  func.func @_sc2_body(%arg0: i32, %arg1: i32, %arg2: memref<80000x128xf32, #tpu.memory_space<hbm>>, %arg3: memref<625x4x128xi32, #tpu.memory_space<hbm>>, %arg4: memref<625x4x128xi32, #tpu.memory_space<hbm>>, %arg5: memref<128x128xf32, #tpu.memory_space<hbm>>, %arg6: memref<80000x128xf32, #tpu.memory_space<hbm>>, %arg7: memref<10000x128xf32, #tpu.memory_space<vmem_shared>>, %arg8: memref<4x128xi32, #tpu.memory_space<vmem>>, %arg9: memref<4x128xi32, #tpu.memory_space<vmem>>, %arg10: memref<4x128xi32, #tpu.memory_space<vmem>>, %arg11: memref<128x128xf32, #tpu.memory_space<vmem>>, %arg12: memref<128x128xf32, #tpu.memory_space<vmem>>, %arg13: memref<128xi32, #tpu.memory_space<vmem>>, %arg14: memref<!tpu.dma_semaphore, #tpu.memory_space<semaphore_mem>>, %arg15: memref<!tpu.dma_semaphore, #tpu.memory_space<semaphore_mem>>) attributes {dimension_semantics = [#tpu.dimension_semantics<core_parallel>, #tpu.dimension_semantics<subcore_parallel>], iteration_bounds = array<i64: 2, 16>, scalar_prefetch = 0 : i64, scratch_operands = 9 : i64, tpu.core_type = #tpu.core_type<sc_vector_subcore>, window_params = [{transform_indices = #map}, {transform_indices = #map1}, {transform_indices = #map1}, {transform_indices = #map}, {transform_indices = #map}]} {
    %mul3A = arith.constant 4 : i32
    %mul3A_0 = arith.muli %arg0, %mul3A : i32
    %add3A = arith.constant 0 : i32
    %add3A_1 = arith.addi %mul3A_0, %add3A : i32
    "tpu.region"() ({
      %run_scoped3A = tpu.sem_alloc : memref<!tpu.dma_semaphore, #tpu.memory_space<semaphore_mem>>
      tpu.enqueue_dma source(%arg5 : memref<128x128xf32, #tpu.memory_space<hbm>>) target(%arg11 : memref<128x128xf32, #tpu.memory_space<vmem>>) target_semaphore(%run_scoped3A : memref<!tpu.dma_semaphore, #tpu.memory_space<semaphore_mem>>)
      tpu.wait_dma2 semaphore(%run_scoped3A : memref<!tpu.dma_semaphore, #tpu.memory_space<semaphore_mem>>) src(%arg5 : memref<128x128xf32, #tpu.memory_space<hbm>>) dst(%arg11 : memref<128x128xf32, #tpu.memory_space<vmem>>)
      tpu.yield
    }) : () -> ()
    %scan3A = arith.constant 0 : i32
    %scan3A_2 = arith.constant 0 : i32
    %scan3A_3 = arith.constant 5 : i32
    %scan3A_4 = arith.addi %scan3A_2, %scan3A_3 : i32
    %scan3A_5 = arith.constant 1 : i32
    scf.for %scan3A_96 = %scan3A_2 to %scan3A_4 step %scan3A_5  : i32 {
      %mul3A_97 = arith.constant 16 : i32
      %mul3A_98 = arith.muli %scan3A_96, %mul3A_97 : i32
      %add3A_99 = arith.addi %arg1, %mul3A_98 : i32
      %lt3A = arith.constant 79 : i32
      %lt3A_100 = arith.cmpi slt, %add3A_99, %lt3A : i32
      %convert_element_type3A = arith.extui %lt3A_100 : i1 to i32
      %cond3A = arith.constant 0 : i32
      %cond3A_101 = arith.cmpi ne, %convert_element_type3A, %cond3A : i32
      scf.if %cond3A_101 {
        %mul3A_102 = arith.constant 128 : i32
        %mul3A_103 = arith.muli %add3A_99, %mul3A_102 : i32
        %min3A = arith.constant 9872 : i32
        %min3A_104 = arith.minsi %mul3A_103, %min3A : i32
        %iota3A = tpu.iota {dimensions = array<i32: 0>} : vector<16xi32>
        %add3A_105 = arith.constant 0 : i32
        %add3A_106 = arith.addi %min3A_104, %add3A_105 : i32
        %add3A_107 = vector.broadcast %add3A_106 : i32 to vector<16xi32>
        %add3A_108 = arith.addi %iota3A, %add3A_107 : vector<16xi32>
        %swap3A = arith.constant 0 : index
        %swap3A_109 = tpu.vector_load %arg13[%swap3A] {strides = array<i32>} : memref<128xi32, #tpu.memory_space<vmem>>, vector<16xi32>,
        %swap3A_110 = vector.shape_cast %swap3A_109 : vector<16xi32> to vector<16xi32>
        %swap3A_111 = vector.shape_cast %add3A_108 : vector<16xi32> to vector<16xi32>
        tpu.vector_store %arg13[%swap3A], %swap3A_111 {strides = array<i32>} : memref<128xi32, #tpu.memory_space<vmem>>, vector<16xi32>,
        %iota3A_112 = tpu.iota {dimensions = array<i32: 0>} : vector<16xi32>
        %add3A_113 = arith.constant 16 : i32
        %add3A_114 = arith.addi %min3A_104, %add3A_113 : i32
        %add3A_115 = vector.broadcast %add3A_114 : i32 to vector<16xi32>
        %add3A_116 = arith.addi %iota3A_112, %add3A_115 : vector<16xi32>
        %swap3A_117 = arith.constant 16 : index
        %swap3A_118 = tpu.vector_load %arg13[%swap3A_117] {strides = array<i32>} : memref<128xi32, #tpu.memory_space<vmem>>, vector<16xi32>,
        %swap3A_119 = vector.shape_cast %swap3A_118 : vector<16xi32> to vector<16xi32>
        %swap3A_120 = vector.shape_cast %add3A_116 : vector<16xi32> to vector<16xi32>
        tpu.vector_store %arg13[%swap3A_117], %swap3A_120 {strides = array<i32>} : memref<128xi32, #tpu.memory_space<vmem>>, vector<16xi32>,
        %iota3A_121 = tpu.iota {dimensions = array<i32: 0>} : vector<16xi32>
        %add3A_122 = arith.constant 32 : i32
        %add3A_123 = arith.addi %min3A_104, %add3A_122 : i32
        %add3A_124 = vector.broadcast %add3A_123 : i32 to vector<16xi32>
        %add3A_125 = arith.addi %iota3A_121, %add3A_124 : vector<16xi32>
        %swap3A_126 = arith.constant 32 : index
        %swap3A_127 = tpu.vector_load %arg13[%swap3A_126] {strides = array<i32>} : memref<128xi32, #tpu.memory_space<vmem>>, vector<16xi32>,
        %swap3A_128 = vector.shape_cast %swap3A_127 : vector<16xi32> to vector<16xi32>
        %swap3A_129 = vector.shape_cast %add3A_125 : vector<16xi32> to vector<16xi32>
        tpu.vector_store %arg13[%swap3A_126], %swap3A_129 {strides = array<i32>} : memref<128xi32, #tpu.memory_space<vmem>>, vector<16xi32>,
        %iota3A_130 = tpu.iota {dimensions = array<i32: 0>} : vector<16xi32>
        %add3A_131 = arith.constant 48 : i32
        %add3A_132 = arith.addi %min3A_104, %add3A_131 : i32
        %add3A_133 = vector.broadcast %add3A_132 : i32 to vector<16xi32>
        %add3A_134 = arith.addi %iota3A_130, %add3A_133 : vector<16xi32>
        %swap3A_135 = arith.constant 48 : index
        %swap3A_136 = tpu.vector_load %arg13[%swap3A_135] {strides = array<i32>} : memref<128xi32, #tpu.memory_space<vmem>>, vector<16xi32>,
        %swap3A_137 = vector.shape_cast %swap3A_136 : vector<16xi32> to vector<16xi32>
        %swap3A_138 = vector.shape_cast %add3A_134 : vector<16xi32> to vector<16xi32>
        tpu.vector_store %arg13[%swap3A_135], %swap3A_138 {strides = array<i32>} : memref<128xi32, #tpu.memory_space<vmem>>, vector<16xi32>,
        %iota3A_139 = tpu.iota {dimensions = array<i32: 0>} : vector<16xi32>
        %add3A_140 = arith.constant 64 : i32
        %add3A_141 = arith.addi %min3A_104, %add3A_140 : i32
        %add3A_142 = vector.broadcast %add3A_141 : i32 to vector<16xi32>
        %add3A_143 = arith.addi %iota3A_139, %add3A_142 : vector<16xi32>
        %swap3A_144 = arith.constant 64 : index
        %swap3A_145 = tpu.vector_load %arg13[%swap3A_144] {strides = array<i32>} : memref<128xi32, #tpu.memory_space<vmem>>, vector<16xi32>,
        %swap3A_146 = vector.shape_cast %swap3A_145 : vector<16xi32> to vector<16xi32>
        %swap3A_147 = vector.shape_cast %add3A_143 : vector<16xi32> to vector<16xi32>
        tpu.vector_store %arg13[%swap3A_144], %swap3A_147 {strides = array<i32>} : memref<128xi32, #tpu.memory_space<vmem>>, vector<16xi32>,
        %iota3A_148 = tpu.iota {dimensions = array<i32: 0>} : vector<16xi32>
        %add3A_149 = arith.constant 80 : i32
        %add3A_150 = arith.addi %min3A_104, %add3A_149 : i32
        %add3A_151 = vector.broadcast %add3A_150 : i32 to vector<16xi32>
        %add3A_152 = arith.addi %iota3A_148, %add3A_151 : vector<16xi32>
        %swap3A_153 = arith.constant 80 : index
        %swap3A_154 = tpu.vector_load %arg13[%swap3A_153] {strides = array<i32>} : memref<128xi32, #tpu.memory_space<vmem>>, vector<16xi32>,
        %swap3A_155 = vector.shape_cast %swap3A_154 : vector<16xi32> to vector<16xi32>
        %swap3A_156 = vector.shape_cast %add3A_152 : vector<16xi32> to vector<16xi32>
        tpu.vector_store %arg13[%swap3A_153], %swap3A_156 {strides = array<i32>} : memref<128xi32, #tpu.memory_space<vmem>>, vector<16xi32>,
        %iota3A_157 = tpu.iota {dimensions = array<i32: 0>} : vector<16xi32>
        %add3A_158 = arith.constant 96 : i32
        %add3A_159 = arith.addi %min3A_104, %add3A_158 : i32
        %add3A_160 = vector.broadcast %add3A_159 : i32 to vector<16xi32>
        %add3A_161 = arith.addi %iota3A_157, %add3A_160 : vector<16xi32>
        %swap3A_162 = arith.constant 96 : index
        %swap3A_163 = tpu.vector_load %arg13[%swap3A_162] {strides = array<i32>} : memref<128xi32, #tpu.memory_space<vmem>>, vector<16xi32>,
        %swap3A_164 = vector.shape_cast %swap3A_163 : vector<16xi32> to vector<16xi32>
        %swap3A_165 = vector.shape_cast %add3A_161 : vector<16xi32> to vector<16xi32>
        tpu.vector_store %arg13[%swap3A_162], %swap3A_165 {strides = array<i32>} : memref<128xi32, #tpu.memory_space<vmem>>, vector<16xi32>,
        %iota3A_166 = tpu.iota {dimensions = array<i32: 0>} : vector<16xi32>
        %add3A_167 = arith.constant 112 : i32
        %add3A_168 = arith.addi %min3A_104, %add3A_167 : i32
        %add3A_169 = vector.broadcast %add3A_168 : i32 to vector<16xi32>
        %add3A_170 = arith.addi %iota3A_166, %add3A_169 : vector<16xi32>
        %swap3A_171 = arith.constant 112 : index
        %swap3A_172 = tpu.vector_load %arg13[%swap3A_171] {strides = array<i32>} : memref<128xi32, #tpu.memory_space<vmem>>, vector<16xi32>,
        %swap3A_173 = vector.shape_cast %swap3A_172 : vector<16xi32> to vector<16xi32>
        %swap3A_174 = vector.shape_cast %add3A_170 : vector<16xi32> to vector<16xi32>
        tpu.vector_store %arg13[%swap3A_171], %swap3A_174 {strides = array<i32>} : memref<128xi32, #tpu.memory_space<vmem>>, vector<16xi32>,
        "tpu.region"() ({
          %run_scoped3A = tpu.sem_alloc : memref<!tpu.dma_semaphore, #tpu.memory_space<semaphore_mem>>
          %dma_start3A = arith.constant 0 : i32
          %dma_start3A_175 = arith.constant 0 : i32
          %dma_start3A_176 = tpu.memref_slice %arg7[%dma_start3A, %dma_start3A_175] : memref<10000x128xf32, #tpu.memory_space<vmem_shared>> -> memref<10000x128xf32, #tpu.memory_space<vmem_shared>>
          tpu.enqueue_indirect_dma source(%arg11 : memref<128x128xf32, #tpu.memory_space<vmem>>) target(%dma_start3A_176 : memref<10000x128xf32, #tpu.memory_space<vmem_shared>>) offsets(%arg13 : memref<128xi32, #tpu.memory_space<vmem>>) semaphore(%run_scoped3A : memref<!tpu.dma_semaphore, #tpu.memory_space<semaphore_mem>>)
          %dma_wait3A = arith.constant 0 : i32
          %dma_wait3A_177 = arith.constant 0 : i32
          %dma_wait3A_178 = tpu.memref_slice %arg7[%dma_wait3A, %dma_wait3A_177] : memref<10000x128xf32, #tpu.memory_space<vmem_shared>> -> memref<10000x128xf32, #tpu.memory_space<vmem_shared>>
          tpu.wait_indirect_dma semaphore(%run_scoped3A : memref<!tpu.dma_semaphore, #tpu.memory_space<semaphore_mem>>) src(%arg11 : memref<128x128xf32, #tpu.memory_space<vmem>>) dst(%dma_wait3A_178 : memref<10000x128xf32, #tpu.memory_space<vmem_shared>>)
          tpu.yield
        }) : () -> ()
      } else {
      }
    }
    %scan3A_6 = arith.constant 5 : i32
    %barrier3A = arith.constant 0 : index
    tpu.barrier barrier_id(%barrier3A)
    %scan3A_7 = arith.constant 0 : i32
    %scan3A_8 = arith.constant 0 : i32
    %scan3A_9 = arith.constant 40 : i32
    %scan3A_10 = arith.addi %scan3A_8, %scan3A_9 : i32
    %scan3A_11 = arith.constant 1 : i32
    scf.for %scan3A_96 = %scan3A_8 to %scan3A_10 step %scan3A_11  : i32 {
      %mul3A_97 = arith.constant 16 : i32
      %mul3A_98 = arith.muli %scan3A_96, %mul3A_97 : i32
      %add3A_99 = arith.addi %arg1, %mul3A_98 : i32
      %lt3A = arith.constant 625 : i32
      %lt3A_100 = arith.cmpi slt, %add3A_99, %lt3A : i32
      %convert_element_type3A = arith.extui %lt3A_100 : i1 to i32
      %cond3A = arith.constant 0 : i32
      %cond3A_101 = arith.cmpi ne, %convert_element_type3A, %cond3A : i32
      scf.if %cond3A_101 {
        "tpu.region"() ({
          %run_scoped3A_637 = tpu.sem_alloc : memref<!tpu.dma_semaphore, #tpu.memory_space<semaphore_mem>>
          %dma_start3A_638 = arith.constant 0 : i32
          %dma_start3A_639 = arith.constant 0 : i32
          %dma_start3A_640 = tpu.memref_slice %arg3[%add3A_99, %dma_start3A_638, %dma_start3A_639] : memref<625x4x128xi32, #tpu.memory_space<hbm>> -> memref<1x4x128xi32, #tpu.memory_space<hbm>>
          %dma_start3A_641 = tpu.memref_squeeze %dma_start3A_640 : memref<1x4x128xi32, #tpu.memory_space<hbm>> -> memref<4x128xi32, #tpu.memory_space<hbm>>
          %dma_start3A_642 = arith.constant 0 : i32
          %dma_start3A_643 = arith.constant 0 : i32
          %dma_start3A_644 = tpu.memref_slice %arg3[%add3A_99, %dma_start3A_642, %dma_start3A_643] : memref<625x4x128xi32, #tpu.memory_space<hbm>> -> memref<1x4x128xi32, #tpu.memory_space<hbm>>
          %dma_start3A_645 = tpu.memref_squeeze %dma_start3A_644 : memref<1x4x128xi32, #tpu.memory_space<hbm>> -> memref<4x128xi32, #tpu.memory_space<hbm>>
          tpu.enqueue_dma source(%dma_start3A_645 : memref<4x128xi32, #tpu.memory_space<hbm>>) target(%arg8 : memref<4x128xi32, #tpu.memory_space<vmem>>) target_semaphore(%run_scoped3A_637 : memref<!tpu.dma_semaphore, #tpu.memory_space<semaphore_mem>>)
          %dma_wait3A_646 = arith.constant 0 : i32
          %dma_wait3A_647 = arith.constant 0 : i32
          %dma_wait3A_648 = tpu.memref_slice %arg3[%add3A_99, %dma_wait3A_646, %dma_wait3A_647] : memref<625x4x128xi32, #tpu.memory_space<hbm>> -> memref<1x4x128xi32, #tpu.memory_space<hbm>>
          %dma_wait3A_649 = tpu.memref_squeeze %dma_wait3A_648 : memref<1x4x128xi32, #tpu.memory_space<hbm>> -> memref<4x128xi32, #tpu.memory_space<hbm>>
          %dma_wait3A_650 = arith.constant 0 : i32
          %dma_wait3A_651 = arith.constant 0 : i32
          %dma_wait3A_652 = tpu.memref_slice %arg3[%add3A_99, %dma_wait3A_650, %dma_wait3A_651] : memref<625x4x128xi32, #tpu.memory_space<hbm>> -> memref<1x4x128xi32, #tpu.memory_space<hbm>>
          %dma_wait3A_653 = tpu.memref_squeeze %dma_wait3A_652 : memref<1x4x128xi32, #tpu.memory_space<hbm>> -> memref<4x128xi32, #tpu.memory_space<hbm>>
          tpu.wait_dma2 semaphore(%run_scoped3A_637 : memref<!tpu.dma_semaphore, #tpu.memory_space<semaphore_mem>>) src(%dma_wait3A_653 : memref<4x128xi32, #tpu.memory_space<hbm>>) dst(%arg8 : memref<4x128xi32, #tpu.memory_space<vmem>>)
          tpu.yield
        }) : () -> ()
        "tpu.region"() ({
          %run_scoped3A_637 = tpu.sem_alloc : memref<!tpu.dma_semaphore, #tpu.memory_space<semaphore_mem>>
          %dma_start3A_638 = arith.constant 0 : i32
          %dma_start3A_639 = arith.constant 0 : i32
          %dma_start3A_640 = tpu.memref_slice %arg4[%add3A_99, %dma_start3A_638, %dma_start3A_639] : memref<625x4x128xi32, #tpu.memory_space<hbm>> -> memref<1x4x128xi32, #tpu.memory_space<hbm>>
          %dma_start3A_641 = tpu.memref_squeeze %dma_start3A_640 : memref<1x4x128xi32, #tpu.memory_space<hbm>> -> memref<4x128xi32, #tpu.memory_space<hbm>>
          %dma_start3A_642 = arith.constant 0 : i32
          %dma_start3A_643 = arith.constant 0 : i32
          %dma_start3A_644 = tpu.memref_slice %arg4[%add3A_99, %dma_start3A_642, %dma_start3A_643] : memref<625x4x128xi32, #tpu.memory_space<hbm>> -> memref<1x4x128xi32, #tpu.memory_space<hbm>>
          %dma_start3A_645 = tpu.memref_squeeze %dma_start3A_644 : memref<1x4x128xi32, #tpu.memory_space<hbm>> -> memref<4x128xi32, #tpu.memory_space<hbm>>
          tpu.enqueue_dma source(%dma_start3A_645 : memref<4x128xi32, #tpu.memory_space<hbm>>) target(%arg9 : memref<4x128xi32, #tpu.memory_space<vmem>>) target_semaphore(%run_scoped3A_637 : memref<!tpu.dma_semaphore, #tpu.memory_space<semaphore_mem>>)
          %dma_wait3A_646 = arith.constant 0 : i32
          %dma_wait3A_647 = arith.constant 0 : i32
          %dma_wait3A_648 = tpu.memref_slice %arg4[%add3A_99, %dma_wait3A_646, %dma_wait3A_647] : memref<625x4x128xi32, #tpu.memory_space<hbm>> -> memref<1x4x128xi32, #tpu.memory_space<hbm>>
          %dma_wait3A_649 = tpu.memref_squeeze %dma_wait3A_648 : memref<1x4x128xi32, #tpu.memory_space<hbm>> -> memref<4x128xi32, #tpu.memory_space<hbm>>
          %dma_wait3A_650 = arith.constant 0 : i32
          %dma_wait3A_651 = arith.constant 0 : i32
          %dma_wait3A_652 = tpu.memref_slice %arg4[%add3A_99, %dma_wait3A_650, %dma_wait3A_651] : memref<625x4x128xi32, #tpu.memory_space<hbm>> -> memref<1x4x128xi32, #tpu.memory_space<hbm>>
          %dma_wait3A_653 = tpu.memref_squeeze %dma_wait3A_652 : memref<1x4x128xi32, #tpu.memory_space<hbm>> -> memref<4x128xi32, #tpu.memory_space<hbm>>
          tpu.wait_dma2 semaphore(%run_scoped3A_637 : memref<!tpu.dma_semaphore, #tpu.memory_space<semaphore_mem>>) src(%dma_wait3A_653 : memref<4x128xi32, #tpu.memory_space<hbm>>) dst(%arg9 : memref<4x128xi32, #tpu.memory_space<vmem>>)
          tpu.yield
        }) : () -> ()
        %get3A = arith.constant 0 : i32
        %get3A_102 = arith.index_cast %get3A : i32 to index
        %get3A_103 = arith.constant 0 : index
        %get3A_104 = tpu.vector_load %arg8[%get3A_102, %get3A_103] {strides = array<i32>} : memref<4x128xi32, #tpu.memory_space<vmem>>, vector<1x16xi32>,
        %get3A_105 = vector.shape_cast %get3A_104 : vector<1x16xi32> to vector<16xi32>
        %mul3A_106 = arith.constant 10000 : i32
        %mul3A_107 = arith.muli %add3A_1, %mul3A_106 : i32
        %add3A_108 = vector.broadcast %mul3A_107 : i32 to vector<16xi32>
        %add3A_109 = arith.addi %get3A_105, %add3A_108 : vector<16xi32>
        %swap3A = arith.constant 0 : i32
        %swap3A_110 = arith.index_cast %swap3A : i32 to index
        %swap3A_111 = arith.constant 0 : index
        %swap3A_112 = tpu.vector_load %arg10[%swap3A_110, %swap3A_111] {strides = array<i32>} : memref<4x128xi32, #tpu.memory_space<vmem>>, vector<1x16xi32>,
        %swap3A_113 = vector.shape_cast %swap3A_112 : vector<1x16xi32> to vector<16xi32>
        %swap3A_114 = vector.shape_cast %add3A_109 : vector<16xi32> to vector<1x16xi32>
        tpu.vector_store %arg10[%swap3A_110, %swap3A_111], %swap3A_114 {strides = array<i32>} : memref<4x128xi32, #tpu.memory_space<vmem>>, vector<1x16xi32>,
        %get3A_115 = arith.constant 0 : i32
        %get3A_116 = arith.index_cast %get3A_115 : i32 to index
        %get3A_117 = arith.constant 16 : index
        %get3A_118 = tpu.vector_load %arg8[%get3A_116, %get3A_117] {strides = array<i32>} : memref<4x128xi32, #tpu.memory_space<vmem>>, vector<1x16xi32>,
        %get3A_119 = vector.shape_cast %get3A_118 : vector<1x16xi32> to vector<16xi32>
        %mul3A_120 = arith.constant 10000 : i32
        %mul3A_121 = arith.muli %add3A_1, %mul3A_120 : i32
        %add3A_122 = vector.broadcast %mul3A_121 : i32 to vector<16xi32>
        %add3A_123 = arith.addi %get3A_119, %add3A_122 : vector<16xi32>
        %swap3A_124 = arith.constant 0 : i32
        %swap3A_125 = arith.index_cast %swap3A_124 : i32 to index
        %swap3A_126 = arith.constant 16 : index
        %swap3A_127 = tpu.vector_load %arg10[%swap3A_125, %swap3A_126] {strides = array<i32>} : memref<4x128xi32, #tpu.memory_space<vmem>>, vector<1x16xi32>,
        %swap3A_128 = vector.shape_cast %swap3A_127 : vector<1x16xi32> to vector<16xi32>
        %swap3A_129 = vector.shape_cast %add3A_123 : vector<16xi32> to vector<1x16xi32>
        tpu.vector_store %arg10[%swap3A_125, %swap3A_126], %swap3A_129 {strides = array<i32>} : memref<4x128xi32, #tpu.memory_space<vmem>>, vector<1x16xi32>,
        %get3A_130 = arith.constant 0 : i32
        %get3A_131 = arith.index_cast %get3A_130 : i32 to index
        %get3A_132 = arith.constant 32 : index
        %get3A_133 = tpu.vector_load %arg8[%get3A_131, %get3A_132] {strides = array<i32>} : memref<4x128xi32, #tpu.memory_space<vmem>>, vector<1x16xi32>,
        %get3A_134 = vector.shape_cast %get3A_133 : vector<1x16xi32> to vector<16xi32>
        %mul3A_135 = arith.constant 10000 : i32
        %mul3A_136 = arith.muli %add3A_1, %mul3A_135 : i32
        %add3A_137 = vector.broadcast %mul3A_136 : i32 to vector<16xi32>
        %add3A_138 = arith.addi %get3A_134, %add3A_137 : vector<16xi32>
        %swap3A_139 = arith.constant 0 : i32
        %swap3A_140 = arith.index_cast %swap3A_139 : i32 to index
        %swap3A_141 = arith.constant 32 : index
        %swap3A_142 = tpu.vector_load %arg10[%swap3A_140, %swap3A_141] {strides = array<i32>} : memref<4x128xi32, #tpu.memory_space<vmem>>, vector<1x16xi32>,
        %swap3A_143 = vector.shape_cast %swap3A_142 : vector<1x16xi32> to vector<16xi32>
        %swap3A_144 = vector.shape_cast %add3A_138 : vector<16xi32> to vector<1x16xi32>
        tpu.vector_store %arg10[%swap3A_140, %swap3A_141], %swap3A_144 {strides = array<i32>} : memref<4x128xi32, #tpu.memory_space<vmem>>, vector<1x16xi32>,
        %get3A_145 = arith.constant 0 : i32
        %get3A_146 = arith.index_cast %get3A_145 : i32 to index
        %get3A_147 = arith.constant 48 : index
        %get3A_148 = tpu.vector_load %arg8[%get3A_146, %get3A_147] {strides = array<i32>} : memref<4x128xi32, #tpu.memory_space<vmem>>, vector<1x16xi32>,
        %get3A_149 = vector.shape_cast %get3A_148 : vector<1x16xi32> to vector<16xi32>
        %mul3A_150 = arith.constant 10000 : i32
        %mul3A_151 = arith.muli %add3A_1, %mul3A_150 : i32
        %add3A_152 = vector.broadcast %mul3A_151 : i32 to vector<16xi32>
        %add3A_153 = arith.addi %get3A_149, %add3A_152 : vector<16xi32>
        %swap3A_154 = arith.constant 0 : i32
        %swap3A_155 = arith.index_cast %swap3A_154 : i32 to index
        %swap3A_156 = arith.constant 48 : index
        %swap3A_157 = tpu.vector_load %arg10[%swap3A_155, %swap3A_156] {strides = array<i32>} : memref<4x128xi32, #tpu.memory_space<vmem>>, vector<1x16xi32>,
        %swap3A_158 = vector.shape_cast %swap3A_157 : vector<1x16xi32> to vector<16xi32>
        %swap3A_159 = vector.shape_cast %add3A_153 : vector<16xi32> to vector<1x16xi32>
        tpu.vector_store %arg10[%swap3A_155, %swap3A_156], %swap3A_159 {strides = array<i32>} : memref<4x128xi32, #tpu.memory_space<vmem>>, vector<1x16xi32>,
        %get3A_160 = arith.constant 0 : i32
        %get3A_161 = arith.index_cast %get3A_160 : i32 to index
        %get3A_162 = arith.constant 64 : index
        %get3A_163 = tpu.vector_load %arg8[%get3A_161, %get3A_162] {strides = array<i32>} : memref<4x128xi32, #tpu.memory_space<vmem>>, vector<1x16xi32>,
        %get3A_164 = vector.shape_cast %get3A_163 : vector<1x16xi32> to vector<16xi32>
        %mul3A_165 = arith.constant 10000 : i32
        %mul3A_166 = arith.muli %add3A_1, %mul3A_165 : i32
        %add3A_167 = vector.broadcast %mul3A_166 : i32 to vector<16xi32>
        %add3A_168 = arith.addi %get3A_164, %add3A_167 : vector<16xi32>
        %swap3A_169 = arith.constant 0 : i32
        %swap3A_170 = arith.index_cast %swap3A_169 : i32 to index
        %swap3A_171 = arith.constant 64 : index
        %swap3A_172 = tpu.vector_load %arg10[%swap3A_170, %swap3A_171] {strides = array<i32>} : memref<4x128xi32, #tpu.memory_space<vmem>>, vector<1x16xi32>,
        %swap3A_173 = vector.shape_cast %swap3A_172 : vector<1x16xi32> to vector<16xi32>
        %swap3A_174 = vector.shape_cast %add3A_168 : vector<16xi32> to vector<1x16xi32>
        tpu.vector_store %arg10[%swap3A_170, %swap3A_171], %swap3A_174 {strides = array<i32>} : memref<4x128xi32, #tpu.memory_space<vmem>>, vector<1x16xi32>,
        %get3A_175 = arith.constant 0 : i32
        %get3A_176 = arith.index_cast %get3A_175 : i32 to index
        %get3A_177 = arith.constant 80 : index
        %get3A_178 = tpu.vector_load %arg8[%get3A_176, %get3A_177] {strides = array<i32>} : memref<4x128xi32, #tpu.memory_space<vmem>>, vector<1x16xi32>,
        %get3A_179 = vector.shape_cast %get3A_178 : vector<1x16xi32> to vector<16xi32>
        %mul3A_180 = arith.constant 10000 : i32
        %mul3A_181 = arith.muli %add3A_1, %mul3A_180 : i32
        %add3A_182 = vector.broadcast %mul3A_181 : i32 to vector<16xi32>
        %add3A_183 = arith.addi %get3A_179, %add3A_182 : vector<16xi32>
        %swap3A_184 = arith.constant 0 : i32
        %swap3A_185 = arith.index_cast %swap3A_184 : i32 to index
        %swap3A_186 = arith.constant 80 : index
        %swap3A_187 = tpu.vector_load %arg10[%swap3A_185, %swap3A_186] {strides = array<i32>} : memref<4x128xi32, #tpu.memory_space<vmem>>, vector<1x16xi32>,
        %swap3A_188 = vector.shape_cast %swap3A_187 : vector<1x16xi32> to vector<16xi32>
        %swap3A_189 = vector.shape_cast %add3A_183 : vector<16xi32> to vector<1x16xi32>
        tpu.vector_store %arg10[%swap3A_185, %swap3A_186], %swap3A_189 {strides = array<i32>} : memref<4x128xi32, #tpu.memory_space<vmem>>, vector<1x16xi32>,
        %get3A_190 = arith.constant 0 : i32
        %get3A_191 = arith.index_cast %get3A_190 : i32 to index
        %get3A_192 = arith.constant 96 : index
        %get3A_193 = tpu.vector_load %arg8[%get3A_191, %get3A_192] {strides = array<i32>} : memref<4x128xi32, #tpu.memory_space<vmem>>, vector<1x16xi32>,
        %get3A_194 = vector.shape_cast %get3A_193 : vector<1x16xi32> to vector<16xi32>
        %mul3A_195 = arith.constant 10000 : i32
        %mul3A_196 = arith.muli %add3A_1, %mul3A_195 : i32
        %add3A_197 = vector.broadcast %mul3A_196 : i32 to vector<16xi32>
        %add3A_198 = arith.addi %get3A_194, %add3A_197 : vector<16xi32>
        %swap3A_199 = arith.constant 0 : i32
        %swap3A_200 = arith.index_cast %swap3A_199 : i32 to index
        %swap3A_201 = arith.constant 96 : index
        %swap3A_202 = tpu.vector_load %arg10[%swap3A_200, %swap3A_201] {strides = array<i32>} : memref<4x128xi32, #tpu.memory_space<vmem>>, vector<1x16xi32>,
        %swap3A_203 = vector.shape_cast %swap3A_202 : vector<1x16xi32> to vector<16xi32>
        %swap3A_204 = vector.shape_cast %add3A_198 : vector<16xi32> to vector<1x16xi32>
        tpu.vector_store %arg10[%swap3A_200, %swap3A_201], %swap3A_204 {strides = array<i32>} : memref<4x128xi32, #tpu.memory_space<vmem>>, vector<1x16xi32>,
        %get3A_205 = arith.constant 0 : i32
        %get3A_206 = arith.index_cast %get3A_205 : i32 to index
        %get3A_207 = arith.constant 112 : index
        %get3A_208 = tpu.vector_load %arg8[%get3A_206, %get3A_207] {strides = array<i32>} : memref<4x128xi32, #tpu.memory_space<vmem>>, vector<1x16xi32>,
        %get3A_209 = vector.shape_cast %get3A_208 : vector<1x16xi32> to vector<16xi32>
        %mul3A_210 = arith.constant 10000 : i32
        %mul3A_211 = arith.muli %add3A_1, %mul3A_210 : i32
        %add3A_212 = vector.broadcast %mul3A_211 : i32 to vector<16xi32>
        %add3A_213 = arith.addi %get3A_209, %add3A_212 : vector<16xi32>
        %swap3A_214 = arith.constant 0 : i32
        %swap3A_215 = arith.index_cast %swap3A_214 : i32 to index
        %swap3A_216 = arith.constant 112 : index
        %swap3A_217 = tpu.vector_load %arg10[%swap3A_215, %swap3A_216] {strides = array<i32>} : memref<4x128xi32, #tpu.memory_space<vmem>>, vector<1x16xi32>,
        %swap3A_218 = vector.shape_cast %swap3A_217 : vector<1x16xi32> to vector<16xi32>
        %swap3A_219 = vector.shape_cast %add3A_213 : vector<16xi32> to vector<1x16xi32>
        tpu.vector_store %arg10[%swap3A_215, %swap3A_216], %swap3A_219 {strides = array<i32>} : memref<4x128xi32, #tpu.memory_space<vmem>>, vector<1x16xi32>,
        %get3A_220 = arith.constant 1 : i32
        %get3A_221 = arith.index_cast %get3A_220 : i32 to index
        %get3A_222 = arith.constant 0 : index
        %get3A_223 = tpu.vector_load %arg8[%get3A_221, %get3A_222] {strides = array<i32>} : memref<4x128xi32, #tpu.memory_space<vmem>>, vector<1x16xi32>,
        %get3A_224 = vector.shape_cast %get3A_223 : vector<1x16xi32> to vector<16xi32>
        %mul3A_225 = arith.constant 10000 : i32
        %mul3A_226 = arith.muli %add3A_1, %mul3A_225 : i32
        %add3A_227 = vector.broadcast %mul3A_226 : i32 to vector<16xi32>
        %add3A_228 = arith.addi %get3A_224, %add3A_227 : vector<16xi32>
        %swap3A_229 = arith.constant 1 : i32
        %swap3A_230 = arith.index_cast %swap3A_229 : i32 to index
        %swap3A_231 = arith.constant 0 : index
        %swap3A_232 = tpu.vector_load %arg10[%swap3A_230, %swap3A_231] {strides = array<i32>} : memref<4x128xi32, #tpu.memory_space<vmem>>, vector<1x16xi32>,
        %swap3A_233 = vector.shape_cast %swap3A_232 : vector<1x16xi32> to vector<16xi32>
        %swap3A_234 = vector.shape_cast %add3A_228 : vector<16xi32> to vector<1x16xi32>
        tpu.vector_store %arg10[%swap3A_230, %swap3A_231], %swap3A_234 {strides = array<i32>} : memref<4x128xi32, #tpu.memory_space<vmem>>, vector<1x16xi32>,
        %get3A_235 = arith.constant 1 : i32
        %get3A_236 = arith.index_cast %get3A_235 : i32 to index
        %get3A_237 = arith.constant 16 : index
        %get3A_238 = tpu.vector_load %arg8[%get3A_236, %get3A_237] {strides = array<i32>} : memref<4x128xi32, #tpu.memory_space<vmem>>, vector<1x16xi32>,
        %get3A_239 = vector.shape_cast %get3A_238 : vector<1x16xi32> to vector<16xi32>
        %mul3A_240 = arith.constant 10000 : i32
        %mul3A_241 = arith.muli %add3A_1, %mul3A_240 : i32
        %add3A_242 = vector.broadcast %mul3A_241 : i32 to vector<16xi32>
        %add3A_243 = arith.addi %get3A_239, %add3A_242 : vector<16xi32>
        %swap3A_244 = arith.constant 1 : i32
        %swap3A_245 = arith.index_cast %swap3A_244 : i32 to index
        %swap3A_246 = arith.constant 16 : index
        %swap3A_247 = tpu.vector_load %arg10[%swap3A_245, %swap3A_246] {strides = array<i32>} : memref<4x128xi32, #tpu.memory_space<vmem>>, vector<1x16xi32>,
        %swap3A_248 = vector.shape_cast %swap3A_247 : vector<1x16xi32> to vector<16xi32>
        %swap3A_249 = vector.shape_cast %add3A_243 : vector<16xi32> to vector<1x16xi32>
        tpu.vector_store %arg10[%swap3A_245, %swap3A_246], %swap3A_249 {strides = array<i32>} : memref<4x128xi32, #tpu.memory_space<vmem>>, vector<1x16xi32>,
        %get3A_250 = arith.constant 1 : i32
        %get3A_251 = arith.index_cast %get3A_250 : i32 to index
        %get3A_252 = arith.constant 32 : index
        %get3A_253 = tpu.vector_load %arg8[%get3A_251, %get3A_252] {strides = array<i32>} : memref<4x128xi32, #tpu.memory_space<vmem>>, vector<1x16xi32>,
        %get3A_254 = vector.shape_cast %get3A_253 : vector<1x16xi32> to vector<16xi32>
        %mul3A_255 = arith.constant 10000 : i32
        %mul3A_256 = arith.muli %add3A_1, %mul3A_255 : i32
        %add3A_257 = vector.broadcast %mul3A_256 : i32 to vector<16xi32>
        %add3A_258 = arith.addi %get3A_254, %add3A_257 : vector<16xi32>
        %swap3A_259 = arith.constant 1 : i32
        %swap3A_260 = arith.index_cast %swap3A_259 : i32 to index
        %swap3A_261 = arith.constant 32 : index
        %swap3A_262 = tpu.vector_load %arg10[%swap3A_260, %swap3A_261] {strides = array<i32>} : memref<4x128xi32, #tpu.memory_space<vmem>>, vector<1x16xi32>,
        %swap3A_263 = vector.shape_cast %swap3A_262 : vector<1x16xi32> to vector<16xi32>
        %swap3A_264 = vector.shape_cast %add3A_258 : vector<16xi32> to vector<1x16xi32>
        tpu.vector_store %arg10[%swap3A_260, %swap3A_261], %swap3A_264 {strides = array<i32>} : memref<4x128xi32, #tpu.memory_space<vmem>>, vector<1x16xi32>,
        %get3A_265 = arith.constant 1 : i32
        %get3A_266 = arith.index_cast %get3A_265 : i32 to index
        %get3A_267 = arith.constant 48 : index
        %get3A_268 = tpu.vector_load %arg8[%get3A_266, %get3A_267] {strides = array<i32>} : memref<4x128xi32, #tpu.memory_space<vmem>>, vector<1x16xi32>,
        %get3A_269 = vector.shape_cast %get3A_268 : vector<1x16xi32> to vector<16xi32>
        %mul3A_270 = arith.constant 10000 : i32
        %mul3A_271 = arith.muli %add3A_1, %mul3A_270 : i32
        %add3A_272 = vector.broadcast %mul3A_271 : i32 to vector<16xi32>
        %add3A_273 = arith.addi %get3A_269, %add3A_272 : vector<16xi32>
        %swap3A_274 = arith.constant 1 : i32
        %swap3A_275 = arith.index_cast %swap3A_274 : i32 to index
        %swap3A_276 = arith.constant 48 : index
        %swap3A_277 = tpu.vector_load %arg10[%swap3A_275, %swap3A_276] {strides = array<i32>} : memref<4x128xi32, #tpu.memory_space<vmem>>, vector<1x16xi32>,
        %swap3A_278 = vector.shape_cast %swap3A_277 : vector<1x16xi32> to vector<16xi32>
        %swap3A_279 = vector.shape_cast %add3A_273 : vector<16xi32> to vector<1x16xi32>
        tpu.vector_store %arg10[%swap3A_275, %swap3A_276], %swap3A_279 {strides = array<i32>} : memref<4x128xi32, #tpu.memory_space<vmem>>, vector<1x16xi32>,
        %get3A_280 = arith.constant 1 : i32
        %get3A_281 = arith.index_cast %get3A_280 : i32 to index
        %get3A_282 = arith.constant 64 : index
        %get3A_283 = tpu.vector_load %arg8[%get3A_281, %get3A_282] {strides = array<i32>} : memref<4x128xi32, #tpu.memory_space<vmem>>, vector<1x16xi32>,
        %get3A_284 = vector.shape_cast %get3A_283 : vector<1x16xi32> to vector<16xi32>
        %mul3A_285 = arith.constant 10000 : i32
        %mul3A_286 = arith.muli %add3A_1, %mul3A_285 : i32
        %add3A_287 = vector.broadcast %mul3A_286 : i32 to vector<16xi32>
        %add3A_288 = arith.addi %get3A_284, %add3A_287 : vector<16xi32>
        %swap3A_289 = arith.constant 1 : i32
        %swap3A_290 = arith.index_cast %swap3A_289 : i32 to index
        %swap3A_291 = arith.constant 64 : index
        %swap3A_292 = tpu.vector_load %arg10[%swap3A_290, %swap3A_291] {strides = array<i32>} : memref<4x128xi32, #tpu.memory_space<vmem>>, vector<1x16xi32>,
        %swap3A_293 = vector.shape_cast %swap3A_292 : vector<1x16xi32> to vector<16xi32>
        %swap3A_294 = vector.shape_cast %add3A_288 : vector<16xi32> to vector<1x16xi32>
        tpu.vector_store %arg10[%swap3A_290, %swap3A_291], %swap3A_294 {strides = array<i32>} : memref<4x128xi32, #tpu.memory_space<vmem>>, vector<1x16xi32>,
        %get3A_295 = arith.constant 1 : i32
        %get3A_296 = arith.index_cast %get3A_295 : i32 to index
        %get3A_297 = arith.constant 80 : index
        %get3A_298 = tpu.vector_load %arg8[%get3A_296, %get3A_297] {strides = array<i32>} : memref<4x128xi32, #tpu.memory_space<vmem>>, vector<1x16xi32>,
        %get3A_299 = vector.shape_cast %get3A_298 : vector<1x16xi32> to vector<16xi32>
        %mul3A_300 = arith.constant 10000 : i32
        %mul3A_301 = arith.muli %add3A_1, %mul3A_300 : i32
        %add3A_302 = vector.broadcast %mul3A_301 : i32 to vector<16xi32>
        %add3A_303 = arith.addi %get3A_299, %add3A_302 : vector<16xi32>
        %swap3A_304 = arith.constant 1 : i32
        %swap3A_305 = arith.index_cast %swap3A_304 : i32 to index
        %swap3A_306 = arith.constant 80 : index
        %swap3A_307 = tpu.vector_load %arg10[%swap3A_305, %swap3A_306] {strides = array<i32>} : memref<4x128xi32, #tpu.memory_space<vmem>>, vector<1x16xi32>,
        %swap3A_308 = vector.shape_cast %swap3A_307 : vector<1x16xi32> to vector<16xi32>
        %swap3A_309 = vector.shape_cast %add3A_303 : vector<16xi32> to vector<1x16xi32>
        tpu.vector_store %arg10[%swap3A_305, %swap3A_306], %swap3A_309 {strides = array<i32>} : memref<4x128xi32, #tpu.memory_space<vmem>>, vector<1x16xi32>,
        %get3A_310 = arith.constant 1 : i32
        %get3A_311 = arith.index_cast %get3A_310 : i32 to index
        %get3A_312 = arith.constant 96 : index
        %get3A_313 = tpu.vector_load %arg8[%get3A_311, %get3A_312] {strides = array<i32>} : memref<4x128xi32, #tpu.memory_space<vmem>>, vector<1x16xi32>,
        %get3A_314 = vector.shape_cast %get3A_313 : vector<1x16xi32> to vector<16xi32>
        %mul3A_315 = arith.constant 10000 : i32
        %mul3A_316 = arith.muli %add3A_1, %mul3A_315 : i32
        %add3A_317 = vector.broadcast %mul3A_316 : i32 to vector<16xi32>
        %add3A_318 = arith.addi %get3A_314, %add3A_317 : vector<16xi32>
        %swap3A_319 = arith.constant 1 : i32
        %swap3A_320 = arith.index_cast %swap3A_319 : i32 to index
        %swap3A_321 = arith.constant 96 : index
        %swap3A_322 = tpu.vector_load %arg10[%swap3A_320, %swap3A_321] {strides = array<i32>} : memref<4x128xi32, #tpu.memory_space<vmem>>, vector<1x16xi32>,
        %swap3A_323 = vector.shape_cast %swap3A_322 : vector<1x16xi32> to vector<16xi32>
        %swap3A_324 = vector.shape_cast %add3A_318 : vector<16xi32> to vector<1x16xi32>
        tpu.vector_store %arg10[%swap3A_320, %swap3A_321], %swap3A_324 {strides = array<i32>} : memref<4x128xi32, #tpu.memory_space<vmem>>, vector<1x16xi32>,
        %get3A_325 = arith.constant 1 : i32
        %get3A_326 = arith.index_cast %get3A_325 : i32 to index
        %get3A_327 = arith.constant 112 : index
        %get3A_328 = tpu.vector_load %arg8[%get3A_326, %get3A_327] {strides = array<i32>} : memref<4x128xi32, #tpu.memory_space<vmem>>, vector<1x16xi32>,
        %get3A_329 = vector.shape_cast %get3A_328 : vector<1x16xi32> to vector<16xi32>
        %mul3A_330 = arith.constant 10000 : i32
        %mul3A_331 = arith.muli %add3A_1, %mul3A_330 : i32
        %add3A_332 = vector.broadcast %mul3A_331 : i32 to vector<16xi32>
        %add3A_333 = arith.addi %get3A_329, %add3A_332 : vector<16xi32>
        %swap3A_334 = arith.constant 1 : i32
        %swap3A_335 = arith.index_cast %swap3A_334 : i32 to index
        %swap3A_336 = arith.constant 112 : index
        %swap3A_337 = tpu.vector_load %arg10[%swap3A_335, %swap3A_336] {strides = array<i32>} : memref<4x128xi32, #tpu.memory_space<vmem>>, vector<1x16xi32>,
        %swap3A_338 = vector.shape_cast %swap3A_337 : vector<1x16xi32> to vector<16xi32>
        %swap3A_339 = vector.shape_cast %add3A_333 : vector<16xi32> to vector<1x16xi32>
        tpu.vector_store %arg10[%swap3A_335, %swap3A_336], %swap3A_339 {strides = array<i32>} : memref<4x128xi32, #tpu.memory_space<vmem>>, vector<1x16xi32>,
        %get3A_340 = arith.constant 2 : i32
        %get3A_341 = arith.index_cast %get3A_340 : i32 to index
        %get3A_342 = arith.constant 0 : index
        %get3A_343 = tpu.vector_load %arg8[%get3A_341, %get3A_342] {strides = array<i32>} : memref<4x128xi32, #tpu.memory_space<vmem>>, vector<1x16xi32>,
        %get3A_344 = vector.shape_cast %get3A_343 : vector<1x16xi32> to vector<16xi32>
        %mul3A_345 = arith.constant 10000 : i32
        %mul3A_346 = arith.muli %add3A_1, %mul3A_345 : i32
        %add3A_347 = vector.broadcast %mul3A_346 : i32 to vector<16xi32>
        %add3A_348 = arith.addi %get3A_344, %add3A_347 : vector<16xi32>
        %swap3A_349 = arith.constant 2 : i32
        %swap3A_350 = arith.index_cast %swap3A_349 : i32 to index
        %swap3A_351 = arith.constant 0 : index
        %swap3A_352 = tpu.vector_load %arg10[%swap3A_350, %swap3A_351] {strides = array<i32>} : memref<4x128xi32, #tpu.memory_space<vmem>>, vector<1x16xi32>,
        %swap3A_353 = vector.shape_cast %swap3A_352 : vector<1x16xi32> to vector<16xi32>
        %swap3A_354 = vector.shape_cast %add3A_348 : vector<16xi32> to vector<1x16xi32>
        tpu.vector_store %arg10[%swap3A_350, %swap3A_351], %swap3A_354 {strides = array<i32>} : memref<4x128xi32, #tpu.memory_space<vmem>>, vector<1x16xi32>,
        %get3A_355 = arith.constant 2 : i32
        %get3A_356 = arith.index_cast %get3A_355 : i32 to index
        %get3A_357 = arith.constant 16 : index
        %get3A_358 = tpu.vector_load %arg8[%get3A_356, %get3A_357] {strides = array<i32>} : memref<4x128xi32, #tpu.memory_space<vmem>>, vector<1x16xi32>,
        %get3A_359 = vector.shape_cast %get3A_358 : vector<1x16xi32> to vector<16xi32>
        %mul3A_360 = arith.constant 10000 : i32
        %mul3A_361 = arith.muli %add3A_1, %mul3A_360 : i32
        %add3A_362 = vector.broadcast %mul3A_361 : i32 to vector<16xi32>
        %add3A_363 = arith.addi %get3A_359, %add3A_362 : vector<16xi32>
        %swap3A_364 = arith.constant 2 : i32
        %swap3A_365 = arith.index_cast %swap3A_364 : i32 to index
        %swap3A_366 = arith.constant 16 : index
        %swap3A_367 = tpu.vector_load %arg10[%swap3A_365, %swap3A_366] {strides = array<i32>} : memref<4x128xi32, #tpu.memory_space<vmem>>, vector<1x16xi32>,
        %swap3A_368 = vector.shape_cast %swap3A_367 : vector<1x16xi32> to vector<16xi32>
        %swap3A_369 = vector.shape_cast %add3A_363 : vector<16xi32> to vector<1x16xi32>
        tpu.vector_store %arg10[%swap3A_365, %swap3A_366], %swap3A_369 {strides = array<i32>} : memref<4x128xi32, #tpu.memory_space<vmem>>, vector<1x16xi32>,
        %get3A_370 = arith.constant 2 : i32
        %get3A_371 = arith.index_cast %get3A_370 : i32 to index
        %get3A_372 = arith.constant 32 : index
        %get3A_373 = tpu.vector_load %arg8[%get3A_371, %get3A_372] {strides = array<i32>} : memref<4x128xi32, #tpu.memory_space<vmem>>, vector<1x16xi32>,
        %get3A_374 = vector.shape_cast %get3A_373 : vector<1x16xi32> to vector<16xi32>
        %mul3A_375 = arith.constant 10000 : i32
        %mul3A_376 = arith.muli %add3A_1, %mul3A_375 : i32
        %add3A_377 = vector.broadcast %mul3A_376 : i32 to vector<16xi32>
        %add3A_378 = arith.addi %get3A_374, %add3A_377 : vector<16xi32>
        %swap3A_379 = arith.constant 2 : i32
        %swap3A_380 = arith.index_cast %swap3A_379 : i32 to index
        %swap3A_381 = arith.constant 32 : index
        %swap3A_382 = tpu.vector_load %arg10[%swap3A_380, %swap3A_381] {strides = array<i32>} : memref<4x128xi32, #tpu.memory_space<vmem>>, vector<1x16xi32>,
        %swap3A_383 = vector.shape_cast %swap3A_382 : vector<1x16xi32> to vector<16xi32>
        %swap3A_384 = vector.shape_cast %add3A_378 : vector<16xi32> to vector<1x16xi32>
        tpu.vector_store %arg10[%swap3A_380, %swap3A_381], %swap3A_384 {strides = array<i32>} : memref<4x128xi32, #tpu.memory_space<vmem>>, vector<1x16xi32>,
        %get3A_385 = arith.constant 2 : i32
        %get3A_386 = arith.index_cast %get3A_385 : i32 to index
        %get3A_387 = arith.constant 48 : index
        %get3A_388 = tpu.vector_load %arg8[%get3A_386, %get3A_387] {strides = array<i32>} : memref<4x128xi32, #tpu.memory_space<vmem>>, vector<1x16xi32>,
        %get3A_389 = vector.shape_cast %get3A_388 : vector<1x16xi32> to vector<16xi32>
        %mul3A_390 = arith.constant 10000 : i32
        %mul3A_391 = arith.muli %add3A_1, %mul3A_390 : i32
        %add3A_392 = vector.broadcast %mul3A_391 : i32 to vector<16xi32>
        %add3A_393 = arith.addi %get3A_389, %add3A_392 : vector<16xi32>
        %swap3A_394 = arith.constant 2 : i32
        %swap3A_395 = arith.index_cast %swap3A_394 : i32 to index
        %swap3A_396 = arith.constant 48 : index
        %swap3A_397 = tpu.vector_load %arg10[%swap3A_395, %swap3A_396] {strides = array<i32>} : memref<4x128xi32, #tpu.memory_space<vmem>>, vector<1x16xi32>,
        %swap3A_398 = vector.shape_cast %swap3A_397 : vector<1x16xi32> to vector<16xi32>
        %swap3A_399 = vector.shape_cast %add3A_393 : vector<16xi32> to vector<1x16xi32>
        tpu.vector_store %arg10[%swap3A_395, %swap3A_396], %swap3A_399 {strides = array<i32>} : memref<4x128xi32, #tpu.memory_space<vmem>>, vector<1x16xi32>,
        %get3A_400 = arith.constant 2 : i32
        %get3A_401 = arith.index_cast %get3A_400 : i32 to index
        %get3A_402 = arith.constant 64 : index
        %get3A_403 = tpu.vector_load %arg8[%get3A_401, %get3A_402] {strides = array<i32>} : memref<4x128xi32, #tpu.memory_space<vmem>>, vector<1x16xi32>,
        %get3A_404 = vector.shape_cast %get3A_403 : vector<1x16xi32> to vector<16xi32>
        %mul3A_405 = arith.constant 10000 : i32
        %mul3A_406 = arith.muli %add3A_1, %mul3A_405 : i32
        %add3A_407 = vector.broadcast %mul3A_406 : i32 to vector<16xi32>
        %add3A_408 = arith.addi %get3A_404, %add3A_407 : vector<16xi32>
        %swap3A_409 = arith.constant 2 : i32
        %swap3A_410 = arith.index_cast %swap3A_409 : i32 to index
        %swap3A_411 = arith.constant 64 : index
        %swap3A_412 = tpu.vector_load %arg10[%swap3A_410, %swap3A_411] {strides = array<i32>} : memref<4x128xi32, #tpu.memory_space<vmem>>, vector<1x16xi32>,
        %swap3A_413 = vector.shape_cast %swap3A_412 : vector<1x16xi32> to vector<16xi32>
        %swap3A_414 = vector.shape_cast %add3A_408 : vector<16xi32> to vector<1x16xi32>
        tpu.vector_store %arg10[%swap3A_410, %swap3A_411], %swap3A_414 {strides = array<i32>} : memref<4x128xi32, #tpu.memory_space<vmem>>, vector<1x16xi32>,
        %get3A_415 = arith.constant 2 : i32
        %get3A_416 = arith.index_cast %get3A_415 : i32 to index
        %get3A_417 = arith.constant 80 : index
        %get3A_418 = tpu.vector_load %arg8[%get3A_416, %get3A_417] {strides = array<i32>} : memref<4x128xi32, #tpu.memory_space<vmem>>, vector<1x16xi32>,
        %get3A_419 = vector.shape_cast %get3A_418 : vector<1x16xi32> to vector<16xi32>
        %mul3A_420 = arith.constant 10000 : i32
        %mul3A_421 = arith.muli %add3A_1, %mul3A_420 : i32
        %add3A_422 = vector.broadcast %mul3A_421 : i32 to vector<16xi32>
        %add3A_423 = arith.addi %get3A_419, %add3A_422 : vector<16xi32>
        %swap3A_424 = arith.constant 2 : i32
        %swap3A_425 = arith.index_cast %swap3A_424 : i32 to index
        %swap3A_426 = arith.constant 80 : index
        %swap3A_427 = tpu.vector_load %arg10[%swap3A_425, %swap3A_426] {strides = array<i32>} : memref<4x128xi32, #tpu.memory_space<vmem>>, vector<1x16xi32>,
        %swap3A_428 = vector.shape_cast %swap3A_427 : vector<1x16xi32> to vector<16xi32>
        %swap3A_429 = vector.shape_cast %add3A_423 : vector<16xi32> to vector<1x16xi32>
        tpu.vector_store %arg10[%swap3A_425, %swap3A_426], %swap3A_429 {strides = array<i32>} : memref<4x128xi32, #tpu.memory_space<vmem>>, vector<1x16xi32>,
        %get3A_430 = arith.constant 2 : i32
        %get3A_431 = arith.index_cast %get3A_430 : i32 to index
        %get3A_432 = arith.constant 96 : index
        %get3A_433 = tpu.vector_load %arg8[%get3A_431, %get3A_432] {strides = array<i32>} : memref<4x128xi32, #tpu.memory_space<vmem>>, vector<1x16xi32>,
        %get3A_434 = vector.shape_cast %get3A_433 : vector<1x16xi32> to vector<16xi32>
        %mul3A_435 = arith.constant 10000 : i32
        %mul3A_436 = arith.muli %add3A_1, %mul3A_435 : i32
        %add3A_437 = vector.broadcast %mul3A_436 : i32 to vector<16xi32>
        %add3A_438 = arith.addi %get3A_434, %add3A_437 : vector<16xi32>
        %swap3A_439 = arith.constant 2 : i32
        %swap3A_440 = arith.index_cast %swap3A_439 : i32 to index
        %swap3A_441 = arith.constant 96 : index
        %swap3A_442 = tpu.vector_load %arg10[%swap3A_440, %swap3A_441] {strides = array<i32>} : memref<4x128xi32, #tpu.memory_space<vmem>>, vector<1x16xi32>,
        %swap3A_443 = vector.shape_cast %swap3A_442 : vector<1x16xi32> to vector<16xi32>
        %swap3A_444 = vector.shape_cast %add3A_438 : vector<16xi32> to vector<1x16xi32>
        tpu.vector_store %arg10[%swap3A_440, %swap3A_441], %swap3A_444 {strides = array<i32>} : memref<4x128xi32, #tpu.memory_space<vmem>>, vector<1x16xi32>,
        %get3A_445 = arith.constant 2 : i32
        %get3A_446 = arith.index_cast %get3A_445 : i32 to index
        %get3A_447 = arith.constant 112 : index
        %get3A_448 = tpu.vector_load %arg8[%get3A_446, %get3A_447] {strides = array<i32>} : memref<4x128xi32, #tpu.memory_space<vmem>>, vector<1x16xi32>,
        %get3A_449 = vector.shape_cast %get3A_448 : vector<1x16xi32> to vector<16xi32>
        %mul3A_450 = arith.constant 10000 : i32
        %mul3A_451 = arith.muli %add3A_1, %mul3A_450 : i32
        %add3A_452 = vector.broadcast %mul3A_451 : i32 to vector<16xi32>
        %add3A_453 = arith.addi %get3A_449, %add3A_452 : vector<16xi32>
        %swap3A_454 = arith.constant 2 : i32
        %swap3A_455 = arith.index_cast %swap3A_454 : i32 to index
        %swap3A_456 = arith.constant 112 : index
        %swap3A_457 = tpu.vector_load %arg10[%swap3A_455, %swap3A_456] {strides = array<i32>} : memref<4x128xi32, #tpu.memory_space<vmem>>, vector<1x16xi32>,
        %swap3A_458 = vector.shape_cast %swap3A_457 : vector<1x16xi32> to vector<16xi32>
        %swap3A_459 = vector.shape_cast %add3A_453 : vector<16xi32> to vector<1x16xi32>
        tpu.vector_store %arg10[%swap3A_455, %swap3A_456], %swap3A_459 {strides = array<i32>} : memref<4x128xi32, #tpu.memory_space<vmem>>, vector<1x16xi32>,
        %get3A_460 = arith.constant 3 : i32
        %get3A_461 = arith.index_cast %get3A_460 : i32 to index
        %get3A_462 = arith.constant 0 : index
        %get3A_463 = tpu.vector_load %arg8[%get3A_461, %get3A_462] {strides = array<i32>} : memref<4x128xi32, #tpu.memory_space<vmem>>, vector<1x16xi32>,
        %get3A_464 = vector.shape_cast %get3A_463 : vector<1x16xi32> to vector<16xi32>
        %mul3A_465 = arith.constant 10000 : i32
        %mul3A_466 = arith.muli %add3A_1, %mul3A_465 : i32
        %add3A_467 = vector.broadcast %mul3A_466 : i32 to vector<16xi32>
        %add3A_468 = arith.addi %get3A_464, %add3A_467 : vector<16xi32>
        %swap3A_469 = arith.constant 3 : i32
        %swap3A_470 = arith.index_cast %swap3A_469 : i32 to index
        %swap3A_471 = arith.constant 0 : index
        %swap3A_472 = tpu.vector_load %arg10[%swap3A_470, %swap3A_471] {strides = array<i32>} : memref<4x128xi32, #tpu.memory_space<vmem>>, vector<1x16xi32>,
        %swap3A_473 = vector.shape_cast %swap3A_472 : vector<1x16xi32> to vector<16xi32>
        %swap3A_474 = vector.shape_cast %add3A_468 : vector<16xi32> to vector<1x16xi32>
        tpu.vector_store %arg10[%swap3A_470, %swap3A_471], %swap3A_474 {strides = array<i32>} : memref<4x128xi32, #tpu.memory_space<vmem>>, vector<1x16xi32>,
        %get3A_475 = arith.constant 3 : i32
        %get3A_476 = arith.index_cast %get3A_475 : i32 to index
        %get3A_477 = arith.constant 16 : index
        %get3A_478 = tpu.vector_load %arg8[%get3A_476, %get3A_477] {strides = array<i32>} : memref<4x128xi32, #tpu.memory_space<vmem>>, vector<1x16xi32>,
        %get3A_479 = vector.shape_cast %get3A_478 : vector<1x16xi32> to vector<16xi32>
        %mul3A_480 = arith.constant 10000 : i32
        %mul3A_481 = arith.muli %add3A_1, %mul3A_480 : i32
        %add3A_482 = vector.broadcast %mul3A_481 : i32 to vector<16xi32>
        %add3A_483 = arith.addi %get3A_479, %add3A_482 : vector<16xi32>
        %swap3A_484 = arith.constant 3 : i32
        %swap3A_485 = arith.index_cast %swap3A_484 : i32 to index
        %swap3A_486 = arith.constant 16 : index
        %swap3A_487 = tpu.vector_load %arg10[%swap3A_485, %swap3A_486] {strides = array<i32>} : memref<4x128xi32, #tpu.memory_space<vmem>>, vector<1x16xi32>,
        %swap3A_488 = vector.shape_cast %swap3A_487 : vector<1x16xi32> to vector<16xi32>
        %swap3A_489 = vector.shape_cast %add3A_483 : vector<16xi32> to vector<1x16xi32>
        tpu.vector_store %arg10[%swap3A_485, %swap3A_486], %swap3A_489 {strides = array<i32>} : memref<4x128xi32, #tpu.memory_space<vmem>>, vector<1x16xi32>,
        %get3A_490 = arith.constant 3 : i32
        %get3A_491 = arith.index_cast %get3A_490 : i32 to index
        %get3A_492 = arith.constant 32 : index
        %get3A_493 = tpu.vector_load %arg8[%get3A_491, %get3A_492] {strides = array<i32>} : memref<4x128xi32, #tpu.memory_space<vmem>>, vector<1x16xi32>,
        %get3A_494 = vector.shape_cast %get3A_493 : vector<1x16xi32> to vector<16xi32>
        %mul3A_495 = arith.constant 10000 : i32
        %mul3A_496 = arith.muli %add3A_1, %mul3A_495 : i32
        %add3A_497 = vector.broadcast %mul3A_496 : i32 to vector<16xi32>
        %add3A_498 = arith.addi %get3A_494, %add3A_497 : vector<16xi32>
        %swap3A_499 = arith.constant 3 : i32
        %swap3A_500 = arith.index_cast %swap3A_499 : i32 to index
        %swap3A_501 = arith.constant 32 : index
        %swap3A_502 = tpu.vector_load %arg10[%swap3A_500, %swap3A_501] {strides = array<i32>} : memref<4x128xi32, #tpu.memory_space<vmem>>, vector<1x16xi32>,
        %swap3A_503 = vector.shape_cast %swap3A_502 : vector<1x16xi32> to vector<16xi32>
        %swap3A_504 = vector.shape_cast %add3A_498 : vector<16xi32> to vector<1x16xi32>
        tpu.vector_store %arg10[%swap3A_500, %swap3A_501], %swap3A_504 {strides = array<i32>} : memref<4x128xi32, #tpu.memory_space<vmem>>, vector<1x16xi32>,
        %get3A_505 = arith.constant 3 : i32
        %get3A_506 = arith.index_cast %get3A_505 : i32 to index
        %get3A_507 = arith.constant 48 : index
        %get3A_508 = tpu.vector_load %arg8[%get3A_506, %get3A_507] {strides = array<i32>} : memref<4x128xi32, #tpu.memory_space<vmem>>, vector<1x16xi32>,
        %get3A_509 = vector.shape_cast %get3A_508 : vector<1x16xi32> to vector<16xi32>
        %mul3A_510 = arith.constant 10000 : i32
        %mul3A_511 = arith.muli %add3A_1, %mul3A_510 : i32
        %add3A_512 = vector.broadcast %mul3A_511 : i32 to vector<16xi32>
        %add3A_513 = arith.addi %get3A_509, %add3A_512 : vector<16xi32>
        %swap3A_514 = arith.constant 3 : i32
        %swap3A_515 = arith.index_cast %swap3A_514 : i32 to index
        %swap3A_516 = arith.constant 48 : index
        %swap3A_517 = tpu.vector_load %arg10[%swap3A_515, %swap3A_516] {strides = array<i32>} : memref<4x128xi32, #tpu.memory_space<vmem>>, vector<1x16xi32>,
        %swap3A_518 = vector.shape_cast %swap3A_517 : vector<1x16xi32> to vector<16xi32>
        %swap3A_519 = vector.shape_cast %add3A_513 : vector<16xi32> to vector<1x16xi32>
        tpu.vector_store %arg10[%swap3A_515, %swap3A_516], %swap3A_519 {strides = array<i32>} : memref<4x128xi32, #tpu.memory_space<vmem>>, vector<1x16xi32>,
        %get3A_520 = arith.constant 3 : i32
        %get3A_521 = arith.index_cast %get3A_520 : i32 to index
        %get3A_522 = arith.constant 64 : index
        %get3A_523 = tpu.vector_load %arg8[%get3A_521, %get3A_522] {strides = array<i32>} : memref<4x128xi32, #tpu.memory_space<vmem>>, vector<1x16xi32>,
        %get3A_524 = vector.shape_cast %get3A_523 : vector<1x16xi32> to vector<16xi32>
        %mul3A_525 = arith.constant 10000 : i32
        %mul3A_526 = arith.muli %add3A_1, %mul3A_525 : i32
        %add3A_527 = vector.broadcast %mul3A_526 : i32 to vector<16xi32>
        %add3A_528 = arith.addi %get3A_524, %add3A_527 : vector<16xi32>
        %swap3A_529 = arith.constant 3 : i32
        %swap3A_530 = arith.index_cast %swap3A_529 : i32 to index
        %swap3A_531 = arith.constant 64 : index
        %swap3A_532 = tpu.vector_load %arg10[%swap3A_530, %swap3A_531] {strides = array<i32>} : memref<4x128xi32, #tpu.memory_space<vmem>>, vector<1x16xi32>,
        %swap3A_533 = vector.shape_cast %swap3A_532 : vector<1x16xi32> to vector<16xi32>
        %swap3A_534 = vector.shape_cast %add3A_528 : vector<16xi32> to vector<1x16xi32>
        tpu.vector_store %arg10[%swap3A_530, %swap3A_531], %swap3A_534 {strides = array<i32>} : memref<4x128xi32, #tpu.memory_space<vmem>>, vector<1x16xi32>,
        %get3A_535 = arith.constant 3 : i32
        %get3A_536 = arith.index_cast %get3A_535 : i32 to index
        %get3A_537 = arith.constant 80 : index
        %get3A_538 = tpu.vector_load %arg8[%get3A_536, %get3A_537] {strides = array<i32>} : memref<4x128xi32, #tpu.memory_space<vmem>>, vector<1x16xi32>,
        %get3A_539 = vector.shape_cast %get3A_538 : vector<1x16xi32> to vector<16xi32>
        %mul3A_540 = arith.constant 10000 : i32
        %mul3A_541 = arith.muli %add3A_1, %mul3A_540 : i32
        %add3A_542 = vector.broadcast %mul3A_541 : i32 to vector<16xi32>
        %add3A_543 = arith.addi %get3A_539, %add3A_542 : vector<16xi32>
        %swap3A_544 = arith.constant 3 : i32
        %swap3A_545 = arith.index_cast %swap3A_544 : i32 to index
        %swap3A_546 = arith.constant 80 : index
        %swap3A_547 = tpu.vector_load %arg10[%swap3A_545, %swap3A_546] {strides = array<i32>} : memref<4x128xi32, #tpu.memory_space<vmem>>, vector<1x16xi32>,
        %swap3A_548 = vector.shape_cast %swap3A_547 : vector<1x16xi32> to vector<16xi32>
        %swap3A_549 = vector.shape_cast %add3A_543 : vector<16xi32> to vector<1x16xi32>
        tpu.vector_store %arg10[%swap3A_545, %swap3A_546], %swap3A_549 {strides = array<i32>} : memref<4x128xi32, #tpu.memory_space<vmem>>, vector<1x16xi32>,
        %get3A_550 = arith.constant 3 : i32
        %get3A_551 = arith.index_cast %get3A_550 : i32 to index
        %get3A_552 = arith.constant 96 : index
        %get3A_553 = tpu.vector_load %arg8[%get3A_551, %get3A_552] {strides = array<i32>} : memref<4x128xi32, #tpu.memory_space<vmem>>, vector<1x16xi32>,
        %get3A_554 = vector.shape_cast %get3A_553 : vector<1x16xi32> to vector<16xi32>
        %mul3A_555 = arith.constant 10000 : i32
        %mul3A_556 = arith.muli %add3A_1, %mul3A_555 : i32
        %add3A_557 = vector.broadcast %mul3A_556 : i32 to vector<16xi32>
        %add3A_558 = arith.addi %get3A_554, %add3A_557 : vector<16xi32>
        %swap3A_559 = arith.constant 3 : i32
        %swap3A_560 = arith.index_cast %swap3A_559 : i32 to index
        %swap3A_561 = arith.constant 96 : index
        %swap3A_562 = tpu.vector_load %arg10[%swap3A_560, %swap3A_561] {strides = array<i32>} : memref<4x128xi32, #tpu.memory_space<vmem>>, vector<1x16xi32>,
        %swap3A_563 = vector.shape_cast %swap3A_562 : vector<1x16xi32> to vector<16xi32>
        %swap3A_564 = vector.shape_cast %add3A_558 : vector<16xi32> to vector<1x16xi32>
        tpu.vector_store %arg10[%swap3A_560, %swap3A_561], %swap3A_564 {strides = array<i32>} : memref<4x128xi32, #tpu.memory_space<vmem>>, vector<1x16xi32>,
        %get3A_565 = arith.constant 3 : i32
        %get3A_566 = arith.index_cast %get3A_565 : i32 to index
        %get3A_567 = arith.constant 112 : index
        %get3A_568 = tpu.vector_load %arg8[%get3A_566, %get3A_567] {strides = array<i32>} : memref<4x128xi32, #tpu.memory_space<vmem>>, vector<1x16xi32>,
        %get3A_569 = vector.shape_cast %get3A_568 : vector<1x16xi32> to vector<16xi32>
        %mul3A_570 = arith.constant 10000 : i32
        %mul3A_571 = arith.muli %add3A_1, %mul3A_570 : i32
        %add3A_572 = vector.broadcast %mul3A_571 : i32 to vector<16xi32>
        %add3A_573 = arith.addi %get3A_569, %add3A_572 : vector<16xi32>
        %swap3A_574 = arith.constant 3 : i32
        %swap3A_575 = arith.index_cast %swap3A_574 : i32 to index
        %swap3A_576 = arith.constant 112 : index
        %swap3A_577 = tpu.vector_load %arg10[%swap3A_575, %swap3A_576] {strides = array<i32>} : memref<4x128xi32, #tpu.memory_space<vmem>>, vector<1x16xi32>,
        %swap3A_578 = vector.shape_cast %swap3A_577 : vector<1x16xi32> to vector<16xi32>
        %swap3A_579 = vector.shape_cast %add3A_573 : vector<16xi32> to vector<1x16xi32>
        tpu.vector_store %arg10[%swap3A_575, %swap3A_576], %swap3A_579 {strides = array<i32>} : memref<4x128xi32, #tpu.memory_space<vmem>>, vector<1x16xi32>,
        %dma_start3A = arith.constant 0 : i32
        %dma_start3A_580 = arith.constant 0 : i32
        %dma_start3A_581 = tpu.memref_slice %arg10[%dma_start3A, %dma_start3A_580] : memref<4x128xi32, #tpu.memory_space<vmem>> -> memref<1x128xi32, #tpu.memory_space<vmem>>
        %dma_start3A_582 = tpu.memref_squeeze %dma_start3A_581 : memref<1x128xi32, #tpu.memory_space<vmem>> -> memref<128xi32, #tpu.memory_space<vmem>>
        %dma_start3A_583 = arith.constant 0 : i32
        %dma_start3A_584 = arith.constant 0 : i32
        %dma_start3A_585 = tpu.memref_slice %arg2[%dma_start3A_583, %dma_start3A_584] : memref<80000x128xf32, #tpu.memory_space<hbm>> -> memref<80000x128xf32, #tpu.memory_space<hbm>>
        tpu.enqueue_indirect_dma source(%dma_start3A_585 : memref<80000x128xf32, #tpu.memory_space<hbm>>) target(%arg11 : memref<128x128xf32, #tpu.memory_space<vmem>>) offsets(%dma_start3A_582 : memref<128xi32, #tpu.memory_space<vmem>>) semaphore(%arg14 : memref<!tpu.dma_semaphore, #tpu.memory_space<semaphore_mem>>)
        %dma_start3A_586 = arith.constant 1 : i32
        %dma_start3A_587 = arith.constant 0 : i32
        %dma_start3A_588 = tpu.memref_slice %arg10[%dma_start3A_586, %dma_start3A_587] : memref<4x128xi32, #tpu.memory_space<vmem>> -> memref<1x128xi32, #tpu.memory_space<vmem>>
        %dma_start3A_589 = tpu.memref_squeeze %dma_start3A_588 : memref<1x128xi32, #tpu.memory_space<vmem>> -> memref<128xi32, #tpu.memory_space<vmem>>
        %dma_start3A_590 = arith.constant 0 : i32
        %dma_start3A_591 = arith.constant 0 : i32
        %dma_start3A_592 = tpu.memref_slice %arg2[%dma_start3A_590, %dma_start3A_591] : memref<80000x128xf32, #tpu.memory_space<hbm>> -> memref<80000x128xf32, #tpu.memory_space<hbm>>
        tpu.enqueue_indirect_dma source(%dma_start3A_592 : memref<80000x128xf32, #tpu.memory_space<hbm>>) target(%arg12 : memref<128x128xf32, #tpu.memory_space<vmem>>) offsets(%dma_start3A_589 : memref<128xi32, #tpu.memory_space<vmem>>) semaphore(%arg15 : memref<!tpu.dma_semaphore, #tpu.memory_space<semaphore_mem>>)
        %dma_wait3A = arith.constant 0 : i32
        %dma_wait3A_593 = arith.constant 0 : i32
        %dma_wait3A_594 = tpu.memref_slice %arg10[%dma_wait3A, %dma_wait3A_593] : memref<4x128xi32, #tpu.memory_space<vmem>> -> memref<1x128xi32, #tpu.memory_space<vmem>>
        %dma_wait3A_595 = tpu.memref_squeeze %dma_wait3A_594 : memref<1x128xi32, #tpu.memory_space<vmem>> -> memref<128xi32, #tpu.memory_space<vmem>>
        %dma_wait3A_596 = arith.constant 0 : i32
        %dma_wait3A_597 = arith.constant 0 : i32
        %dma_wait3A_598 = tpu.memref_slice %arg2[%dma_wait3A_596, %dma_wait3A_597] : memref<80000x128xf32, #tpu.memory_space<hbm>> -> memref<80000x128xf32, #tpu.memory_space<hbm>>
        tpu.wait_indirect_dma semaphore(%arg14 : memref<!tpu.dma_semaphore, #tpu.memory_space<semaphore_mem>>) src(%dma_wait3A_598 : memref<80000x128xf32, #tpu.memory_space<hbm>>) dst(%arg11 : memref<128x128xf32, #tpu.memory_space<vmem>>)
        %run_scoped3A = arith.constant 0 : i32
        "tpu.region"() ({
          %run_scoped3A_637 = tpu.sem_alloc : memref<!tpu.dma_semaphore, #tpu.memory_space<semaphore_mem>>
          %dma_start3A_638 = arith.constant 0 : i32
          %dma_start3A_639 = tpu.memref_slice %arg9[%run_scoped3A, %dma_start3A_638] : memref<4x128xi32, #tpu.memory_space<vmem>> -> memref<1x128xi32, #tpu.memory_space<vmem>>
          %dma_start3A_640 = tpu.memref_squeeze %dma_start3A_639 : memref<1x128xi32, #tpu.memory_space<vmem>> -> memref<128xi32, #tpu.memory_space<vmem>>
          %dma_start3A_641 = arith.constant 0 : i32
          %dma_start3A_642 = arith.constant 0 : i32
          %dma_start3A_643 = tpu.memref_slice %arg7[%dma_start3A_641, %dma_start3A_642] : memref<10000x128xf32, #tpu.memory_space<vmem_shared>> -> memref<10000x128xf32, #tpu.memory_space<vmem_shared>>
          tpu.enqueue_indirect_dma source(%arg11 : memref<128x128xf32, #tpu.memory_space<vmem>>) target(%dma_start3A_643 : memref<10000x128xf32, #tpu.memory_space<vmem_shared>>) offsets(%dma_start3A_640 : memref<128xi32, #tpu.memory_space<vmem>>) semaphore(%run_scoped3A_637 : memref<!tpu.dma_semaphore, #tpu.memory_space<semaphore_mem>>) {add = true}
          %dma_wait3A_644 = arith.constant 0 : i32
          %dma_wait3A_645 = tpu.memref_slice %arg9[%run_scoped3A, %dma_wait3A_644] : memref<4x128xi32, #tpu.memory_space<vmem>> -> memref<1x128xi32, #tpu.memory_space<vmem>>
          %dma_wait3A_646 = tpu.memref_squeeze %dma_wait3A_645 : memref<1x128xi32, #tpu.memory_space<vmem>> -> memref<128xi32, #tpu.memory_space<vmem>>
          %dma_wait3A_647 = arith.constant 0 : i32
          %dma_wait3A_648 = arith.constant 0 : i32
          %dma_wait3A_649 = tpu.memref_slice %arg7[%dma_wait3A_647, %dma_wait3A_648] : memref<10000x128xf32, #tpu.memory_space<vmem_shared>> -> memref<10000x128xf32, #tpu.memory_space<vmem_shared>>
          tpu.wait_indirect_dma semaphore(%run_scoped3A_637 : memref<!tpu.dma_semaphore, #tpu.memory_space<semaphore_mem>>) src(%arg11 : memref<128x128xf32, #tpu.memory_space<vmem>>) dst(%dma_wait3A_649 : memref<10000x128xf32, #tpu.memory_space<vmem_shared>>)
          tpu.yield
        }) : () -> ()
        %dma_start3A_599 = arith.constant 2 : i32
        %dma_start3A_600 = arith.constant 0 : i32
        %dma_start3A_601 = tpu.memref_slice %arg10[%dma_start3A_599, %dma_start3A_600] : memref<4x128xi32, #tpu.memory_space<vmem>> -> memref<1x128xi32, #tpu.memory_space<vmem>>
        %dma_start3A_602 = tpu.memref_squeeze %dma_start3A_601 : memref<1x128xi32, #tpu.memory_space<vmem>> -> memref<128xi32, #tpu.memory_space<vmem>>
        %dma_start3A_603 = arith.constant 0 : i32
        %dma_start3A_604 = arith.constant 0 : i32
        %dma_start3A_605 = tpu.memref_slice %arg2[%dma_start3A_603, %dma_start3A_604] : memref<80000x128xf32, #tpu.memory_space<hbm>> -> memref<80000x128xf32, #tpu.memory_space<hbm>>
        tpu.enqueue_indirect_dma source(%dma_start3A_605 : memref<80000x128xf32, #tpu.memory_space<hbm>>) target(%arg11 : memref<128x128xf32, #tpu.memory_space<vmem>>) offsets(%dma_start3A_602 : memref<128xi32, #tpu.memory_space<vmem>>) semaphore(%arg14 : memref<!tpu.dma_semaphore, #tpu.memory_space<semaphore_mem>>)
        %dma_wait3A_606 = arith.constant 1 : i32
        %dma_wait3A_607 = arith.constant 0 : i32
        %dma_wait3A_608 = tpu.memref_slice %arg10[%dma_wait3A_606, %dma_wait3A_607] : memref<4x128xi32, #tpu.memory_space<vmem>> -> memref<1x128xi32, #tpu.memory_space<vmem>>
        %dma_wait3A_609 = tpu.memref_squeeze %dma_wait3A_608 : memref<1x128xi32, #tpu.memory_space<vmem>> -> memref<128xi32, #tpu.memory_space<vmem>>
        %dma_wait3A_610 = arith.constant 0 : i32
        %dma_wait3A_611 = arith.constant 0 : i32
        %dma_wait3A_612 = tpu.memref_slice %arg2[%dma_wait3A_610, %dma_wait3A_611] : memref<80000x128xf32, #tpu.memory_space<hbm>> -> memref<80000x128xf32, #tpu.memory_space<hbm>>
        tpu.wait_indirect_dma semaphore(%arg15 : memref<!tpu.dma_semaphore, #tpu.memory_space<semaphore_mem>>) src(%dma_wait3A_612 : memref<80000x128xf32, #tpu.memory_space<hbm>>) dst(%arg12 : memref<128x128xf32, #tpu.memory_space<vmem>>)
        %run_scoped3A_613 = arith.constant 1 : i32
        "tpu.region"() ({
          %run_scoped3A_637 = tpu.sem_alloc : memref<!tpu.dma_semaphore, #tpu.memory_space<semaphore_mem>>
          %dma_start3A_638 = arith.constant 0 : i32
          %dma_start3A_639 = tpu.memref_slice %arg9[%run_scoped3A_613, %dma_start3A_638] : memref<4x128xi32, #tpu.memory_space<vmem>> -> memref<1x128xi32, #tpu.memory_space<vmem>>
          %dma_start3A_640 = tpu.memref_squeeze %dma_start3A_639 : memref<1x128xi32, #tpu.memory_space<vmem>> -> memref<128xi32, #tpu.memory_space<vmem>>
          %dma_start3A_641 = arith.constant 0 : i32
          %dma_start3A_642 = arith.constant 0 : i32
          %dma_start3A_643 = tpu.memref_slice %arg7[%dma_start3A_641, %dma_start3A_642] : memref<10000x128xf32, #tpu.memory_space<vmem_shared>> -> memref<10000x128xf32, #tpu.memory_space<vmem_shared>>
          tpu.enqueue_indirect_dma source(%arg12 : memref<128x128xf32, #tpu.memory_space<vmem>>) target(%dma_start3A_643 : memref<10000x128xf32, #tpu.memory_space<vmem_shared>>) offsets(%dma_start3A_640 : memref<128xi32, #tpu.memory_space<vmem>>) semaphore(%run_scoped3A_637 : memref<!tpu.dma_semaphore, #tpu.memory_space<semaphore_mem>>) {add = true}
          %dma_wait3A_644 = arith.constant 0 : i32
          %dma_wait3A_645 = tpu.memref_slice %arg9[%run_scoped3A_613, %dma_wait3A_644] : memref<4x128xi32, #tpu.memory_space<vmem>> -> memref<1x128xi32, #tpu.memory_space<vmem>>
          %dma_wait3A_646 = tpu.memref_squeeze %dma_wait3A_645 : memref<1x128xi32, #tpu.memory_space<vmem>> -> memref<128xi32, #tpu.memory_space<vmem>>
          %dma_wait3A_647 = arith.constant 0 : i32
          %dma_wait3A_648 = arith.constant 0 : i32
          %dma_wait3A_649 = tpu.memref_slice %arg7[%dma_wait3A_647, %dma_wait3A_648] : memref<10000x128xf32, #tpu.memory_space<vmem_shared>> -> memref<10000x128xf32, #tpu.memory_space<vmem_shared>>
          tpu.wait_indirect_dma semaphore(%run_scoped3A_637 : memref<!tpu.dma_semaphore, #tpu.memory_space<semaphore_mem>>) src(%arg12 : memref<128x128xf32, #tpu.memory_space<vmem>>) dst(%dma_wait3A_649 : memref<10000x128xf32, #tpu.memory_space<vmem_shared>>)
          tpu.yield
        }) : () -> ()
        %dma_start3A_614 = arith.constant 3 : i32
        %dma_start3A_615 = arith.constant 0 : i32
        %dma_start3A_616 = tpu.memref_slice %arg10[%dma_start3A_614, %dma_start3A_615] : memref<4x128xi32, #tpu.memory_space<vmem>> -> memref<1x128xi32, #tpu.memory_space<vmem>>
        %dma_start3A_617 = tpu.memref_squeeze %dma_start3A_616 : memref<1x128xi32, #tpu.memory_space<vmem>> -> memref<128xi32, #tpu.memory_space<vmem>>
        %dma_start3A_618 = arith.constant 0 : i32
        %dma_start3A_619 = arith.constant 0 : i32
        %dma_start3A_620 = tpu.memref_slice %arg2[%dma_start3A_618, %dma_start3A_619] : memref<80000x128xf32, #tpu.memory_space<hbm>> -> memref<80000x128xf32, #tpu.memory_space<hbm>>
        tpu.enqueue_indirect_dma source(%dma_start3A_620 : memref<80000x128xf32, #tpu.memory_space<hbm>>) target(%arg12 : memref<128x128xf32, #tpu.memory_space<vmem>>) offsets(%dma_start3A_617 : memref<128xi32, #tpu.memory_space<vmem>>) semaphore(%arg15 : memref<!tpu.dma_semaphore, #tpu.memory_space<semaphore_mem>>)
        %dma_wait3A_621 = arith.constant 2 : i32
        %dma_wait3A_622 = arith.constant 0 : i32
        %dma_wait3A_623 = tpu.memref_slice %arg10[%dma_wait3A_621, %dma_wait3A_622] : memref<4x128xi32, #tpu.memory_space<vmem>> -> memref<1x128xi32, #tpu.memory_space<vmem>>
        %dma_wait3A_624 = tpu.memref_squeeze %dma_wait3A_623 : memref<1x128xi32, #tpu.memory_space<vmem>> -> memref<128xi32, #tpu.memory_space<vmem>>
        %dma_wait3A_625 = arith.constant 0 : i32
        %dma_wait3A_626 = arith.constant 0 : i32
        %dma_wait3A_627 = tpu.memref_slice %arg2[%dma_wait3A_625, %dma_wait3A_626] : memref<80000x128xf32, #tpu.memory_space<hbm>> -> memref<80000x128xf32, #tpu.memory_space<hbm>>
        tpu.wait_indirect_dma semaphore(%arg14 : memref<!tpu.dma_semaphore, #tpu.memory_space<semaphore_mem>>) src(%dma_wait3A_627 : memref<80000x128xf32, #tpu.memory_space<hbm>>) dst(%arg11 : memref<128x128xf32, #tpu.memory_space<vmem>>)
        %run_scoped3A_628 = arith.constant 2 : i32
        "tpu.region"() ({
          %run_scoped3A_637 = tpu.sem_alloc : memref<!tpu.dma_semaphore, #tpu.memory_space<semaphore_mem>>
          %dma_start3A_638 = arith.constant 0 : i32
          %dma_start3A_639 = tpu.memref_slice %arg9[%run_scoped3A_628, %dma_start3A_638] : memref<4x128xi32, #tpu.memory_space<vmem>> -> memref<1x128xi32, #tpu.memory_space<vmem>>
          %dma_start3A_640 = tpu.memref_squeeze %dma_start3A_639 : memref<1x128xi32, #tpu.memory_space<vmem>> -> memref<128xi32, #tpu.memory_space<vmem>>
          %dma_start3A_641 = arith.constant 0 : i32
          %dma_start3A_642 = arith.constant 0 : i32
          %dma_start3A_643 = tpu.memref_slice %arg7[%dma_start3A_641, %dma_start3A_642] : memref<10000x128xf32, #tpu.memory_space<vmem_shared>> -> memref<10000x128xf32, #tpu.memory_space<vmem_shared>>
          tpu.enqueue_indirect_dma source(%arg11 : memref<128x128xf32, #tpu.memory_space<vmem>>) target(%dma_start3A_643 : memref<10000x128xf32, #tpu.memory_space<vmem_shared>>) offsets(%dma_start3A_640 : memref<128xi32, #tpu.memory_space<vmem>>) semaphore(%run_scoped3A_637 : memref<!tpu.dma_semaphore, #tpu.memory_space<semaphore_mem>>) {add = true}
          %dma_wait3A_644 = arith.constant 0 : i32
          %dma_wait3A_645 = tpu.memref_slice %arg9[%run_scoped3A_628, %dma_wait3A_644] : memref<4x128xi32, #tpu.memory_space<vmem>> -> memref<1x128xi32, #tpu.memory_space<vmem>>
          %dma_wait3A_646 = tpu.memref_squeeze %dma_wait3A_645 : memref<1x128xi32, #tpu.memory_space<vmem>> -> memref<128xi32, #tpu.memory_space<vmem>>
          %dma_wait3A_647 = arith.constant 0 : i32
          %dma_wait3A_648 = arith.constant 0 : i32
          %dma_wait3A_649 = tpu.memref_slice %arg7[%dma_wait3A_647, %dma_wait3A_648] : memref<10000x128xf32, #tpu.memory_space<vmem_shared>> -> memref<10000x128xf32, #tpu.memory_space<vmem_shared>>
          tpu.wait_indirect_dma semaphore(%run_scoped3A_637 : memref<!tpu.dma_semaphore, #tpu.memory_space<semaphore_mem>>) src(%arg11 : memref<128x128xf32, #tpu.memory_space<vmem>>) dst(%dma_wait3A_649 : memref<10000x128xf32, #tpu.memory_space<vmem_shared>>)
          tpu.yield
        }) : () -> ()
        %dma_wait3A_629 = arith.constant 3 : i32
        %dma_wait3A_630 = arith.constant 0 : i32
        %dma_wait3A_631 = tpu.memref_slice %arg10[%dma_wait3A_629, %dma_wait3A_630] : memref<4x128xi32, #tpu.memory_space<vmem>> -> memref<1x128xi32, #tpu.memory_space<vmem>>
        %dma_wait3A_632 = tpu.memref_squeeze %dma_wait3A_631 : memref<1x128xi32, #tpu.memory_space<vmem>> -> memref<128xi32, #tpu.memory_space<vmem>>
        %dma_wait3A_633 = arith.constant 0 : i32
        %dma_wait3A_634 = arith.constant 0 : i32
        %dma_wait3A_635 = tpu.memref_slice %arg2[%dma_wait3A_633, %dma_wait3A_634] : memref<80000x128xf32, #tpu.memory_space<hbm>> -> memref<80000x128xf32, #tpu.memory_space<hbm>>
        tpu.wait_indirect_dma semaphore(%arg15 : memref<!tpu.dma_semaphore, #tpu.memory_space<semaphore_mem>>) src(%dma_wait3A_635 : memref<80000x128xf32, #tpu.memory_space<hbm>>) dst(%arg12 : memref<128x128xf32, #tpu.memory_space<vmem>>)
        %run_scoped3A_636 = arith.constant 3 : i32
        "tpu.region"() ({
          %run_scoped3A_637 = tpu.sem_alloc : memref<!tpu.dma_semaphore, #tpu.memory_space<semaphore_mem>>
          %dma_start3A_638 = arith.constant 0 : i32
          %dma_start3A_639 = tpu.memref_slice %arg9[%run_scoped3A_636, %dma_start3A_638] : memref<4x128xi32, #tpu.memory_space<vmem>> -> memref<1x128xi32, #tpu.memory_space<vmem>>
          %dma_start3A_640 = tpu.memref_squeeze %dma_start3A_639 : memref<1x128xi32, #tpu.memory_space<vmem>> -> memref<128xi32, #tpu.memory_space<vmem>>
          %dma_start3A_641 = arith.constant 0 : i32
          %dma_start3A_642 = arith.constant 0 : i32
          %dma_start3A_643 = tpu.memref_slice %arg7[%dma_start3A_641, %dma_start3A_642] : memref<10000x128xf32, #tpu.memory_space<vmem_shared>> -> memref<10000x128xf32, #tpu.memory_space<vmem_shared>>
          tpu.enqueue_indirect_dma source(%arg12 : memref<128x128xf32, #tpu.memory_space<vmem>>) target(%dma_start3A_643 : memref<10000x128xf32, #tpu.memory_space<vmem_shared>>) offsets(%dma_start3A_640 : memref<128xi32, #tpu.memory_space<vmem>>) semaphore(%run_scoped3A_637 : memref<!tpu.dma_semaphore, #tpu.memory_space<semaphore_mem>>) {add = true}
          %dma_wait3A_644 = arith.constant 0 : i32
          %dma_wait3A_645 = tpu.memref_slice %arg9[%run_scoped3A_636, %dma_wait3A_644] : memref<4x128xi32, #tpu.memory_space<vmem>> -> memref<1x128xi32, #tpu.memory_space<vmem>>
          %dma_wait3A_646 = tpu.memref_squeeze %dma_wait3A_645 : memref<1x128xi32, #tpu.memory_space<vmem>> -> memref<128xi32, #tpu.memory_space<vmem>>
          %dma_wait3A_647 = arith.constant 0 : i32
          %dma_wait3A_648 = arith.constant 0 : i32
          %dma_wait3A_649 = tpu.memref_slice %arg7[%dma_wait3A_647, %dma_wait3A_648] : memref<10000x128xf32, #tpu.memory_space<vmem_shared>> -> memref<10000x128xf32, #tpu.memory_space<vmem_shared>>
          tpu.wait_indirect_dma semaphore(%run_scoped3A_637 : memref<!tpu.dma_semaphore, #tpu.memory_space<semaphore_mem>>) src(%arg12 : memref<128x128xf32, #tpu.memory_space<vmem>>) dst(%dma_wait3A_649 : memref<10000x128xf32, #tpu.memory_space<vmem_shared>>)
          tpu.yield
        }) : () -> ()
      } else {
      }
    }
    %scan3A_12 = arith.constant 40 : i32
    %barrier3A_13 = arith.constant 0 : index
    tpu.barrier barrier_id(%barrier3A_13)
    %scan3A_14 = arith.constant 0 : i32
    %scan3A_15 = arith.constant 0 : i32
    %scan3A_16 = arith.constant 5 : i32
    %scan3A_17 = arith.addi %scan3A_15, %scan3A_16 : i32
    %scan3A_18 = arith.constant 1 : i32
    scf.for %scan3A_96 = %scan3A_15 to %scan3A_17 step %scan3A_18  : i32 {
      %mul3A_97 = arith.constant 16 : i32
      %mul3A_98 = arith.muli %scan3A_96, %mul3A_97 : i32
      %add3A_99 = arith.addi %arg1, %mul3A_98 : i32
      %lt3A = arith.constant 79 : i32
      %lt3A_100 = arith.cmpi slt, %add3A_99, %lt3A : i32
      %convert_element_type3A = arith.extui %lt3A_100 : i1 to i32
      %cond3A = arith.constant 0 : i32
      %cond3A_101 = arith.cmpi ne, %convert_element_type3A, %cond3A : i32
      scf.if %cond3A_101 {
        %mul3A_102 = arith.constant 128 : i32
        %mul3A_103 = arith.muli %add3A_99, %mul3A_102 : i32
        %min3A = arith.constant 9872 : i32
        %min3A_104 = arith.minsi %mul3A_103, %min3A : i32
        %iota3A = tpu.iota {dimensions = array<i32: 0>} : vector<16xi32>
        %add3A_105 = arith.constant 0 : i32
        %add3A_106 = arith.addi %min3A_104, %add3A_105 : i32
        %add3A_107 = vector.broadcast %add3A_106 : i32 to vector<16xi32>
        %add3A_108 = arith.addi %iota3A, %add3A_107 : vector<16xi32>
        %swap3A = arith.constant 0 : index
        %swap3A_109 = tpu.vector_load %arg13[%swap3A] {strides = array<i32>} : memref<128xi32, #tpu.memory_space<vmem>>, vector<16xi32>,
        %swap3A_110 = vector.shape_cast %swap3A_109 : vector<16xi32> to vector<16xi32>
        %swap3A_111 = vector.shape_cast %add3A_108 : vector<16xi32> to vector<16xi32>
        tpu.vector_store %arg13[%swap3A], %swap3A_111 {strides = array<i32>} : memref<128xi32, #tpu.memory_space<vmem>>, vector<16xi32>,
        %iota3A_112 = tpu.iota {dimensions = array<i32: 0>} : vector<16xi32>
        %add3A_113 = arith.constant 16 : i32
        %add3A_114 = arith.addi %min3A_104, %add3A_113 : i32
        %add3A_115 = vector.broadcast %add3A_114 : i32 to vector<16xi32>
        %add3A_116 = arith.addi %iota3A_112, %add3A_115 : vector<16xi32>
        %swap3A_117 = arith.constant 16 : index
        %swap3A_118 = tpu.vector_load %arg13[%swap3A_117] {strides = array<i32>} : memref<128xi32, #tpu.memory_space<vmem>>, vector<16xi32>,
        %swap3A_119 = vector.shape_cast %swap3A_118 : vector<16xi32> to vector<16xi32>
        %swap3A_120 = vector.shape_cast %add3A_116 : vector<16xi32> to vector<16xi32>
        tpu.vector_store %arg13[%swap3A_117], %swap3A_120 {strides = array<i32>} : memref<128xi32, #tpu.memory_space<vmem>>, vector<16xi32>,
        %iota3A_121 = tpu.iota {dimensions = array<i32: 0>} : vector<16xi32>
        %add3A_122 = arith.constant 32 : i32
        %add3A_123 = arith.addi %min3A_104, %add3A_122 : i32
        %add3A_124 = vector.broadcast %add3A_123 : i32 to vector<16xi32>
        %add3A_125 = arith.addi %iota3A_121, %add3A_124 : vector<16xi32>
        %swap3A_126 = arith.constant 32 : index
        %swap3A_127 = tpu.vector_load %arg13[%swap3A_126] {strides = array<i32>} : memref<128xi32, #tpu.memory_space<vmem>>, vector<16xi32>,
        %swap3A_128 = vector.shape_cast %swap3A_127 : vector<16xi32> to vector<16xi32>
        %swap3A_129 = vector.shape_cast %add3A_125 : vector<16xi32> to vector<16xi32>
        tpu.vector_store %arg13[%swap3A_126], %swap3A_129 {strides = array<i32>} : memref<128xi32, #tpu.memory_space<vmem>>, vector<16xi32>,
        %iota3A_130 = tpu.iota {dimensions = array<i32: 0>} : vector<16xi32>
        %add3A_131 = arith.constant 48 : i32
        %add3A_132 = arith.addi %min3A_104, %add3A_131 : i32
        %add3A_133 = vector.broadcast %add3A_132 : i32 to vector<16xi32>
        %add3A_134 = arith.addi %iota3A_130, %add3A_133 : vector<16xi32>
        %swap3A_135 = arith.constant 48 : index
        %swap3A_136 = tpu.vector_load %arg13[%swap3A_135] {strides = array<i32>} : memref<128xi32, #tpu.memory_space<vmem>>, vector<16xi32>,
        %swap3A_137 = vector.shape_cast %swap3A_136 : vector<16xi32> to vector<16xi32>
        %swap3A_138 = vector.shape_cast %add3A_134 : vector<16xi32> to vector<16xi32>
        tpu.vector_store %arg13[%swap3A_135], %swap3A_138 {strides = array<i32>} : memref<128xi32, #tpu.memory_space<vmem>>, vector<16xi32>,
        %iota3A_139 = tpu.iota {dimensions = array<i32: 0>} : vector<16xi32>
        %add3A_140 = arith.constant 64 : i32
        %add3A_141 = arith.addi %min3A_104, %add3A_140 : i32
        %add3A_142 = vector.broadcast %add3A_141 : i32 to vector<16xi32>
        %add3A_143 = arith.addi %iota3A_139, %add3A_142 : vector<16xi32>
        %swap3A_144 = arith.constant 64 : index
        %swap3A_145 = tpu.vector_load %arg13[%swap3A_144] {strides = array<i32>} : memref<128xi32, #tpu.memory_space<vmem>>, vector<16xi32>,
        %swap3A_146 = vector.shape_cast %swap3A_145 : vector<16xi32> to vector<16xi32>
        %swap3A_147 = vector.shape_cast %add3A_143 : vector<16xi32> to vector<16xi32>
        tpu.vector_store %arg13[%swap3A_144], %swap3A_147 {strides = array<i32>} : memref<128xi32, #tpu.memory_space<vmem>>, vector<16xi32>,
        %iota3A_148 = tpu.iota {dimensions = array<i32: 0>} : vector<16xi32>
        %add3A_149 = arith.constant 80 : i32
        %add3A_150 = arith.addi %min3A_104, %add3A_149 : i32
        %add3A_151 = vector.broadcast %add3A_150 : i32 to vector<16xi32>
        %add3A_152 = arith.addi %iota3A_148, %add3A_151 : vector<16xi32>
        %swap3A_153 = arith.constant 80 : index
        %swap3A_154 = tpu.vector_load %arg13[%swap3A_153] {strides = array<i32>} : memref<128xi32, #tpu.memory_space<vmem>>, vector<16xi32>,
        %swap3A_155 = vector.shape_cast %swap3A_154 : vector<16xi32> to vector<16xi32>
        %swap3A_156 = vector.shape_cast %add3A_152 : vector<16xi32> to vector<16xi32>
        tpu.vector_store %arg13[%swap3A_153], %swap3A_156 {strides = array<i32>} : memref<128xi32, #tpu.memory_space<vmem>>, vector<16xi32>,
        %iota3A_157 = tpu.iota {dimensions = array<i32: 0>} : vector<16xi32>
        %add3A_158 = arith.constant 96 : i32
        %add3A_159 = arith.addi %min3A_104, %add3A_158 : i32
        %add3A_160 = vector.broadcast %add3A_159 : i32 to vector<16xi32>
        %add3A_161 = arith.addi %iota3A_157, %add3A_160 : vector<16xi32>
        %swap3A_162 = arith.constant 96 : index
        %swap3A_163 = tpu.vector_load %arg13[%swap3A_162] {strides = array<i32>} : memref<128xi32, #tpu.memory_space<vmem>>, vector<16xi32>,
        %swap3A_164 = vector.shape_cast %swap3A_163 : vector<16xi32> to vector<16xi32>
        %swap3A_165 = vector.shape_cast %add3A_161 : vector<16xi32> to vector<16xi32>
        tpu.vector_store %arg13[%swap3A_162], %swap3A_165 {strides = array<i32>} : memref<128xi32, #tpu.memory_space<vmem>>, vector<16xi32>,
        %iota3A_166 = tpu.iota {dimensions = array<i32: 0>} : vector<16xi32>
        %add3A_167 = arith.constant 112 : i32
        %add3A_168 = arith.addi %min3A_104, %add3A_167 : i32
        %add3A_169 = vector.broadcast %add3A_168 : i32 to vector<16xi32>
        %add3A_170 = arith.addi %iota3A_166, %add3A_169 : vector<16xi32>
        %swap3A_171 = arith.constant 112 : index
        %swap3A_172 = tpu.vector_load %arg13[%swap3A_171] {strides = array<i32>} : memref<128xi32, #tpu.memory_space<vmem>>, vector<16xi32>,
        %swap3A_173 = vector.shape_cast %swap3A_172 : vector<16xi32> to vector<16xi32>
        %swap3A_174 = vector.shape_cast %add3A_170 : vector<16xi32> to vector<16xi32>
        tpu.vector_store %arg13[%swap3A_171], %swap3A_174 {strides = array<i32>} : memref<128xi32, #tpu.memory_space<vmem>>, vector<16xi32>,
        "tpu.region"() ({
          %run_scoped3A = tpu.sem_alloc : memref<!tpu.dma_semaphore, #tpu.memory_space<semaphore_mem>>
          %dma_start3A = arith.constant 0 : i32
          %dma_start3A_178 = arith.constant 0 : i32
          %dma_start3A_179 = tpu.memref_slice %arg7[%dma_start3A, %dma_start3A_178] : memref<10000x128xf32, #tpu.memory_space<vmem_shared>> -> memref<10000x128xf32, #tpu.memory_space<vmem_shared>>
          tpu.enqueue_indirect_dma source(%dma_start3A_179 : memref<10000x128xf32, #tpu.memory_space<vmem_shared>>) target(%arg11 : memref<128x128xf32, #tpu.memory_space<vmem>>) offsets(%arg13 : memref<128xi32, #tpu.memory_space<vmem>>) semaphore(%run_scoped3A : memref<!tpu.dma_semaphore, #tpu.memory_space<semaphore_mem>>)
          %dma_wait3A = arith.constant 0 : i32
          %dma_wait3A_180 = arith.constant 0 : i32
          %dma_wait3A_181 = tpu.memref_slice %arg7[%dma_wait3A, %dma_wait3A_180] : memref<10000x128xf32, #tpu.memory_space<vmem_shared>> -> memref<10000x128xf32, #tpu.memory_space<vmem_shared>>
          tpu.wait_indirect_dma semaphore(%run_scoped3A : memref<!tpu.dma_semaphore, #tpu.memory_space<semaphore_mem>>) src(%dma_wait3A_181 : memref<10000x128xf32, #tpu.memory_space<vmem_shared>>) dst(%arg11 : memref<128x128xf32, #tpu.memory_space<vmem>>)
          tpu.yield
        }) : () -> ()
        %mul3A_175 = arith.constant 10000 : i32
        %mul3A_176 = arith.muli %add3A_1, %mul3A_175 : i32
        %add3A_177 = arith.addi %mul3A_176, %min3A_104 : i32
        "tpu.region"() ({
          %run_scoped3A = tpu.sem_alloc : memref<!tpu.dma_semaphore, #tpu.memory_space<semaphore_mem>>
          %dma_start3A = arith.constant 0 : i32
          %dma_start3A_178 = tpu.memref_slice %arg6[%add3A_177, %dma_start3A] : memref<80000x128xf32, #tpu.memory_space<hbm>> -> memref<128x128xf32, #tpu.memory_space<hbm>>
          %dma_start3A_179 = arith.constant 0 : i32
          %dma_start3A_180 = tpu.memref_slice %arg6[%add3A_177, %dma_start3A_179] : memref<80000x128xf32, #tpu.memory_space<hbm>> -> memref<128x128xf32, #tpu.memory_space<hbm>>
          tpu.enqueue_dma source(%arg11 : memref<128x128xf32, #tpu.memory_space<vmem>>) target(%dma_start3A_180 : memref<128x128xf32, #tpu.memory_space<hbm>>) target_semaphore(%run_scoped3A : memref<!tpu.dma_semaphore, #tpu.memory_space<semaphore_mem>>)
          %dma_wait3A = arith.constant 0 : i32
          %dma_wait3A_181 = tpu.memref_slice %arg6[%add3A_177, %dma_wait3A] : memref<80000x128xf32, #tpu.memory_space<hbm>> -> memref<128x128xf32, #tpu.memory_space<hbm>>
          %dma_wait3A_182 = arith.constant 0 : i32
          %dma_wait3A_183 = tpu.memref_slice %arg6[%add3A_177, %dma_wait3A_182] : memref<80000x128xf32, #tpu.memory_space<hbm>> -> memref<128x128xf32, #tpu.memory_space<hbm>>
          tpu.wait_dma2 semaphore(%run_scoped3A : memref<!tpu.dma_semaphore, #tpu.memory_space<semaphore_mem>>) src(%arg11 : memref<128x128xf32, #tpu.memory_space<vmem>>) dst(%dma_wait3A_183 : memref<128x128xf32, #tpu.memory_space<hbm>>)
          tpu.yield
        }) : () -> ()
      } else {
      }
    }
    %scan3A_19 = arith.constant 5 : i32
    %barrier3A_20 = arith.constant 0 : index
    tpu.barrier barrier_id(%barrier3A_20)
    %mul3A_21 = arith.constant 4 : i32
    %mul3A_22 = arith.muli %arg0, %mul3A_21 : i32
    %add3A_23 = arith.constant 1 : i32
    %add3A_24 = arith.addi %mul3A_22, %add3A_23 : i32
    "tpu.region"() ({
      %run_scoped3A = tpu.sem_alloc : memref<!tpu.dma_semaphore, #tpu.memory_space<semaphore_mem>>
      tpu.enqueue_dma source(%arg5 : memref<128x128xf32, #tpu.memory_space<hbm>>) target(%arg11 : memref<128x128xf32, #tpu.memory_space<vmem>>) target_semaphore(%run_scoped3A : memref<!tpu.dma_semaphore, #tpu.memory_space<semaphore_mem>>)
      tpu.wait_dma2 semaphore(%run_scoped3A : memref<!tpu.dma_semaphore, #tpu.memory_space<semaphore_mem>>) src(%arg5 : memref<128x128xf32, #tpu.memory_space<hbm>>) dst(%arg11 : memref<128x128xf32, #tpu.memory_space<vmem>>)
      tpu.yield
    }) : () -> ()
    %scan3A_25 = arith.constant 0 : i32
    %scan3A_26 = arith.constant 0 : i32
    %scan3A_27 = arith.constant 5 : i32
    %scan3A_28 = arith.addi %scan3A_26, %scan3A_27 : i32
    %scan3A_29 = arith.constant 1 : i32
    scf.for %scan3A_96 = %scan3A_26 to %scan3A_28 step %scan3A_29  : i32 {
      %mul3A_97 = arith.constant 16 : i32
      %mul3A_98 = arith.muli %scan3A_96, %mul3A_97 : i32
      %add3A_99 = arith.addi %arg1, %mul3A_98 : i32
      %lt3A = arith.constant 79 : i32
      %lt3A_100 = arith.cmpi slt, %add3A_99, %lt3A : i32
      %convert_element_type3A = arith.extui %lt3A_100 : i1 to i32
      %cond3A = arith.constant 0 : i32
      %cond3A_101 = arith.cmpi ne, %convert_element_type3A, %cond3A : i32
      scf.if %cond3A_101 {
        %mul3A_102 = arith.constant 128 : i32
        %mul3A_103 = arith.muli %add3A_99, %mul3A_102 : i32
        %min3A = arith.constant 9872 : i32
        %min3A_104 = arith.minsi %mul3A_103, %min3A : i32
        %iota3A = tpu.iota {dimensions = array<i32: 0>} : vector<16xi32>
        %add3A_105 = arith.constant 0 : i32
        %add3A_106 = arith.addi %min3A_104, %add3A_105 : i32
        %add3A_107 = vector.broadcast %add3A_106 : i32 to vector<16xi32>
        %add3A_108 = arith.addi %iota3A, %add3A_107 : vector<16xi32>
        %swap3A = arith.constant 0 : index
        %swap3A_109 = tpu.vector_load %arg13[%swap3A] {strides = array<i32>} : memref<128xi32, #tpu.memory_space<vmem>>, vector<16xi32>,
        %swap3A_110 = vector.shape_cast %swap3A_109 : vector<16xi32> to vector<16xi32>
        %swap3A_111 = vector.shape_cast %add3A_108 : vector<16xi32> to vector<16xi32>
        tpu.vector_store %arg13[%swap3A], %swap3A_111 {strides = array<i32>} : memref<128xi32, #tpu.memory_space<vmem>>, vector<16xi32>,
        %iota3A_112 = tpu.iota {dimensions = array<i32: 0>} : vector<16xi32>
        %add3A_113 = arith.constant 16 : i32
        %add3A_114 = arith.addi %min3A_104, %add3A_113 : i32
        %add3A_115 = vector.broadcast %add3A_114 : i32 to vector<16xi32>
        %add3A_116 = arith.addi %iota3A_112, %add3A_115 : vector<16xi32>
        %swap3A_117 = arith.constant 16 : index
        %swap3A_118 = tpu.vector_load %arg13[%swap3A_117] {strides = array<i32>} : memref<128xi32, #tpu.memory_space<vmem>>, vector<16xi32>,
        %swap3A_119 = vector.shape_cast %swap3A_118 : vector<16xi32> to vector<16xi32>
        %swap3A_120 = vector.shape_cast %add3A_116 : vector<16xi32> to vector<16xi32>
        tpu.vector_store %arg13[%swap3A_117], %swap3A_120 {strides = array<i32>} : memref<128xi32, #tpu.memory_space<vmem>>, vector<16xi32>,
        %iota3A_121 = tpu.iota {dimensions = array<i32: 0>} : vector<16xi32>
        %add3A_122 = arith.constant 32 : i32
        %add3A_123 = arith.addi %min3A_104, %add3A_122 : i32
        %add3A_124 = vector.broadcast %add3A_123 : i32 to vector<16xi32>
        %add3A_125 = arith.addi %iota3A_121, %add3A_124 : vector<16xi32>
        %swap3A_126 = arith.constant 32 : index
        %swap3A_127 = tpu.vector_load %arg13[%swap3A_126] {strides = array<i32>} : memref<128xi32, #tpu.memory_space<vmem>>, vector<16xi32>,
        %swap3A_128 = vector.shape_cast %swap3A_127 : vector<16xi32> to vector<16xi32>
        %swap3A_129 = vector.shape_cast %add3A_125 : vector<16xi32> to vector<16xi32>
        tpu.vector_store %arg13[%swap3A_126], %swap3A_129 {strides = array<i32>} : memref<128xi32, #tpu.memory_space<vmem>>, vector<16xi32>,
        %iota3A_130 = tpu.iota {dimensions = array<i32: 0>} : vector<16xi32>
        %add3A_131 = arith.constant 48 : i32
        %add3A_132 = arith.addi %min3A_104, %add3A_131 : i32
        %add3A_133 = vector.broadcast %add3A_132 : i32 to vector<16xi32>
        %add3A_134 = arith.addi %iota3A_130, %add3A_133 : vector<16xi32>
        %swap3A_135 = arith.constant 48 : index
        %swap3A_136 = tpu.vector_load %arg13[%swap3A_135] {strides = array<i32>} : memref<128xi32, #tpu.memory_space<vmem>>, vector<16xi32>,
        %swap3A_137 = vector.shape_cast %swap3A_136 : vector<16xi32> to vector<16xi32>
        %swap3A_138 = vector.shape_cast %add3A_134 : vector<16xi32> to vector<16xi32>
        tpu.vector_store %arg13[%swap3A_135], %swap3A_138 {strides = array<i32>} : memref<128xi32, #tpu.memory_space<vmem>>, vector<16xi32>,
        %iota3A_139 = tpu.iota {dimensions = array<i32: 0>} : vector<16xi32>
        %add3A_140 = arith.constant 64 : i32
        %add3A_141 = arith.addi %min3A_104, %add3A_140 : i32
        %add3A_142 = vector.broadcast %add3A_141 : i32 to vector<16xi32>
        %add3A_143 = arith.addi %iota3A_139, %add3A_142 : vector<16xi32>
        %swap3A_144 = arith.constant 64 : index
        %swap3A_145 = tpu.vector_load %arg13[%swap3A_144] {strides = array<i32>} : memref<128xi32, #tpu.memory_space<vmem>>, vector<16xi32>,
        %swap3A_146 = vector.shape_cast %swap3A_145 : vector<16xi32> to vector<16xi32>
        %swap3A_147 = vector.shape_cast %add3A_143 : vector<16xi32> to vector<16xi32>
        tpu.vector_store %arg13[%swap3A_144], %swap3A_147 {strides = array<i32>} : memref<128xi32, #tpu.memory_space<vmem>>, vector<16xi32>,
        %iota3A_148 = tpu.iota {dimensions = array<i32: 0>} : vector<16xi32>
        %add3A_149 = arith.constant 80 : i32
        %add3A_150 = arith.addi %min3A_104, %add3A_149 : i32
        %add3A_151 = vector.broadcast %add3A_150 : i32 to vector<16xi32>
        %add3A_152 = arith.addi %iota3A_148, %add3A_151 : vector<16xi32>
        %swap3A_153 = arith.constant 80 : index
        %swap3A_154 = tpu.vector_load %arg13[%swap3A_153] {strides = array<i32>} : memref<128xi32, #tpu.memory_space<vmem>>, vector<16xi32>,
        %swap3A_155 = vector.shape_cast %swap3A_154 : vector<16xi32> to vector<16xi32>
        %swap3A_156 = vector.shape_cast %add3A_152 : vector<16xi32> to vector<16xi32>
        tpu.vector_store %arg13[%swap3A_153], %swap3A_156 {strides = array<i32>} : memref<128xi32, #tpu.memory_space<vmem>>, vector<16xi32>,
        %iota3A_157 = tpu.iota {dimensions = array<i32: 0>} : vector<16xi32>
        %add3A_158 = arith.constant 96 : i32
        %add3A_159 = arith.addi %min3A_104, %add3A_158 : i32
        %add3A_160 = vector.broadcast %add3A_159 : i32 to vector<16xi32>
        %add3A_161 = arith.addi %iota3A_157, %add3A_160 : vector<16xi32>
        %swap3A_162 = arith.constant 96 : index
        %swap3A_163 = tpu.vector_load %arg13[%swap3A_162] {strides = array<i32>} : memref<128xi32, #tpu.memory_space<vmem>>, vector<16xi32>,
        %swap3A_164 = vector.shape_cast %swap3A_163 : vector<16xi32> to vector<16xi32>
        %swap3A_165 = vector.shape_cast %add3A_161 : vector<16xi32> to vector<16xi32>
        tpu.vector_store %arg13[%swap3A_162], %swap3A_165 {strides = array<i32>} : memref<128xi32, #tpu.memory_space<vmem>>, vector<16xi32>,
        %iota3A_166 = tpu.iota {dimensions = array<i32: 0>} : vector<16xi32>
        %add3A_167 = arith.constant 112 : i32
        %add3A_168 = arith.addi %min3A_104, %add3A_167 : i32
        %add3A_169 = vector.broadcast %add3A_168 : i32 to vector<16xi32>
        %add3A_170 = arith.addi %iota3A_166, %add3A_169 : vector<16xi32>
        %swap3A_171 = arith.constant 112 : index
        %swap3A_172 = tpu.vector_load %arg13[%swap3A_171] {strides = array<i32>} : memref<128xi32, #tpu.memory_space<vmem>>, vector<16xi32>,
        %swap3A_173 = vector.shape_cast %swap3A_172 : vector<16xi32> to vector<16xi32>
        %swap3A_174 = vector.shape_cast %add3A_170 : vector<16xi32> to vector<16xi32>
        tpu.vector_store %arg13[%swap3A_171], %swap3A_174 {strides = array<i32>} : memref<128xi32, #tpu.memory_space<vmem>>, vector<16xi32>,
        "tpu.region"() ({
          %run_scoped3A = tpu.sem_alloc : memref<!tpu.dma_semaphore, #tpu.memory_space<semaphore_mem>>
          %dma_start3A = arith.constant 0 : i32
          %dma_start3A_175 = arith.constant 0 : i32
          %dma_start3A_176 = tpu.memref_slice %arg7[%dma_start3A, %dma_start3A_175] : memref<10000x128xf32, #tpu.memory_space<vmem_shared>> -> memref<10000x128xf32, #tpu.memory_space<vmem_shared>>
          tpu.enqueue_indirect_dma source(%arg11 : memref<128x128xf32, #tpu.memory_space<vmem>>) target(%dma_start3A_176 : memref<10000x128xf32, #tpu.memory_space<vmem_shared>>) offsets(%arg13 : memref<128xi32, #tpu.memory_space<vmem>>) semaphore(%run_scoped3A : memref<!tpu.dma_semaphore, #tpu.memory_space<semaphore_mem>>)
          %dma_wait3A = arith.constant 0 : i32
          %dma_wait3A_177 = arith.constant 0 : i32
          %dma_wait3A_178 = tpu.memref_slice %arg7[%dma_wait3A, %dma_wait3A_177] : memref<10000x128xf32, #tpu.memory_space<vmem_shared>> -> memref<10000x128xf32, #tpu.memory_space<vmem_shared>>
          tpu.wait_indirect_dma semaphore(%run_scoped3A : memref<!tpu.dma_semaphore, #tpu.memory_space<semaphore_mem>>) src(%arg11 : memref<128x128xf32, #tpu.memory_space<vmem>>) dst(%dma_wait3A_178 : memref<10000x128xf32, #tpu.memory_space<vmem_shared>>)
          tpu.yield
        }) : () -> ()
      } else {
      }
    }
    %scan3A_30 = arith.constant 5 : i32
    %barrier3A_31 = arith.constant 0 : index
    tpu.barrier barrier_id(%barrier3A_31)
    %scan3A_32 = arith.constant 0 : i32
    %scan3A_33 = arith.constant 0 : i32
    %scan3A_34 = arith.constant 40 : i32
    %scan3A_35 = arith.addi %scan3A_33, %scan3A_34 : i32
    %scan3A_36 = arith.constant 1 : i32
    scf.for %scan3A_96 = %scan3A_33 to %scan3A_35 step %scan3A_36  : i32 {
      %mul3A_97 = arith.constant 16 : i32
      %mul3A_98 = arith.muli %scan3A_96, %mul3A_97 : i32
      %add3A_99 = arith.addi %arg1, %mul3A_98 : i32
      %lt3A = arith.constant 625 : i32
      %lt3A_100 = arith.cmpi slt, %add3A_99, %lt3A : i32
      %convert_element_type3A = arith.extui %lt3A_100 : i1 to i32
      %cond3A = arith.constant 0 : i32
      %cond3A_101 = arith.cmpi ne, %convert_element_type3A, %cond3A : i32
      scf.if %cond3A_101 {
        "tpu.region"() ({
          %run_scoped3A_637 = tpu.sem_alloc : memref<!tpu.dma_semaphore, #tpu.memory_space<semaphore_mem>>
          %dma_start3A_638 = arith.constant 0 : i32
          %dma_start3A_639 = arith.constant 0 : i32
          %dma_start3A_640 = tpu.memref_slice %arg3[%add3A_99, %dma_start3A_638, %dma_start3A_639] : memref<625x4x128xi32, #tpu.memory_space<hbm>> -> memref<1x4x128xi32, #tpu.memory_space<hbm>>
          %dma_start3A_641 = tpu.memref_squeeze %dma_start3A_640 : memref<1x4x128xi32, #tpu.memory_space<hbm>> -> memref<4x128xi32, #tpu.memory_space<hbm>>
          %dma_start3A_642 = arith.constant 0 : i32
          %dma_start3A_643 = arith.constant 0 : i32
          %dma_start3A_644 = tpu.memref_slice %arg3[%add3A_99, %dma_start3A_642, %dma_start3A_643] : memref<625x4x128xi32, #tpu.memory_space<hbm>> -> memref<1x4x128xi32, #tpu.memory_space<hbm>>
          %dma_start3A_645 = tpu.memref_squeeze %dma_start3A_644 : memref<1x4x128xi32, #tpu.memory_space<hbm>> -> memref<4x128xi32, #tpu.memory_space<hbm>>
          tpu.enqueue_dma source(%dma_start3A_645 : memref<4x128xi32, #tpu.memory_space<hbm>>) target(%arg8 : memref<4x128xi32, #tpu.memory_space<vmem>>) target_semaphore(%run_scoped3A_637 : memref<!tpu.dma_semaphore, #tpu.memory_space<semaphore_mem>>)
          %dma_wait3A_646 = arith.constant 0 : i32
          %dma_wait3A_647 = arith.constant 0 : i32
          %dma_wait3A_648 = tpu.memref_slice %arg3[%add3A_99, %dma_wait3A_646, %dma_wait3A_647] : memref<625x4x128xi32, #tpu.memory_space<hbm>> -> memref<1x4x128xi32, #tpu.memory_space<hbm>>
          %dma_wait3A_649 = tpu.memref_squeeze %dma_wait3A_648 : memref<1x4x128xi32, #tpu.memory_space<hbm>> -> memref<4x128xi32, #tpu.memory_space<hbm>>
          %dma_wait3A_650 = arith.constant 0 : i32
          %dma_wait3A_651 = arith.constant 0 : i32
          %dma_wait3A_652 = tpu.memref_slice %arg3[%add3A_99, %dma_wait3A_650, %dma_wait3A_651] : memref<625x4x128xi32, #tpu.memory_space<hbm>> -> memref<1x4x128xi32, #tpu.memory_space<hbm>>
          %dma_wait3A_653 = tpu.memref_squeeze %dma_wait3A_652 : memref<1x4x128xi32, #tpu.memory_space<hbm>> -> memref<4x128xi32, #tpu.memory_space<hbm>>
          tpu.wait_dma2 semaphore(%run_scoped3A_637 : memref<!tpu.dma_semaphore, #tpu.memory_space<semaphore_mem>>) src(%dma_wait3A_653 : memref<4x128xi32, #tpu.memory_space<hbm>>) dst(%arg8 : memref<4x128xi32, #tpu.memory_space<vmem>>)
          tpu.yield
        }) : () -> ()
        "tpu.region"() ({
          %run_scoped3A_637 = tpu.sem_alloc : memref<!tpu.dma_semaphore, #tpu.memory_space<semaphore_mem>>
          %dma_start3A_638 = arith.constant 0 : i32
          %dma_start3A_639 = arith.constant 0 : i32
          %dma_start3A_640 = tpu.memref_slice %arg4[%add3A_99, %dma_start3A_638, %dma_start3A_639] : memref<625x4x128xi32, #tpu.memory_space<hbm>> -> memref<1x4x128xi32, #tpu.memory_space<hbm>>
          %dma_start3A_641 = tpu.memref_squeeze %dma_start3A_640 : memref<1x4x128xi32, #tpu.memory_space<hbm>> -> memref<4x128xi32, #tpu.memory_space<hbm>>
          %dma_start3A_642 = arith.constant 0 : i32
          %dma_start3A_643 = arith.constant 0 : i32
          %dma_start3A_644 = tpu.memref_slice %arg4[%add3A_99, %dma_start3A_642, %dma_start3A_643] : memref<625x4x128xi32, #tpu.memory_space<hbm>> -> memref<1x4x128xi32, #tpu.memory_space<hbm>>
          %dma_start3A_645 = tpu.memref_squeeze %dma_start3A_644 : memref<1x4x128xi32, #tpu.memory_space<hbm>> -> memref<4x128xi32, #tpu.memory_space<hbm>>
          tpu.enqueue_dma source(%dma_start3A_645 : memref<4x128xi32, #tpu.memory_space<hbm>>) target(%arg9 : memref<4x128xi32, #tpu.memory_space<vmem>>) target_semaphore(%run_scoped3A_637 : memref<!tpu.dma_semaphore, #tpu.memory_space<semaphore_mem>>)
          %dma_wait3A_646 = arith.constant 0 : i32
          %dma_wait3A_647 = arith.constant 0 : i32
          %dma_wait3A_648 = tpu.memref_slice %arg4[%add3A_99, %dma_wait3A_646, %dma_wait3A_647] : memref<625x4x128xi32, #tpu.memory_space<hbm>> -> memref<1x4x128xi32, #tpu.memory_space<hbm>>
          %dma_wait3A_649 = tpu.memref_squeeze %dma_wait3A_648 : memref<1x4x128xi32, #tpu.memory_space<hbm>> -> memref<4x128xi32, #tpu.memory_space<hbm>>
          %dma_wait3A_650 = arith.constant 0 : i32
          %dma_wait3A_651 = arith.constant 0 : i32
          %dma_wait3A_652 = tpu.memref_slice %arg4[%add3A_99, %dma_wait3A_650, %dma_wait3A_651] : memref<625x4x128xi32, #tpu.memory_space<hbm>> -> memref<1x4x128xi32, #tpu.memory_space<hbm>>
          %dma_wait3A_653 = tpu.memref_squeeze %dma_wait3A_652 : memref<1x4x128xi32, #tpu.memory_space<hbm>> -> memref<4x128xi32, #tpu.memory_space<hbm>>
          tpu.wait_dma2 semaphore(%run_scoped3A_637 : memref<!tpu.dma_semaphore, #tpu.memory_space<semaphore_mem>>) src(%dma_wait3A_653 : memref<4x128xi32, #tpu.memory_space<hbm>>) dst(%arg9 : memref<4x128xi32, #tpu.memory_space<vmem>>)
          tpu.yield
        }) : () -> ()
        %get3A = arith.constant 0 : i32
        %get3A_102 = arith.index_cast %get3A : i32 to index
        %get3A_103 = arith.constant 0 : index
        %get3A_104 = tpu.vector_load %arg8[%get3A_102, %get3A_103] {strides = array<i32>} : memref<4x128xi32, #tpu.memory_space<vmem>>, vector<1x16xi32>,
        %get3A_105 = vector.shape_cast %get3A_104 : vector<1x16xi32> to vector<16xi32>
        %mul3A_106 = arith.constant 10000 : i32
        %mul3A_107 = arith.muli %add3A_24, %mul3A_106 : i32
        %add3A_108 = vector.broadcast %mul3A_107 : i32 to vector<16xi32>
        %add3A_109 = arith.addi %get3A_105, %add3A_108 : vector<16xi32>
        %swap3A = arith.constant 0 : i32
        %swap3A_110 = arith.index_cast %swap3A : i32 to index
        %swap3A_111 = arith.constant 0 : index
        %swap3A_112 = tpu.vector_load %arg10[%swap3A_110, %swap3A_111] {strides = array<i32>} : memref<4x128xi32, #tpu.memory_space<vmem>>, vector<1x16xi32>,
        %swap3A_113 = vector.shape_cast %swap3A_112 : vector<1x16xi32> to vector<16xi32>
        %swap3A_114 = vector.shape_cast %add3A_109 : vector<16xi32> to vector<1x16xi32>
        tpu.vector_store %arg10[%swap3A_110, %swap3A_111], %swap3A_114 {strides = array<i32>} : memref<4x128xi32, #tpu.memory_space<vmem>>, vector<1x16xi32>,
        %get3A_115 = arith.constant 0 : i32
        %get3A_116 = arith.index_cast %get3A_115 : i32 to index
        %get3A_117 = arith.constant 16 : index
        %get3A_118 = tpu.vector_load %arg8[%get3A_116, %get3A_117] {strides = array<i32>} : memref<4x128xi32, #tpu.memory_space<vmem>>, vector<1x16xi32>,
        %get3A_119 = vector.shape_cast %get3A_118 : vector<1x16xi32> to vector<16xi32>
        %mul3A_120 = arith.constant 10000 : i32
        %mul3A_121 = arith.muli %add3A_24, %mul3A_120 : i32
        %add3A_122 = vector.broadcast %mul3A_121 : i32 to vector<16xi32>
        %add3A_123 = arith.addi %get3A_119, %add3A_122 : vector<16xi32>
        %swap3A_124 = arith.constant 0 : i32
        %swap3A_125 = arith.index_cast %swap3A_124 : i32 to index
        %swap3A_126 = arith.constant 16 : index
        %swap3A_127 = tpu.vector_load %arg10[%swap3A_125, %swap3A_126] {strides = array<i32>} : memref<4x128xi32, #tpu.memory_space<vmem>>, vector<1x16xi32>,
        %swap3A_128 = vector.shape_cast %swap3A_127 : vector<1x16xi32> to vector<16xi32>
        %swap3A_129 = vector.shape_cast %add3A_123 : vector<16xi32> to vector<1x16xi32>
        tpu.vector_store %arg10[%swap3A_125, %swap3A_126], %swap3A_129 {strides = array<i32>} : memref<4x128xi32, #tpu.memory_space<vmem>>, vector<1x16xi32>,
        %get3A_130 = arith.constant 0 : i32
        %get3A_131 = arith.index_cast %get3A_130 : i32 to index
        %get3A_132 = arith.constant 32 : index
        %get3A_133 = tpu.vector_load %arg8[%get3A_131, %get3A_132] {strides = array<i32>} : memref<4x128xi32, #tpu.memory_space<vmem>>, vector<1x16xi32>,
        %get3A_134 = vector.shape_cast %get3A_133 : vector<1x16xi32> to vector<16xi32>
        %mul3A_135 = arith.constant 10000 : i32
        %mul3A_136 = arith.muli %add3A_24, %mul3A_135 : i32
        %add3A_137 = vector.broadcast %mul3A_136 : i32 to vector<16xi32>
        %add3A_138 = arith.addi %get3A_134, %add3A_137 : vector<16xi32>
        %swap3A_139 = arith.constant 0 : i32
        %swap3A_140 = arith.index_cast %swap3A_139 : i32 to index
        %swap3A_141 = arith.constant 32 : index
        %swap3A_142 = tpu.vector_load %arg10[%swap3A_140, %swap3A_141] {strides = array<i32>} : memref<4x128xi32, #tpu.memory_space<vmem>>, vector<1x16xi32>,
        %swap3A_143 = vector.shape_cast %swap3A_142 : vector<1x16xi32> to vector<16xi32>
        %swap3A_144 = vector.shape_cast %add3A_138 : vector<16xi32> to vector<1x16xi32>
        tpu.vector_store %arg10[%swap3A_140, %swap3A_141], %swap3A_144 {strides = array<i32>} : memref<4x128xi32, #tpu.memory_space<vmem>>, vector<1x16xi32>,
        %get3A_145 = arith.constant 0 : i32
        %get3A_146 = arith.index_cast %get3A_145 : i32 to index
        %get3A_147 = arith.constant 48 : index
        %get3A_148 = tpu.vector_load %arg8[%get3A_146, %get3A_147] {strides = array<i32>} : memref<4x128xi32, #tpu.memory_space<vmem>>, vector<1x16xi32>,
        %get3A_149 = vector.shape_cast %get3A_148 : vector<1x16xi32> to vector<16xi32>
        %mul3A_150 = arith.constant 10000 : i32
        %mul3A_151 = arith.muli %add3A_24, %mul3A_150 : i32
        %add3A_152 = vector.broadcast %mul3A_151 : i32 to vector<16xi32>
        %add3A_153 = arith.addi %get3A_149, %add3A_152 : vector<16xi32>
        %swap3A_154 = arith.constant 0 : i32
        %swap3A_155 = arith.index_cast %swap3A_154 : i32 to index
        %swap3A_156 = arith.constant 48 : index
        %swap3A_157 = tpu.vector_load %arg10[%swap3A_155, %swap3A_156] {strides = array<i32>} : memref<4x128xi32, #tpu.memory_space<vmem>>, vector<1x16xi32>,
        %swap3A_158 = vector.shape_cast %swap3A_157 : vector<1x16xi32> to vector<16xi32>
        %swap3A_159 = vector.shape_cast %add3A_153 : vector<16xi32> to vector<1x16xi32>
        tpu.vector_store %arg10[%swap3A_155, %swap3A_156], %swap3A_159 {strides = array<i32>} : memref<4x128xi32, #tpu.memory_space<vmem>>, vector<1x16xi32>,
        %get3A_160 = arith.constant 0 : i32
        %get3A_161 = arith.index_cast %get3A_160 : i32 to index
        %get3A_162 = arith.constant 64 : index
        %get3A_163 = tpu.vector_load %arg8[%get3A_161, %get3A_162] {strides = array<i32>} : memref<4x128xi32, #tpu.memory_space<vmem>>, vector<1x16xi32>,
        %get3A_164 = vector.shape_cast %get3A_163 : vector<1x16xi32> to vector<16xi32>
        %mul3A_165 = arith.constant 10000 : i32
        %mul3A_166 = arith.muli %add3A_24, %mul3A_165 : i32
        %add3A_167 = vector.broadcast %mul3A_166 : i32 to vector<16xi32>
        %add3A_168 = arith.addi %get3A_164, %add3A_167 : vector<16xi32>
        %swap3A_169 = arith.constant 0 : i32
        %swap3A_170 = arith.index_cast %swap3A_169 : i32 to index
        %swap3A_171 = arith.constant 64 : index
        %swap3A_172 = tpu.vector_load %arg10[%swap3A_170, %swap3A_171] {strides = array<i32>} : memref<4x128xi32, #tpu.memory_space<vmem>>, vector<1x16xi32>,
        %swap3A_173 = vector.shape_cast %swap3A_172 : vector<1x16xi32> to vector<16xi32>
        %swap3A_174 = vector.shape_cast %add3A_168 : vector<16xi32> to vector<1x16xi32>
        tpu.vector_store %arg10[%swap3A_170, %swap3A_171], %swap3A_174 {strides = array<i32>} : memref<4x128xi32, #tpu.memory_space<vmem>>, vector<1x16xi32>,
        %get3A_175 = arith.constant 0 : i32
        %get3A_176 = arith.index_cast %get3A_175 : i32 to index
        %get3A_177 = arith.constant 80 : index
        %get3A_178 = tpu.vector_load %arg8[%get3A_176, %get3A_177] {strides = array<i32>} : memref<4x128xi32, #tpu.memory_space<vmem>>, vector<1x16xi32>,
        %get3A_179 = vector.shape_cast %get3A_178 : vector<1x16xi32> to vector<16xi32>
        %mul3A_180 = arith.constant 10000 : i32
        %mul3A_181 = arith.muli %add3A_24, %mul3A_180 : i32
        %add3A_182 = vector.broadcast %mul3A_181 : i32 to vector<16xi32>
        %add3A_183 = arith.addi %get3A_179, %add3A_182 : vector<16xi32>
        %swap3A_184 = arith.constant 0 : i32
        %swap3A_185 = arith.index_cast %swap3A_184 : i32 to index
        %swap3A_186 = arith.constant 80 : index
        %swap3A_187 = tpu.vector_load %arg10[%swap3A_185, %swap3A_186] {strides = array<i32>} : memref<4x128xi32, #tpu.memory_space<vmem>>, vector<1x16xi32>,
        %swap3A_188 = vector.shape_cast %swap3A_187 : vector<1x16xi32> to vector<16xi32>
        %swap3A_189 = vector.shape_cast %add3A_183 : vector<16xi32> to vector<1x16xi32>
        tpu.vector_store %arg10[%swap3A_185, %swap3A_186], %swap3A_189 {strides = array<i32>} : memref<4x128xi32, #tpu.memory_space<vmem>>, vector<1x16xi32>,
        %get3A_190 = arith.constant 0 : i32
        %get3A_191 = arith.index_cast %get3A_190 : i32 to index
        %get3A_192 = arith.constant 96 : index
        %get3A_193 = tpu.vector_load %arg8[%get3A_191, %get3A_192] {strides = array<i32>} : memref<4x128xi32, #tpu.memory_space<vmem>>, vector<1x16xi32>,
        %get3A_194 = vector.shape_cast %get3A_193 : vector<1x16xi32> to vector<16xi32>
        %mul3A_195 = arith.constant 10000 : i32
        %mul3A_196 = arith.muli %add3A_24, %mul3A_195 : i32
        %add3A_197 = vector.broadcast %mul3A_196 : i32 to vector<16xi32>
        %add3A_198 = arith.addi %get3A_194, %add3A_197 : vector<16xi32>
        %swap3A_199 = arith.constant 0 : i32
        %swap3A_200 = arith.index_cast %swap3A_199 : i32 to index
        %swap3A_201 = arith.constant 96 : index
        %swap3A_202 = tpu.vector_load %arg10[%swap3A_200, %swap3A_201] {strides = array<i32>} : memref<4x128xi32, #tpu.memory_space<vmem>>, vector<1x16xi32>,
        %swap3A_203 = vector.shape_cast %swap3A_202 : vector<1x16xi32> to vector<16xi32>
        %swap3A_204 = vector.shape_cast %add3A_198 : vector<16xi32> to vector<1x16xi32>
        tpu.vector_store %arg10[%swap3A_200, %swap3A_201], %swap3A_204 {strides = array<i32>} : memref<4x128xi32, #tpu.memory_space<vmem>>, vector<1x16xi32>,
        %get3A_205 = arith.constant 0 : i32
        %get3A_206 = arith.index_cast %get3A_205 : i32 to index
        %get3A_207 = arith.constant 112 : index
        %get3A_208 = tpu.vector_load %arg8[%get3A_206, %get3A_207] {strides = array<i32>} : memref<4x128xi32, #tpu.memory_space<vmem>>, vector<1x16xi32>,
        %get3A_209 = vector.shape_cast %get3A_208 : vector<1x16xi32> to vector<16xi32>
        %mul3A_210 = arith.constant 10000 : i32
        %mul3A_211 = arith.muli %add3A_24, %mul3A_210 : i32
        %add3A_212 = vector.broadcast %mul3A_211 : i32 to vector<16xi32>
        %add3A_213 = arith.addi %get3A_209, %add3A_212 : vector<16xi32>
        %swap3A_214 = arith.constant 0 : i32
        %swap3A_215 = arith.index_cast %swap3A_214 : i32 to index
        %swap3A_216 = arith.constant 112 : index
        %swap3A_217 = tpu.vector_load %arg10[%swap3A_215, %swap3A_216] {strides = array<i32>} : memref<4x128xi32, #tpu.memory_space<vmem>>, vector<1x16xi32>,
        %swap3A_218 = vector.shape_cast %swap3A_217 : vector<1x16xi32> to vector<16xi32>
        %swap3A_219 = vector.shape_cast %add3A_213 : vector<16xi32> to vector<1x16xi32>
        tpu.vector_store %arg10[%swap3A_215, %swap3A_216], %swap3A_219 {strides = array<i32>} : memref<4x128xi32, #tpu.memory_space<vmem>>, vector<1x16xi32>,
        %get3A_220 = arith.constant 1 : i32
        %get3A_221 = arith.index_cast %get3A_220 : i32 to index
        %get3A_222 = arith.constant 0 : index
        %get3A_223 = tpu.vector_load %arg8[%get3A_221, %get3A_222] {strides = array<i32>} : memref<4x128xi32, #tpu.memory_space<vmem>>, vector<1x16xi32>,
        %get3A_224 = vector.shape_cast %get3A_223 : vector<1x16xi32> to vector<16xi32>
        %mul3A_225 = arith.constant 10000 : i32
        %mul3A_226 = arith.muli %add3A_24, %mul3A_225 : i32
        %add3A_227 = vector.broadcast %mul3A_226 : i32 to vector<16xi32>
        %add3A_228 = arith.addi %get3A_224, %add3A_227 : vector<16xi32>
        %swap3A_229 = arith.constant 1 : i32
        %swap3A_230 = arith.index_cast %swap3A_229 : i32 to index
        %swap3A_231 = arith.constant 0 : index
        %swap3A_232 = tpu.vector_load %arg10[%swap3A_230, %swap3A_231] {strides = array<i32>} : memref<4x128xi32, #tpu.memory_space<vmem>>, vector<1x16xi32>,
        %swap3A_233 = vector.shape_cast %swap3A_232 : vector<1x16xi32> to vector<16xi32>
        %swap3A_234 = vector.shape_cast %add3A_228 : vector<16xi32> to vector<1x16xi32>
        tpu.vector_store %arg10[%swap3A_230, %swap3A_231], %swap3A_234 {strides = array<i32>} : memref<4x128xi32, #tpu.memory_space<vmem>>, vector<1x16xi32>,
        %get3A_235 = arith.constant 1 : i32
        %get3A_236 = arith.index_cast %get3A_235 : i32 to index
        %get3A_237 = arith.constant 16 : index
        %get3A_238 = tpu.vector_load %arg8[%get3A_236, %get3A_237] {strides = array<i32>} : memref<4x128xi32, #tpu.memory_space<vmem>>, vector<1x16xi32>,
        %get3A_239 = vector.shape_cast %get3A_238 : vector<1x16xi32> to vector<16xi32>
        %mul3A_240 = arith.constant 10000 : i32
        %mul3A_241 = arith.muli %add3A_24, %mul3A_240 : i32
        %add3A_242 = vector.broadcast %mul3A_241 : i32 to vector<16xi32>
        %add3A_243 = arith.addi %get3A_239, %add3A_242 : vector<16xi32>
        %swap3A_244 = arith.constant 1 : i32
        %swap3A_245 = arith.index_cast %swap3A_244 : i32 to index
        %swap3A_246 = arith.constant 16 : index
        %swap3A_247 = tpu.vector_load %arg10[%swap3A_245, %swap3A_246] {strides = array<i32>} : memref<4x128xi32, #tpu.memory_space<vmem>>, vector<1x16xi32>,
        %swap3A_248 = vector.shape_cast %swap3A_247 : vector<1x16xi32> to vector<16xi32>
        %swap3A_249 = vector.shape_cast %add3A_243 : vector<16xi32> to vector<1x16xi32>
        tpu.vector_store %arg10[%swap3A_245, %swap3A_246], %swap3A_249 {strides = array<i32>} : memref<4x128xi32, #tpu.memory_space<vmem>>, vector<1x16xi32>,
        %get3A_250 = arith.constant 1 : i32
        %get3A_251 = arith.index_cast %get3A_250 : i32 to index
        %get3A_252 = arith.constant 32 : index
        %get3A_253 = tpu.vector_load %arg8[%get3A_251, %get3A_252] {strides = array<i32>} : memref<4x128xi32, #tpu.memory_space<vmem>>, vector<1x16xi32>,
        %get3A_254 = vector.shape_cast %get3A_253 : vector<1x16xi32> to vector<16xi32>
        %mul3A_255 = arith.constant 10000 : i32
        %mul3A_256 = arith.muli %add3A_24, %mul3A_255 : i32
        %add3A_257 = vector.broadcast %mul3A_256 : i32 to vector<16xi32>
        %add3A_258 = arith.addi %get3A_254, %add3A_257 : vector<16xi32>
        %swap3A_259 = arith.constant 1 : i32
        %swap3A_260 = arith.index_cast %swap3A_259 : i32 to index
        %swap3A_261 = arith.constant 32 : index
        %swap3A_262 = tpu.vector_load %arg10[%swap3A_260, %swap3A_261] {strides = array<i32>} : memref<4x128xi32, #tpu.memory_space<vmem>>, vector<1x16xi32>,
        %swap3A_263 = vector.shape_cast %swap3A_262 : vector<1x16xi32> to vector<16xi32>
        %swap3A_264 = vector.shape_cast %add3A_258 : vector<16xi32> to vector<1x16xi32>
        tpu.vector_store %arg10[%swap3A_260, %swap3A_261], %swap3A_264 {strides = array<i32>} : memref<4x128xi32, #tpu.memory_space<vmem>>, vector<1x16xi32>,
        %get3A_265 = arith.constant 1 : i32
        %get3A_266 = arith.index_cast %get3A_265 : i32 to index
        %get3A_267 = arith.constant 48 : index
        %get3A_268 = tpu.vector_load %arg8[%get3A_266, %get3A_267] {strides = array<i32>} : memref<4x128xi32, #tpu.memory_space<vmem>>, vector<1x16xi32>,
        %get3A_269 = vector.shape_cast %get3A_268 : vector<1x16xi32> to vector<16xi32>
        %mul3A_270 = arith.constant 10000 : i32
        %mul3A_271 = arith.muli %add3A_24, %mul3A_270 : i32
        %add3A_272 = vector.broadcast %mul3A_271 : i32 to vector<16xi32>
        %add3A_273 = arith.addi %get3A_269, %add3A_272 : vector<16xi32>
        %swap3A_274 = arith.constant 1 : i32
        %swap3A_275 = arith.index_cast %swap3A_274 : i32 to index
        %swap3A_276 = arith.constant 48 : index
        %swap3A_277 = tpu.vector_load %arg10[%swap3A_275, %swap3A_276] {strides = array<i32>} : memref<4x128xi32, #tpu.memory_space<vmem>>, vector<1x16xi32>,
        %swap3A_278 = vector.shape_cast %swap3A_277 : vector<1x16xi32> to vector<16xi32>
        %swap3A_279 = vector.shape_cast %add3A_273 : vector<16xi32> to vector<1x16xi32>
        tpu.vector_store %arg10[%swap3A_275, %swap3A_276], %swap3A_279 {strides = array<i32>} : memref<4x128xi32, #tpu.memory_space<vmem>>, vector<1x16xi32>,
        %get3A_280 = arith.constant 1 : i32
        %get3A_281 = arith.index_cast %get3A_280 : i32 to index
        %get3A_282 = arith.constant 64 : index
        %get3A_283 = tpu.vector_load %arg8[%get3A_281, %get3A_282] {strides = array<i32>} : memref<4x128xi32, #tpu.memory_space<vmem>>, vector<1x16xi32>,
        %get3A_284 = vector.shape_cast %get3A_283 : vector<1x16xi32> to vector<16xi32>
        %mul3A_285 = arith.constant 10000 : i32
        %mul3A_286 = arith.muli %add3A_24, %mul3A_285 : i32
        %add3A_287 = vector.broadcast %mul3A_286 : i32 to vector<16xi32>
        %add3A_288 = arith.addi %get3A_284, %add3A_287 : vector<16xi32>
        %swap3A_289 = arith.constant 1 : i32
        %swap3A_290 = arith.index_cast %swap3A_289 : i32 to index
        %swap3A_291 = arith.constant 64 : index
        %swap3A_292 = tpu.vector_load %arg10[%swap3A_290, %swap3A_291] {strides = array<i32>} : memref<4x128xi32, #tpu.memory_space<vmem>>, vector<1x16xi32>,
        %swap3A_293 = vector.shape_cast %swap3A_292 : vector<1x16xi32> to vector<16xi32>
        %swap3A_294 = vector.shape_cast %add3A_288 : vector<16xi32> to vector<1x16xi32>
        tpu.vector_store %arg10[%swap3A_290, %swap3A_291], %swap3A_294 {strides = array<i32>} : memref<4x128xi32, #tpu.memory_space<vmem>>, vector<1x16xi32>,
        %get3A_295 = arith.constant 1 : i32
        %get3A_296 = arith.index_cast %get3A_295 : i32 to index
        %get3A_297 = arith.constant 80 : index
        %get3A_298 = tpu.vector_load %arg8[%get3A_296, %get3A_297] {strides = array<i32>} : memref<4x128xi32, #tpu.memory_space<vmem>>, vector<1x16xi32>,
        %get3A_299 = vector.shape_cast %get3A_298 : vector<1x16xi32> to vector<16xi32>
        %mul3A_300 = arith.constant 10000 : i32
        %mul3A_301 = arith.muli %add3A_24, %mul3A_300 : i32
        %add3A_302 = vector.broadcast %mul3A_301 : i32 to vector<16xi32>
        %add3A_303 = arith.addi %get3A_299, %add3A_302 : vector<16xi32>
        %swap3A_304 = arith.constant 1 : i32
        %swap3A_305 = arith.index_cast %swap3A_304 : i32 to index
        %swap3A_306 = arith.constant 80 : index
        %swap3A_307 = tpu.vector_load %arg10[%swap3A_305, %swap3A_306] {strides = array<i32>} : memref<4x128xi32, #tpu.memory_space<vmem>>, vector<1x16xi32>,
        %swap3A_308 = vector.shape_cast %swap3A_307 : vector<1x16xi32> to vector<16xi32>
        %swap3A_309 = vector.shape_cast %add3A_303 : vector<16xi32> to vector<1x16xi32>
        tpu.vector_store %arg10[%swap3A_305, %swap3A_306], %swap3A_309 {strides = array<i32>} : memref<4x128xi32, #tpu.memory_space<vmem>>, vector<1x16xi32>,
        %get3A_310 = arith.constant 1 : i32
        %get3A_311 = arith.index_cast %get3A_310 : i32 to index
        %get3A_312 = arith.constant 96 : index
        %get3A_313 = tpu.vector_load %arg8[%get3A_311, %get3A_312] {strides = array<i32>} : memref<4x128xi32, #tpu.memory_space<vmem>>, vector<1x16xi32>,
        %get3A_314 = vector.shape_cast %get3A_313 : vector<1x16xi32> to vector<16xi32>
        %mul3A_315 = arith.constant 10000 : i32
        %mul3A_316 = arith.muli %add3A_24, %mul3A_315 : i32
        %add3A_317 = vector.broadcast %mul3A_316 : i32 to vector<16xi32>
        %add3A_318 = arith.addi %get3A_314, %add3A_317 : vector<16xi32>
        %swap3A_319 = arith.constant 1 : i32
        %swap3A_320 = arith.index_cast %swap3A_319 : i32 to index
        %swap3A_321 = arith.constant 96 : index
        %swap3A_322 = tpu.vector_load %arg10[%swap3A_320, %swap3A_321] {strides = array<i32>} : memref<4x128xi32, #tpu.memory_space<vmem>>, vector<1x16xi32>,
        %swap3A_323 = vector.shape_cast %swap3A_322 : vector<1x16xi32> to vector<16xi32>
        %swap3A_324 = vector.shape_cast %add3A_318 : vector<16xi32> to vector<1x16xi32>
        tpu.vector_store %arg10[%swap3A_320, %swap3A_321], %swap3A_324 {strides = array<i32>} : memref<4x128xi32, #tpu.memory_space<vmem>>, vector<1x16xi32>,
        %get3A_325 = arith.constant 1 : i32
        %get3A_326 = arith.index_cast %get3A_325 : i32 to index
        %get3A_327 = arith.constant 112 : index
        %get3A_328 = tpu.vector_load %arg8[%get3A_326, %get3A_327] {strides = array<i32>} : memref<4x128xi32, #tpu.memory_space<vmem>>, vector<1x16xi32>,
        %get3A_329 = vector.shape_cast %get3A_328 : vector<1x16xi32> to vector<16xi32>
        %mul3A_330 = arith.constant 10000 : i32
        %mul3A_331 = arith.muli %add3A_24, %mul3A_330 : i32
        %add3A_332 = vector.broadcast %mul3A_331 : i32 to vector<16xi32>
        %add3A_333 = arith.addi %get3A_329, %add3A_332 : vector<16xi32>
        %swap3A_334 = arith.constant 1 : i32
        %swap3A_335 = arith.index_cast %swap3A_334 : i32 to index
        %swap3A_336 = arith.constant 112 : index
        %swap3A_337 = tpu.vector_load %arg10[%swap3A_335, %swap3A_336] {strides = array<i32>} : memref<4x128xi32, #tpu.memory_space<vmem>>, vector<1x16xi32>,
        %swap3A_338 = vector.shape_cast %swap3A_337 : vector<1x16xi32> to vector<16xi32>
        %swap3A_339 = vector.shape_cast %add3A_333 : vector<16xi32> to vector<1x16xi32>
        tpu.vector_store %arg10[%swap3A_335, %swap3A_336], %swap3A_339 {strides = array<i32>} : memref<4x128xi32, #tpu.memory_space<vmem>>, vector<1x16xi32>,
        %get3A_340 = arith.constant 2 : i32
        %get3A_341 = arith.index_cast %get3A_340 : i32 to index
        %get3A_342 = arith.constant 0 : index
        %get3A_343 = tpu.vector_load %arg8[%get3A_341, %get3A_342] {strides = array<i32>} : memref<4x128xi32, #tpu.memory_space<vmem>>, vector<1x16xi32>,
        %get3A_344 = vector.shape_cast %get3A_343 : vector<1x16xi32> to vector<16xi32>
        %mul3A_345 = arith.constant 10000 : i32
        %mul3A_346 = arith.muli %add3A_24, %mul3A_345 : i32
        %add3A_347 = vector.broadcast %mul3A_346 : i32 to vector<16xi32>
        %add3A_348 = arith.addi %get3A_344, %add3A_347 : vector<16xi32>
        %swap3A_349 = arith.constant 2 : i32
        %swap3A_350 = arith.index_cast %swap3A_349 : i32 to index
        %swap3A_351 = arith.constant 0 : index
        %swap3A_352 = tpu.vector_load %arg10[%swap3A_350, %swap3A_351] {strides = array<i32>} : memref<4x128xi32, #tpu.memory_space<vmem>>, vector<1x16xi32>,
        %swap3A_353 = vector.shape_cast %swap3A_352 : vector<1x16xi32> to vector<16xi32>
        %swap3A_354 = vector.shape_cast %add3A_348 : vector<16xi32> to vector<1x16xi32>
        tpu.vector_store %arg10[%swap3A_350, %swap3A_351], %swap3A_354 {strides = array<i32>} : memref<4x128xi32, #tpu.memory_space<vmem>>, vector<1x16xi32>,
        %get3A_355 = arith.constant 2 : i32
        %get3A_356 = arith.index_cast %get3A_355 : i32 to index
        %get3A_357 = arith.constant 16 : index
        %get3A_358 = tpu.vector_load %arg8[%get3A_356, %get3A_357] {strides = array<i32>} : memref<4x128xi32, #tpu.memory_space<vmem>>, vector<1x16xi32>,
        %get3A_359 = vector.shape_cast %get3A_358 : vector<1x16xi32> to vector<16xi32>
        %mul3A_360 = arith.constant 10000 : i32
        %mul3A_361 = arith.muli %add3A_24, %mul3A_360 : i32
        %add3A_362 = vector.broadcast %mul3A_361 : i32 to vector<16xi32>
        %add3A_363 = arith.addi %get3A_359, %add3A_362 : vector<16xi32>
        %swap3A_364 = arith.constant 2 : i32
        %swap3A_365 = arith.index_cast %swap3A_364 : i32 to index
        %swap3A_366 = arith.constant 16 : index
        %swap3A_367 = tpu.vector_load %arg10[%swap3A_365, %swap3A_366] {strides = array<i32>} : memref<4x128xi32, #tpu.memory_space<vmem>>, vector<1x16xi32>,
        %swap3A_368 = vector.shape_cast %swap3A_367 : vector<1x16xi32> to vector<16xi32>
        %swap3A_369 = vector.shape_cast %add3A_363 : vector<16xi32> to vector<1x16xi32>
        tpu.vector_store %arg10[%swap3A_365, %swap3A_366], %swap3A_369 {strides = array<i32>} : memref<4x128xi32, #tpu.memory_space<vmem>>, vector<1x16xi32>,
        %get3A_370 = arith.constant 2 : i32
        %get3A_371 = arith.index_cast %get3A_370 : i32 to index
        %get3A_372 = arith.constant 32 : index
        %get3A_373 = tpu.vector_load %arg8[%get3A_371, %get3A_372] {strides = array<i32>} : memref<4x128xi32, #tpu.memory_space<vmem>>, vector<1x16xi32>,
        %get3A_374 = vector.shape_cast %get3A_373 : vector<1x16xi32> to vector<16xi32>
        %mul3A_375 = arith.constant 10000 : i32
        %mul3A_376 = arith.muli %add3A_24, %mul3A_375 : i32
        %add3A_377 = vector.broadcast %mul3A_376 : i32 to vector<16xi32>
        %add3A_378 = arith.addi %get3A_374, %add3A_377 : vector<16xi32>
        %swap3A_379 = arith.constant 2 : i32
        %swap3A_380 = arith.index_cast %swap3A_379 : i32 to index
        %swap3A_381 = arith.constant 32 : index
        %swap3A_382 = tpu.vector_load %arg10[%swap3A_380, %swap3A_381] {strides = array<i32>} : memref<4x128xi32, #tpu.memory_space<vmem>>, vector<1x16xi32>,
        %swap3A_383 = vector.shape_cast %swap3A_382 : vector<1x16xi32> to vector<16xi32>
        %swap3A_384 = vector.shape_cast %add3A_378 : vector<16xi32> to vector<1x16xi32>
        tpu.vector_store %arg10[%swap3A_380, %swap3A_381], %swap3A_384 {strides = array<i32>} : memref<4x128xi32, #tpu.memory_space<vmem>>, vector<1x16xi32>,
        %get3A_385 = arith.constant 2 : i32
        %get3A_386 = arith.index_cast %get3A_385 : i32 to index
        %get3A_387 = arith.constant 48 : index
        %get3A_388 = tpu.vector_load %arg8[%get3A_386, %get3A_387] {strides = array<i32>} : memref<4x128xi32, #tpu.memory_space<vmem>>, vector<1x16xi32>,
        %get3A_389 = vector.shape_cast %get3A_388 : vector<1x16xi32> to vector<16xi32>
        %mul3A_390 = arith.constant 10000 : i32
        %mul3A_391 = arith.muli %add3A_24, %mul3A_390 : i32
        %add3A_392 = vector.broadcast %mul3A_391 : i32 to vector<16xi32>
        %add3A_393 = arith.addi %get3A_389, %add3A_392 : vector<16xi32>
        %swap3A_394 = arith.constant 2 : i32
        %swap3A_395 = arith.index_cast %swap3A_394 : i32 to index
        %swap3A_396 = arith.constant 48 : index
        %swap3A_397 = tpu.vector_load %arg10[%swap3A_395, %swap3A_396] {strides = array<i32>} : memref<4x128xi32, #tpu.memory_space<vmem>>, vector<1x16xi32>,
        %swap3A_398 = vector.shape_cast %swap3A_397 : vector<1x16xi32> to vector<16xi32>
        %swap3A_399 = vector.shape_cast %add3A_393 : vector<16xi32> to vector<1x16xi32>
        tpu.vector_store %arg10[%swap3A_395, %swap3A_396], %swap3A_399 {strides = array<i32>} : memref<4x128xi32, #tpu.memory_space<vmem>>, vector<1x16xi32>,
        %get3A_400 = arith.constant 2 : i32
        %get3A_401 = arith.index_cast %get3A_400 : i32 to index
        %get3A_402 = arith.constant 64 : index
        %get3A_403 = tpu.vector_load %arg8[%get3A_401, %get3A_402] {strides = array<i32>} : memref<4x128xi32, #tpu.memory_space<vmem>>, vector<1x16xi32>,
        %get3A_404 = vector.shape_cast %get3A_403 : vector<1x16xi32> to vector<16xi32>
        %mul3A_405 = arith.constant 10000 : i32
        %mul3A_406 = arith.muli %add3A_24, %mul3A_405 : i32
        %add3A_407 = vector.broadcast %mul3A_406 : i32 to vector<16xi32>
        %add3A_408 = arith.addi %get3A_404, %add3A_407 : vector<16xi32>
        %swap3A_409 = arith.constant 2 : i32
        %swap3A_410 = arith.index_cast %swap3A_409 : i32 to index
        %swap3A_411 = arith.constant 64 : index
        %swap3A_412 = tpu.vector_load %arg10[%swap3A_410, %swap3A_411] {strides = array<i32>} : memref<4x128xi32, #tpu.memory_space<vmem>>, vector<1x16xi32>,
        %swap3A_413 = vector.shape_cast %swap3A_412 : vector<1x16xi32> to vector<16xi32>
        %swap3A_414 = vector.shape_cast %add3A_408 : vector<16xi32> to vector<1x16xi32>
        tpu.vector_store %arg10[%swap3A_410, %swap3A_411], %swap3A_414 {strides = array<i32>} : memref<4x128xi32, #tpu.memory_space<vmem>>, vector<1x16xi32>,
        %get3A_415 = arith.constant 2 : i32
        %get3A_416 = arith.index_cast %get3A_415 : i32 to index
        %get3A_417 = arith.constant 80 : index
        %get3A_418 = tpu.vector_load %arg8[%get3A_416, %get3A_417] {strides = array<i32>} : memref<4x128xi32, #tpu.memory_space<vmem>>, vector<1x16xi32>,
        %get3A_419 = vector.shape_cast %get3A_418 : vector<1x16xi32> to vector<16xi32>
        %mul3A_420 = arith.constant 10000 : i32
        %mul3A_421 = arith.muli %add3A_24, %mul3A_420 : i32
        %add3A_422 = vector.broadcast %mul3A_421 : i32 to vector<16xi32>
        %add3A_423 = arith.addi %get3A_419, %add3A_422 : vector<16xi32>
        %swap3A_424 = arith.constant 2 : i32
        %swap3A_425 = arith.index_cast %swap3A_424 : i32 to index
        %swap3A_426 = arith.constant 80 : index
        %swap3A_427 = tpu.vector_load %arg10[%swap3A_425, %swap3A_426] {strides = array<i32>} : memref<4x128xi32, #tpu.memory_space<vmem>>, vector<1x16xi32>,
        %swap3A_428 = vector.shape_cast %swap3A_427 : vector<1x16xi32> to vector<16xi32>
        %swap3A_429 = vector.shape_cast %add3A_423 : vector<16xi32> to vector<1x16xi32>
        tpu.vector_store %arg10[%swap3A_425, %swap3A_426], %swap3A_429 {strides = array<i32>} : memref<4x128xi32, #tpu.memory_space<vmem>>, vector<1x16xi32>,
        %get3A_430 = arith.constant 2 : i32
        %get3A_431 = arith.index_cast %get3A_430 : i32 to index
        %get3A_432 = arith.constant 96 : index
        %get3A_433 = tpu.vector_load %arg8[%get3A_431, %get3A_432] {strides = array<i32>} : memref<4x128xi32, #tpu.memory_space<vmem>>, vector<1x16xi32>,
        %get3A_434 = vector.shape_cast %get3A_433 : vector<1x16xi32> to vector<16xi32>
        %mul3A_435 = arith.constant 10000 : i32
        %mul3A_436 = arith.muli %add3A_24, %mul3A_435 : i32
        %add3A_437 = vector.broadcast %mul3A_436 : i32 to vector<16xi32>
        %add3A_438 = arith.addi %get3A_434, %add3A_437 : vector<16xi32>
        %swap3A_439 = arith.constant 2 : i32
        %swap3A_440 = arith.index_cast %swap3A_439 : i32 to index
        %swap3A_441 = arith.constant 96 : index
        %swap3A_442 = tpu.vector_load %arg10[%swap3A_440, %swap3A_441] {strides = array<i32>} : memref<4x128xi32, #tpu.memory_space<vmem>>, vector<1x16xi32>,
        %swap3A_443 = vector.shape_cast %swap3A_442 : vector<1x16xi32> to vector<16xi32>
        %swap3A_444 = vector.shape_cast %add3A_438 : vector<16xi32> to vector<1x16xi32>
        tpu.vector_store %arg10[%swap3A_440, %swap3A_441], %swap3A_444 {strides = array<i32>} : memref<4x128xi32, #tpu.memory_space<vmem>>, vector<1x16xi32>,
        %get3A_445 = arith.constant 2 : i32
        %get3A_446 = arith.index_cast %get3A_445 : i32 to index
        %get3A_447 = arith.constant 112 : index
        %get3A_448 = tpu.vector_load %arg8[%get3A_446, %get3A_447] {strides = array<i32>} : memref<4x128xi32, #tpu.memory_space<vmem>>, vector<1x16xi32>,
        %get3A_449 = vector.shape_cast %get3A_448 : vector<1x16xi32> to vector<16xi32>
        %mul3A_450 = arith.constant 10000 : i32
        %mul3A_451 = arith.muli %add3A_24, %mul3A_450 : i32
        %add3A_452 = vector.broadcast %mul3A_451 : i32 to vector<16xi32>
        %add3A_453 = arith.addi %get3A_449, %add3A_452 : vector<16xi32>
        %swap3A_454 = arith.constant 2 : i32
        %swap3A_455 = arith.index_cast %swap3A_454 : i32 to index
        %swap3A_456 = arith.constant 112 : index
        %swap3A_457 = tpu.vector_load %arg10[%swap3A_455, %swap3A_456] {strides = array<i32>} : memref<4x128xi32, #tpu.memory_space<vmem>>, vector<1x16xi32>,
        %swap3A_458 = vector.shape_cast %swap3A_457 : vector<1x16xi32> to vector<16xi32>
        %swap3A_459 = vector.shape_cast %add3A_453 : vector<16xi32> to vector<1x16xi32>
        tpu.vector_store %arg10[%swap3A_455, %swap3A_456], %swap3A_459 {strides = array<i32>} : memref<4x128xi32, #tpu.memory_space<vmem>>, vector<1x16xi32>,
        %get3A_460 = arith.constant 3 : i32
        %get3A_461 = arith.index_cast %get3A_460 : i32 to index
        %get3A_462 = arith.constant 0 : index
        %get3A_463 = tpu.vector_load %arg8[%get3A_461, %get3A_462] {strides = array<i32>} : memref<4x128xi32, #tpu.memory_space<vmem>>, vector<1x16xi32>,
        %get3A_464 = vector.shape_cast %get3A_463 : vector<1x16xi32> to vector<16xi32>
        %mul3A_465 = arith.constant 10000 : i32
        %mul3A_466 = arith.muli %add3A_24, %mul3A_465 : i32
        %add3A_467 = vector.broadcast %mul3A_466 : i32 to vector<16xi32>
        %add3A_468 = arith.addi %get3A_464, %add3A_467 : vector<16xi32>
        %swap3A_469 = arith.constant 3 : i32
        %swap3A_470 = arith.index_cast %swap3A_469 : i32 to index
        %swap3A_471 = arith.constant 0 : index
        %swap3A_472 = tpu.vector_load %arg10[%swap3A_470, %swap3A_471] {strides = array<i32>} : memref<4x128xi32, #tpu.memory_space<vmem>>, vector<1x16xi32>,
        %swap3A_473 = vector.shape_cast %swap3A_472 : vector<1x16xi32> to vector<16xi32>
        %swap3A_474 = vector.shape_cast %add3A_468 : vector<16xi32> to vector<1x16xi32>
        tpu.vector_store %arg10[%swap3A_470, %swap3A_471], %swap3A_474 {strides = array<i32>} : memref<4x128xi32, #tpu.memory_space<vmem>>, vector<1x16xi32>,
        %get3A_475 = arith.constant 3 : i32
        %get3A_476 = arith.index_cast %get3A_475 : i32 to index
        %get3A_477 = arith.constant 16 : index
        %get3A_478 = tpu.vector_load %arg8[%get3A_476, %get3A_477] {strides = array<i32>} : memref<4x128xi32, #tpu.memory_space<vmem>>, vector<1x16xi32>,
        %get3A_479 = vector.shape_cast %get3A_478 : vector<1x16xi32> to vector<16xi32>
        %mul3A_480 = arith.constant 10000 : i32
        %mul3A_481 = arith.muli %add3A_24, %mul3A_480 : i32
        %add3A_482 = vector.broadcast %mul3A_481 : i32 to vector<16xi32>
        %add3A_483 = arith.addi %get3A_479, %add3A_482 : vector<16xi32>
        %swap3A_484 = arith.constant 3 : i32
        %swap3A_485 = arith.index_cast %swap3A_484 : i32 to index
        %swap3A_486 = arith.constant 16 : index
        %swap3A_487 = tpu.vector_load %arg10[%swap3A_485, %swap3A_486] {strides = array<i32>} : memref<4x128xi32, #tpu.memory_space<vmem>>, vector<1x16xi32>,
        %swap3A_488 = vector.shape_cast %swap3A_487 : vector<1x16xi32> to vector<16xi32>
        %swap3A_489 = vector.shape_cast %add3A_483 : vector<16xi32> to vector<1x16xi32>
        tpu.vector_store %arg10[%swap3A_485, %swap3A_486], %swap3A_489 {strides = array<i32>} : memref<4x128xi32, #tpu.memory_space<vmem>>, vector<1x16xi32>,
        %get3A_490 = arith.constant 3 : i32
        %get3A_491 = arith.index_cast %get3A_490 : i32 to index
        %get3A_492 = arith.constant 32 : index
        %get3A_493 = tpu.vector_load %arg8[%get3A_491, %get3A_492] {strides = array<i32>} : memref<4x128xi32, #tpu.memory_space<vmem>>, vector<1x16xi32>,
        %get3A_494 = vector.shape_cast %get3A_493 : vector<1x16xi32> to vector<16xi32>
        %mul3A_495 = arith.constant 10000 : i32
        %mul3A_496 = arith.muli %add3A_24, %mul3A_495 : i32
        %add3A_497 = vector.broadcast %mul3A_496 : i32 to vector<16xi32>
        %add3A_498 = arith.addi %get3A_494, %add3A_497 : vector<16xi32>
        %swap3A_499 = arith.constant 3 : i32
        %swap3A_500 = arith.index_cast %swap3A_499 : i32 to index
        %swap3A_501 = arith.constant 32 : index
        %swap3A_502 = tpu.vector_load %arg10[%swap3A_500, %swap3A_501] {strides = array<i32>} : memref<4x128xi32, #tpu.memory_space<vmem>>, vector<1x16xi32>,
        %swap3A_503 = vector.shape_cast %swap3A_502 : vector<1x16xi32> to vector<16xi32>
        %swap3A_504 = vector.shape_cast %add3A_498 : vector<16xi32> to vector<1x16xi32>
        tpu.vector_store %arg10[%swap3A_500, %swap3A_501], %swap3A_504 {strides = array<i32>} : memref<4x128xi32, #tpu.memory_space<vmem>>, vector<1x16xi32>,
        %get3A_505 = arith.constant 3 : i32
        %get3A_506 = arith.index_cast %get3A_505 : i32 to index
        %get3A_507 = arith.constant 48 : index
        %get3A_508 = tpu.vector_load %arg8[%get3A_506, %get3A_507] {strides = array<i32>} : memref<4x128xi32, #tpu.memory_space<vmem>>, vector<1x16xi32>,
        %get3A_509 = vector.shape_cast %get3A_508 : vector<1x16xi32> to vector<16xi32>
        %mul3A_510 = arith.constant 10000 : i32
        %mul3A_511 = arith.muli %add3A_24, %mul3A_510 : i32
        %add3A_512 = vector.broadcast %mul3A_511 : i32 to vector<16xi32>
        %add3A_513 = arith.addi %get3A_509, %add3A_512 : vector<16xi32>
        %swap3A_514 = arith.constant 3 : i32
        %swap3A_515 = arith.index_cast %swap3A_514 : i32 to index
        %swap3A_516 = arith.constant 48 : index
        %swap3A_517 = tpu.vector_load %arg10[%swap3A_515, %swap3A_516] {strides = array<i32>} : memref<4x128xi32, #tpu.memory_space<vmem>>, vector<1x16xi32>,
        %swap3A_518 = vector.shape_cast %swap3A_517 : vector<1x16xi32> to vector<16xi32>
        %swap3A_519 = vector.shape_cast %add3A_513 : vector<16xi32> to vector<1x16xi32>
        tpu.vector_store %arg10[%swap3A_515, %swap3A_516], %swap3A_519 {strides = array<i32>} : memref<4x128xi32, #tpu.memory_space<vmem>>, vector<1x16xi32>,
        %get3A_520 = arith.constant 3 : i32
        %get3A_521 = arith.index_cast %get3A_520 : i32 to index
        %get3A_522 = arith.constant 64 : index
        %get3A_523 = tpu.vector_load %arg8[%get3A_521, %get3A_522] {strides = array<i32>} : memref<4x128xi32, #tpu.memory_space<vmem>>, vector<1x16xi32>,
        %get3A_524 = vector.shape_cast %get3A_523 : vector<1x16xi32> to vector<16xi32>
        %mul3A_525 = arith.constant 10000 : i32
        %mul3A_526 = arith.muli %add3A_24, %mul3A_525 : i32
        %add3A_527 = vector.broadcast %mul3A_526 : i32 to vector<16xi32>
        %add3A_528 = arith.addi %get3A_524, %add3A_527 : vector<16xi32>
        %swap3A_529 = arith.constant 3 : i32
        %swap3A_530 = arith.index_cast %swap3A_529 : i32 to index
        %swap3A_531 = arith.constant 64 : index
        %swap3A_532 = tpu.vector_load %arg10[%swap3A_530, %swap3A_531] {strides = array<i32>} : memref<4x128xi32, #tpu.memory_space<vmem>>, vector<1x16xi32>,
        %swap3A_533 = vector.shape_cast %swap3A_532 : vector<1x16xi32> to vector<16xi32>
        %swap3A_534 = vector.shape_cast %add3A_528 : vector<16xi32> to vector<1x16xi32>
        tpu.vector_store %arg10[%swap3A_530, %swap3A_531], %swap3A_534 {strides = array<i32>} : memref<4x128xi32, #tpu.memory_space<vmem>>, vector<1x16xi32>,
        %get3A_535 = arith.constant 3 : i32
        %get3A_536 = arith.index_cast %get3A_535 : i32 to index
        %get3A_537 = arith.constant 80 : index
        %get3A_538 = tpu.vector_load %arg8[%get3A_536, %get3A_537] {strides = array<i32>} : memref<4x128xi32, #tpu.memory_space<vmem>>, vector<1x16xi32>,
        %get3A_539 = vector.shape_cast %get3A_538 : vector<1x16xi32> to vector<16xi32>
        %mul3A_540 = arith.constant 10000 : i32
        %mul3A_541 = arith.muli %add3A_24, %mul3A_540 : i32
        %add3A_542 = vector.broadcast %mul3A_541 : i32 to vector<16xi32>
        %add3A_543 = arith.addi %get3A_539, %add3A_542 : vector<16xi32>
        %swap3A_544 = arith.constant 3 : i32
        %swap3A_545 = arith.index_cast %swap3A_544 : i32 to index
        %swap3A_546 = arith.constant 80 : index
        %swap3A_547 = tpu.vector_load %arg10[%swap3A_545, %swap3A_546] {strides = array<i32>} : memref<4x128xi32, #tpu.memory_space<vmem>>, vector<1x16xi32>,
        %swap3A_548 = vector.shape_cast %swap3A_547 : vector<1x16xi32> to vector<16xi32>
        %swap3A_549 = vector.shape_cast %add3A_543 : vector<16xi32> to vector<1x16xi32>
        tpu.vector_store %arg10[%swap3A_545, %swap3A_546], %swap3A_549 {strides = array<i32>} : memref<4x128xi32, #tpu.memory_space<vmem>>, vector<1x16xi32>,
        %get3A_550 = arith.constant 3 : i32
        %get3A_551 = arith.index_cast %get3A_550 : i32 to index
        %get3A_552 = arith.constant 96 : index
        %get3A_553 = tpu.vector_load %arg8[%get3A_551, %get3A_552] {strides = array<i32>} : memref<4x128xi32, #tpu.memory_space<vmem>>, vector<1x16xi32>,
        %get3A_554 = vector.shape_cast %get3A_553 : vector<1x16xi32> to vector<16xi32>
        %mul3A_555 = arith.constant 10000 : i32
        %mul3A_556 = arith.muli %add3A_24, %mul3A_555 : i32
        %add3A_557 = vector.broadcast %mul3A_556 : i32 to vector<16xi32>
        %add3A_558 = arith.addi %get3A_554, %add3A_557 : vector<16xi32>
        %swap3A_559 = arith.constant 3 : i32
        %swap3A_560 = arith.index_cast %swap3A_559 : i32 to index
        %swap3A_561 = arith.constant 96 : index
        %swap3A_562 = tpu.vector_load %arg10[%swap3A_560, %swap3A_561] {strides = array<i32>} : memref<4x128xi32, #tpu.memory_space<vmem>>, vector<1x16xi32>,
        %swap3A_563 = vector.shape_cast %swap3A_562 : vector<1x16xi32> to vector<16xi32>
        %swap3A_564 = vector.shape_cast %add3A_558 : vector<16xi32> to vector<1x16xi32>
        tpu.vector_store %arg10[%swap3A_560, %swap3A_561], %swap3A_564 {strides = array<i32>} : memref<4x128xi32, #tpu.memory_space<vmem>>, vector<1x16xi32>,
        %get3A_565 = arith.constant 3 : i32
        %get3A_566 = arith.index_cast %get3A_565 : i32 to index
        %get3A_567 = arith.constant 112 : index
        %get3A_568 = tpu.vector_load %arg8[%get3A_566, %get3A_567] {strides = array<i32>} : memref<4x128xi32, #tpu.memory_space<vmem>>, vector<1x16xi32>,
        %get3A_569 = vector.shape_cast %get3A_568 : vector<1x16xi32> to vector<16xi32>
        %mul3A_570 = arith.constant 10000 : i32
        %mul3A_571 = arith.muli %add3A_24, %mul3A_570 : i32
        %add3A_572 = vector.broadcast %mul3A_571 : i32 to vector<16xi32>
        %add3A_573 = arith.addi %get3A_569, %add3A_572 : vector<16xi32>
        %swap3A_574 = arith.constant 3 : i32
        %swap3A_575 = arith.index_cast %swap3A_574 : i32 to index
        %swap3A_576 = arith.constant 112 : index
        %swap3A_577 = tpu.vector_load %arg10[%swap3A_575, %swap3A_576] {strides = array<i32>} : memref<4x128xi32, #tpu.memory_space<vmem>>, vector<1x16xi32>,
        %swap3A_578 = vector.shape_cast %swap3A_577 : vector<1x16xi32> to vector<16xi32>
        %swap3A_579 = vector.shape_cast %add3A_573 : vector<16xi32> to vector<1x16xi32>
        tpu.vector_store %arg10[%swap3A_575, %swap3A_576], %swap3A_579 {strides = array<i32>} : memref<4x128xi32, #tpu.memory_space<vmem>>, vector<1x16xi32>,
        %dma_start3A = arith.constant 0 : i32
        %dma_start3A_580 = arith.constant 0 : i32
        %dma_start3A_581 = tpu.memref_slice %arg10[%dma_start3A, %dma_start3A_580] : memref<4x128xi32, #tpu.memory_space<vmem>> -> memref<1x128xi32, #tpu.memory_space<vmem>>
        %dma_start3A_582 = tpu.memref_squeeze %dma_start3A_581 : memref<1x128xi32, #tpu.memory_space<vmem>> -> memref<128xi32, #tpu.memory_space<vmem>>
        %dma_start3A_583 = arith.constant 0 : i32
        %dma_start3A_584 = arith.constant 0 : i32
        %dma_start3A_585 = tpu.memref_slice %arg2[%dma_start3A_583, %dma_start3A_584] : memref<80000x128xf32, #tpu.memory_space<hbm>> -> memref<80000x128xf32, #tpu.memory_space<hbm>>
        tpu.enqueue_indirect_dma source(%dma_start3A_585 : memref<80000x128xf32, #tpu.memory_space<hbm>>) target(%arg11 : memref<128x128xf32, #tpu.memory_space<vmem>>) offsets(%dma_start3A_582 : memref<128xi32, #tpu.memory_space<vmem>>) semaphore(%arg14 : memref<!tpu.dma_semaphore, #tpu.memory_space<semaphore_mem>>)
        %dma_start3A_586 = arith.constant 1 : i32
        %dma_start3A_587 = arith.constant 0 : i32
        %dma_start3A_588 = tpu.memref_slice %arg10[%dma_start3A_586, %dma_start3A_587] : memref<4x128xi32, #tpu.memory_space<vmem>> -> memref<1x128xi32, #tpu.memory_space<vmem>>
        %dma_start3A_589 = tpu.memref_squeeze %dma_start3A_588 : memref<1x128xi32, #tpu.memory_space<vmem>> -> memref<128xi32, #tpu.memory_space<vmem>>
        %dma_start3A_590 = arith.constant 0 : i32
        %dma_start3A_591 = arith.constant 0 : i32
        %dma_start3A_592 = tpu.memref_slice %arg2[%dma_start3A_590, %dma_start3A_591] : memref<80000x128xf32, #tpu.memory_space<hbm>> -> memref<80000x128xf32, #tpu.memory_space<hbm>>
        tpu.enqueue_indirect_dma source(%dma_start3A_592 : memref<80000x128xf32, #tpu.memory_space<hbm>>) target(%arg12 : memref<128x128xf32, #tpu.memory_space<vmem>>) offsets(%dma_start3A_589 : memref<128xi32, #tpu.memory_space<vmem>>) semaphore(%arg15 : memref<!tpu.dma_semaphore, #tpu.memory_space<semaphore_mem>>)
        %dma_wait3A = arith.constant 0 : i32
        %dma_wait3A_593 = arith.constant 0 : i32
        %dma_wait3A_594 = tpu.memref_slice %arg10[%dma_wait3A, %dma_wait3A_593] : memref<4x128xi32, #tpu.memory_space<vmem>> -> memref<1x128xi32, #tpu.memory_space<vmem>>
        %dma_wait3A_595 = tpu.memref_squeeze %dma_wait3A_594 : memref<1x128xi32, #tpu.memory_space<vmem>> -> memref<128xi32, #tpu.memory_space<vmem>>
        %dma_wait3A_596 = arith.constant 0 : i32
        %dma_wait3A_597 = arith.constant 0 : i32
        %dma_wait3A_598 = tpu.memref_slice %arg2[%dma_wait3A_596, %dma_wait3A_597] : memref<80000x128xf32, #tpu.memory_space<hbm>> -> memref<80000x128xf32, #tpu.memory_space<hbm>>
        tpu.wait_indirect_dma semaphore(%arg14 : memref<!tpu.dma_semaphore, #tpu.memory_space<semaphore_mem>>) src(%dma_wait3A_598 : memref<80000x128xf32, #tpu.memory_space<hbm>>) dst(%arg11 : memref<128x128xf32, #tpu.memory_space<vmem>>)
        %run_scoped3A = arith.constant 0 : i32
        "tpu.region"() ({
          %run_scoped3A_637 = tpu.sem_alloc : memref<!tpu.dma_semaphore, #tpu.memory_space<semaphore_mem>>
          %dma_start3A_638 = arith.constant 0 : i32
          %dma_start3A_639 = tpu.memref_slice %arg9[%run_scoped3A, %dma_start3A_638] : memref<4x128xi32, #tpu.memory_space<vmem>> -> memref<1x128xi32, #tpu.memory_space<vmem>>
          %dma_start3A_640 = tpu.memref_squeeze %dma_start3A_639 : memref<1x128xi32, #tpu.memory_space<vmem>> -> memref<128xi32, #tpu.memory_space<vmem>>
          %dma_start3A_641 = arith.constant 0 : i32
          %dma_start3A_642 = arith.constant 0 : i32
          %dma_start3A_643 = tpu.memref_slice %arg7[%dma_start3A_641, %dma_start3A_642] : memref<10000x128xf32, #tpu.memory_space<vmem_shared>> -> memref<10000x128xf32, #tpu.memory_space<vmem_shared>>
          tpu.enqueue_indirect_dma source(%arg11 : memref<128x128xf32, #tpu.memory_space<vmem>>) target(%dma_start3A_643 : memref<10000x128xf32, #tpu.memory_space<vmem_shared>>) offsets(%dma_start3A_640 : memref<128xi32, #tpu.memory_space<vmem>>) semaphore(%run_scoped3A_637 : memref<!tpu.dma_semaphore, #tpu.memory_space<semaphore_mem>>) {add = true}
          %dma_wait3A_644 = arith.constant 0 : i32
          %dma_wait3A_645 = tpu.memref_slice %arg9[%run_scoped3A, %dma_wait3A_644] : memref<4x128xi32, #tpu.memory_space<vmem>> -> memref<1x128xi32, #tpu.memory_space<vmem>>
          %dma_wait3A_646 = tpu.memref_squeeze %dma_wait3A_645 : memref<1x128xi32, #tpu.memory_space<vmem>> -> memref<128xi32, #tpu.memory_space<vmem>>
          %dma_wait3A_647 = arith.constant 0 : i32
          %dma_wait3A_648 = arith.constant 0 : i32
          %dma_wait3A_649 = tpu.memref_slice %arg7[%dma_wait3A_647, %dma_wait3A_648] : memref<10000x128xf32, #tpu.memory_space<vmem_shared>> -> memref<10000x128xf32, #tpu.memory_space<vmem_shared>>
          tpu.wait_indirect_dma semaphore(%run_scoped3A_637 : memref<!tpu.dma_semaphore, #tpu.memory_space<semaphore_mem>>) src(%arg11 : memref<128x128xf32, #tpu.memory_space<vmem>>) dst(%dma_wait3A_649 : memref<10000x128xf32, #tpu.memory_space<vmem_shared>>)
          tpu.yield
        }) : () -> ()
        %dma_start3A_599 = arith.constant 2 : i32
        %dma_start3A_600 = arith.constant 0 : i32
        %dma_start3A_601 = tpu.memref_slice %arg10[%dma_start3A_599, %dma_start3A_600] : memref<4x128xi32, #tpu.memory_space<vmem>> -> memref<1x128xi32, #tpu.memory_space<vmem>>
        %dma_start3A_602 = tpu.memref_squeeze %dma_start3A_601 : memref<1x128xi32, #tpu.memory_space<vmem>> -> memref<128xi32, #tpu.memory_space<vmem>>
        %dma_start3A_603 = arith.constant 0 : i32
        %dma_start3A_604 = arith.constant 0 : i32
        %dma_start3A_605 = tpu.memref_slice %arg2[%dma_start3A_603, %dma_start3A_604] : memref<80000x128xf32, #tpu.memory_space<hbm>> -> memref<80000x128xf32, #tpu.memory_space<hbm>>
        tpu.enqueue_indirect_dma source(%dma_start3A_605 : memref<80000x128xf32, #tpu.memory_space<hbm>>) target(%arg11 : memref<128x128xf32, #tpu.memory_space<vmem>>) offsets(%dma_start3A_602 : memref<128xi32, #tpu.memory_space<vmem>>) semaphore(%arg14 : memref<!tpu.dma_semaphore, #tpu.memory_space<semaphore_mem>>)
        %dma_wait3A_606 = arith.constant 1 : i32
        %dma_wait3A_607 = arith.constant 0 : i32
        %dma_wait3A_608 = tpu.memref_slice %arg10[%dma_wait3A_606, %dma_wait3A_607] : memref<4x128xi32, #tpu.memory_space<vmem>> -> memref<1x128xi32, #tpu.memory_space<vmem>>
        %dma_wait3A_609 = tpu.memref_squeeze %dma_wait3A_608 : memref<1x128xi32, #tpu.memory_space<vmem>> -> memref<128xi32, #tpu.memory_space<vmem>>
        %dma_wait3A_610 = arith.constant 0 : i32
        %dma_wait3A_611 = arith.constant 0 : i32
        %dma_wait3A_612 = tpu.memref_slice %arg2[%dma_wait3A_610, %dma_wait3A_611] : memref<80000x128xf32, #tpu.memory_space<hbm>> -> memref<80000x128xf32, #tpu.memory_space<hbm>>
        tpu.wait_indirect_dma semaphore(%arg15 : memref<!tpu.dma_semaphore, #tpu.memory_space<semaphore_mem>>) src(%dma_wait3A_612 : memref<80000x128xf32, #tpu.memory_space<hbm>>) dst(%arg12 : memref<128x128xf32, #tpu.memory_space<vmem>>)
        %run_scoped3A_613 = arith.constant 1 : i32
        "tpu.region"() ({
          %run_scoped3A_637 = tpu.sem_alloc : memref<!tpu.dma_semaphore, #tpu.memory_space<semaphore_mem>>
          %dma_start3A_638 = arith.constant 0 : i32
          %dma_start3A_639 = tpu.memref_slice %arg9[%run_scoped3A_613, %dma_start3A_638] : memref<4x128xi32, #tpu.memory_space<vmem>> -> memref<1x128xi32, #tpu.memory_space<vmem>>
          %dma_start3A_640 = tpu.memref_squeeze %dma_start3A_639 : memref<1x128xi32, #tpu.memory_space<vmem>> -> memref<128xi32, #tpu.memory_space<vmem>>
          %dma_start3A_641 = arith.constant 0 : i32
          %dma_start3A_642 = arith.constant 0 : i32
          %dma_start3A_643 = tpu.memref_slice %arg7[%dma_start3A_641, %dma_start3A_642] : memref<10000x128xf32, #tpu.memory_space<vmem_shared>> -> memref<10000x128xf32, #tpu.memory_space<vmem_shared>>
          tpu.enqueue_indirect_dma source(%arg12 : memref<128x128xf32, #tpu.memory_space<vmem>>) target(%dma_start3A_643 : memref<10000x128xf32, #tpu.memory_space<vmem_shared>>) offsets(%dma_start3A_640 : memref<128xi32, #tpu.memory_space<vmem>>) semaphore(%run_scoped3A_637 : memref<!tpu.dma_semaphore, #tpu.memory_space<semaphore_mem>>) {add = true}
          %dma_wait3A_644 = arith.constant 0 : i32
          %dma_wait3A_645 = tpu.memref_slice %arg9[%run_scoped3A_613, %dma_wait3A_644] : memref<4x128xi32, #tpu.memory_space<vmem>> -> memref<1x128xi32, #tpu.memory_space<vmem>>
          %dma_wait3A_646 = tpu.memref_squeeze %dma_wait3A_645 : memref<1x128xi32, #tpu.memory_space<vmem>> -> memref<128xi32, #tpu.memory_space<vmem>>
          %dma_wait3A_647 = arith.constant 0 : i32
          %dma_wait3A_648 = arith.constant 0 : i32
          %dma_wait3A_649 = tpu.memref_slice %arg7[%dma_wait3A_647, %dma_wait3A_648] : memref<10000x128xf32, #tpu.memory_space<vmem_shared>> -> memref<10000x128xf32, #tpu.memory_space<vmem_shared>>
          tpu.wait_indirect_dma semaphore(%run_scoped3A_637 : memref<!tpu.dma_semaphore, #tpu.memory_space<semaphore_mem>>) src(%arg12 : memref<128x128xf32, #tpu.memory_space<vmem>>) dst(%dma_wait3A_649 : memref<10000x128xf32, #tpu.memory_space<vmem_shared>>)
          tpu.yield
        }) : () -> ()
        %dma_start3A_614 = arith.constant 3 : i32
        %dma_start3A_615 = arith.constant 0 : i32
        %dma_start3A_616 = tpu.memref_slice %arg10[%dma_start3A_614, %dma_start3A_615] : memref<4x128xi32, #tpu.memory_space<vmem>> -> memref<1x128xi32, #tpu.memory_space<vmem>>
        %dma_start3A_617 = tpu.memref_squeeze %dma_start3A_616 : memref<1x128xi32, #tpu.memory_space<vmem>> -> memref<128xi32, #tpu.memory_space<vmem>>
        %dma_start3A_618 = arith.constant 0 : i32
        %dma_start3A_619 = arith.constant 0 : i32
        %dma_start3A_620 = tpu.memref_slice %arg2[%dma_start3A_618, %dma_start3A_619] : memref<80000x128xf32, #tpu.memory_space<hbm>> -> memref<80000x128xf32, #tpu.memory_space<hbm>>
        tpu.enqueue_indirect_dma source(%dma_start3A_620 : memref<80000x128xf32, #tpu.memory_space<hbm>>) target(%arg12 : memref<128x128xf32, #tpu.memory_space<vmem>>) offsets(%dma_start3A_617 : memref<128xi32, #tpu.memory_space<vmem>>) semaphore(%arg15 : memref<!tpu.dma_semaphore, #tpu.memory_space<semaphore_mem>>)
        %dma_wait3A_621 = arith.constant 2 : i32
        %dma_wait3A_622 = arith.constant 0 : i32
        %dma_wait3A_623 = tpu.memref_slice %arg10[%dma_wait3A_621, %dma_wait3A_622] : memref<4x128xi32, #tpu.memory_space<vmem>> -> memref<1x128xi32, #tpu.memory_space<vmem>>
        %dma_wait3A_624 = tpu.memref_squeeze %dma_wait3A_623 : memref<1x128xi32, #tpu.memory_space<vmem>> -> memref<128xi32, #tpu.memory_space<vmem>>
        %dma_wait3A_625 = arith.constant 0 : i32
        %dma_wait3A_626 = arith.constant 0 : i32
        %dma_wait3A_627 = tpu.memref_slice %arg2[%dma_wait3A_625, %dma_wait3A_626] : memref<80000x128xf32, #tpu.memory_space<hbm>> -> memref<80000x128xf32, #tpu.memory_space<hbm>>
        tpu.wait_indirect_dma semaphore(%arg14 : memref<!tpu.dma_semaphore, #tpu.memory_space<semaphore_mem>>) src(%dma_wait3A_627 : memref<80000x128xf32, #tpu.memory_space<hbm>>) dst(%arg11 : memref<128x128xf32, #tpu.memory_space<vmem>>)
        %run_scoped3A_628 = arith.constant 2 : i32
        "tpu.region"() ({
          %run_scoped3A_637 = tpu.sem_alloc : memref<!tpu.dma_semaphore, #tpu.memory_space<semaphore_mem>>
          %dma_start3A_638 = arith.constant 0 : i32
          %dma_start3A_639 = tpu.memref_slice %arg9[%run_scoped3A_628, %dma_start3A_638] : memref<4x128xi32, #tpu.memory_space<vmem>> -> memref<1x128xi32, #tpu.memory_space<vmem>>
          %dma_start3A_640 = tpu.memref_squeeze %dma_start3A_639 : memref<1x128xi32, #tpu.memory_space<vmem>> -> memref<128xi32, #tpu.memory_space<vmem>>
          %dma_start3A_641 = arith.constant 0 : i32
          %dma_start3A_642 = arith.constant 0 : i32
          %dma_start3A_643 = tpu.memref_slice %arg7[%dma_start3A_641, %dma_start3A_642] : memref<10000x128xf32, #tpu.memory_space<vmem_shared>> -> memref<10000x128xf32, #tpu.memory_space<vmem_shared>>
          tpu.enqueue_indirect_dma source(%arg11 : memref<128x128xf32, #tpu.memory_space<vmem>>) target(%dma_start3A_643 : memref<10000x128xf32, #tpu.memory_space<vmem_shared>>) offsets(%dma_start3A_640 : memref<128xi32, #tpu.memory_space<vmem>>) semaphore(%run_scoped3A_637 : memref<!tpu.dma_semaphore, #tpu.memory_space<semaphore_mem>>) {add = true}
          %dma_wait3A_644 = arith.constant 0 : i32
          %dma_wait3A_645 = tpu.memref_slice %arg9[%run_scoped3A_628, %dma_wait3A_644] : memref<4x128xi32, #tpu.memory_space<vmem>> -> memref<1x128xi32, #tpu.memory_space<vmem>>
          %dma_wait3A_646 = tpu.memref_squeeze %dma_wait3A_645 : memref<1x128xi32, #tpu.memory_space<vmem>> -> memref<128xi32, #tpu.memory_space<vmem>>
          %dma_wait3A_647 = arith.constant 0 : i32
          %dma_wait3A_648 = arith.constant 0 : i32
          %dma_wait3A_649 = tpu.memref_slice %arg7[%dma_wait3A_647, %dma_wait3A_648] : memref<10000x128xf32, #tpu.memory_space<vmem_shared>> -> memref<10000x128xf32, #tpu.memory_space<vmem_shared>>
          tpu.wait_indirect_dma semaphore(%run_scoped3A_637 : memref<!tpu.dma_semaphore, #tpu.memory_space<semaphore_mem>>) src(%arg11 : memref<128x128xf32, #tpu.memory_space<vmem>>) dst(%dma_wait3A_649 : memref<10000x128xf32, #tpu.memory_space<vmem_shared>>)
          tpu.yield
        }) : () -> ()
        %dma_wait3A_629 = arith.constant 3 : i32
        %dma_wait3A_630 = arith.constant 0 : i32
        %dma_wait3A_631 = tpu.memref_slice %arg10[%dma_wait3A_629, %dma_wait3A_630] : memref<4x128xi32, #tpu.memory_space<vmem>> -> memref<1x128xi32, #tpu.memory_space<vmem>>
        %dma_wait3A_632 = tpu.memref_squeeze %dma_wait3A_631 : memref<1x128xi32, #tpu.memory_space<vmem>> -> memref<128xi32, #tpu.memory_space<vmem>>
        %dma_wait3A_633 = arith.constant 0 : i32
        %dma_wait3A_634 = arith.constant 0 : i32
        %dma_wait3A_635 = tpu.memref_slice %arg2[%dma_wait3A_633, %dma_wait3A_634] : memref<80000x128xf32, #tpu.memory_space<hbm>> -> memref<80000x128xf32, #tpu.memory_space<hbm>>
        tpu.wait_indirect_dma semaphore(%arg15 : memref<!tpu.dma_semaphore, #tpu.memory_space<semaphore_mem>>) src(%dma_wait3A_635 : memref<80000x128xf32, #tpu.memory_space<hbm>>) dst(%arg12 : memref<128x128xf32, #tpu.memory_space<vmem>>)
        %run_scoped3A_636 = arith.constant 3 : i32
        "tpu.region"() ({
          %run_scoped3A_637 = tpu.sem_alloc : memref<!tpu.dma_semaphore, #tpu.memory_space<semaphore_mem>>
          %dma_start3A_638 = arith.constant 0 : i32
          %dma_start3A_639 = tpu.memref_slice %arg9[%run_scoped3A_636, %dma_start3A_638] : memref<4x128xi32, #tpu.memory_space<vmem>> -> memref<1x128xi32, #tpu.memory_space<vmem>>
          %dma_start3A_640 = tpu.memref_squeeze %dma_start3A_639 : memref<1x128xi32, #tpu.memory_space<vmem>> -> memref<128xi32, #tpu.memory_space<vmem>>
          %dma_start3A_641 = arith.constant 0 : i32
          %dma_start3A_642 = arith.constant 0 : i32
          %dma_start3A_643 = tpu.memref_slice %arg7[%dma_start3A_641, %dma_start3A_642] : memref<10000x128xf32, #tpu.memory_space<vmem_shared>> -> memref<10000x128xf32, #tpu.memory_space<vmem_shared>>
          tpu.enqueue_indirect_dma source(%arg12 : memref<128x128xf32, #tpu.memory_space<vmem>>) target(%dma_start3A_643 : memref<10000x128xf32, #tpu.memory_space<vmem_shared>>) offsets(%dma_start3A_640 : memref<128xi32, #tpu.memory_space<vmem>>) semaphore(%run_scoped3A_637 : memref<!tpu.dma_semaphore, #tpu.memory_space<semaphore_mem>>) {add = true}
          %dma_wait3A_644 = arith.constant 0 : i32
          %dma_wait3A_645 = tpu.memref_slice %arg9[%run_scoped3A_636, %dma_wait3A_644] : memref<4x128xi32, #tpu.memory_space<vmem>> -> memref<1x128xi32, #tpu.memory_space<vmem>>
          %dma_wait3A_646 = tpu.memref_squeeze %dma_wait3A_645 : memref<1x128xi32, #tpu.memory_space<vmem>> -> memref<128xi32, #tpu.memory_space<vmem>>
          %dma_wait3A_647 = arith.constant 0 : i32
          %dma_wait3A_648 = arith.constant 0 : i32
          %dma_wait3A_649 = tpu.memref_slice %arg7[%dma_wait3A_647, %dma_wait3A_648] : memref<10000x128xf32, #tpu.memory_space<vmem_shared>> -> memref<10000x128xf32, #tpu.memory_space<vmem_shared>>
          tpu.wait_indirect_dma semaphore(%run_scoped3A_637 : memref<!tpu.dma_semaphore, #tpu.memory_space<semaphore_mem>>) src(%arg12 : memref<128x128xf32, #tpu.memory_space<vmem>>) dst(%dma_wait3A_649 : memref<10000x128xf32, #tpu.memory_space<vmem_shared>>)
          tpu.yield
        }) : () -> ()
      } else {
      }
    }
    %scan3A_37 = arith.constant 40 : i32
    %barrier3A_38 = arith.constant 0 : index
    tpu.barrier barrier_id(%barrier3A_38)
    %scan3A_39 = arith.constant 0 : i32
    %scan3A_40 = arith.constant 0 : i32
    %scan3A_41 = arith.constant 5 : i32
    %scan3A_42 = arith.addi %scan3A_40, %scan3A_41 : i32
    %scan3A_43 = arith.constant 1 : i32
    scf.for %scan3A_96 = %scan3A_40 to %scan3A_42 step %scan3A_43  : i32 {
      %mul3A_97 = arith.constant 16 : i32
      %mul3A_98 = arith.muli %scan3A_96, %mul3A_97 : i32
      %add3A_99 = arith.addi %arg1, %mul3A_98 : i32
      %lt3A = arith.constant 79 : i32
      %lt3A_100 = arith.cmpi slt, %add3A_99, %lt3A : i32
      %convert_element_type3A = arith.extui %lt3A_100 : i1 to i32
      %cond3A = arith.constant 0 : i32
      %cond3A_101 = arith.cmpi ne, %convert_element_type3A, %cond3A : i32
      scf.if %cond3A_101 {
        %mul3A_102 = arith.constant 128 : i32
        %mul3A_103 = arith.muli %add3A_99, %mul3A_102 : i32
        %min3A = arith.constant 9872 : i32
        %min3A_104 = arith.minsi %mul3A_103, %min3A : i32
        %iota3A = tpu.iota {dimensions = array<i32: 0>} : vector<16xi32>
        %add3A_105 = arith.constant 0 : i32
        %add3A_106 = arith.addi %min3A_104, %add3A_105 : i32
        %add3A_107 = vector.broadcast %add3A_106 : i32 to vector<16xi32>
        %add3A_108 = arith.addi %iota3A, %add3A_107 : vector<16xi32>
        %swap3A = arith.constant 0 : index
        %swap3A_109 = tpu.vector_load %arg13[%swap3A] {strides = array<i32>} : memref<128xi32, #tpu.memory_space<vmem>>, vector<16xi32>,
        %swap3A_110 = vector.shape_cast %swap3A_109 : vector<16xi32> to vector<16xi32>
        %swap3A_111 = vector.shape_cast %add3A_108 : vector<16xi32> to vector<16xi32>
        tpu.vector_store %arg13[%swap3A], %swap3A_111 {strides = array<i32>} : memref<128xi32, #tpu.memory_space<vmem>>, vector<16xi32>,
        %iota3A_112 = tpu.iota {dimensions = array<i32: 0>} : vector<16xi32>
        %add3A_113 = arith.constant 16 : i32
        %add3A_114 = arith.addi %min3A_104, %add3A_113 : i32
        %add3A_115 = vector.broadcast %add3A_114 : i32 to vector<16xi32>
        %add3A_116 = arith.addi %iota3A_112, %add3A_115 : vector<16xi32>
        %swap3A_117 = arith.constant 16 : index
        %swap3A_118 = tpu.vector_load %arg13[%swap3A_117] {strides = array<i32>} : memref<128xi32, #tpu.memory_space<vmem>>, vector<16xi32>,
        %swap3A_119 = vector.shape_cast %swap3A_118 : vector<16xi32> to vector<16xi32>
        %swap3A_120 = vector.shape_cast %add3A_116 : vector<16xi32> to vector<16xi32>
        tpu.vector_store %arg13[%swap3A_117], %swap3A_120 {strides = array<i32>} : memref<128xi32, #tpu.memory_space<vmem>>, vector<16xi32>,
        %iota3A_121 = tpu.iota {dimensions = array<i32: 0>} : vector<16xi32>
        %add3A_122 = arith.constant 32 : i32
        %add3A_123 = arith.addi %min3A_104, %add3A_122 : i32
        %add3A_124 = vector.broadcast %add3A_123 : i32 to vector<16xi32>
        %add3A_125 = arith.addi %iota3A_121, %add3A_124 : vector<16xi32>
        %swap3A_126 = arith.constant 32 : index
        %swap3A_127 = tpu.vector_load %arg13[%swap3A_126] {strides = array<i32>} : memref<128xi32, #tpu.memory_space<vmem>>, vector<16xi32>,
        %swap3A_128 = vector.shape_cast %swap3A_127 : vector<16xi32> to vector<16xi32>
        %swap3A_129 = vector.shape_cast %add3A_125 : vector<16xi32> to vector<16xi32>
        tpu.vector_store %arg13[%swap3A_126], %swap3A_129 {strides = array<i32>} : memref<128xi32, #tpu.memory_space<vmem>>, vector<16xi32>,
        %iota3A_130 = tpu.iota {dimensions = array<i32: 0>} : vector<16xi32>
        %add3A_131 = arith.constant 48 : i32
        %add3A_132 = arith.addi %min3A_104, %add3A_131 : i32
        %add3A_133 = vector.broadcast %add3A_132 : i32 to vector<16xi32>
        %add3A_134 = arith.addi %iota3A_130, %add3A_133 : vector<16xi32>
        %swap3A_135 = arith.constant 48 : index
        %swap3A_136 = tpu.vector_load %arg13[%swap3A_135] {strides = array<i32>} : memref<128xi32, #tpu.memory_space<vmem>>, vector<16xi32>,
        %swap3A_137 = vector.shape_cast %swap3A_136 : vector<16xi32> to vector<16xi32>
        %swap3A_138 = vector.shape_cast %add3A_134 : vector<16xi32> to vector<16xi32>
        tpu.vector_store %arg13[%swap3A_135], %swap3A_138 {strides = array<i32>} : memref<128xi32, #tpu.memory_space<vmem>>, vector<16xi32>,
        %iota3A_139 = tpu.iota {dimensions = array<i32: 0>} : vector<16xi32>
        %add3A_140 = arith.constant 64 : i32
        %add3A_141 = arith.addi %min3A_104, %add3A_140 : i32
        %add3A_142 = vector.broadcast %add3A_141 : i32 to vector<16xi32>
        %add3A_143 = arith.addi %iota3A_139, %add3A_142 : vector<16xi32>
        %swap3A_144 = arith.constant 64 : index
        %swap3A_145 = tpu.vector_load %arg13[%swap3A_144] {strides = array<i32>} : memref<128xi32, #tpu.memory_space<vmem>>, vector<16xi32>,
        %swap3A_146 = vector.shape_cast %swap3A_145 : vector<16xi32> to vector<16xi32>
        %swap3A_147 = vector.shape_cast %add3A_143 : vector<16xi32> to vector<16xi32>
        tpu.vector_store %arg13[%swap3A_144], %swap3A_147 {strides = array<i32>} : memref<128xi32, #tpu.memory_space<vmem>>, vector<16xi32>,
        %iota3A_148 = tpu.iota {dimensions = array<i32: 0>} : vector<16xi32>
        %add3A_149 = arith.constant 80 : i32
        %add3A_150 = arith.addi %min3A_104, %add3A_149 : i32
        %add3A_151 = vector.broadcast %add3A_150 : i32 to vector<16xi32>
        %add3A_152 = arith.addi %iota3A_148, %add3A_151 : vector<16xi32>
        %swap3A_153 = arith.constant 80 : index
        %swap3A_154 = tpu.vector_load %arg13[%swap3A_153] {strides = array<i32>} : memref<128xi32, #tpu.memory_space<vmem>>, vector<16xi32>,
        %swap3A_155 = vector.shape_cast %swap3A_154 : vector<16xi32> to vector<16xi32>
        %swap3A_156 = vector.shape_cast %add3A_152 : vector<16xi32> to vector<16xi32>
        tpu.vector_store %arg13[%swap3A_153], %swap3A_156 {strides = array<i32>} : memref<128xi32, #tpu.memory_space<vmem>>, vector<16xi32>,
        %iota3A_157 = tpu.iota {dimensions = array<i32: 0>} : vector<16xi32>
        %add3A_158 = arith.constant 96 : i32
        %add3A_159 = arith.addi %min3A_104, %add3A_158 : i32
        %add3A_160 = vector.broadcast %add3A_159 : i32 to vector<16xi32>
        %add3A_161 = arith.addi %iota3A_157, %add3A_160 : vector<16xi32>
        %swap3A_162 = arith.constant 96 : index
        %swap3A_163 = tpu.vector_load %arg13[%swap3A_162] {strides = array<i32>} : memref<128xi32, #tpu.memory_space<vmem>>, vector<16xi32>,
        %swap3A_164 = vector.shape_cast %swap3A_163 : vector<16xi32> to vector<16xi32>
        %swap3A_165 = vector.shape_cast %add3A_161 : vector<16xi32> to vector<16xi32>
        tpu.vector_store %arg13[%swap3A_162], %swap3A_165 {strides = array<i32>} : memref<128xi32, #tpu.memory_space<vmem>>, vector<16xi32>,
        %iota3A_166 = tpu.iota {dimensions = array<i32: 0>} : vector<16xi32>
        %add3A_167 = arith.constant 112 : i32
        %add3A_168 = arith.addi %min3A_104, %add3A_167 : i32
        %add3A_169 = vector.broadcast %add3A_168 : i32 to vector<16xi32>
        %add3A_170 = arith.addi %iota3A_166, %add3A_169 : vector<16xi32>
        %swap3A_171 = arith.constant 112 : index
        %swap3A_172 = tpu.vector_load %arg13[%swap3A_171] {strides = array<i32>} : memref<128xi32, #tpu.memory_space<vmem>>, vector<16xi32>,
        %swap3A_173 = vector.shape_cast %swap3A_172 : vector<16xi32> to vector<16xi32>
        %swap3A_174 = vector.shape_cast %add3A_170 : vector<16xi32> to vector<16xi32>
        tpu.vector_store %arg13[%swap3A_171], %swap3A_174 {strides = array<i32>} : memref<128xi32, #tpu.memory_space<vmem>>, vector<16xi32>,
        "tpu.region"() ({
          %run_scoped3A = tpu.sem_alloc : memref<!tpu.dma_semaphore, #tpu.memory_space<semaphore_mem>>
          %dma_start3A = arith.constant 0 : i32
          %dma_start3A_178 = arith.constant 0 : i32
          %dma_start3A_179 = tpu.memref_slice %arg7[%dma_start3A, %dma_start3A_178] : memref<10000x128xf32, #tpu.memory_space<vmem_shared>> -> memref<10000x128xf32, #tpu.memory_space<vmem_shared>>
          tpu.enqueue_indirect_dma source(%dma_start3A_179 : memref<10000x128xf32, #tpu.memory_space<vmem_shared>>) target(%arg11 : memref<128x128xf32, #tpu.memory_space<vmem>>) offsets(%arg13 : memref<128xi32, #tpu.memory_space<vmem>>) semaphore(%run_scoped3A : memref<!tpu.dma_semaphore, #tpu.memory_space<semaphore_mem>>)
          %dma_wait3A = arith.constant 0 : i32
          %dma_wait3A_180 = arith.constant 0 : i32
          %dma_wait3A_181 = tpu.memref_slice %arg7[%dma_wait3A, %dma_wait3A_180] : memref<10000x128xf32, #tpu.memory_space<vmem_shared>> -> memref<10000x128xf32, #tpu.memory_space<vmem_shared>>
          tpu.wait_indirect_dma semaphore(%run_scoped3A : memref<!tpu.dma_semaphore, #tpu.memory_space<semaphore_mem>>) src(%dma_wait3A_181 : memref<10000x128xf32, #tpu.memory_space<vmem_shared>>) dst(%arg11 : memref<128x128xf32, #tpu.memory_space<vmem>>)
          tpu.yield
        }) : () -> ()
        %mul3A_175 = arith.constant 10000 : i32
        %mul3A_176 = arith.muli %add3A_24, %mul3A_175 : i32
        %add3A_177 = arith.addi %mul3A_176, %min3A_104 : i32
        "tpu.region"() ({
          %run_scoped3A = tpu.sem_alloc : memref<!tpu.dma_semaphore, #tpu.memory_space<semaphore_mem>>
          %dma_start3A = arith.constant 0 : i32
          %dma_start3A_178 = tpu.memref_slice %arg6[%add3A_177, %dma_start3A] : memref<80000x128xf32, #tpu.memory_space<hbm>> -> memref<128x128xf32, #tpu.memory_space<hbm>>
          %dma_start3A_179 = arith.constant 0 : i32
          %dma_start3A_180 = tpu.memref_slice %arg6[%add3A_177, %dma_start3A_179] : memref<80000x128xf32, #tpu.memory_space<hbm>> -> memref<128x128xf32, #tpu.memory_space<hbm>>
          tpu.enqueue_dma source(%arg11 : memref<128x128xf32, #tpu.memory_space<vmem>>) target(%dma_start3A_180 : memref<128x128xf32, #tpu.memory_space<hbm>>) target_semaphore(%run_scoped3A : memref<!tpu.dma_semaphore, #tpu.memory_space<semaphore_mem>>)
          %dma_wait3A = arith.constant 0 : i32
          %dma_wait3A_181 = tpu.memref_slice %arg6[%add3A_177, %dma_wait3A] : memref<80000x128xf32, #tpu.memory_space<hbm>> -> memref<128x128xf32, #tpu.memory_space<hbm>>
          %dma_wait3A_182 = arith.constant 0 : i32
          %dma_wait3A_183 = tpu.memref_slice %arg6[%add3A_177, %dma_wait3A_182] : memref<80000x128xf32, #tpu.memory_space<hbm>> -> memref<128x128xf32, #tpu.memory_space<hbm>>
          tpu.wait_dma2 semaphore(%run_scoped3A : memref<!tpu.dma_semaphore, #tpu.memory_space<semaphore_mem>>) src(%arg11 : memref<128x128xf32, #tpu.memory_space<vmem>>) dst(%dma_wait3A_183 : memref<128x128xf32, #tpu.memory_space<hbm>>)
          tpu.yield
        }) : () -> ()
      } else {
      }
    }
    %scan3A_44 = arith.constant 5 : i32
    %barrier3A_45 = arith.constant 0 : index
    tpu.barrier barrier_id(%barrier3A_45)
    %mul3A_46 = arith.constant 4 : i32
    %mul3A_47 = arith.muli %arg0, %mul3A_46 : i32
    %add3A_48 = arith.constant 2 : i32
    %add3A_49 = arith.addi %mul3A_47, %add3A_48 : i32
    "tpu.region"() ({
      %run_scoped3A = tpu.sem_alloc : memref<!tpu.dma_semaphore, #tpu.memory_space<semaphore_mem>>
      tpu.enqueue_dma source(%arg5 : memref<128x128xf32, #tpu.memory_space<hbm>>) target(%arg11 : memref<128x128xf32, #tpu.memory_space<vmem>>) target_semaphore(%run_scoped3A : memref<!tpu.dma_semaphore, #tpu.memory_space<semaphore_mem>>)
      tpu.wait_dma2 semaphore(%run_scoped3A : memref<!tpu.dma_semaphore, #tpu.memory_space<semaphore_mem>>) src(%arg5 : memref<128x128xf32, #tpu.memory_space<hbm>>) dst(%arg11 : memref<128x128xf32, #tpu.memory_space<vmem>>)
      tpu.yield
    }) : () -> ()
    %scan3A_50 = arith.constant 0 : i32
    %scan3A_51 = arith.constant 0 : i32
    %scan3A_52 = arith.constant 5 : i32
    %scan3A_53 = arith.addi %scan3A_51, %scan3A_52 : i32
    %scan3A_54 = arith.constant 1 : i32
    scf.for %scan3A_96 = %scan3A_51 to %scan3A_53 step %scan3A_54  : i32 {
      %mul3A_97 = arith.constant 16 : i32
      %mul3A_98 = arith.muli %scan3A_96, %mul3A_97 : i32
      %add3A_99 = arith.addi %arg1, %mul3A_98 : i32
      %lt3A = arith.constant 79 : i32
      %lt3A_100 = arith.cmpi slt, %add3A_99, %lt3A : i32
      %convert_element_type3A = arith.extui %lt3A_100 : i1 to i32
      %cond3A = arith.constant 0 : i32
      %cond3A_101 = arith.cmpi ne, %convert_element_type3A, %cond3A : i32
      scf.if %cond3A_101 {
        %mul3A_102 = arith.constant 128 : i32
        %mul3A_103 = arith.muli %add3A_99, %mul3A_102 : i32
        %min3A = arith.constant 9872 : i32
        %min3A_104 = arith.minsi %mul3A_103, %min3A : i32
        %iota3A = tpu.iota {dimensions = array<i32: 0>} : vector<16xi32>
        %add3A_105 = arith.constant 0 : i32
        %add3A_106 = arith.addi %min3A_104, %add3A_105 : i32
        %add3A_107 = vector.broadcast %add3A_106 : i32 to vector<16xi32>
        %add3A_108 = arith.addi %iota3A, %add3A_107 : vector<16xi32>
        %swap3A = arith.constant 0 : index
        %swap3A_109 = tpu.vector_load %arg13[%swap3A] {strides = array<i32>} : memref<128xi32, #tpu.memory_space<vmem>>, vector<16xi32>,
        %swap3A_110 = vector.shape_cast %swap3A_109 : vector<16xi32> to vector<16xi32>
        %swap3A_111 = vector.shape_cast %add3A_108 : vector<16xi32> to vector<16xi32>
        tpu.vector_store %arg13[%swap3A], %swap3A_111 {strides = array<i32>} : memref<128xi32, #tpu.memory_space<vmem>>, vector<16xi32>,
        %iota3A_112 = tpu.iota {dimensions = array<i32: 0>} : vector<16xi32>
        %add3A_113 = arith.constant 16 : i32
        %add3A_114 = arith.addi %min3A_104, %add3A_113 : i32
        %add3A_115 = vector.broadcast %add3A_114 : i32 to vector<16xi32>
        %add3A_116 = arith.addi %iota3A_112, %add3A_115 : vector<16xi32>
        %swap3A_117 = arith.constant 16 : index
        %swap3A_118 = tpu.vector_load %arg13[%swap3A_117] {strides = array<i32>} : memref<128xi32, #tpu.memory_space<vmem>>, vector<16xi32>,
        %swap3A_119 = vector.shape_cast %swap3A_118 : vector<16xi32> to vector<16xi32>
        %swap3A_120 = vector.shape_cast %add3A_116 : vector<16xi32> to vector<16xi32>
        tpu.vector_store %arg13[%swap3A_117], %swap3A_120 {strides = array<i32>} : memref<128xi32, #tpu.memory_space<vmem>>, vector<16xi32>,
        %iota3A_121 = tpu.iota {dimensions = array<i32: 0>} : vector<16xi32>
        %add3A_122 = arith.constant 32 : i32
        %add3A_123 = arith.addi %min3A_104, %add3A_122 : i32
        %add3A_124 = vector.broadcast %add3A_123 : i32 to vector<16xi32>
        %add3A_125 = arith.addi %iota3A_121, %add3A_124 : vector<16xi32>
        %swap3A_126 = arith.constant 32 : index
        %swap3A_127 = tpu.vector_load %arg13[%swap3A_126] {strides = array<i32>} : memref<128xi32, #tpu.memory_space<vmem>>, vector<16xi32>,
        %swap3A_128 = vector.shape_cast %swap3A_127 : vector<16xi32> to vector<16xi32>
        %swap3A_129 = vector.shape_cast %add3A_125 : vector<16xi32> to vector<16xi32>
        tpu.vector_store %arg13[%swap3A_126], %swap3A_129 {strides = array<i32>} : memref<128xi32, #tpu.memory_space<vmem>>, vector<16xi32>,
        %iota3A_130 = tpu.iota {dimensions = array<i32: 0>} : vector<16xi32>
        %add3A_131 = arith.constant 48 : i32
        %add3A_132 = arith.addi %min3A_104, %add3A_131 : i32
        %add3A_133 = vector.broadcast %add3A_132 : i32 to vector<16xi32>
        %add3A_134 = arith.addi %iota3A_130, %add3A_133 : vector<16xi32>
        %swap3A_135 = arith.constant 48 : index
        %swap3A_136 = tpu.vector_load %arg13[%swap3A_135] {strides = array<i32>} : memref<128xi32, #tpu.memory_space<vmem>>, vector<16xi32>,
        %swap3A_137 = vector.shape_cast %swap3A_136 : vector<16xi32> to vector<16xi32>
        %swap3A_138 = vector.shape_cast %add3A_134 : vector<16xi32> to vector<16xi32>
        tpu.vector_store %arg13[%swap3A_135], %swap3A_138 {strides = array<i32>} : memref<128xi32, #tpu.memory_space<vmem>>, vector<16xi32>,
        %iota3A_139 = tpu.iota {dimensions = array<i32: 0>} : vector<16xi32>
        %add3A_140 = arith.constant 64 : i32
        %add3A_141 = arith.addi %min3A_104, %add3A_140 : i32
        %add3A_142 = vector.broadcast %add3A_141 : i32 to vector<16xi32>
        %add3A_143 = arith.addi %iota3A_139, %add3A_142 : vector<16xi32>
        %swap3A_144 = arith.constant 64 : index
        %swap3A_145 = tpu.vector_load %arg13[%swap3A_144] {strides = array<i32>} : memref<128xi32, #tpu.memory_space<vmem>>, vector<16xi32>,
        %swap3A_146 = vector.shape_cast %swap3A_145 : vector<16xi32> to vector<16xi32>
        %swap3A_147 = vector.shape_cast %add3A_143 : vector<16xi32> to vector<16xi32>
        tpu.vector_store %arg13[%swap3A_144], %swap3A_147 {strides = array<i32>} : memref<128xi32, #tpu.memory_space<vmem>>, vector<16xi32>,
        %iota3A_148 = tpu.iota {dimensions = array<i32: 0>} : vector<16xi32>
        %add3A_149 = arith.constant 80 : i32
        %add3A_150 = arith.addi %min3A_104, %add3A_149 : i32
        %add3A_151 = vector.broadcast %add3A_150 : i32 to vector<16xi32>
        %add3A_152 = arith.addi %iota3A_148, %add3A_151 : vector<16xi32>
        %swap3A_153 = arith.constant 80 : index
        %swap3A_154 = tpu.vector_load %arg13[%swap3A_153] {strides = array<i32>} : memref<128xi32, #tpu.memory_space<vmem>>, vector<16xi32>,
        %swap3A_155 = vector.shape_cast %swap3A_154 : vector<16xi32> to vector<16xi32>
        %swap3A_156 = vector.shape_cast %add3A_152 : vector<16xi32> to vector<16xi32>
        tpu.vector_store %arg13[%swap3A_153], %swap3A_156 {strides = array<i32>} : memref<128xi32, #tpu.memory_space<vmem>>, vector<16xi32>,
        %iota3A_157 = tpu.iota {dimensions = array<i32: 0>} : vector<16xi32>
        %add3A_158 = arith.constant 96 : i32
        %add3A_159 = arith.addi %min3A_104, %add3A_158 : i32
        %add3A_160 = vector.broadcast %add3A_159 : i32 to vector<16xi32>
        %add3A_161 = arith.addi %iota3A_157, %add3A_160 : vector<16xi32>
        %swap3A_162 = arith.constant 96 : index
        %swap3A_163 = tpu.vector_load %arg13[%swap3A_162] {strides = array<i32>} : memref<128xi32, #tpu.memory_space<vmem>>, vector<16xi32>,
        %swap3A_164 = vector.shape_cast %swap3A_163 : vector<16xi32> to vector<16xi32>
        %swap3A_165 = vector.shape_cast %add3A_161 : vector<16xi32> to vector<16xi32>
        tpu.vector_store %arg13[%swap3A_162], %swap3A_165 {strides = array<i32>} : memref<128xi32, #tpu.memory_space<vmem>>, vector<16xi32>,
        %iota3A_166 = tpu.iota {dimensions = array<i32: 0>} : vector<16xi32>
        %add3A_167 = arith.constant 112 : i32
        %add3A_168 = arith.addi %min3A_104, %add3A_167 : i32
        %add3A_169 = vector.broadcast %add3A_168 : i32 to vector<16xi32>
        %add3A_170 = arith.addi %iota3A_166, %add3A_169 : vector<16xi32>
        %swap3A_171 = arith.constant 112 : index
        %swap3A_172 = tpu.vector_load %arg13[%swap3A_171] {strides = array<i32>} : memref<128xi32, #tpu.memory_space<vmem>>, vector<16xi32>,
        %swap3A_173 = vector.shape_cast %swap3A_172 : vector<16xi32> to vector<16xi32>
        %swap3A_174 = vector.shape_cast %add3A_170 : vector<16xi32> to vector<16xi32>
        tpu.vector_store %arg13[%swap3A_171], %swap3A_174 {strides = array<i32>} : memref<128xi32, #tpu.memory_space<vmem>>, vector<16xi32>,
        "tpu.region"() ({
          %run_scoped3A = tpu.sem_alloc : memref<!tpu.dma_semaphore, #tpu.memory_space<semaphore_mem>>
          %dma_start3A = arith.constant 0 : i32
          %dma_start3A_175 = arith.constant 0 : i32
          %dma_start3A_176 = tpu.memref_slice %arg7[%dma_start3A, %dma_start3A_175] : memref<10000x128xf32, #tpu.memory_space<vmem_shared>> -> memref<10000x128xf32, #tpu.memory_space<vmem_shared>>
          tpu.enqueue_indirect_dma source(%arg11 : memref<128x128xf32, #tpu.memory_space<vmem>>) target(%dma_start3A_176 : memref<10000x128xf32, #tpu.memory_space<vmem_shared>>) offsets(%arg13 : memref<128xi32, #tpu.memory_space<vmem>>) semaphore(%run_scoped3A : memref<!tpu.dma_semaphore, #tpu.memory_space<semaphore_mem>>)
          %dma_wait3A = arith.constant 0 : i32
          %dma_wait3A_177 = arith.constant 0 : i32
          %dma_wait3A_178 = tpu.memref_slice %arg7[%dma_wait3A, %dma_wait3A_177] : memref<10000x128xf32, #tpu.memory_space<vmem_shared>> -> memref<10000x128xf32, #tpu.memory_space<vmem_shared>>
          tpu.wait_indirect_dma semaphore(%run_scoped3A : memref<!tpu.dma_semaphore, #tpu.memory_space<semaphore_mem>>) src(%arg11 : memref<128x128xf32, #tpu.memory_space<vmem>>) dst(%dma_wait3A_178 : memref<10000x128xf32, #tpu.memory_space<vmem_shared>>)
          tpu.yield
        }) : () -> ()
      } else {
      }
    }
    %scan3A_55 = arith.constant 5 : i32
    %barrier3A_56 = arith.constant 0 : index
    tpu.barrier barrier_id(%barrier3A_56)
    %scan3A_57 = arith.constant 0 : i32
    %scan3A_58 = arith.constant 0 : i32
    %scan3A_59 = arith.constant 40 : i32
    %scan3A_60 = arith.addi %scan3A_58, %scan3A_59 : i32
    %scan3A_61 = arith.constant 1 : i32
    scf.for %scan3A_96 = %scan3A_58 to %scan3A_60 step %scan3A_61  : i32 {
      %mul3A_97 = arith.constant 16 : i32
      %mul3A_98 = arith.muli %scan3A_96, %mul3A_97 : i32
      %add3A_99 = arith.addi %arg1, %mul3A_98 : i32
      %lt3A = arith.constant 625 : i32
      %lt3A_100 = arith.cmpi slt, %add3A_99, %lt3A : i32
      %convert_element_type3A = arith.extui %lt3A_100 : i1 to i32
      %cond3A = arith.constant 0 : i32
      %cond3A_101 = arith.cmpi ne, %convert_element_type3A, %cond3A : i32
      scf.if %cond3A_101 {
        "tpu.region"() ({
          %run_scoped3A_637 = tpu.sem_alloc : memref<!tpu.dma_semaphore, #tpu.memory_space<semaphore_mem>>
          %dma_start3A_638 = arith.constant 0 : i32
          %dma_start3A_639 = arith.constant 0 : i32
          %dma_start3A_640 = tpu.memref_slice %arg3[%add3A_99, %dma_start3A_638, %dma_start3A_639] : memref<625x4x128xi32, #tpu.memory_space<hbm>> -> memref<1x4x128xi32, #tpu.memory_space<hbm>>
          %dma_start3A_641 = tpu.memref_squeeze %dma_start3A_640 : memref<1x4x128xi32, #tpu.memory_space<hbm>> -> memref<4x128xi32, #tpu.memory_space<hbm>>
          %dma_start3A_642 = arith.constant 0 : i32
          %dma_start3A_643 = arith.constant 0 : i32
          %dma_start3A_644 = tpu.memref_slice %arg3[%add3A_99, %dma_start3A_642, %dma_start3A_643] : memref<625x4x128xi32, #tpu.memory_space<hbm>> -> memref<1x4x128xi32, #tpu.memory_space<hbm>>
          %dma_start3A_645 = tpu.memref_squeeze %dma_start3A_644 : memref<1x4x128xi32, #tpu.memory_space<hbm>> -> memref<4x128xi32, #tpu.memory_space<hbm>>
          tpu.enqueue_dma source(%dma_start3A_645 : memref<4x128xi32, #tpu.memory_space<hbm>>) target(%arg8 : memref<4x128xi32, #tpu.memory_space<vmem>>) target_semaphore(%run_scoped3A_637 : memref<!tpu.dma_semaphore, #tpu.memory_space<semaphore_mem>>)
          %dma_wait3A_646 = arith.constant 0 : i32
          %dma_wait3A_647 = arith.constant 0 : i32
          %dma_wait3A_648 = tpu.memref_slice %arg3[%add3A_99, %dma_wait3A_646, %dma_wait3A_647] : memref<625x4x128xi32, #tpu.memory_space<hbm>> -> memref<1x4x128xi32, #tpu.memory_space<hbm>>
          %dma_wait3A_649 = tpu.memref_squeeze %dma_wait3A_648 : memref<1x4x128xi32, #tpu.memory_space<hbm>> -> memref<4x128xi32, #tpu.memory_space<hbm>>
          %dma_wait3A_650 = arith.constant 0 : i32
          %dma_wait3A_651 = arith.constant 0 : i32
          %dma_wait3A_652 = tpu.memref_slice %arg3[%add3A_99, %dma_wait3A_650, %dma_wait3A_651] : memref<625x4x128xi32, #tpu.memory_space<hbm>> -> memref<1x4x128xi32, #tpu.memory_space<hbm>>
          %dma_wait3A_653 = tpu.memref_squeeze %dma_wait3A_652 : memref<1x4x128xi32, #tpu.memory_space<hbm>> -> memref<4x128xi32, #tpu.memory_space<hbm>>
          tpu.wait_dma2 semaphore(%run_scoped3A_637 : memref<!tpu.dma_semaphore, #tpu.memory_space<semaphore_mem>>) src(%dma_wait3A_653 : memref<4x128xi32, #tpu.memory_space<hbm>>) dst(%arg8 : memref<4x128xi32, #tpu.memory_space<vmem>>)
          tpu.yield
        }) : () -> ()
        "tpu.region"() ({
          %run_scoped3A_637 = tpu.sem_alloc : memref<!tpu.dma_semaphore, #tpu.memory_space<semaphore_mem>>
          %dma_start3A_638 = arith.constant 0 : i32
          %dma_start3A_639 = arith.constant 0 : i32
          %dma_start3A_640 = tpu.memref_slice %arg4[%add3A_99, %dma_start3A_638, %dma_start3A_639] : memref<625x4x128xi32, #tpu.memory_space<hbm>> -> memref<1x4x128xi32, #tpu.memory_space<hbm>>
          %dma_start3A_641 = tpu.memref_squeeze %dma_start3A_640 : memref<1x4x128xi32, #tpu.memory_space<hbm>> -> memref<4x128xi32, #tpu.memory_space<hbm>>
          %dma_start3A_642 = arith.constant 0 : i32
          %dma_start3A_643 = arith.constant 0 : i32
          %dma_start3A_644 = tpu.memref_slice %arg4[%add3A_99, %dma_start3A_642, %dma_start3A_643] : memref<625x4x128xi32, #tpu.memory_space<hbm>> -> memref<1x4x128xi32, #tpu.memory_space<hbm>>
          %dma_start3A_645 = tpu.memref_squeeze %dma_start3A_644 : memref<1x4x128xi32, #tpu.memory_space<hbm>> -> memref<4x128xi32, #tpu.memory_space<hbm>>
          tpu.enqueue_dma source(%dma_start3A_645 : memref<4x128xi32, #tpu.memory_space<hbm>>) target(%arg9 : memref<4x128xi32, #tpu.memory_space<vmem>>) target_semaphore(%run_scoped3A_637 : memref<!tpu.dma_semaphore, #tpu.memory_space<semaphore_mem>>)
          %dma_wait3A_646 = arith.constant 0 : i32
          %dma_wait3A_647 = arith.constant 0 : i32
          %dma_wait3A_648 = tpu.memref_slice %arg4[%add3A_99, %dma_wait3A_646, %dma_wait3A_647] : memref<625x4x128xi32, #tpu.memory_space<hbm>> -> memref<1x4x128xi32, #tpu.memory_space<hbm>>
          %dma_wait3A_649 = tpu.memref_squeeze %dma_wait3A_648 : memref<1x4x128xi32, #tpu.memory_space<hbm>> -> memref<4x128xi32, #tpu.memory_space<hbm>>
          %dma_wait3A_650 = arith.constant 0 : i32
          %dma_wait3A_651 = arith.constant 0 : i32
          %dma_wait3A_652 = tpu.memref_slice %arg4[%add3A_99, %dma_wait3A_650, %dma_wait3A_651] : memref<625x4x128xi32, #tpu.memory_space<hbm>> -> memref<1x4x128xi32, #tpu.memory_space<hbm>>
          %dma_wait3A_653 = tpu.memref_squeeze %dma_wait3A_652 : memref<1x4x128xi32, #tpu.memory_space<hbm>> -> memref<4x128xi32, #tpu.memory_space<hbm>>
          tpu.wait_dma2 semaphore(%run_scoped3A_637 : memref<!tpu.dma_semaphore, #tpu.memory_space<semaphore_mem>>) src(%dma_wait3A_653 : memref<4x128xi32, #tpu.memory_space<hbm>>) dst(%arg9 : memref<4x128xi32, #tpu.memory_space<vmem>>)
          tpu.yield
        }) : () -> ()
        %get3A = arith.constant 0 : i32
        %get3A_102 = arith.index_cast %get3A : i32 to index
        %get3A_103 = arith.constant 0 : index
        %get3A_104 = tpu.vector_load %arg8[%get3A_102, %get3A_103] {strides = array<i32>} : memref<4x128xi32, #tpu.memory_space<vmem>>, vector<1x16xi32>,
        %get3A_105 = vector.shape_cast %get3A_104 : vector<1x16xi32> to vector<16xi32>
        %mul3A_106 = arith.constant 10000 : i32
        %mul3A_107 = arith.muli %add3A_49, %mul3A_106 : i32
        %add3A_108 = vector.broadcast %mul3A_107 : i32 to vector<16xi32>
        %add3A_109 = arith.addi %get3A_105, %add3A_108 : vector<16xi32>
        %swap3A = arith.constant 0 : i32
        %swap3A_110 = arith.index_cast %swap3A : i32 to index
        %swap3A_111 = arith.constant 0 : index
        %swap3A_112 = tpu.vector_load %arg10[%swap3A_110, %swap3A_111] {strides = array<i32>} : memref<4x128xi32, #tpu.memory_space<vmem>>, vector<1x16xi32>,
        %swap3A_113 = vector.shape_cast %swap3A_112 : vector<1x16xi32> to vector<16xi32>
        %swap3A_114 = vector.shape_cast %add3A_109 : vector<16xi32> to vector<1x16xi32>
        tpu.vector_store %arg10[%swap3A_110, %swap3A_111], %swap3A_114 {strides = array<i32>} : memref<4x128xi32, #tpu.memory_space<vmem>>, vector<1x16xi32>,
        %get3A_115 = arith.constant 0 : i32
        %get3A_116 = arith.index_cast %get3A_115 : i32 to index
        %get3A_117 = arith.constant 16 : index
        %get3A_118 = tpu.vector_load %arg8[%get3A_116, %get3A_117] {strides = array<i32>} : memref<4x128xi32, #tpu.memory_space<vmem>>, vector<1x16xi32>,
        %get3A_119 = vector.shape_cast %get3A_118 : vector<1x16xi32> to vector<16xi32>
        %mul3A_120 = arith.constant 10000 : i32
        %mul3A_121 = arith.muli %add3A_49, %mul3A_120 : i32
        %add3A_122 = vector.broadcast %mul3A_121 : i32 to vector<16xi32>
        %add3A_123 = arith.addi %get3A_119, %add3A_122 : vector<16xi32>
        %swap3A_124 = arith.constant 0 : i32
        %swap3A_125 = arith.index_cast %swap3A_124 : i32 to index
        %swap3A_126 = arith.constant 16 : index
        %swap3A_127 = tpu.vector_load %arg10[%swap3A_125, %swap3A_126] {strides = array<i32>} : memref<4x128xi32, #tpu.memory_space<vmem>>, vector<1x16xi32>,
        %swap3A_128 = vector.shape_cast %swap3A_127 : vector<1x16xi32> to vector<16xi32>
        %swap3A_129 = vector.shape_cast %add3A_123 : vector<16xi32> to vector<1x16xi32>
        tpu.vector_store %arg10[%swap3A_125, %swap3A_126], %swap3A_129 {strides = array<i32>} : memref<4x128xi32, #tpu.memory_space<vmem>>, vector<1x16xi32>,
        %get3A_130 = arith.constant 0 : i32
        %get3A_131 = arith.index_cast %get3A_130 : i32 to index
        %get3A_132 = arith.constant 32 : index
        %get3A_133 = tpu.vector_load %arg8[%get3A_131, %get3A_132] {strides = array<i32>} : memref<4x128xi32, #tpu.memory_space<vmem>>, vector<1x16xi32>,
        %get3A_134 = vector.shape_cast %get3A_133 : vector<1x16xi32> to vector<16xi32>
        %mul3A_135 = arith.constant 10000 : i32
        %mul3A_136 = arith.muli %add3A_49, %mul3A_135 : i32
        %add3A_137 = vector.broadcast %mul3A_136 : i32 to vector<16xi32>
        %add3A_138 = arith.addi %get3A_134, %add3A_137 : vector<16xi32>
        %swap3A_139 = arith.constant 0 : i32
        %swap3A_140 = arith.index_cast %swap3A_139 : i32 to index
        %swap3A_141 = arith.constant 32 : index
        %swap3A_142 = tpu.vector_load %arg10[%swap3A_140, %swap3A_141] {strides = array<i32>} : memref<4x128xi32, #tpu.memory_space<vmem>>, vector<1x16xi32>,
        %swap3A_143 = vector.shape_cast %swap3A_142 : vector<1x16xi32> to vector<16xi32>
        %swap3A_144 = vector.shape_cast %add3A_138 : vector<16xi32> to vector<1x16xi32>
        tpu.vector_store %arg10[%swap3A_140, %swap3A_141], %swap3A_144 {strides = array<i32>} : memref<4x128xi32, #tpu.memory_space<vmem>>, vector<1x16xi32>,
        %get3A_145 = arith.constant 0 : i32
        %get3A_146 = arith.index_cast %get3A_145 : i32 to index
        %get3A_147 = arith.constant 48 : index
        %get3A_148 = tpu.vector_load %arg8[%get3A_146, %get3A_147] {strides = array<i32>} : memref<4x128xi32, #tpu.memory_space<vmem>>, vector<1x16xi32>,
        %get3A_149 = vector.shape_cast %get3A_148 : vector<1x16xi32> to vector<16xi32>
        %mul3A_150 = arith.constant 10000 : i32
        %mul3A_151 = arith.muli %add3A_49, %mul3A_150 : i32
        %add3A_152 = vector.broadcast %mul3A_151 : i32 to vector<16xi32>
        %add3A_153 = arith.addi %get3A_149, %add3A_152 : vector<16xi32>
        %swap3A_154 = arith.constant 0 : i32
        %swap3A_155 = arith.index_cast %swap3A_154 : i32 to index
        %swap3A_156 = arith.constant 48 : index
        %swap3A_157 = tpu.vector_load %arg10[%swap3A_155, %swap3A_156] {strides = array<i32>} : memref<4x128xi32, #tpu.memory_space<vmem>>, vector<1x16xi32>,
        %swap3A_158 = vector.shape_cast %swap3A_157 : vector<1x16xi32> to vector<16xi32>
        %swap3A_159 = vector.shape_cast %add3A_153 : vector<16xi32> to vector<1x16xi32>
        tpu.vector_store %arg10[%swap3A_155, %swap3A_156], %swap3A_159 {strides = array<i32>} : memref<4x128xi32, #tpu.memory_space<vmem>>, vector<1x16xi32>,
        %get3A_160 = arith.constant 0 : i32
        %get3A_161 = arith.index_cast %get3A_160 : i32 to index
        %get3A_162 = arith.constant 64 : index
        %get3A_163 = tpu.vector_load %arg8[%get3A_161, %get3A_162] {strides = array<i32>} : memref<4x128xi32, #tpu.memory_space<vmem>>, vector<1x16xi32>,
        %get3A_164 = vector.shape_cast %get3A_163 : vector<1x16xi32> to vector<16xi32>
        %mul3A_165 = arith.constant 10000 : i32
        %mul3A_166 = arith.muli %add3A_49, %mul3A_165 : i32
        %add3A_167 = vector.broadcast %mul3A_166 : i32 to vector<16xi32>
        %add3A_168 = arith.addi %get3A_164, %add3A_167 : vector<16xi32>
        %swap3A_169 = arith.constant 0 : i32
        %swap3A_170 = arith.index_cast %swap3A_169 : i32 to index
        %swap3A_171 = arith.constant 64 : index
        %swap3A_172 = tpu.vector_load %arg10[%swap3A_170, %swap3A_171] {strides = array<i32>} : memref<4x128xi32, #tpu.memory_space<vmem>>, vector<1x16xi32>,
        %swap3A_173 = vector.shape_cast %swap3A_172 : vector<1x16xi32> to vector<16xi32>
        %swap3A_174 = vector.shape_cast %add3A_168 : vector<16xi32> to vector<1x16xi32>
        tpu.vector_store %arg10[%swap3A_170, %swap3A_171], %swap3A_174 {strides = array<i32>} : memref<4x128xi32, #tpu.memory_space<vmem>>, vector<1x16xi32>,
        %get3A_175 = arith.constant 0 : i32
        %get3A_176 = arith.index_cast %get3A_175 : i32 to index
        %get3A_177 = arith.constant 80 : index
        %get3A_178 = tpu.vector_load %arg8[%get3A_176, %get3A_177] {strides = array<i32>} : memref<4x128xi32, #tpu.memory_space<vmem>>, vector<1x16xi32>,
        %get3A_179 = vector.shape_cast %get3A_178 : vector<1x16xi32> to vector<16xi32>
        %mul3A_180 = arith.constant 10000 : i32
        %mul3A_181 = arith.muli %add3A_49, %mul3A_180 : i32
        %add3A_182 = vector.broadcast %mul3A_181 : i32 to vector<16xi32>
        %add3A_183 = arith.addi %get3A_179, %add3A_182 : vector<16xi32>
        %swap3A_184 = arith.constant 0 : i32
        %swap3A_185 = arith.index_cast %swap3A_184 : i32 to index
        %swap3A_186 = arith.constant 80 : index
        %swap3A_187 = tpu.vector_load %arg10[%swap3A_185, %swap3A_186] {strides = array<i32>} : memref<4x128xi32, #tpu.memory_space<vmem>>, vector<1x16xi32>,
        %swap3A_188 = vector.shape_cast %swap3A_187 : vector<1x16xi32> to vector<16xi32>
        %swap3A_189 = vector.shape_cast %add3A_183 : vector<16xi32> to vector<1x16xi32>
        tpu.vector_store %arg10[%swap3A_185, %swap3A_186], %swap3A_189 {strides = array<i32>} : memref<4x128xi32, #tpu.memory_space<vmem>>, vector<1x16xi32>,
        %get3A_190 = arith.constant 0 : i32
        %get3A_191 = arith.index_cast %get3A_190 : i32 to index
        %get3A_192 = arith.constant 96 : index
        %get3A_193 = tpu.vector_load %arg8[%get3A_191, %get3A_192] {strides = array<i32>} : memref<4x128xi32, #tpu.memory_space<vmem>>, vector<1x16xi32>,
        %get3A_194 = vector.shape_cast %get3A_193 : vector<1x16xi32> to vector<16xi32>
        %mul3A_195 = arith.constant 10000 : i32
        %mul3A_196 = arith.muli %add3A_49, %mul3A_195 : i32
        %add3A_197 = vector.broadcast %mul3A_196 : i32 to vector<16xi32>
        %add3A_198 = arith.addi %get3A_194, %add3A_197 : vector<16xi32>
        %swap3A_199 = arith.constant 0 : i32
        %swap3A_200 = arith.index_cast %swap3A_199 : i32 to index
        %swap3A_201 = arith.constant 96 : index
        %swap3A_202 = tpu.vector_load %arg10[%swap3A_200, %swap3A_201] {strides = array<i32>} : memref<4x128xi32, #tpu.memory_space<vmem>>, vector<1x16xi32>,
        %swap3A_203 = vector.shape_cast %swap3A_202 : vector<1x16xi32> to vector<16xi32>
        %swap3A_204 = vector.shape_cast %add3A_198 : vector<16xi32> to vector<1x16xi32>
        tpu.vector_store %arg10[%swap3A_200, %swap3A_201], %swap3A_204 {strides = array<i32>} : memref<4x128xi32, #tpu.memory_space<vmem>>, vector<1x16xi32>,
        %get3A_205 = arith.constant 0 : i32
        %get3A_206 = arith.index_cast %get3A_205 : i32 to index
        %get3A_207 = arith.constant 112 : index
        %get3A_208 = tpu.vector_load %arg8[%get3A_206, %get3A_207] {strides = array<i32>} : memref<4x128xi32, #tpu.memory_space<vmem>>, vector<1x16xi32>,
        %get3A_209 = vector.shape_cast %get3A_208 : vector<1x16xi32> to vector<16xi32>
        %mul3A_210 = arith.constant 10000 : i32
        %mul3A_211 = arith.muli %add3A_49, %mul3A_210 : i32
        %add3A_212 = vector.broadcast %mul3A_211 : i32 to vector<16xi32>
        %add3A_213 = arith.addi %get3A_209, %add3A_212 : vector<16xi32>
        %swap3A_214 = arith.constant 0 : i32
        %swap3A_215 = arith.index_cast %swap3A_214 : i32 to index
        %swap3A_216 = arith.constant 112 : index
        %swap3A_217 = tpu.vector_load %arg10[%swap3A_215, %swap3A_216] {strides = array<i32>} : memref<4x128xi32, #tpu.memory_space<vmem>>, vector<1x16xi32>,
        %swap3A_218 = vector.shape_cast %swap3A_217 : vector<1x16xi32> to vector<16xi32>
        %swap3A_219 = vector.shape_cast %add3A_213 : vector<16xi32> to vector<1x16xi32>
        tpu.vector_store %arg10[%swap3A_215, %swap3A_216], %swap3A_219 {strides = array<i32>} : memref<4x128xi32, #tpu.memory_space<vmem>>, vector<1x16xi32>,
        %get3A_220 = arith.constant 1 : i32
        %get3A_221 = arith.index_cast %get3A_220 : i32 to index
        %get3A_222 = arith.constant 0 : index
        %get3A_223 = tpu.vector_load %arg8[%get3A_221, %get3A_222] {strides = array<i32>} : memref<4x128xi32, #tpu.memory_space<vmem>>, vector<1x16xi32>,
        %get3A_224 = vector.shape_cast %get3A_223 : vector<1x16xi32> to vector<16xi32>
        %mul3A_225 = arith.constant 10000 : i32
        %mul3A_226 = arith.muli %add3A_49, %mul3A_225 : i32
        %add3A_227 = vector.broadcast %mul3A_226 : i32 to vector<16xi32>
        %add3A_228 = arith.addi %get3A_224, %add3A_227 : vector<16xi32>
        %swap3A_229 = arith.constant 1 : i32
        %swap3A_230 = arith.index_cast %swap3A_229 : i32 to index
        %swap3A_231 = arith.constant 0 : index
        %swap3A_232 = tpu.vector_load %arg10[%swap3A_230, %swap3A_231] {strides = array<i32>} : memref<4x128xi32, #tpu.memory_space<vmem>>, vector<1x16xi32>,
        %swap3A_233 = vector.shape_cast %swap3A_232 : vector<1x16xi32> to vector<16xi32>
        %swap3A_234 = vector.shape_cast %add3A_228 : vector<16xi32> to vector<1x16xi32>
        tpu.vector_store %arg10[%swap3A_230, %swap3A_231], %swap3A_234 {strides = array<i32>} : memref<4x128xi32, #tpu.memory_space<vmem>>, vector<1x16xi32>,
        %get3A_235 = arith.constant 1 : i32
        %get3A_236 = arith.index_cast %get3A_235 : i32 to index
        %get3A_237 = arith.constant 16 : index
        %get3A_238 = tpu.vector_load %arg8[%get3A_236, %get3A_237] {strides = array<i32>} : memref<4x128xi32, #tpu.memory_space<vmem>>, vector<1x16xi32>,
        %get3A_239 = vector.shape_cast %get3A_238 : vector<1x16xi32> to vector<16xi32>
        %mul3A_240 = arith.constant 10000 : i32
        %mul3A_241 = arith.muli %add3A_49, %mul3A_240 : i32
        %add3A_242 = vector.broadcast %mul3A_241 : i32 to vector<16xi32>
        %add3A_243 = arith.addi %get3A_239, %add3A_242 : vector<16xi32>
        %swap3A_244 = arith.constant 1 : i32
        %swap3A_245 = arith.index_cast %swap3A_244 : i32 to index
        %swap3A_246 = arith.constant 16 : index
        %swap3A_247 = tpu.vector_load %arg10[%swap3A_245, %swap3A_246] {strides = array<i32>} : memref<4x128xi32, #tpu.memory_space<vmem>>, vector<1x16xi32>,
        %swap3A_248 = vector.shape_cast %swap3A_247 : vector<1x16xi32> to vector<16xi32>
        %swap3A_249 = vector.shape_cast %add3A_243 : vector<16xi32> to vector<1x16xi32>
        tpu.vector_store %arg10[%swap3A_245, %swap3A_246], %swap3A_249 {strides = array<i32>} : memref<4x128xi32, #tpu.memory_space<vmem>>, vector<1x16xi32>,
        %get3A_250 = arith.constant 1 : i32
        %get3A_251 = arith.index_cast %get3A_250 : i32 to index
        %get3A_252 = arith.constant 32 : index
        %get3A_253 = tpu.vector_load %arg8[%get3A_251, %get3A_252] {strides = array<i32>} : memref<4x128xi32, #tpu.memory_space<vmem>>, vector<1x16xi32>,
        %get3A_254 = vector.shape_cast %get3A_253 : vector<1x16xi32> to vector<16xi32>
        %mul3A_255 = arith.constant 10000 : i32
        %mul3A_256 = arith.muli %add3A_49, %mul3A_255 : i32
        %add3A_257 = vector.broadcast %mul3A_256 : i32 to vector<16xi32>
        %add3A_258 = arith.addi %get3A_254, %add3A_257 : vector<16xi32>
        %swap3A_259 = arith.constant 1 : i32
        %swap3A_260 = arith.index_cast %swap3A_259 : i32 to index
        %swap3A_261 = arith.constant 32 : index
        %swap3A_262 = tpu.vector_load %arg10[%swap3A_260, %swap3A_261] {strides = array<i32>} : memref<4x128xi32, #tpu.memory_space<vmem>>, vector<1x16xi32>,
        %swap3A_263 = vector.shape_cast %swap3A_262 : vector<1x16xi32> to vector<16xi32>
        %swap3A_264 = vector.shape_cast %add3A_258 : vector<16xi32> to vector<1x16xi32>
        tpu.vector_store %arg10[%swap3A_260, %swap3A_261], %swap3A_264 {strides = array<i32>} : memref<4x128xi32, #tpu.memory_space<vmem>>, vector<1x16xi32>,
        %get3A_265 = arith.constant 1 : i32
        %get3A_266 = arith.index_cast %get3A_265 : i32 to index
        %get3A_267 = arith.constant 48 : index
        %get3A_268 = tpu.vector_load %arg8[%get3A_266, %get3A_267] {strides = array<i32>} : memref<4x128xi32, #tpu.memory_space<vmem>>, vector<1x16xi32>,
        %get3A_269 = vector.shape_cast %get3A_268 : vector<1x16xi32> to vector<16xi32>
        %mul3A_270 = arith.constant 10000 : i32
        %mul3A_271 = arith.muli %add3A_49, %mul3A_270 : i32
        %add3A_272 = vector.broadcast %mul3A_271 : i32 to vector<16xi32>
        %add3A_273 = arith.addi %get3A_269, %add3A_272 : vector<16xi32>
        %swap3A_274 = arith.constant 1 : i32
        %swap3A_275 = arith.index_cast %swap3A_274 : i32 to index
        %swap3A_276 = arith.constant 48 : index
        %swap3A_277 = tpu.vector_load %arg10[%swap3A_275, %swap3A_276] {strides = array<i32>} : memref<4x128xi32, #tpu.memory_space<vmem>>, vector<1x16xi32>,
        %swap3A_278 = vector.shape_cast %swap3A_277 : vector<1x16xi32> to vector<16xi32>
        %swap3A_279 = vector.shape_cast %add3A_273 : vector<16xi32> to vector<1x16xi32>
        tpu.vector_store %arg10[%swap3A_275, %swap3A_276], %swap3A_279 {strides = array<i32>} : memref<4x128xi32, #tpu.memory_space<vmem>>, vector<1x16xi32>,
        %get3A_280 = arith.constant 1 : i32
        %get3A_281 = arith.index_cast %get3A_280 : i32 to index
        %get3A_282 = arith.constant 64 : index
        %get3A_283 = tpu.vector_load %arg8[%get3A_281, %get3A_282] {strides = array<i32>} : memref<4x128xi32, #tpu.memory_space<vmem>>, vector<1x16xi32>,
        %get3A_284 = vector.shape_cast %get3A_283 : vector<1x16xi32> to vector<16xi32>
        %mul3A_285 = arith.constant 10000 : i32
        %mul3A_286 = arith.muli %add3A_49, %mul3A_285 : i32
        %add3A_287 = vector.broadcast %mul3A_286 : i32 to vector<16xi32>
        %add3A_288 = arith.addi %get3A_284, %add3A_287 : vector<16xi32>
        %swap3A_289 = arith.constant 1 : i32
        %swap3A_290 = arith.index_cast %swap3A_289 : i32 to index
        %swap3A_291 = arith.constant 64 : index
        %swap3A_292 = tpu.vector_load %arg10[%swap3A_290, %swap3A_291] {strides = array<i32>} : memref<4x128xi32, #tpu.memory_space<vmem>>, vector<1x16xi32>,
        %swap3A_293 = vector.shape_cast %swap3A_292 : vector<1x16xi32> to vector<16xi32>
        %swap3A_294 = vector.shape_cast %add3A_288 : vector<16xi32> to vector<1x16xi32>
        tpu.vector_store %arg10[%swap3A_290, %swap3A_291], %swap3A_294 {strides = array<i32>} : memref<4x128xi32, #tpu.memory_space<vmem>>, vector<1x16xi32>,
        %get3A_295 = arith.constant 1 : i32
        %get3A_296 = arith.index_cast %get3A_295 : i32 to index
        %get3A_297 = arith.constant 80 : index
        %get3A_298 = tpu.vector_load %arg8[%get3A_296, %get3A_297] {strides = array<i32>} : memref<4x128xi32, #tpu.memory_space<vmem>>, vector<1x16xi32>,
        %get3A_299 = vector.shape_cast %get3A_298 : vector<1x16xi32> to vector<16xi32>
        %mul3A_300 = arith.constant 10000 : i32
        %mul3A_301 = arith.muli %add3A_49, %mul3A_300 : i32
        %add3A_302 = vector.broadcast %mul3A_301 : i32 to vector<16xi32>
        %add3A_303 = arith.addi %get3A_299, %add3A_302 : vector<16xi32>
        %swap3A_304 = arith.constant 1 : i32
        %swap3A_305 = arith.index_cast %swap3A_304 : i32 to index
        %swap3A_306 = arith.constant 80 : index
        %swap3A_307 = tpu.vector_load %arg10[%swap3A_305, %swap3A_306] {strides = array<i32>} : memref<4x128xi32, #tpu.memory_space<vmem>>, vector<1x16xi32>,
        %swap3A_308 = vector.shape_cast %swap3A_307 : vector<1x16xi32> to vector<16xi32>
        %swap3A_309 = vector.shape_cast %add3A_303 : vector<16xi32> to vector<1x16xi32>
        tpu.vector_store %arg10[%swap3A_305, %swap3A_306], %swap3A_309 {strides = array<i32>} : memref<4x128xi32, #tpu.memory_space<vmem>>, vector<1x16xi32>,
        %get3A_310 = arith.constant 1 : i32
        %get3A_311 = arith.index_cast %get3A_310 : i32 to index
        %get3A_312 = arith.constant 96 : index
        %get3A_313 = tpu.vector_load %arg8[%get3A_311, %get3A_312] {strides = array<i32>} : memref<4x128xi32, #tpu.memory_space<vmem>>, vector<1x16xi32>,
        %get3A_314 = vector.shape_cast %get3A_313 : vector<1x16xi32> to vector<16xi32>
        %mul3A_315 = arith.constant 10000 : i32
        %mul3A_316 = arith.muli %add3A_49, %mul3A_315 : i32
        %add3A_317 = vector.broadcast %mul3A_316 : i32 to vector<16xi32>
        %add3A_318 = arith.addi %get3A_314, %add3A_317 : vector<16xi32>
        %swap3A_319 = arith.constant 1 : i32
        %swap3A_320 = arith.index_cast %swap3A_319 : i32 to index
        %swap3A_321 = arith.constant 96 : index
        %swap3A_322 = tpu.vector_load %arg10[%swap3A_320, %swap3A_321] {strides = array<i32>} : memref<4x128xi32, #tpu.memory_space<vmem>>, vector<1x16xi32>,
        %swap3A_323 = vector.shape_cast %swap3A_322 : vector<1x16xi32> to vector<16xi32>
        %swap3A_324 = vector.shape_cast %add3A_318 : vector<16xi32> to vector<1x16xi32>
        tpu.vector_store %arg10[%swap3A_320, %swap3A_321], %swap3A_324 {strides = array<i32>} : memref<4x128xi32, #tpu.memory_space<vmem>>, vector<1x16xi32>,
        %get3A_325 = arith.constant 1 : i32
        %get3A_326 = arith.index_cast %get3A_325 : i32 to index
        %get3A_327 = arith.constant 112 : index
        %get3A_328 = tpu.vector_load %arg8[%get3A_326, %get3A_327] {strides = array<i32>} : memref<4x128xi32, #tpu.memory_space<vmem>>, vector<1x16xi32>,
        %get3A_329 = vector.shape_cast %get3A_328 : vector<1x16xi32> to vector<16xi32>
        %mul3A_330 = arith.constant 10000 : i32
        %mul3A_331 = arith.muli %add3A_49, %mul3A_330 : i32
        %add3A_332 = vector.broadcast %mul3A_331 : i32 to vector<16xi32>
        %add3A_333 = arith.addi %get3A_329, %add3A_332 : vector<16xi32>
        %swap3A_334 = arith.constant 1 : i32
        %swap3A_335 = arith.index_cast %swap3A_334 : i32 to index
        %swap3A_336 = arith.constant 112 : index
        %swap3A_337 = tpu.vector_load %arg10[%swap3A_335, %swap3A_336] {strides = array<i32>} : memref<4x128xi32, #tpu.memory_space<vmem>>, vector<1x16xi32>,
        %swap3A_338 = vector.shape_cast %swap3A_337 : vector<1x16xi32> to vector<16xi32>
        %swap3A_339 = vector.shape_cast %add3A_333 : vector<16xi32> to vector<1x16xi32>
        tpu.vector_store %arg10[%swap3A_335, %swap3A_336], %swap3A_339 {strides = array<i32>} : memref<4x128xi32, #tpu.memory_space<vmem>>, vector<1x16xi32>,
        %get3A_340 = arith.constant 2 : i32
        %get3A_341 = arith.index_cast %get3A_340 : i32 to index
        %get3A_342 = arith.constant 0 : index
        %get3A_343 = tpu.vector_load %arg8[%get3A_341, %get3A_342] {strides = array<i32>} : memref<4x128xi32, #tpu.memory_space<vmem>>, vector<1x16xi32>,
        %get3A_344 = vector.shape_cast %get3A_343 : vector<1x16xi32> to vector<16xi32>
        %mul3A_345 = arith.constant 10000 : i32
        %mul3A_346 = arith.muli %add3A_49, %mul3A_345 : i32
        %add3A_347 = vector.broadcast %mul3A_346 : i32 to vector<16xi32>
        %add3A_348 = arith.addi %get3A_344, %add3A_347 : vector<16xi32>
        %swap3A_349 = arith.constant 2 : i32
        %swap3A_350 = arith.index_cast %swap3A_349 : i32 to index
        %swap3A_351 = arith.constant 0 : index
        %swap3A_352 = tpu.vector_load %arg10[%swap3A_350, %swap3A_351] {strides = array<i32>} : memref<4x128xi32, #tpu.memory_space<vmem>>, vector<1x16xi32>,
        %swap3A_353 = vector.shape_cast %swap3A_352 : vector<1x16xi32> to vector<16xi32>
        %swap3A_354 = vector.shape_cast %add3A_348 : vector<16xi32> to vector<1x16xi32>
        tpu.vector_store %arg10[%swap3A_350, %swap3A_351], %swap3A_354 {strides = array<i32>} : memref<4x128xi32, #tpu.memory_space<vmem>>, vector<1x16xi32>,
        %get3A_355 = arith.constant 2 : i32
        %get3A_356 = arith.index_cast %get3A_355 : i32 to index
        %get3A_357 = arith.constant 16 : index
        %get3A_358 = tpu.vector_load %arg8[%get3A_356, %get3A_357] {strides = array<i32>} : memref<4x128xi32, #tpu.memory_space<vmem>>, vector<1x16xi32>,
        %get3A_359 = vector.shape_cast %get3A_358 : vector<1x16xi32> to vector<16xi32>
        %mul3A_360 = arith.constant 10000 : i32
        %mul3A_361 = arith.muli %add3A_49, %mul3A_360 : i32
        %add3A_362 = vector.broadcast %mul3A_361 : i32 to vector<16xi32>
        %add3A_363 = arith.addi %get3A_359, %add3A_362 : vector<16xi32>
        %swap3A_364 = arith.constant 2 : i32
        %swap3A_365 = arith.index_cast %swap3A_364 : i32 to index
        %swap3A_366 = arith.constant 16 : index
        %swap3A_367 = tpu.vector_load %arg10[%swap3A_365, %swap3A_366] {strides = array<i32>} : memref<4x128xi32, #tpu.memory_space<vmem>>, vector<1x16xi32>,
        %swap3A_368 = vector.shape_cast %swap3A_367 : vector<1x16xi32> to vector<16xi32>
        %swap3A_369 = vector.shape_cast %add3A_363 : vector<16xi32> to vector<1x16xi32>
        tpu.vector_store %arg10[%swap3A_365, %swap3A_366], %swap3A_369 {strides = array<i32>} : memref<4x128xi32, #tpu.memory_space<vmem>>, vector<1x16xi32>,
        %get3A_370 = arith.constant 2 : i32
        %get3A_371 = arith.index_cast %get3A_370 : i32 to index
        %get3A_372 = arith.constant 32 : index
        %get3A_373 = tpu.vector_load %arg8[%get3A_371, %get3A_372] {strides = array<i32>} : memref<4x128xi32, #tpu.memory_space<vmem>>, vector<1x16xi32>,
        %get3A_374 = vector.shape_cast %get3A_373 : vector<1x16xi32> to vector<16xi32>
        %mul3A_375 = arith.constant 10000 : i32
        %mul3A_376 = arith.muli %add3A_49, %mul3A_375 : i32
        %add3A_377 = vector.broadcast %mul3A_376 : i32 to vector<16xi32>
        %add3A_378 = arith.addi %get3A_374, %add3A_377 : vector<16xi32>
        %swap3A_379 = arith.constant 2 : i32
        %swap3A_380 = arith.index_cast %swap3A_379 : i32 to index
        %swap3A_381 = arith.constant 32 : index
        %swap3A_382 = tpu.vector_load %arg10[%swap3A_380, %swap3A_381] {strides = array<i32>} : memref<4x128xi32, #tpu.memory_space<vmem>>, vector<1x16xi32>,
        %swap3A_383 = vector.shape_cast %swap3A_382 : vector<1x16xi32> to vector<16xi32>
        %swap3A_384 = vector.shape_cast %add3A_378 : vector<16xi32> to vector<1x16xi32>
        tpu.vector_store %arg10[%swap3A_380, %swap3A_381], %swap3A_384 {strides = array<i32>} : memref<4x128xi32, #tpu.memory_space<vmem>>, vector<1x16xi32>,
        %get3A_385 = arith.constant 2 : i32
        %get3A_386 = arith.index_cast %get3A_385 : i32 to index
        %get3A_387 = arith.constant 48 : index
        %get3A_388 = tpu.vector_load %arg8[%get3A_386, %get3A_387] {strides = array<i32>} : memref<4x128xi32, #tpu.memory_space<vmem>>, vector<1x16xi32>,
        %get3A_389 = vector.shape_cast %get3A_388 : vector<1x16xi32> to vector<16xi32>
        %mul3A_390 = arith.constant 10000 : i32
        %mul3A_391 = arith.muli %add3A_49, %mul3A_390 : i32
        %add3A_392 = vector.broadcast %mul3A_391 : i32 to vector<16xi32>
        %add3A_393 = arith.addi %get3A_389, %add3A_392 : vector<16xi32>
        %swap3A_394 = arith.constant 2 : i32
        %swap3A_395 = arith.index_cast %swap3A_394 : i32 to index
        %swap3A_396 = arith.constant 48 : index
        %swap3A_397 = tpu.vector_load %arg10[%swap3A_395, %swap3A_396] {strides = array<i32>} : memref<4x128xi32, #tpu.memory_space<vmem>>, vector<1x16xi32>,
        %swap3A_398 = vector.shape_cast %swap3A_397 : vector<1x16xi32> to vector<16xi32>
        %swap3A_399 = vector.shape_cast %add3A_393 : vector<16xi32> to vector<1x16xi32>
        tpu.vector_store %arg10[%swap3A_395, %swap3A_396], %swap3A_399 {strides = array<i32>} : memref<4x128xi32, #tpu.memory_space<vmem>>, vector<1x16xi32>,
        %get3A_400 = arith.constant 2 : i32
        %get3A_401 = arith.index_cast %get3A_400 : i32 to index
        %get3A_402 = arith.constant 64 : index
        %get3A_403 = tpu.vector_load %arg8[%get3A_401, %get3A_402] {strides = array<i32>} : memref<4x128xi32, #tpu.memory_space<vmem>>, vector<1x16xi32>,
        %get3A_404 = vector.shape_cast %get3A_403 : vector<1x16xi32> to vector<16xi32>
        %mul3A_405 = arith.constant 10000 : i32
        %mul3A_406 = arith.muli %add3A_49, %mul3A_405 : i32
        %add3A_407 = vector.broadcast %mul3A_406 : i32 to vector<16xi32>
        %add3A_408 = arith.addi %get3A_404, %add3A_407 : vector<16xi32>
        %swap3A_409 = arith.constant 2 : i32
        %swap3A_410 = arith.index_cast %swap3A_409 : i32 to index
        %swap3A_411 = arith.constant 64 : index
        %swap3A_412 = tpu.vector_load %arg10[%swap3A_410, %swap3A_411] {strides = array<i32>} : memref<4x128xi32, #tpu.memory_space<vmem>>, vector<1x16xi32>,
        %swap3A_413 = vector.shape_cast %swap3A_412 : vector<1x16xi32> to vector<16xi32>
        %swap3A_414 = vector.shape_cast %add3A_408 : vector<16xi32> to vector<1x16xi32>
        tpu.vector_store %arg10[%swap3A_410, %swap3A_411], %swap3A_414 {strides = array<i32>} : memref<4x128xi32, #tpu.memory_space<vmem>>, vector<1x16xi32>,
        %get3A_415 = arith.constant 2 : i32
        %get3A_416 = arith.index_cast %get3A_415 : i32 to index
        %get3A_417 = arith.constant 80 : index
        %get3A_418 = tpu.vector_load %arg8[%get3A_416, %get3A_417] {strides = array<i32>} : memref<4x128xi32, #tpu.memory_space<vmem>>, vector<1x16xi32>,
        %get3A_419 = vector.shape_cast %get3A_418 : vector<1x16xi32> to vector<16xi32>
        %mul3A_420 = arith.constant 10000 : i32
        %mul3A_421 = arith.muli %add3A_49, %mul3A_420 : i32
        %add3A_422 = vector.broadcast %mul3A_421 : i32 to vector<16xi32>
        %add3A_423 = arith.addi %get3A_419, %add3A_422 : vector<16xi32>
        %swap3A_424 = arith.constant 2 : i32
        %swap3A_425 = arith.index_cast %swap3A_424 : i32 to index
        %swap3A_426 = arith.constant 80 : index
        %swap3A_427 = tpu.vector_load %arg10[%swap3A_425, %swap3A_426] {strides = array<i32>} : memref<4x128xi32, #tpu.memory_space<vmem>>, vector<1x16xi32>,
        %swap3A_428 = vector.shape_cast %swap3A_427 : vector<1x16xi32> to vector<16xi32>
        %swap3A_429 = vector.shape_cast %add3A_423 : vector<16xi32> to vector<1x16xi32>
        tpu.vector_store %arg10[%swap3A_425, %swap3A_426], %swap3A_429 {strides = array<i32>} : memref<4x128xi32, #tpu.memory_space<vmem>>, vector<1x16xi32>,
        %get3A_430 = arith.constant 2 : i32
        %get3A_431 = arith.index_cast %get3A_430 : i32 to index
        %get3A_432 = arith.constant 96 : index
        %get3A_433 = tpu.vector_load %arg8[%get3A_431, %get3A_432] {strides = array<i32>} : memref<4x128xi32, #tpu.memory_space<vmem>>, vector<1x16xi32>,
        %get3A_434 = vector.shape_cast %get3A_433 : vector<1x16xi32> to vector<16xi32>
        %mul3A_435 = arith.constant 10000 : i32
        %mul3A_436 = arith.muli %add3A_49, %mul3A_435 : i32
        %add3A_437 = vector.broadcast %mul3A_436 : i32 to vector<16xi32>
        %add3A_438 = arith.addi %get3A_434, %add3A_437 : vector<16xi32>
        %swap3A_439 = arith.constant 2 : i32
        %swap3A_440 = arith.index_cast %swap3A_439 : i32 to index
        %swap3A_441 = arith.constant 96 : index
        %swap3A_442 = tpu.vector_load %arg10[%swap3A_440, %swap3A_441] {strides = array<i32>} : memref<4x128xi32, #tpu.memory_space<vmem>>, vector<1x16xi32>,
        %swap3A_443 = vector.shape_cast %swap3A_442 : vector<1x16xi32> to vector<16xi32>
        %swap3A_444 = vector.shape_cast %add3A_438 : vector<16xi32> to vector<1x16xi32>
        tpu.vector_store %arg10[%swap3A_440, %swap3A_441], %swap3A_444 {strides = array<i32>} : memref<4x128xi32, #tpu.memory_space<vmem>>, vector<1x16xi32>,
        %get3A_445 = arith.constant 2 : i32
        %get3A_446 = arith.index_cast %get3A_445 : i32 to index
        %get3A_447 = arith.constant 112 : index
        %get3A_448 = tpu.vector_load %arg8[%get3A_446, %get3A_447] {strides = array<i32>} : memref<4x128xi32, #tpu.memory_space<vmem>>, vector<1x16xi32>,
        %get3A_449 = vector.shape_cast %get3A_448 : vector<1x16xi32> to vector<16xi32>
        %mul3A_450 = arith.constant 10000 : i32
        %mul3A_451 = arith.muli %add3A_49, %mul3A_450 : i32
        %add3A_452 = vector.broadcast %mul3A_451 : i32 to vector<16xi32>
        %add3A_453 = arith.addi %get3A_449, %add3A_452 : vector<16xi32>
        %swap3A_454 = arith.constant 2 : i32
        %swap3A_455 = arith.index_cast %swap3A_454 : i32 to index
        %swap3A_456 = arith.constant 112 : index
        %swap3A_457 = tpu.vector_load %arg10[%swap3A_455, %swap3A_456] {strides = array<i32>} : memref<4x128xi32, #tpu.memory_space<vmem>>, vector<1x16xi32>,
        %swap3A_458 = vector.shape_cast %swap3A_457 : vector<1x16xi32> to vector<16xi32>
        %swap3A_459 = vector.shape_cast %add3A_453 : vector<16xi32> to vector<1x16xi32>
        tpu.vector_store %arg10[%swap3A_455, %swap3A_456], %swap3A_459 {strides = array<i32>} : memref<4x128xi32, #tpu.memory_space<vmem>>, vector<1x16xi32>,
        %get3A_460 = arith.constant 3 : i32
        %get3A_461 = arith.index_cast %get3A_460 : i32 to index
        %get3A_462 = arith.constant 0 : index
        %get3A_463 = tpu.vector_load %arg8[%get3A_461, %get3A_462] {strides = array<i32>} : memref<4x128xi32, #tpu.memory_space<vmem>>, vector<1x16xi32>,
        %get3A_464 = vector.shape_cast %get3A_463 : vector<1x16xi32> to vector<16xi32>
        %mul3A_465 = arith.constant 10000 : i32
        %mul3A_466 = arith.muli %add3A_49, %mul3A_465 : i32
        %add3A_467 = vector.broadcast %mul3A_466 : i32 to vector<16xi32>
        %add3A_468 = arith.addi %get3A_464, %add3A_467 : vector<16xi32>
        %swap3A_469 = arith.constant 3 : i32
        %swap3A_470 = arith.index_cast %swap3A_469 : i32 to index
        %swap3A_471 = arith.constant 0 : index
        %swap3A_472 = tpu.vector_load %arg10[%swap3A_470, %swap3A_471] {strides = array<i32>} : memref<4x128xi32, #tpu.memory_space<vmem>>, vector<1x16xi32>,
        %swap3A_473 = vector.shape_cast %swap3A_472 : vector<1x16xi32> to vector<16xi32>
        %swap3A_474 = vector.shape_cast %add3A_468 : vector<16xi32> to vector<1x16xi32>
        tpu.vector_store %arg10[%swap3A_470, %swap3A_471], %swap3A_474 {strides = array<i32>} : memref<4x128xi32, #tpu.memory_space<vmem>>, vector<1x16xi32>,
        %get3A_475 = arith.constant 3 : i32
        %get3A_476 = arith.index_cast %get3A_475 : i32 to index
        %get3A_477 = arith.constant 16 : index
        %get3A_478 = tpu.vector_load %arg8[%get3A_476, %get3A_477] {strides = array<i32>} : memref<4x128xi32, #tpu.memory_space<vmem>>, vector<1x16xi32>,
        %get3A_479 = vector.shape_cast %get3A_478 : vector<1x16xi32> to vector<16xi32>
        %mul3A_480 = arith.constant 10000 : i32
        %mul3A_481 = arith.muli %add3A_49, %mul3A_480 : i32
        %add3A_482 = vector.broadcast %mul3A_481 : i32 to vector<16xi32>
        %add3A_483 = arith.addi %get3A_479, %add3A_482 : vector<16xi32>
        %swap3A_484 = arith.constant 3 : i32
        %swap3A_485 = arith.index_cast %swap3A_484 : i32 to index
        %swap3A_486 = arith.constant 16 : index
        %swap3A_487 = tpu.vector_load %arg10[%swap3A_485, %swap3A_486] {strides = array<i32>} : memref<4x128xi32, #tpu.memory_space<vmem>>, vector<1x16xi32>,
        %swap3A_488 = vector.shape_cast %swap3A_487 : vector<1x16xi32> to vector<16xi32>
        %swap3A_489 = vector.shape_cast %add3A_483 : vector<16xi32> to vector<1x16xi32>
        tpu.vector_store %arg10[%swap3A_485, %swap3A_486], %swap3A_489 {strides = array<i32>} : memref<4x128xi32, #tpu.memory_space<vmem>>, vector<1x16xi32>,
        %get3A_490 = arith.constant 3 : i32
        %get3A_491 = arith.index_cast %get3A_490 : i32 to index
        %get3A_492 = arith.constant 32 : index
        %get3A_493 = tpu.vector_load %arg8[%get3A_491, %get3A_492] {strides = array<i32>} : memref<4x128xi32, #tpu.memory_space<vmem>>, vector<1x16xi32>,
        %get3A_494 = vector.shape_cast %get3A_493 : vector<1x16xi32> to vector<16xi32>
        %mul3A_495 = arith.constant 10000 : i32
        %mul3A_496 = arith.muli %add3A_49, %mul3A_495 : i32
        %add3A_497 = vector.broadcast %mul3A_496 : i32 to vector<16xi32>
        %add3A_498 = arith.addi %get3A_494, %add3A_497 : vector<16xi32>
        %swap3A_499 = arith.constant 3 : i32
        %swap3A_500 = arith.index_cast %swap3A_499 : i32 to index
        %swap3A_501 = arith.constant 32 : index
        %swap3A_502 = tpu.vector_load %arg10[%swap3A_500, %swap3A_501] {strides = array<i32>} : memref<4x128xi32, #tpu.memory_space<vmem>>, vector<1x16xi32>,
        %swap3A_503 = vector.shape_cast %swap3A_502 : vector<1x16xi32> to vector<16xi32>
        %swap3A_504 = vector.shape_cast %add3A_498 : vector<16xi32> to vector<1x16xi32>
        tpu.vector_store %arg10[%swap3A_500, %swap3A_501], %swap3A_504 {strides = array<i32>} : memref<4x128xi32, #tpu.memory_space<vmem>>, vector<1x16xi32>,
        %get3A_505 = arith.constant 3 : i32
        %get3A_506 = arith.index_cast %get3A_505 : i32 to index
        %get3A_507 = arith.constant 48 : index
        %get3A_508 = tpu.vector_load %arg8[%get3A_506, %get3A_507] {strides = array<i32>} : memref<4x128xi32, #tpu.memory_space<vmem>>, vector<1x16xi32>,
        %get3A_509 = vector.shape_cast %get3A_508 : vector<1x16xi32> to vector<16xi32>
        %mul3A_510 = arith.constant 10000 : i32
        %mul3A_511 = arith.muli %add3A_49, %mul3A_510 : i32
        %add3A_512 = vector.broadcast %mul3A_511 : i32 to vector<16xi32>
        %add3A_513 = arith.addi %get3A_509, %add3A_512 : vector<16xi32>
        %swap3A_514 = arith.constant 3 : i32
        %swap3A_515 = arith.index_cast %swap3A_514 : i32 to index
        %swap3A_516 = arith.constant 48 : index
        %swap3A_517 = tpu.vector_load %arg10[%swap3A_515, %swap3A_516] {strides = array<i32>} : memref<4x128xi32, #tpu.memory_space<vmem>>, vector<1x16xi32>,
        %swap3A_518 = vector.shape_cast %swap3A_517 : vector<1x16xi32> to vector<16xi32>
        %swap3A_519 = vector.shape_cast %add3A_513 : vector<16xi32> to vector<1x16xi32>
        tpu.vector_store %arg10[%swap3A_515, %swap3A_516], %swap3A_519 {strides = array<i32>} : memref<4x128xi32, #tpu.memory_space<vmem>>, vector<1x16xi32>,
        %get3A_520 = arith.constant 3 : i32
        %get3A_521 = arith.index_cast %get3A_520 : i32 to index
        %get3A_522 = arith.constant 64 : index
        %get3A_523 = tpu.vector_load %arg8[%get3A_521, %get3A_522] {strides = array<i32>} : memref<4x128xi32, #tpu.memory_space<vmem>>, vector<1x16xi32>,
        %get3A_524 = vector.shape_cast %get3A_523 : vector<1x16xi32> to vector<16xi32>
        %mul3A_525 = arith.constant 10000 : i32
        %mul3A_526 = arith.muli %add3A_49, %mul3A_525 : i32
        %add3A_527 = vector.broadcast %mul3A_526 : i32 to vector<16xi32>
        %add3A_528 = arith.addi %get3A_524, %add3A_527 : vector<16xi32>
        %swap3A_529 = arith.constant 3 : i32
        %swap3A_530 = arith.index_cast %swap3A_529 : i32 to index
        %swap3A_531 = arith.constant 64 : index
        %swap3A_532 = tpu.vector_load %arg10[%swap3A_530, %swap3A_531] {strides = array<i32>} : memref<4x128xi32, #tpu.memory_space<vmem>>, vector<1x16xi32>,
        %swap3A_533 = vector.shape_cast %swap3A_532 : vector<1x16xi32> to vector<16xi32>
        %swap3A_534 = vector.shape_cast %add3A_528 : vector<16xi32> to vector<1x16xi32>
        tpu.vector_store %arg10[%swap3A_530, %swap3A_531], %swap3A_534 {strides = array<i32>} : memref<4x128xi32, #tpu.memory_space<vmem>>, vector<1x16xi32>,
        %get3A_535 = arith.constant 3 : i32
        %get3A_536 = arith.index_cast %get3A_535 : i32 to index
        %get3A_537 = arith.constant 80 : index
        %get3A_538 = tpu.vector_load %arg8[%get3A_536, %get3A_537] {strides = array<i32>} : memref<4x128xi32, #tpu.memory_space<vmem>>, vector<1x16xi32>,
        %get3A_539 = vector.shape_cast %get3A_538 : vector<1x16xi32> to vector<16xi32>
        %mul3A_540 = arith.constant 10000 : i32
        %mul3A_541 = arith.muli %add3A_49, %mul3A_540 : i32
        %add3A_542 = vector.broadcast %mul3A_541 : i32 to vector<16xi32>
        %add3A_543 = arith.addi %get3A_539, %add3A_542 : vector<16xi32>
        %swap3A_544 = arith.constant 3 : i32
        %swap3A_545 = arith.index_cast %swap3A_544 : i32 to index
        %swap3A_546 = arith.constant 80 : index
        %swap3A_547 = tpu.vector_load %arg10[%swap3A_545, %swap3A_546] {strides = array<i32>} : memref<4x128xi32, #tpu.memory_space<vmem>>, vector<1x16xi32>,
        %swap3A_548 = vector.shape_cast %swap3A_547 : vector<1x16xi32> to vector<16xi32>
        %swap3A_549 = vector.shape_cast %add3A_543 : vector<16xi32> to vector<1x16xi32>
        tpu.vector_store %arg10[%swap3A_545, %swap3A_546], %swap3A_549 {strides = array<i32>} : memref<4x128xi32, #tpu.memory_space<vmem>>, vector<1x16xi32>,
        %get3A_550 = arith.constant 3 : i32
        %get3A_551 = arith.index_cast %get3A_550 : i32 to index
        %get3A_552 = arith.constant 96 : index
        %get3A_553 = tpu.vector_load %arg8[%get3A_551, %get3A_552] {strides = array<i32>} : memref<4x128xi32, #tpu.memory_space<vmem>>, vector<1x16xi32>,
        %get3A_554 = vector.shape_cast %get3A_553 : vector<1x16xi32> to vector<16xi32>
        %mul3A_555 = arith.constant 10000 : i32
        %mul3A_556 = arith.muli %add3A_49, %mul3A_555 : i32
        %add3A_557 = vector.broadcast %mul3A_556 : i32 to vector<16xi32>
        %add3A_558 = arith.addi %get3A_554, %add3A_557 : vector<16xi32>
        %swap3A_559 = arith.constant 3 : i32
        %swap3A_560 = arith.index_cast %swap3A_559 : i32 to index
        %swap3A_561 = arith.constant 96 : index
        %swap3A_562 = tpu.vector_load %arg10[%swap3A_560, %swap3A_561] {strides = array<i32>} : memref<4x128xi32, #tpu.memory_space<vmem>>, vector<1x16xi32>,
        %swap3A_563 = vector.shape_cast %swap3A_562 : vector<1x16xi32> to vector<16xi32>
        %swap3A_564 = vector.shape_cast %add3A_558 : vector<16xi32> to vector<1x16xi32>
        tpu.vector_store %arg10[%swap3A_560, %swap3A_561], %swap3A_564 {strides = array<i32>} : memref<4x128xi32, #tpu.memory_space<vmem>>, vector<1x16xi32>,
        %get3A_565 = arith.constant 3 : i32
        %get3A_566 = arith.index_cast %get3A_565 : i32 to index
        %get3A_567 = arith.constant 112 : index
        %get3A_568 = tpu.vector_load %arg8[%get3A_566, %get3A_567] {strides = array<i32>} : memref<4x128xi32, #tpu.memory_space<vmem>>, vector<1x16xi32>,
        %get3A_569 = vector.shape_cast %get3A_568 : vector<1x16xi32> to vector<16xi32>
        %mul3A_570 = arith.constant 10000 : i32
        %mul3A_571 = arith.muli %add3A_49, %mul3A_570 : i32
        %add3A_572 = vector.broadcast %mul3A_571 : i32 to vector<16xi32>
        %add3A_573 = arith.addi %get3A_569, %add3A_572 : vector<16xi32>
        %swap3A_574 = arith.constant 3 : i32
        %swap3A_575 = arith.index_cast %swap3A_574 : i32 to index
        %swap3A_576 = arith.constant 112 : index
        %swap3A_577 = tpu.vector_load %arg10[%swap3A_575, %swap3A_576] {strides = array<i32>} : memref<4x128xi32, #tpu.memory_space<vmem>>, vector<1x16xi32>,
        %swap3A_578 = vector.shape_cast %swap3A_577 : vector<1x16xi32> to vector<16xi32>
        %swap3A_579 = vector.shape_cast %add3A_573 : vector<16xi32> to vector<1x16xi32>
        tpu.vector_store %arg10[%swap3A_575, %swap3A_576], %swap3A_579 {strides = array<i32>} : memref<4x128xi32, #tpu.memory_space<vmem>>, vector<1x16xi32>,
        %dma_start3A = arith.constant 0 : i32
        %dma_start3A_580 = arith.constant 0 : i32
        %dma_start3A_581 = tpu.memref_slice %arg10[%dma_start3A, %dma_start3A_580] : memref<4x128xi32, #tpu.memory_space<vmem>> -> memref<1x128xi32, #tpu.memory_space<vmem>>
        %dma_start3A_582 = tpu.memref_squeeze %dma_start3A_581 : memref<1x128xi32, #tpu.memory_space<vmem>> -> memref<128xi32, #tpu.memory_space<vmem>>
        %dma_start3A_583 = arith.constant 0 : i32
        %dma_start3A_584 = arith.constant 0 : i32
        %dma_start3A_585 = tpu.memref_slice %arg2[%dma_start3A_583, %dma_start3A_584] : memref<80000x128xf32, #tpu.memory_space<hbm>> -> memref<80000x128xf32, #tpu.memory_space<hbm>>
        tpu.enqueue_indirect_dma source(%dma_start3A_585 : memref<80000x128xf32, #tpu.memory_space<hbm>>) target(%arg11 : memref<128x128xf32, #tpu.memory_space<vmem>>) offsets(%dma_start3A_582 : memref<128xi32, #tpu.memory_space<vmem>>) semaphore(%arg14 : memref<!tpu.dma_semaphore, #tpu.memory_space<semaphore_mem>>)
        %dma_start3A_586 = arith.constant 1 : i32
        %dma_start3A_587 = arith.constant 0 : i32
        %dma_start3A_588 = tpu.memref_slice %arg10[%dma_start3A_586, %dma_start3A_587] : memref<4x128xi32, #tpu.memory_space<vmem>> -> memref<1x128xi32, #tpu.memory_space<vmem>>
        %dma_start3A_589 = tpu.memref_squeeze %dma_start3A_588 : memref<1x128xi32, #tpu.memory_space<vmem>> -> memref<128xi32, #tpu.memory_space<vmem>>
        %dma_start3A_590 = arith.constant 0 : i32
        %dma_start3A_591 = arith.constant 0 : i32
        %dma_start3A_592 = tpu.memref_slice %arg2[%dma_start3A_590, %dma_start3A_591] : memref<80000x128xf32, #tpu.memory_space<hbm>> -> memref<80000x128xf32, #tpu.memory_space<hbm>>
        tpu.enqueue_indirect_dma source(%dma_start3A_592 : memref<80000x128xf32, #tpu.memory_space<hbm>>) target(%arg12 : memref<128x128xf32, #tpu.memory_space<vmem>>) offsets(%dma_start3A_589 : memref<128xi32, #tpu.memory_space<vmem>>) semaphore(%arg15 : memref<!tpu.dma_semaphore, #tpu.memory_space<semaphore_mem>>)
        %dma_wait3A = arith.constant 0 : i32
        %dma_wait3A_593 = arith.constant 0 : i32
        %dma_wait3A_594 = tpu.memref_slice %arg10[%dma_wait3A, %dma_wait3A_593] : memref<4x128xi32, #tpu.memory_space<vmem>> -> memref<1x128xi32, #tpu.memory_space<vmem>>
        %dma_wait3A_595 = tpu.memref_squeeze %dma_wait3A_594 : memref<1x128xi32, #tpu.memory_space<vmem>> -> memref<128xi32, #tpu.memory_space<vmem>>
        %dma_wait3A_596 = arith.constant 0 : i32
        %dma_wait3A_597 = arith.constant 0 : i32
        %dma_wait3A_598 = tpu.memref_slice %arg2[%dma_wait3A_596, %dma_wait3A_597] : memref<80000x128xf32, #tpu.memory_space<hbm>> -> memref<80000x128xf32, #tpu.memory_space<hbm>>
        tpu.wait_indirect_dma semaphore(%arg14 : memref<!tpu.dma_semaphore, #tpu.memory_space<semaphore_mem>>) src(%dma_wait3A_598 : memref<80000x128xf32, #tpu.memory_space<hbm>>) dst(%arg11 : memref<128x128xf32, #tpu.memory_space<vmem>>)
        %run_scoped3A = arith.constant 0 : i32
        "tpu.region"() ({
          %run_scoped3A_637 = tpu.sem_alloc : memref<!tpu.dma_semaphore, #tpu.memory_space<semaphore_mem>>
          %dma_start3A_638 = arith.constant 0 : i32
          %dma_start3A_639 = tpu.memref_slice %arg9[%run_scoped3A, %dma_start3A_638] : memref<4x128xi32, #tpu.memory_space<vmem>> -> memref<1x128xi32, #tpu.memory_space<vmem>>
          %dma_start3A_640 = tpu.memref_squeeze %dma_start3A_639 : memref<1x128xi32, #tpu.memory_space<vmem>> -> memref<128xi32, #tpu.memory_space<vmem>>
          %dma_start3A_641 = arith.constant 0 : i32
          %dma_start3A_642 = arith.constant 0 : i32
          %dma_start3A_643 = tpu.memref_slice %arg7[%dma_start3A_641, %dma_start3A_642] : memref<10000x128xf32, #tpu.memory_space<vmem_shared>> -> memref<10000x128xf32, #tpu.memory_space<vmem_shared>>
          tpu.enqueue_indirect_dma source(%arg11 : memref<128x128xf32, #tpu.memory_space<vmem>>) target(%dma_start3A_643 : memref<10000x128xf32, #tpu.memory_space<vmem_shared>>) offsets(%dma_start3A_640 : memref<128xi32, #tpu.memory_space<vmem>>) semaphore(%run_scoped3A_637 : memref<!tpu.dma_semaphore, #tpu.memory_space<semaphore_mem>>) {add = true}
          %dma_wait3A_644 = arith.constant 0 : i32
          %dma_wait3A_645 = tpu.memref_slice %arg9[%run_scoped3A, %dma_wait3A_644] : memref<4x128xi32, #tpu.memory_space<vmem>> -> memref<1x128xi32, #tpu.memory_space<vmem>>
          %dma_wait3A_646 = tpu.memref_squeeze %dma_wait3A_645 : memref<1x128xi32, #tpu.memory_space<vmem>> -> memref<128xi32, #tpu.memory_space<vmem>>
          %dma_wait3A_647 = arith.constant 0 : i32
          %dma_wait3A_648 = arith.constant 0 : i32
          %dma_wait3A_649 = tpu.memref_slice %arg7[%dma_wait3A_647, %dma_wait3A_648] : memref<10000x128xf32, #tpu.memory_space<vmem_shared>> -> memref<10000x128xf32, #tpu.memory_space<vmem_shared>>
          tpu.wait_indirect_dma semaphore(%run_scoped3A_637 : memref<!tpu.dma_semaphore, #tpu.memory_space<semaphore_mem>>) src(%arg11 : memref<128x128xf32, #tpu.memory_space<vmem>>) dst(%dma_wait3A_649 : memref<10000x128xf32, #tpu.memory_space<vmem_shared>>)
          tpu.yield
        }) : () -> ()
        %dma_start3A_599 = arith.constant 2 : i32
        %dma_start3A_600 = arith.constant 0 : i32
        %dma_start3A_601 = tpu.memref_slice %arg10[%dma_start3A_599, %dma_start3A_600] : memref<4x128xi32, #tpu.memory_space<vmem>> -> memref<1x128xi32, #tpu.memory_space<vmem>>
        %dma_start3A_602 = tpu.memref_squeeze %dma_start3A_601 : memref<1x128xi32, #tpu.memory_space<vmem>> -> memref<128xi32, #tpu.memory_space<vmem>>
        %dma_start3A_603 = arith.constant 0 : i32
        %dma_start3A_604 = arith.constant 0 : i32
        %dma_start3A_605 = tpu.memref_slice %arg2[%dma_start3A_603, %dma_start3A_604] : memref<80000x128xf32, #tpu.memory_space<hbm>> -> memref<80000x128xf32, #tpu.memory_space<hbm>>
        tpu.enqueue_indirect_dma source(%dma_start3A_605 : memref<80000x128xf32, #tpu.memory_space<hbm>>) target(%arg11 : memref<128x128xf32, #tpu.memory_space<vmem>>) offsets(%dma_start3A_602 : memref<128xi32, #tpu.memory_space<vmem>>) semaphore(%arg14 : memref<!tpu.dma_semaphore, #tpu.memory_space<semaphore_mem>>)
        %dma_wait3A_606 = arith.constant 1 : i32
        %dma_wait3A_607 = arith.constant 0 : i32
        %dma_wait3A_608 = tpu.memref_slice %arg10[%dma_wait3A_606, %dma_wait3A_607] : memref<4x128xi32, #tpu.memory_space<vmem>> -> memref<1x128xi32, #tpu.memory_space<vmem>>
        %dma_wait3A_609 = tpu.memref_squeeze %dma_wait3A_608 : memref<1x128xi32, #tpu.memory_space<vmem>> -> memref<128xi32, #tpu.memory_space<vmem>>
        %dma_wait3A_610 = arith.constant 0 : i32
        %dma_wait3A_611 = arith.constant 0 : i32
        %dma_wait3A_612 = tpu.memref_slice %arg2[%dma_wait3A_610, %dma_wait3A_611] : memref<80000x128xf32, #tpu.memory_space<hbm>> -> memref<80000x128xf32, #tpu.memory_space<hbm>>
        tpu.wait_indirect_dma semaphore(%arg15 : memref<!tpu.dma_semaphore, #tpu.memory_space<semaphore_mem>>) src(%dma_wait3A_612 : memref<80000x128xf32, #tpu.memory_space<hbm>>) dst(%arg12 : memref<128x128xf32, #tpu.memory_space<vmem>>)
        %run_scoped3A_613 = arith.constant 1 : i32
        "tpu.region"() ({
          %run_scoped3A_637 = tpu.sem_alloc : memref<!tpu.dma_semaphore, #tpu.memory_space<semaphore_mem>>
          %dma_start3A_638 = arith.constant 0 : i32
          %dma_start3A_639 = tpu.memref_slice %arg9[%run_scoped3A_613, %dma_start3A_638] : memref<4x128xi32, #tpu.memory_space<vmem>> -> memref<1x128xi32, #tpu.memory_space<vmem>>
          %dma_start3A_640 = tpu.memref_squeeze %dma_start3A_639 : memref<1x128xi32, #tpu.memory_space<vmem>> -> memref<128xi32, #tpu.memory_space<vmem>>
          %dma_start3A_641 = arith.constant 0 : i32
          %dma_start3A_642 = arith.constant 0 : i32
          %dma_start3A_643 = tpu.memref_slice %arg7[%dma_start3A_641, %dma_start3A_642] : memref<10000x128xf32, #tpu.memory_space<vmem_shared>> -> memref<10000x128xf32, #tpu.memory_space<vmem_shared>>
          tpu.enqueue_indirect_dma source(%arg12 : memref<128x128xf32, #tpu.memory_space<vmem>>) target(%dma_start3A_643 : memref<10000x128xf32, #tpu.memory_space<vmem_shared>>) offsets(%dma_start3A_640 : memref<128xi32, #tpu.memory_space<vmem>>) semaphore(%run_scoped3A_637 : memref<!tpu.dma_semaphore, #tpu.memory_space<semaphore_mem>>) {add = true}
          %dma_wait3A_644 = arith.constant 0 : i32
          %dma_wait3A_645 = tpu.memref_slice %arg9[%run_scoped3A_613, %dma_wait3A_644] : memref<4x128xi32, #tpu.memory_space<vmem>> -> memref<1x128xi32, #tpu.memory_space<vmem>>
          %dma_wait3A_646 = tpu.memref_squeeze %dma_wait3A_645 : memref<1x128xi32, #tpu.memory_space<vmem>> -> memref<128xi32, #tpu.memory_space<vmem>>
          %dma_wait3A_647 = arith.constant 0 : i32
          %dma_wait3A_648 = arith.constant 0 : i32
          %dma_wait3A_649 = tpu.memref_slice %arg7[%dma_wait3A_647, %dma_wait3A_648] : memref<10000x128xf32, #tpu.memory_space<vmem_shared>> -> memref<10000x128xf32, #tpu.memory_space<vmem_shared>>
          tpu.wait_indirect_dma semaphore(%run_scoped3A_637 : memref<!tpu.dma_semaphore, #tpu.memory_space<semaphore_mem>>) src(%arg12 : memref<128x128xf32, #tpu.memory_space<vmem>>) dst(%dma_wait3A_649 : memref<10000x128xf32, #tpu.memory_space<vmem_shared>>)
          tpu.yield
        }) : () -> ()
        %dma_start3A_614 = arith.constant 3 : i32
        %dma_start3A_615 = arith.constant 0 : i32
        %dma_start3A_616 = tpu.memref_slice %arg10[%dma_start3A_614, %dma_start3A_615] : memref<4x128xi32, #tpu.memory_space<vmem>> -> memref<1x128xi32, #tpu.memory_space<vmem>>
        %dma_start3A_617 = tpu.memref_squeeze %dma_start3A_616 : memref<1x128xi32, #tpu.memory_space<vmem>> -> memref<128xi32, #tpu.memory_space<vmem>>
        %dma_start3A_618 = arith.constant 0 : i32
        %dma_start3A_619 = arith.constant 0 : i32
        %dma_start3A_620 = tpu.memref_slice %arg2[%dma_start3A_618, %dma_start3A_619] : memref<80000x128xf32, #tpu.memory_space<hbm>> -> memref<80000x128xf32, #tpu.memory_space<hbm>>
        tpu.enqueue_indirect_dma source(%dma_start3A_620 : memref<80000x128xf32, #tpu.memory_space<hbm>>) target(%arg12 : memref<128x128xf32, #tpu.memory_space<vmem>>) offsets(%dma_start3A_617 : memref<128xi32, #tpu.memory_space<vmem>>) semaphore(%arg15 : memref<!tpu.dma_semaphore, #tpu.memory_space<semaphore_mem>>)
        %dma_wait3A_621 = arith.constant 2 : i32
        %dma_wait3A_622 = arith.constant 0 : i32
        %dma_wait3A_623 = tpu.memref_slice %arg10[%dma_wait3A_621, %dma_wait3A_622] : memref<4x128xi32, #tpu.memory_space<vmem>> -> memref<1x128xi32, #tpu.memory_space<vmem>>
        %dma_wait3A_624 = tpu.memref_squeeze %dma_wait3A_623 : memref<1x128xi32, #tpu.memory_space<vmem>> -> memref<128xi32, #tpu.memory_space<vmem>>
        %dma_wait3A_625 = arith.constant 0 : i32
        %dma_wait3A_626 = arith.constant 0 : i32
        %dma_wait3A_627 = tpu.memref_slice %arg2[%dma_wait3A_625, %dma_wait3A_626] : memref<80000x128xf32, #tpu.memory_space<hbm>> -> memref<80000x128xf32, #tpu.memory_space<hbm>>
        tpu.wait_indirect_dma semaphore(%arg14 : memref<!tpu.dma_semaphore, #tpu.memory_space<semaphore_mem>>) src(%dma_wait3A_627 : memref<80000x128xf32, #tpu.memory_space<hbm>>) dst(%arg11 : memref<128x128xf32, #tpu.memory_space<vmem>>)
        %run_scoped3A_628 = arith.constant 2 : i32
        "tpu.region"() ({
          %run_scoped3A_637 = tpu.sem_alloc : memref<!tpu.dma_semaphore, #tpu.memory_space<semaphore_mem>>
          %dma_start3A_638 = arith.constant 0 : i32
          %dma_start3A_639 = tpu.memref_slice %arg9[%run_scoped3A_628, %dma_start3A_638] : memref<4x128xi32, #tpu.memory_space<vmem>> -> memref<1x128xi32, #tpu.memory_space<vmem>>
          %dma_start3A_640 = tpu.memref_squeeze %dma_start3A_639 : memref<1x128xi32, #tpu.memory_space<vmem>> -> memref<128xi32, #tpu.memory_space<vmem>>
          %dma_start3A_641 = arith.constant 0 : i32
          %dma_start3A_642 = arith.constant 0 : i32
          %dma_start3A_643 = tpu.memref_slice %arg7[%dma_start3A_641, %dma_start3A_642] : memref<10000x128xf32, #tpu.memory_space<vmem_shared>> -> memref<10000x128xf32, #tpu.memory_space<vmem_shared>>
          tpu.enqueue_indirect_dma source(%arg11 : memref<128x128xf32, #tpu.memory_space<vmem>>) target(%dma_start3A_643 : memref<10000x128xf32, #tpu.memory_space<vmem_shared>>) offsets(%dma_start3A_640 : memref<128xi32, #tpu.memory_space<vmem>>) semaphore(%run_scoped3A_637 : memref<!tpu.dma_semaphore, #tpu.memory_space<semaphore_mem>>) {add = true}
          %dma_wait3A_644 = arith.constant 0 : i32
          %dma_wait3A_645 = tpu.memref_slice %arg9[%run_scoped3A_628, %dma_wait3A_644] : memref<4x128xi32, #tpu.memory_space<vmem>> -> memref<1x128xi32, #tpu.memory_space<vmem>>
          %dma_wait3A_646 = tpu.memref_squeeze %dma_wait3A_645 : memref<1x128xi32, #tpu.memory_space<vmem>> -> memref<128xi32, #tpu.memory_space<vmem>>
          %dma_wait3A_647 = arith.constant 0 : i32
          %dma_wait3A_648 = arith.constant 0 : i32
          %dma_wait3A_649 = tpu.memref_slice %arg7[%dma_wait3A_647, %dma_wait3A_648] : memref<10000x128xf32, #tpu.memory_space<vmem_shared>> -> memref<10000x128xf32, #tpu.memory_space<vmem_shared>>
          tpu.wait_indirect_dma semaphore(%run_scoped3A_637 : memref<!tpu.dma_semaphore, #tpu.memory_space<semaphore_mem>>) src(%arg11 : memref<128x128xf32, #tpu.memory_space<vmem>>) dst(%dma_wait3A_649 : memref<10000x128xf32, #tpu.memory_space<vmem_shared>>)
          tpu.yield
        }) : () -> ()
        %dma_wait3A_629 = arith.constant 3 : i32
        %dma_wait3A_630 = arith.constant 0 : i32
        %dma_wait3A_631 = tpu.memref_slice %arg10[%dma_wait3A_629, %dma_wait3A_630] : memref<4x128xi32, #tpu.memory_space<vmem>> -> memref<1x128xi32, #tpu.memory_space<vmem>>
        %dma_wait3A_632 = tpu.memref_squeeze %dma_wait3A_631 : memref<1x128xi32, #tpu.memory_space<vmem>> -> memref<128xi32, #tpu.memory_space<vmem>>
        %dma_wait3A_633 = arith.constant 0 : i32
        %dma_wait3A_634 = arith.constant 0 : i32
        %dma_wait3A_635 = tpu.memref_slice %arg2[%dma_wait3A_633, %dma_wait3A_634] : memref<80000x128xf32, #tpu.memory_space<hbm>> -> memref<80000x128xf32, #tpu.memory_space<hbm>>
        tpu.wait_indirect_dma semaphore(%arg15 : memref<!tpu.dma_semaphore, #tpu.memory_space<semaphore_mem>>) src(%dma_wait3A_635 : memref<80000x128xf32, #tpu.memory_space<hbm>>) dst(%arg12 : memref<128x128xf32, #tpu.memory_space<vmem>>)
        %run_scoped3A_636 = arith.constant 3 : i32
        "tpu.region"() ({
          %run_scoped3A_637 = tpu.sem_alloc : memref<!tpu.dma_semaphore, #tpu.memory_space<semaphore_mem>>
          %dma_start3A_638 = arith.constant 0 : i32
          %dma_start3A_639 = tpu.memref_slice %arg9[%run_scoped3A_636, %dma_start3A_638] : memref<4x128xi32, #tpu.memory_space<vmem>> -> memref<1x128xi32, #tpu.memory_space<vmem>>
          %dma_start3A_640 = tpu.memref_squeeze %dma_start3A_639 : memref<1x128xi32, #tpu.memory_space<vmem>> -> memref<128xi32, #tpu.memory_space<vmem>>
          %dma_start3A_641 = arith.constant 0 : i32
          %dma_start3A_642 = arith.constant 0 : i32
          %dma_start3A_643 = tpu.memref_slice %arg7[%dma_start3A_641, %dma_start3A_642] : memref<10000x128xf32, #tpu.memory_space<vmem_shared>> -> memref<10000x128xf32, #tpu.memory_space<vmem_shared>>
          tpu.enqueue_indirect_dma source(%arg12 : memref<128x128xf32, #tpu.memory_space<vmem>>) target(%dma_start3A_643 : memref<10000x128xf32, #tpu.memory_space<vmem_shared>>) offsets(%dma_start3A_640 : memref<128xi32, #tpu.memory_space<vmem>>) semaphore(%run_scoped3A_637 : memref<!tpu.dma_semaphore, #tpu.memory_space<semaphore_mem>>) {add = true}
          %dma_wait3A_644 = arith.constant 0 : i32
          %dma_wait3A_645 = tpu.memref_slice %arg9[%run_scoped3A_636, %dma_wait3A_644] : memref<4x128xi32, #tpu.memory_space<vmem>> -> memref<1x128xi32, #tpu.memory_space<vmem>>
          %dma_wait3A_646 = tpu.memref_squeeze %dma_wait3A_645 : memref<1x128xi32, #tpu.memory_space<vmem>> -> memref<128xi32, #tpu.memory_space<vmem>>
          %dma_wait3A_647 = arith.constant 0 : i32
          %dma_wait3A_648 = arith.constant 0 : i32
          %dma_wait3A_649 = tpu.memref_slice %arg7[%dma_wait3A_647, %dma_wait3A_648] : memref<10000x128xf32, #tpu.memory_space<vmem_shared>> -> memref<10000x128xf32, #tpu.memory_space<vmem_shared>>
          tpu.wait_indirect_dma semaphore(%run_scoped3A_637 : memref<!tpu.dma_semaphore, #tpu.memory_space<semaphore_mem>>) src(%arg12 : memref<128x128xf32, #tpu.memory_space<vmem>>) dst(%dma_wait3A_649 : memref<10000x128xf32, #tpu.memory_space<vmem_shared>>)
          tpu.yield
        }) : () -> ()
      } else {
      }
    }
    %scan3A_62 = arith.constant 40 : i32
    %barrier3A_63 = arith.constant 0 : index
    tpu.barrier barrier_id(%barrier3A_63)
    %scan3A_64 = arith.constant 0 : i32
    %scan3A_65 = arith.constant 0 : i32
    %scan3A_66 = arith.constant 5 : i32
    %scan3A_67 = arith.addi %scan3A_65, %scan3A_66 : i32
    %scan3A_68 = arith.constant 1 : i32
    scf.for %scan3A_96 = %scan3A_65 to %scan3A_67 step %scan3A_68  : i32 {
      %mul3A_97 = arith.constant 16 : i32
      %mul3A_98 = arith.muli %scan3A_96, %mul3A_97 : i32
      %add3A_99 = arith.addi %arg1, %mul3A_98 : i32
      %lt3A = arith.constant 79 : i32
      %lt3A_100 = arith.cmpi slt, %add3A_99, %lt3A : i32
      %convert_element_type3A = arith.extui %lt3A_100 : i1 to i32
      %cond3A = arith.constant 0 : i32
      %cond3A_101 = arith.cmpi ne, %convert_element_type3A, %cond3A : i32
      scf.if %cond3A_101 {
        %mul3A_102 = arith.constant 128 : i32
        %mul3A_103 = arith.muli %add3A_99, %mul3A_102 : i32
        %min3A = arith.constant 9872 : i32
        %min3A_104 = arith.minsi %mul3A_103, %min3A : i32
        %iota3A = tpu.iota {dimensions = array<i32: 0>} : vector<16xi32>
        %add3A_105 = arith.constant 0 : i32
        %add3A_106 = arith.addi %min3A_104, %add3A_105 : i32
        %add3A_107 = vector.broadcast %add3A_106 : i32 to vector<16xi32>
        %add3A_108 = arith.addi %iota3A, %add3A_107 : vector<16xi32>
        %swap3A = arith.constant 0 : index
        %swap3A_109 = tpu.vector_load %arg13[%swap3A] {strides = array<i32>} : memref<128xi32, #tpu.memory_space<vmem>>, vector<16xi32>,
        %swap3A_110 = vector.shape_cast %swap3A_109 : vector<16xi32> to vector<16xi32>
        %swap3A_111 = vector.shape_cast %add3A_108 : vector<16xi32> to vector<16xi32>
        tpu.vector_store %arg13[%swap3A], %swap3A_111 {strides = array<i32>} : memref<128xi32, #tpu.memory_space<vmem>>, vector<16xi32>,
        %iota3A_112 = tpu.iota {dimensions = array<i32: 0>} : vector<16xi32>
        %add3A_113 = arith.constant 16 : i32
        %add3A_114 = arith.addi %min3A_104, %add3A_113 : i32
        %add3A_115 = vector.broadcast %add3A_114 : i32 to vector<16xi32>
        %add3A_116 = arith.addi %iota3A_112, %add3A_115 : vector<16xi32>
        %swap3A_117 = arith.constant 16 : index
        %swap3A_118 = tpu.vector_load %arg13[%swap3A_117] {strides = array<i32>} : memref<128xi32, #tpu.memory_space<vmem>>, vector<16xi32>,
        %swap3A_119 = vector.shape_cast %swap3A_118 : vector<16xi32> to vector<16xi32>
        %swap3A_120 = vector.shape_cast %add3A_116 : vector<16xi32> to vector<16xi32>
        tpu.vector_store %arg13[%swap3A_117], %swap3A_120 {strides = array<i32>} : memref<128xi32, #tpu.memory_space<vmem>>, vector<16xi32>,
        %iota3A_121 = tpu.iota {dimensions = array<i32: 0>} : vector<16xi32>
        %add3A_122 = arith.constant 32 : i32
        %add3A_123 = arith.addi %min3A_104, %add3A_122 : i32
        %add3A_124 = vector.broadcast %add3A_123 : i32 to vector<16xi32>
        %add3A_125 = arith.addi %iota3A_121, %add3A_124 : vector<16xi32>
        %swap3A_126 = arith.constant 32 : index
        %swap3A_127 = tpu.vector_load %arg13[%swap3A_126] {strides = array<i32>} : memref<128xi32, #tpu.memory_space<vmem>>, vector<16xi32>,
        %swap3A_128 = vector.shape_cast %swap3A_127 : vector<16xi32> to vector<16xi32>
        %swap3A_129 = vector.shape_cast %add3A_125 : vector<16xi32> to vector<16xi32>
        tpu.vector_store %arg13[%swap3A_126], %swap3A_129 {strides = array<i32>} : memref<128xi32, #tpu.memory_space<vmem>>, vector<16xi32>,
        %iota3A_130 = tpu.iota {dimensions = array<i32: 0>} : vector<16xi32>
        %add3A_131 = arith.constant 48 : i32
        %add3A_132 = arith.addi %min3A_104, %add3A_131 : i32
        %add3A_133 = vector.broadcast %add3A_132 : i32 to vector<16xi32>
        %add3A_134 = arith.addi %iota3A_130, %add3A_133 : vector<16xi32>
        %swap3A_135 = arith.constant 48 : index
        %swap3A_136 = tpu.vector_load %arg13[%swap3A_135] {strides = array<i32>} : memref<128xi32, #tpu.memory_space<vmem>>, vector<16xi32>,
        %swap3A_137 = vector.shape_cast %swap3A_136 : vector<16xi32> to vector<16xi32>
        %swap3A_138 = vector.shape_cast %add3A_134 : vector<16xi32> to vector<16xi32>
        tpu.vector_store %arg13[%swap3A_135], %swap3A_138 {strides = array<i32>} : memref<128xi32, #tpu.memory_space<vmem>>, vector<16xi32>,
        %iota3A_139 = tpu.iota {dimensions = array<i32: 0>} : vector<16xi32>
        %add3A_140 = arith.constant 64 : i32
        %add3A_141 = arith.addi %min3A_104, %add3A_140 : i32
        %add3A_142 = vector.broadcast %add3A_141 : i32 to vector<16xi32>
        %add3A_143 = arith.addi %iota3A_139, %add3A_142 : vector<16xi32>
        %swap3A_144 = arith.constant 64 : index
        %swap3A_145 = tpu.vector_load %arg13[%swap3A_144] {strides = array<i32>} : memref<128xi32, #tpu.memory_space<vmem>>, vector<16xi32>,
        %swap3A_146 = vector.shape_cast %swap3A_145 : vector<16xi32> to vector<16xi32>
        %swap3A_147 = vector.shape_cast %add3A_143 : vector<16xi32> to vector<16xi32>
        tpu.vector_store %arg13[%swap3A_144], %swap3A_147 {strides = array<i32>} : memref<128xi32, #tpu.memory_space<vmem>>, vector<16xi32>,
        %iota3A_148 = tpu.iota {dimensions = array<i32: 0>} : vector<16xi32>
        %add3A_149 = arith.constant 80 : i32
        %add3A_150 = arith.addi %min3A_104, %add3A_149 : i32
        %add3A_151 = vector.broadcast %add3A_150 : i32 to vector<16xi32>
        %add3A_152 = arith.addi %iota3A_148, %add3A_151 : vector<16xi32>
        %swap3A_153 = arith.constant 80 : index
        %swap3A_154 = tpu.vector_load %arg13[%swap3A_153] {strides = array<i32>} : memref<128xi32, #tpu.memory_space<vmem>>, vector<16xi32>,
        %swap3A_155 = vector.shape_cast %swap3A_154 : vector<16xi32> to vector<16xi32>
        %swap3A_156 = vector.shape_cast %add3A_152 : vector<16xi32> to vector<16xi32>
        tpu.vector_store %arg13[%swap3A_153], %swap3A_156 {strides = array<i32>} : memref<128xi32, #tpu.memory_space<vmem>>, vector<16xi32>,
        %iota3A_157 = tpu.iota {dimensions = array<i32: 0>} : vector<16xi32>
        %add3A_158 = arith.constant 96 : i32
        %add3A_159 = arith.addi %min3A_104, %add3A_158 : i32
        %add3A_160 = vector.broadcast %add3A_159 : i32 to vector<16xi32>
        %add3A_161 = arith.addi %iota3A_157, %add3A_160 : vector<16xi32>
        %swap3A_162 = arith.constant 96 : index
        %swap3A_163 = tpu.vector_load %arg13[%swap3A_162] {strides = array<i32>} : memref<128xi32, #tpu.memory_space<vmem>>, vector<16xi32>,
        %swap3A_164 = vector.shape_cast %swap3A_163 : vector<16xi32> to vector<16xi32>
        %swap3A_165 = vector.shape_cast %add3A_161 : vector<16xi32> to vector<16xi32>
        tpu.vector_store %arg13[%swap3A_162], %swap3A_165 {strides = array<i32>} : memref<128xi32, #tpu.memory_space<vmem>>, vector<16xi32>,
        %iota3A_166 = tpu.iota {dimensions = array<i32: 0>} : vector<16xi32>
        %add3A_167 = arith.constant 112 : i32
        %add3A_168 = arith.addi %min3A_104, %add3A_167 : i32
        %add3A_169 = vector.broadcast %add3A_168 : i32 to vector<16xi32>
        %add3A_170 = arith.addi %iota3A_166, %add3A_169 : vector<16xi32>
        %swap3A_171 = arith.constant 112 : index
        %swap3A_172 = tpu.vector_load %arg13[%swap3A_171] {strides = array<i32>} : memref<128xi32, #tpu.memory_space<vmem>>, vector<16xi32>,
        %swap3A_173 = vector.shape_cast %swap3A_172 : vector<16xi32> to vector<16xi32>
        %swap3A_174 = vector.shape_cast %add3A_170 : vector<16xi32> to vector<16xi32>
        tpu.vector_store %arg13[%swap3A_171], %swap3A_174 {strides = array<i32>} : memref<128xi32, #tpu.memory_space<vmem>>, vector<16xi32>,
        "tpu.region"() ({
          %run_scoped3A = tpu.sem_alloc : memref<!tpu.dma_semaphore, #tpu.memory_space<semaphore_mem>>
          %dma_start3A = arith.constant 0 : i32
          %dma_start3A_178 = arith.constant 0 : i32
          %dma_start3A_179 = tpu.memref_slice %arg7[%dma_start3A, %dma_start3A_178] : memref<10000x128xf32, #tpu.memory_space<vmem_shared>> -> memref<10000x128xf32, #tpu.memory_space<vmem_shared>>
          tpu.enqueue_indirect_dma source(%dma_start3A_179 : memref<10000x128xf32, #tpu.memory_space<vmem_shared>>) target(%arg11 : memref<128x128xf32, #tpu.memory_space<vmem>>) offsets(%arg13 : memref<128xi32, #tpu.memory_space<vmem>>) semaphore(%run_scoped3A : memref<!tpu.dma_semaphore, #tpu.memory_space<semaphore_mem>>)
          %dma_wait3A = arith.constant 0 : i32
          %dma_wait3A_180 = arith.constant 0 : i32
          %dma_wait3A_181 = tpu.memref_slice %arg7[%dma_wait3A, %dma_wait3A_180] : memref<10000x128xf32, #tpu.memory_space<vmem_shared>> -> memref<10000x128xf32, #tpu.memory_space<vmem_shared>>
          tpu.wait_indirect_dma semaphore(%run_scoped3A : memref<!tpu.dma_semaphore, #tpu.memory_space<semaphore_mem>>) src(%dma_wait3A_181 : memref<10000x128xf32, #tpu.memory_space<vmem_shared>>) dst(%arg11 : memref<128x128xf32, #tpu.memory_space<vmem>>)
          tpu.yield
        }) : () -> ()
        %mul3A_175 = arith.constant 10000 : i32
        %mul3A_176 = arith.muli %add3A_49, %mul3A_175 : i32
        %add3A_177 = arith.addi %mul3A_176, %min3A_104 : i32
        "tpu.region"() ({
          %run_scoped3A = tpu.sem_alloc : memref<!tpu.dma_semaphore, #tpu.memory_space<semaphore_mem>>
          %dma_start3A = arith.constant 0 : i32
          %dma_start3A_178 = tpu.memref_slice %arg6[%add3A_177, %dma_start3A] : memref<80000x128xf32, #tpu.memory_space<hbm>> -> memref<128x128xf32, #tpu.memory_space<hbm>>
          %dma_start3A_179 = arith.constant 0 : i32
          %dma_start3A_180 = tpu.memref_slice %arg6[%add3A_177, %dma_start3A_179] : memref<80000x128xf32, #tpu.memory_space<hbm>> -> memref<128x128xf32, #tpu.memory_space<hbm>>
          tpu.enqueue_dma source(%arg11 : memref<128x128xf32, #tpu.memory_space<vmem>>) target(%dma_start3A_180 : memref<128x128xf32, #tpu.memory_space<hbm>>) target_semaphore(%run_scoped3A : memref<!tpu.dma_semaphore, #tpu.memory_space<semaphore_mem>>)
          %dma_wait3A = arith.constant 0 : i32
          %dma_wait3A_181 = tpu.memref_slice %arg6[%add3A_177, %dma_wait3A] : memref<80000x128xf32, #tpu.memory_space<hbm>> -> memref<128x128xf32, #tpu.memory_space<hbm>>
          %dma_wait3A_182 = arith.constant 0 : i32
          %dma_wait3A_183 = tpu.memref_slice %arg6[%add3A_177, %dma_wait3A_182] : memref<80000x128xf32, #tpu.memory_space<hbm>> -> memref<128x128xf32, #tpu.memory_space<hbm>>
          tpu.wait_dma2 semaphore(%run_scoped3A : memref<!tpu.dma_semaphore, #tpu.memory_space<semaphore_mem>>) src(%arg11 : memref<128x128xf32, #tpu.memory_space<vmem>>) dst(%dma_wait3A_183 : memref<128x128xf32, #tpu.memory_space<hbm>>)
          tpu.yield
        }) : () -> ()
      } else {
      }
    }
    %scan3A_69 = arith.constant 5 : i32
    %barrier3A_70 = arith.constant 0 : index
    tpu.barrier barrier_id(%barrier3A_70)
    %mul3A_71 = arith.constant 4 : i32
    %mul3A_72 = arith.muli %arg0, %mul3A_71 : i32
    %add3A_73 = arith.constant 3 : i32
    %add3A_74 = arith.addi %mul3A_72, %add3A_73 : i32
    "tpu.region"() ({
      %run_scoped3A = tpu.sem_alloc : memref<!tpu.dma_semaphore, #tpu.memory_space<semaphore_mem>>
      tpu.enqueue_dma source(%arg5 : memref<128x128xf32, #tpu.memory_space<hbm>>) target(%arg11 : memref<128x128xf32, #tpu.memory_space<vmem>>) target_semaphore(%run_scoped3A : memref<!tpu.dma_semaphore, #tpu.memory_space<semaphore_mem>>)
      tpu.wait_dma2 semaphore(%run_scoped3A : memref<!tpu.dma_semaphore, #tpu.memory_space<semaphore_mem>>) src(%arg5 : memref<128x128xf32, #tpu.memory_space<hbm>>) dst(%arg11 : memref<128x128xf32, #tpu.memory_space<vmem>>)
      tpu.yield
    }) : () -> ()
    %scan3A_75 = arith.constant 0 : i32
    %scan3A_76 = arith.constant 0 : i32
    %scan3A_77 = arith.constant 5 : i32
    %scan3A_78 = arith.addi %scan3A_76, %scan3A_77 : i32
    %scan3A_79 = arith.constant 1 : i32
    scf.for %scan3A_96 = %scan3A_76 to %scan3A_78 step %scan3A_79  : i32 {
      %mul3A_97 = arith.constant 16 : i32
      %mul3A_98 = arith.muli %scan3A_96, %mul3A_97 : i32
      %add3A_99 = arith.addi %arg1, %mul3A_98 : i32
      %lt3A = arith.constant 79 : i32
      %lt3A_100 = arith.cmpi slt, %add3A_99, %lt3A : i32
      %convert_element_type3A = arith.extui %lt3A_100 : i1 to i32
      %cond3A = arith.constant 0 : i32
      %cond3A_101 = arith.cmpi ne, %convert_element_type3A, %cond3A : i32
      scf.if %cond3A_101 {
        %mul3A_102 = arith.constant 128 : i32
        %mul3A_103 = arith.muli %add3A_99, %mul3A_102 : i32
        %min3A = arith.constant 9872 : i32
        %min3A_104 = arith.minsi %mul3A_103, %min3A : i32
        %iota3A = tpu.iota {dimensions = array<i32: 0>} : vector<16xi32>
        %add3A_105 = arith.constant 0 : i32
        %add3A_106 = arith.addi %min3A_104, %add3A_105 : i32
        %add3A_107 = vector.broadcast %add3A_106 : i32 to vector<16xi32>
        %add3A_108 = arith.addi %iota3A, %add3A_107 : vector<16xi32>
        %swap3A = arith.constant 0 : index
        %swap3A_109 = tpu.vector_load %arg13[%swap3A] {strides = array<i32>} : memref<128xi32, #tpu.memory_space<vmem>>, vector<16xi32>,
        %swap3A_110 = vector.shape_cast %swap3A_109 : vector<16xi32> to vector<16xi32>
        %swap3A_111 = vector.shape_cast %add3A_108 : vector<16xi32> to vector<16xi32>
        tpu.vector_store %arg13[%swap3A], %swap3A_111 {strides = array<i32>} : memref<128xi32, #tpu.memory_space<vmem>>, vector<16xi32>,
        %iota3A_112 = tpu.iota {dimensions = array<i32: 0>} : vector<16xi32>
        %add3A_113 = arith.constant 16 : i32
        %add3A_114 = arith.addi %min3A_104, %add3A_113 : i32
        %add3A_115 = vector.broadcast %add3A_114 : i32 to vector<16xi32>
        %add3A_116 = arith.addi %iota3A_112, %add3A_115 : vector<16xi32>
        %swap3A_117 = arith.constant 16 : index
        %swap3A_118 = tpu.vector_load %arg13[%swap3A_117] {strides = array<i32>} : memref<128xi32, #tpu.memory_space<vmem>>, vector<16xi32>,
        %swap3A_119 = vector.shape_cast %swap3A_118 : vector<16xi32> to vector<16xi32>
        %swap3A_120 = vector.shape_cast %add3A_116 : vector<16xi32> to vector<16xi32>
        tpu.vector_store %arg13[%swap3A_117], %swap3A_120 {strides = array<i32>} : memref<128xi32, #tpu.memory_space<vmem>>, vector<16xi32>,
        %iota3A_121 = tpu.iota {dimensions = array<i32: 0>} : vector<16xi32>
        %add3A_122 = arith.constant 32 : i32
        %add3A_123 = arith.addi %min3A_104, %add3A_122 : i32
        %add3A_124 = vector.broadcast %add3A_123 : i32 to vector<16xi32>
        %add3A_125 = arith.addi %iota3A_121, %add3A_124 : vector<16xi32>
        %swap3A_126 = arith.constant 32 : index
        %swap3A_127 = tpu.vector_load %arg13[%swap3A_126] {strides = array<i32>} : memref<128xi32, #tpu.memory_space<vmem>>, vector<16xi32>,
        %swap3A_128 = vector.shape_cast %swap3A_127 : vector<16xi32> to vector<16xi32>
        %swap3A_129 = vector.shape_cast %add3A_125 : vector<16xi32> to vector<16xi32>
        tpu.vector_store %arg13[%swap3A_126], %swap3A_129 {strides = array<i32>} : memref<128xi32, #tpu.memory_space<vmem>>, vector<16xi32>,
        %iota3A_130 = tpu.iota {dimensions = array<i32: 0>} : vector<16xi32>
        %add3A_131 = arith.constant 48 : i32
        %add3A_132 = arith.addi %min3A_104, %add3A_131 : i32
        %add3A_133 = vector.broadcast %add3A_132 : i32 to vector<16xi32>
        %add3A_134 = arith.addi %iota3A_130, %add3A_133 : vector<16xi32>
        %swap3A_135 = arith.constant 48 : index
        %swap3A_136 = tpu.vector_load %arg13[%swap3A_135] {strides = array<i32>} : memref<128xi32, #tpu.memory_space<vmem>>, vector<16xi32>,
        %swap3A_137 = vector.shape_cast %swap3A_136 : vector<16xi32> to vector<16xi32>
        %swap3A_138 = vector.shape_cast %add3A_134 : vector<16xi32> to vector<16xi32>
        tpu.vector_store %arg13[%swap3A_135], %swap3A_138 {strides = array<i32>} : memref<128xi32, #tpu.memory_space<vmem>>, vector<16xi32>,
        %iota3A_139 = tpu.iota {dimensions = array<i32: 0>} : vector<16xi32>
        %add3A_140 = arith.constant 64 : i32
        %add3A_141 = arith.addi %min3A_104, %add3A_140 : i32
        %add3A_142 = vector.broadcast %add3A_141 : i32 to vector<16xi32>
        %add3A_143 = arith.addi %iota3A_139, %add3A_142 : vector<16xi32>
        %swap3A_144 = arith.constant 64 : index
        %swap3A_145 = tpu.vector_load %arg13[%swap3A_144] {strides = array<i32>} : memref<128xi32, #tpu.memory_space<vmem>>, vector<16xi32>,
        %swap3A_146 = vector.shape_cast %swap3A_145 : vector<16xi32> to vector<16xi32>
        %swap3A_147 = vector.shape_cast %add3A_143 : vector<16xi32> to vector<16xi32>
        tpu.vector_store %arg13[%swap3A_144], %swap3A_147 {strides = array<i32>} : memref<128xi32, #tpu.memory_space<vmem>>, vector<16xi32>,
        %iota3A_148 = tpu.iota {dimensions = array<i32: 0>} : vector<16xi32>
        %add3A_149 = arith.constant 80 : i32
        %add3A_150 = arith.addi %min3A_104, %add3A_149 : i32
        %add3A_151 = vector.broadcast %add3A_150 : i32 to vector<16xi32>
        %add3A_152 = arith.addi %iota3A_148, %add3A_151 : vector<16xi32>
        %swap3A_153 = arith.constant 80 : index
        %swap3A_154 = tpu.vector_load %arg13[%swap3A_153] {strides = array<i32>} : memref<128xi32, #tpu.memory_space<vmem>>, vector<16xi32>,
        %swap3A_155 = vector.shape_cast %swap3A_154 : vector<16xi32> to vector<16xi32>
        %swap3A_156 = vector.shape_cast %add3A_152 : vector<16xi32> to vector<16xi32>
        tpu.vector_store %arg13[%swap3A_153], %swap3A_156 {strides = array<i32>} : memref<128xi32, #tpu.memory_space<vmem>>, vector<16xi32>,
        %iota3A_157 = tpu.iota {dimensions = array<i32: 0>} : vector<16xi32>
        %add3A_158 = arith.constant 96 : i32
        %add3A_159 = arith.addi %min3A_104, %add3A_158 : i32
        %add3A_160 = vector.broadcast %add3A_159 : i32 to vector<16xi32>
        %add3A_161 = arith.addi %iota3A_157, %add3A_160 : vector<16xi32>
        %swap3A_162 = arith.constant 96 : index
        %swap3A_163 = tpu.vector_load %arg13[%swap3A_162] {strides = array<i32>} : memref<128xi32, #tpu.memory_space<vmem>>, vector<16xi32>,
        %swap3A_164 = vector.shape_cast %swap3A_163 : vector<16xi32> to vector<16xi32>
        %swap3A_165 = vector.shape_cast %add3A_161 : vector<16xi32> to vector<16xi32>
        tpu.vector_store %arg13[%swap3A_162], %swap3A_165 {strides = array<i32>} : memref<128xi32, #tpu.memory_space<vmem>>, vector<16xi32>,
        %iota3A_166 = tpu.iota {dimensions = array<i32: 0>} : vector<16xi32>
        %add3A_167 = arith.constant 112 : i32
        %add3A_168 = arith.addi %min3A_104, %add3A_167 : i32
        %add3A_169 = vector.broadcast %add3A_168 : i32 to vector<16xi32>
        %add3A_170 = arith.addi %iota3A_166, %add3A_169 : vector<16xi32>
        %swap3A_171 = arith.constant 112 : index
        %swap3A_172 = tpu.vector_load %arg13[%swap3A_171] {strides = array<i32>} : memref<128xi32, #tpu.memory_space<vmem>>, vector<16xi32>,
        %swap3A_173 = vector.shape_cast %swap3A_172 : vector<16xi32> to vector<16xi32>
        %swap3A_174 = vector.shape_cast %add3A_170 : vector<16xi32> to vector<16xi32>
        tpu.vector_store %arg13[%swap3A_171], %swap3A_174 {strides = array<i32>} : memref<128xi32, #tpu.memory_space<vmem>>, vector<16xi32>,
        "tpu.region"() ({
          %run_scoped3A = tpu.sem_alloc : memref<!tpu.dma_semaphore, #tpu.memory_space<semaphore_mem>>
          %dma_start3A = arith.constant 0 : i32
          %dma_start3A_175 = arith.constant 0 : i32
          %dma_start3A_176 = tpu.memref_slice %arg7[%dma_start3A, %dma_start3A_175] : memref<10000x128xf32, #tpu.memory_space<vmem_shared>> -> memref<10000x128xf32, #tpu.memory_space<vmem_shared>>
          tpu.enqueue_indirect_dma source(%arg11 : memref<128x128xf32, #tpu.memory_space<vmem>>) target(%dma_start3A_176 : memref<10000x128xf32, #tpu.memory_space<vmem_shared>>) offsets(%arg13 : memref<128xi32, #tpu.memory_space<vmem>>) semaphore(%run_scoped3A : memref<!tpu.dma_semaphore, #tpu.memory_space<semaphore_mem>>)
          %dma_wait3A = arith.constant 0 : i32
          %dma_wait3A_177 = arith.constant 0 : i32
          %dma_wait3A_178 = tpu.memref_slice %arg7[%dma_wait3A, %dma_wait3A_177] : memref<10000x128xf32, #tpu.memory_space<vmem_shared>> -> memref<10000x128xf32, #tpu.memory_space<vmem_shared>>
          tpu.wait_indirect_dma semaphore(%run_scoped3A : memref<!tpu.dma_semaphore, #tpu.memory_space<semaphore_mem>>) src(%arg11 : memref<128x128xf32, #tpu.memory_space<vmem>>) dst(%dma_wait3A_178 : memref<10000x128xf32, #tpu.memory_space<vmem_shared>>)
          tpu.yield
        }) : () -> ()
      } else {
      }
    }
    %scan3A_80 = arith.constant 5 : i32
    %barrier3A_81 = arith.constant 0 : index
    tpu.barrier barrier_id(%barrier3A_81)
    %scan3A_82 = arith.constant 0 : i32
    %scan3A_83 = arith.constant 0 : i32
    %scan3A_84 = arith.constant 40 : i32
    %scan3A_85 = arith.addi %scan3A_83, %scan3A_84 : i32
    %scan3A_86 = arith.constant 1 : i32
    scf.for %scan3A_96 = %scan3A_83 to %scan3A_85 step %scan3A_86  : i32 {
      %mul3A_97 = arith.constant 16 : i32
      %mul3A_98 = arith.muli %scan3A_96, %mul3A_97 : i32
      %add3A_99 = arith.addi %arg1, %mul3A_98 : i32
      %lt3A = arith.constant 625 : i32
      %lt3A_100 = arith.cmpi slt, %add3A_99, %lt3A : i32
      %convert_element_type3A = arith.extui %lt3A_100 : i1 to i32
      %cond3A = arith.constant 0 : i32
      %cond3A_101 = arith.cmpi ne, %convert_element_type3A, %cond3A : i32
      scf.if %cond3A_101 {
        "tpu.region"() ({
          %run_scoped3A_637 = tpu.sem_alloc : memref<!tpu.dma_semaphore, #tpu.memory_space<semaphore_mem>>
          %dma_start3A_638 = arith.constant 0 : i32
          %dma_start3A_639 = arith.constant 0 : i32
          %dma_start3A_640 = tpu.memref_slice %arg3[%add3A_99, %dma_start3A_638, %dma_start3A_639] : memref<625x4x128xi32, #tpu.memory_space<hbm>> -> memref<1x4x128xi32, #tpu.memory_space<hbm>>
          %dma_start3A_641 = tpu.memref_squeeze %dma_start3A_640 : memref<1x4x128xi32, #tpu.memory_space<hbm>> -> memref<4x128xi32, #tpu.memory_space<hbm>>
          %dma_start3A_642 = arith.constant 0 : i32
          %dma_start3A_643 = arith.constant 0 : i32
          %dma_start3A_644 = tpu.memref_slice %arg3[%add3A_99, %dma_start3A_642, %dma_start3A_643] : memref<625x4x128xi32, #tpu.memory_space<hbm>> -> memref<1x4x128xi32, #tpu.memory_space<hbm>>
          %dma_start3A_645 = tpu.memref_squeeze %dma_start3A_644 : memref<1x4x128xi32, #tpu.memory_space<hbm>> -> memref<4x128xi32, #tpu.memory_space<hbm>>
          tpu.enqueue_dma source(%dma_start3A_645 : memref<4x128xi32, #tpu.memory_space<hbm>>) target(%arg8 : memref<4x128xi32, #tpu.memory_space<vmem>>) target_semaphore(%run_scoped3A_637 : memref<!tpu.dma_semaphore, #tpu.memory_space<semaphore_mem>>)
          %dma_wait3A_646 = arith.constant 0 : i32
          %dma_wait3A_647 = arith.constant 0 : i32
          %dma_wait3A_648 = tpu.memref_slice %arg3[%add3A_99, %dma_wait3A_646, %dma_wait3A_647] : memref<625x4x128xi32, #tpu.memory_space<hbm>> -> memref<1x4x128xi32, #tpu.memory_space<hbm>>
          %dma_wait3A_649 = tpu.memref_squeeze %dma_wait3A_648 : memref<1x4x128xi32, #tpu.memory_space<hbm>> -> memref<4x128xi32, #tpu.memory_space<hbm>>
          %dma_wait3A_650 = arith.constant 0 : i32
          %dma_wait3A_651 = arith.constant 0 : i32
          %dma_wait3A_652 = tpu.memref_slice %arg3[%add3A_99, %dma_wait3A_650, %dma_wait3A_651] : memref<625x4x128xi32, #tpu.memory_space<hbm>> -> memref<1x4x128xi32, #tpu.memory_space<hbm>>
          %dma_wait3A_653 = tpu.memref_squeeze %dma_wait3A_652 : memref<1x4x128xi32, #tpu.memory_space<hbm>> -> memref<4x128xi32, #tpu.memory_space<hbm>>
          tpu.wait_dma2 semaphore(%run_scoped3A_637 : memref<!tpu.dma_semaphore, #tpu.memory_space<semaphore_mem>>) src(%dma_wait3A_653 : memref<4x128xi32, #tpu.memory_space<hbm>>) dst(%arg8 : memref<4x128xi32, #tpu.memory_space<vmem>>)
          tpu.yield
        }) : () -> ()
        "tpu.region"() ({
          %run_scoped3A_637 = tpu.sem_alloc : memref<!tpu.dma_semaphore, #tpu.memory_space<semaphore_mem>>
          %dma_start3A_638 = arith.constant 0 : i32
          %dma_start3A_639 = arith.constant 0 : i32
          %dma_start3A_640 = tpu.memref_slice %arg4[%add3A_99, %dma_start3A_638, %dma_start3A_639] : memref<625x4x128xi32, #tpu.memory_space<hbm>> -> memref<1x4x128xi32, #tpu.memory_space<hbm>>
          %dma_start3A_641 = tpu.memref_squeeze %dma_start3A_640 : memref<1x4x128xi32, #tpu.memory_space<hbm>> -> memref<4x128xi32, #tpu.memory_space<hbm>>
          %dma_start3A_642 = arith.constant 0 : i32
          %dma_start3A_643 = arith.constant 0 : i32
          %dma_start3A_644 = tpu.memref_slice %arg4[%add3A_99, %dma_start3A_642, %dma_start3A_643] : memref<625x4x128xi32, #tpu.memory_space<hbm>> -> memref<1x4x128xi32, #tpu.memory_space<hbm>>
          %dma_start3A_645 = tpu.memref_squeeze %dma_start3A_644 : memref<1x4x128xi32, #tpu.memory_space<hbm>> -> memref<4x128xi32, #tpu.memory_space<hbm>>
          tpu.enqueue_dma source(%dma_start3A_645 : memref<4x128xi32, #tpu.memory_space<hbm>>) target(%arg9 : memref<4x128xi32, #tpu.memory_space<vmem>>) target_semaphore(%run_scoped3A_637 : memref<!tpu.dma_semaphore, #tpu.memory_space<semaphore_mem>>)
          %dma_wait3A_646 = arith.constant 0 : i32
          %dma_wait3A_647 = arith.constant 0 : i32
          %dma_wait3A_648 = tpu.memref_slice %arg4[%add3A_99, %dma_wait3A_646, %dma_wait3A_647] : memref<625x4x128xi32, #tpu.memory_space<hbm>> -> memref<1x4x128xi32, #tpu.memory_space<hbm>>
          %dma_wait3A_649 = tpu.memref_squeeze %dma_wait3A_648 : memref<1x4x128xi32, #tpu.memory_space<hbm>> -> memref<4x128xi32, #tpu.memory_space<hbm>>
          %dma_wait3A_650 = arith.constant 0 : i32
          %dma_wait3A_651 = arith.constant 0 : i32
          %dma_wait3A_652 = tpu.memref_slice %arg4[%add3A_99, %dma_wait3A_650, %dma_wait3A_651] : memref<625x4x128xi32, #tpu.memory_space<hbm>> -> memref<1x4x128xi32, #tpu.memory_space<hbm>>
          %dma_wait3A_653 = tpu.memref_squeeze %dma_wait3A_652 : memref<1x4x128xi32, #tpu.memory_space<hbm>> -> memref<4x128xi32, #tpu.memory_space<hbm>>
          tpu.wait_dma2 semaphore(%run_scoped3A_637 : memref<!tpu.dma_semaphore, #tpu.memory_space<semaphore_mem>>) src(%dma_wait3A_653 : memref<4x128xi32, #tpu.memory_space<hbm>>) dst(%arg9 : memref<4x128xi32, #tpu.memory_space<vmem>>)
          tpu.yield
        }) : () -> ()
        %get3A = arith.constant 0 : i32
        %get3A_102 = arith.index_cast %get3A : i32 to index
        %get3A_103 = arith.constant 0 : index
        %get3A_104 = tpu.vector_load %arg8[%get3A_102, %get3A_103] {strides = array<i32>} : memref<4x128xi32, #tpu.memory_space<vmem>>, vector<1x16xi32>,
        %get3A_105 = vector.shape_cast %get3A_104 : vector<1x16xi32> to vector<16xi32>
        %mul3A_106 = arith.constant 10000 : i32
        %mul3A_107 = arith.muli %add3A_74, %mul3A_106 : i32
        %add3A_108 = vector.broadcast %mul3A_107 : i32 to vector<16xi32>
        %add3A_109 = arith.addi %get3A_105, %add3A_108 : vector<16xi32>
        %swap3A = arith.constant 0 : i32
        %swap3A_110 = arith.index_cast %swap3A : i32 to index
        %swap3A_111 = arith.constant 0 : index
        %swap3A_112 = tpu.vector_load %arg10[%swap3A_110, %swap3A_111] {strides = array<i32>} : memref<4x128xi32, #tpu.memory_space<vmem>>, vector<1x16xi32>,
        %swap3A_113 = vector.shape_cast %swap3A_112 : vector<1x16xi32> to vector<16xi32>
        %swap3A_114 = vector.shape_cast %add3A_109 : vector<16xi32> to vector<1x16xi32>
        tpu.vector_store %arg10[%swap3A_110, %swap3A_111], %swap3A_114 {strides = array<i32>} : memref<4x128xi32, #tpu.memory_space<vmem>>, vector<1x16xi32>,
        %get3A_115 = arith.constant 0 : i32
        %get3A_116 = arith.index_cast %get3A_115 : i32 to index
        %get3A_117 = arith.constant 16 : index
        %get3A_118 = tpu.vector_load %arg8[%get3A_116, %get3A_117] {strides = array<i32>} : memref<4x128xi32, #tpu.memory_space<vmem>>, vector<1x16xi32>,
        %get3A_119 = vector.shape_cast %get3A_118 : vector<1x16xi32> to vector<16xi32>
        %mul3A_120 = arith.constant 10000 : i32
        %mul3A_121 = arith.muli %add3A_74, %mul3A_120 : i32
        %add3A_122 = vector.broadcast %mul3A_121 : i32 to vector<16xi32>
        %add3A_123 = arith.addi %get3A_119, %add3A_122 : vector<16xi32>
        %swap3A_124 = arith.constant 0 : i32
        %swap3A_125 = arith.index_cast %swap3A_124 : i32 to index
        %swap3A_126 = arith.constant 16 : index
        %swap3A_127 = tpu.vector_load %arg10[%swap3A_125, %swap3A_126] {strides = array<i32>} : memref<4x128xi32, #tpu.memory_space<vmem>>, vector<1x16xi32>,
        %swap3A_128 = vector.shape_cast %swap3A_127 : vector<1x16xi32> to vector<16xi32>
        %swap3A_129 = vector.shape_cast %add3A_123 : vector<16xi32> to vector<1x16xi32>
        tpu.vector_store %arg10[%swap3A_125, %swap3A_126], %swap3A_129 {strides = array<i32>} : memref<4x128xi32, #tpu.memory_space<vmem>>, vector<1x16xi32>,
        %get3A_130 = arith.constant 0 : i32
        %get3A_131 = arith.index_cast %get3A_130 : i32 to index
        %get3A_132 = arith.constant 32 : index
        %get3A_133 = tpu.vector_load %arg8[%get3A_131, %get3A_132] {strides = array<i32>} : memref<4x128xi32, #tpu.memory_space<vmem>>, vector<1x16xi32>,
        %get3A_134 = vector.shape_cast %get3A_133 : vector<1x16xi32> to vector<16xi32>
        %mul3A_135 = arith.constant 10000 : i32
        %mul3A_136 = arith.muli %add3A_74, %mul3A_135 : i32
        %add3A_137 = vector.broadcast %mul3A_136 : i32 to vector<16xi32>
        %add3A_138 = arith.addi %get3A_134, %add3A_137 : vector<16xi32>
        %swap3A_139 = arith.constant 0 : i32
        %swap3A_140 = arith.index_cast %swap3A_139 : i32 to index
        %swap3A_141 = arith.constant 32 : index
        %swap3A_142 = tpu.vector_load %arg10[%swap3A_140, %swap3A_141] {strides = array<i32>} : memref<4x128xi32, #tpu.memory_space<vmem>>, vector<1x16xi32>,
        %swap3A_143 = vector.shape_cast %swap3A_142 : vector<1x16xi32> to vector<16xi32>
        %swap3A_144 = vector.shape_cast %add3A_138 : vector<16xi32> to vector<1x16xi32>
        tpu.vector_store %arg10[%swap3A_140, %swap3A_141], %swap3A_144 {strides = array<i32>} : memref<4x128xi32, #tpu.memory_space<vmem>>, vector<1x16xi32>,
        %get3A_145 = arith.constant 0 : i32
        %get3A_146 = arith.index_cast %get3A_145 : i32 to index
        %get3A_147 = arith.constant 48 : index
        %get3A_148 = tpu.vector_load %arg8[%get3A_146, %get3A_147] {strides = array<i32>} : memref<4x128xi32, #tpu.memory_space<vmem>>, vector<1x16xi32>,
        %get3A_149 = vector.shape_cast %get3A_148 : vector<1x16xi32> to vector<16xi32>
        %mul3A_150 = arith.constant 10000 : i32
        %mul3A_151 = arith.muli %add3A_74, %mul3A_150 : i32
        %add3A_152 = vector.broadcast %mul3A_151 : i32 to vector<16xi32>
        %add3A_153 = arith.addi %get3A_149, %add3A_152 : vector<16xi32>
        %swap3A_154 = arith.constant 0 : i32
        %swap3A_155 = arith.index_cast %swap3A_154 : i32 to index
        %swap3A_156 = arith.constant 48 : index
        %swap3A_157 = tpu.vector_load %arg10[%swap3A_155, %swap3A_156] {strides = array<i32>} : memref<4x128xi32, #tpu.memory_space<vmem>>, vector<1x16xi32>,
        %swap3A_158 = vector.shape_cast %swap3A_157 : vector<1x16xi32> to vector<16xi32>
        %swap3A_159 = vector.shape_cast %add3A_153 : vector<16xi32> to vector<1x16xi32>
        tpu.vector_store %arg10[%swap3A_155, %swap3A_156], %swap3A_159 {strides = array<i32>} : memref<4x128xi32, #tpu.memory_space<vmem>>, vector<1x16xi32>,
        %get3A_160 = arith.constant 0 : i32
        %get3A_161 = arith.index_cast %get3A_160 : i32 to index
        %get3A_162 = arith.constant 64 : index
        %get3A_163 = tpu.vector_load %arg8[%get3A_161, %get3A_162] {strides = array<i32>} : memref<4x128xi32, #tpu.memory_space<vmem>>, vector<1x16xi32>,
        %get3A_164 = vector.shape_cast %get3A_163 : vector<1x16xi32> to vector<16xi32>
        %mul3A_165 = arith.constant 10000 : i32
        %mul3A_166 = arith.muli %add3A_74, %mul3A_165 : i32
        %add3A_167 = vector.broadcast %mul3A_166 : i32 to vector<16xi32>
        %add3A_168 = arith.addi %get3A_164, %add3A_167 : vector<16xi32>
        %swap3A_169 = arith.constant 0 : i32
        %swap3A_170 = arith.index_cast %swap3A_169 : i32 to index
        %swap3A_171 = arith.constant 64 : index
        %swap3A_172 = tpu.vector_load %arg10[%swap3A_170, %swap3A_171] {strides = array<i32>} : memref<4x128xi32, #tpu.memory_space<vmem>>, vector<1x16xi32>,
        %swap3A_173 = vector.shape_cast %swap3A_172 : vector<1x16xi32> to vector<16xi32>
        %swap3A_174 = vector.shape_cast %add3A_168 : vector<16xi32> to vector<1x16xi32>
        tpu.vector_store %arg10[%swap3A_170, %swap3A_171], %swap3A_174 {strides = array<i32>} : memref<4x128xi32, #tpu.memory_space<vmem>>, vector<1x16xi32>,
        %get3A_175 = arith.constant 0 : i32
        %get3A_176 = arith.index_cast %get3A_175 : i32 to index
        %get3A_177 = arith.constant 80 : index
        %get3A_178 = tpu.vector_load %arg8[%get3A_176, %get3A_177] {strides = array<i32>} : memref<4x128xi32, #tpu.memory_space<vmem>>, vector<1x16xi32>,
        %get3A_179 = vector.shape_cast %get3A_178 : vector<1x16xi32> to vector<16xi32>
        %mul3A_180 = arith.constant 10000 : i32
        %mul3A_181 = arith.muli %add3A_74, %mul3A_180 : i32
        %add3A_182 = vector.broadcast %mul3A_181 : i32 to vector<16xi32>
        %add3A_183 = arith.addi %get3A_179, %add3A_182 : vector<16xi32>
        %swap3A_184 = arith.constant 0 : i32
        %swap3A_185 = arith.index_cast %swap3A_184 : i32 to index
        %swap3A_186 = arith.constant 80 : index
        %swap3A_187 = tpu.vector_load %arg10[%swap3A_185, %swap3A_186] {strides = array<i32>} : memref<4x128xi32, #tpu.memory_space<vmem>>, vector<1x16xi32>,
        %swap3A_188 = vector.shape_cast %swap3A_187 : vector<1x16xi32> to vector<16xi32>
        %swap3A_189 = vector.shape_cast %add3A_183 : vector<16xi32> to vector<1x16xi32>
        tpu.vector_store %arg10[%swap3A_185, %swap3A_186], %swap3A_189 {strides = array<i32>} : memref<4x128xi32, #tpu.memory_space<vmem>>, vector<1x16xi32>,
        %get3A_190 = arith.constant 0 : i32
        %get3A_191 = arith.index_cast %get3A_190 : i32 to index
        %get3A_192 = arith.constant 96 : index
        %get3A_193 = tpu.vector_load %arg8[%get3A_191, %get3A_192] {strides = array<i32>} : memref<4x128xi32, #tpu.memory_space<vmem>>, vector<1x16xi32>,
        %get3A_194 = vector.shape_cast %get3A_193 : vector<1x16xi32> to vector<16xi32>
        %mul3A_195 = arith.constant 10000 : i32
        %mul3A_196 = arith.muli %add3A_74, %mul3A_195 : i32
        %add3A_197 = vector.broadcast %mul3A_196 : i32 to vector<16xi32>
        %add3A_198 = arith.addi %get3A_194, %add3A_197 : vector<16xi32>
        %swap3A_199 = arith.constant 0 : i32
        %swap3A_200 = arith.index_cast %swap3A_199 : i32 to index
        %swap3A_201 = arith.constant 96 : index
        %swap3A_202 = tpu.vector_load %arg10[%swap3A_200, %swap3A_201] {strides = array<i32>} : memref<4x128xi32, #tpu.memory_space<vmem>>, vector<1x16xi32>,
        %swap3A_203 = vector.shape_cast %swap3A_202 : vector<1x16xi32> to vector<16xi32>
        %swap3A_204 = vector.shape_cast %add3A_198 : vector<16xi32> to vector<1x16xi32>
        tpu.vector_store %arg10[%swap3A_200, %swap3A_201], %swap3A_204 {strides = array<i32>} : memref<4x128xi32, #tpu.memory_space<vmem>>, vector<1x16xi32>,
        %get3A_205 = arith.constant 0 : i32
        %get3A_206 = arith.index_cast %get3A_205 : i32 to index
        %get3A_207 = arith.constant 112 : index
        %get3A_208 = tpu.vector_load %arg8[%get3A_206, %get3A_207] {strides = array<i32>} : memref<4x128xi32, #tpu.memory_space<vmem>>, vector<1x16xi32>,
        %get3A_209 = vector.shape_cast %get3A_208 : vector<1x16xi32> to vector<16xi32>
        %mul3A_210 = arith.constant 10000 : i32
        %mul3A_211 = arith.muli %add3A_74, %mul3A_210 : i32
        %add3A_212 = vector.broadcast %mul3A_211 : i32 to vector<16xi32>
        %add3A_213 = arith.addi %get3A_209, %add3A_212 : vector<16xi32>
        %swap3A_214 = arith.constant 0 : i32
        %swap3A_215 = arith.index_cast %swap3A_214 : i32 to index
        %swap3A_216 = arith.constant 112 : index
        %swap3A_217 = tpu.vector_load %arg10[%swap3A_215, %swap3A_216] {strides = array<i32>} : memref<4x128xi32, #tpu.memory_space<vmem>>, vector<1x16xi32>,
        %swap3A_218 = vector.shape_cast %swap3A_217 : vector<1x16xi32> to vector<16xi32>
        %swap3A_219 = vector.shape_cast %add3A_213 : vector<16xi32> to vector<1x16xi32>
        tpu.vector_store %arg10[%swap3A_215, %swap3A_216], %swap3A_219 {strides = array<i32>} : memref<4x128xi32, #tpu.memory_space<vmem>>, vector<1x16xi32>,
        %get3A_220 = arith.constant 1 : i32
        %get3A_221 = arith.index_cast %get3A_220 : i32 to index
        %get3A_222 = arith.constant 0 : index
        %get3A_223 = tpu.vector_load %arg8[%get3A_221, %get3A_222] {strides = array<i32>} : memref<4x128xi32, #tpu.memory_space<vmem>>, vector<1x16xi32>,
        %get3A_224 = vector.shape_cast %get3A_223 : vector<1x16xi32> to vector<16xi32>
        %mul3A_225 = arith.constant 10000 : i32
        %mul3A_226 = arith.muli %add3A_74, %mul3A_225 : i32
        %add3A_227 = vector.broadcast %mul3A_226 : i32 to vector<16xi32>
        %add3A_228 = arith.addi %get3A_224, %add3A_227 : vector<16xi32>
        %swap3A_229 = arith.constant 1 : i32
        %swap3A_230 = arith.index_cast %swap3A_229 : i32 to index
        %swap3A_231 = arith.constant 0 : index
        %swap3A_232 = tpu.vector_load %arg10[%swap3A_230, %swap3A_231] {strides = array<i32>} : memref<4x128xi32, #tpu.memory_space<vmem>>, vector<1x16xi32>,
        %swap3A_233 = vector.shape_cast %swap3A_232 : vector<1x16xi32> to vector<16xi32>
        %swap3A_234 = vector.shape_cast %add3A_228 : vector<16xi32> to vector<1x16xi32>
        tpu.vector_store %arg10[%swap3A_230, %swap3A_231], %swap3A_234 {strides = array<i32>} : memref<4x128xi32, #tpu.memory_space<vmem>>, vector<1x16xi32>,
        %get3A_235 = arith.constant 1 : i32
        %get3A_236 = arith.index_cast %get3A_235 : i32 to index
        %get3A_237 = arith.constant 16 : index
        %get3A_238 = tpu.vector_load %arg8[%get3A_236, %get3A_237] {strides = array<i32>} : memref<4x128xi32, #tpu.memory_space<vmem>>, vector<1x16xi32>,
        %get3A_239 = vector.shape_cast %get3A_238 : vector<1x16xi32> to vector<16xi32>
        %mul3A_240 = arith.constant 10000 : i32
        %mul3A_241 = arith.muli %add3A_74, %mul3A_240 : i32
        %add3A_242 = vector.broadcast %mul3A_241 : i32 to vector<16xi32>
        %add3A_243 = arith.addi %get3A_239, %add3A_242 : vector<16xi32>
        %swap3A_244 = arith.constant 1 : i32
        %swap3A_245 = arith.index_cast %swap3A_244 : i32 to index
        %swap3A_246 = arith.constant 16 : index
        %swap3A_247 = tpu.vector_load %arg10[%swap3A_245, %swap3A_246] {strides = array<i32>} : memref<4x128xi32, #tpu.memory_space<vmem>>, vector<1x16xi32>,
        %swap3A_248 = vector.shape_cast %swap3A_247 : vector<1x16xi32> to vector<16xi32>
        %swap3A_249 = vector.shape_cast %add3A_243 : vector<16xi32> to vector<1x16xi32>
        tpu.vector_store %arg10[%swap3A_245, %swap3A_246], %swap3A_249 {strides = array<i32>} : memref<4x128xi32, #tpu.memory_space<vmem>>, vector<1x16xi32>,
        %get3A_250 = arith.constant 1 : i32
        %get3A_251 = arith.index_cast %get3A_250 : i32 to index
        %get3A_252 = arith.constant 32 : index
        %get3A_253 = tpu.vector_load %arg8[%get3A_251, %get3A_252] {strides = array<i32>} : memref<4x128xi32, #tpu.memory_space<vmem>>, vector<1x16xi32>,
        %get3A_254 = vector.shape_cast %get3A_253 : vector<1x16xi32> to vector<16xi32>
        %mul3A_255 = arith.constant 10000 : i32
        %mul3A_256 = arith.muli %add3A_74, %mul3A_255 : i32
        %add3A_257 = vector.broadcast %mul3A_256 : i32 to vector<16xi32>
        %add3A_258 = arith.addi %get3A_254, %add3A_257 : vector<16xi32>
        %swap3A_259 = arith.constant 1 : i32
        %swap3A_260 = arith.index_cast %swap3A_259 : i32 to index
        %swap3A_261 = arith.constant 32 : index
        %swap3A_262 = tpu.vector_load %arg10[%swap3A_260, %swap3A_261] {strides = array<i32>} : memref<4x128xi32, #tpu.memory_space<vmem>>, vector<1x16xi32>,
        %swap3A_263 = vector.shape_cast %swap3A_262 : vector<1x16xi32> to vector<16xi32>
        %swap3A_264 = vector.shape_cast %add3A_258 : vector<16xi32> to vector<1x16xi32>
        tpu.vector_store %arg10[%swap3A_260, %swap3A_261], %swap3A_264 {strides = array<i32>} : memref<4x128xi32, #tpu.memory_space<vmem>>, vector<1x16xi32>,
        %get3A_265 = arith.constant 1 : i32
        %get3A_266 = arith.index_cast %get3A_265 : i32 to index
        %get3A_267 = arith.constant 48 : index
        %get3A_268 = tpu.vector_load %arg8[%get3A_266, %get3A_267] {strides = array<i32>} : memref<4x128xi32, #tpu.memory_space<vmem>>, vector<1x16xi32>,
        %get3A_269 = vector.shape_cast %get3A_268 : vector<1x16xi32> to vector<16xi32>
        %mul3A_270 = arith.constant 10000 : i32
        %mul3A_271 = arith.muli %add3A_74, %mul3A_270 : i32
        %add3A_272 = vector.broadcast %mul3A_271 : i32 to vector<16xi32>
        %add3A_273 = arith.addi %get3A_269, %add3A_272 : vector<16xi32>
        %swap3A_274 = arith.constant 1 : i32
        %swap3A_275 = arith.index_cast %swap3A_274 : i32 to index
        %swap3A_276 = arith.constant 48 : index
        %swap3A_277 = tpu.vector_load %arg10[%swap3A_275, %swap3A_276] {strides = array<i32>} : memref<4x128xi32, #tpu.memory_space<vmem>>, vector<1x16xi32>,
        %swap3A_278 = vector.shape_cast %swap3A_277 : vector<1x16xi32> to vector<16xi32>
        %swap3A_279 = vector.shape_cast %add3A_273 : vector<16xi32> to vector<1x16xi32>
        tpu.vector_store %arg10[%swap3A_275, %swap3A_276], %swap3A_279 {strides = array<i32>} : memref<4x128xi32, #tpu.memory_space<vmem>>, vector<1x16xi32>,
        %get3A_280 = arith.constant 1 : i32
        %get3A_281 = arith.index_cast %get3A_280 : i32 to index
        %get3A_282 = arith.constant 64 : index
        %get3A_283 = tpu.vector_load %arg8[%get3A_281, %get3A_282] {strides = array<i32>} : memref<4x128xi32, #tpu.memory_space<vmem>>, vector<1x16xi32>,
        %get3A_284 = vector.shape_cast %get3A_283 : vector<1x16xi32> to vector<16xi32>
        %mul3A_285 = arith.constant 10000 : i32
        %mul3A_286 = arith.muli %add3A_74, %mul3A_285 : i32
        %add3A_287 = vector.broadcast %mul3A_286 : i32 to vector<16xi32>
        %add3A_288 = arith.addi %get3A_284, %add3A_287 : vector<16xi32>
        %swap3A_289 = arith.constant 1 : i32
        %swap3A_290 = arith.index_cast %swap3A_289 : i32 to index
        %swap3A_291 = arith.constant 64 : index
        %swap3A_292 = tpu.vector_load %arg10[%swap3A_290, %swap3A_291] {strides = array<i32>} : memref<4x128xi32, #tpu.memory_space<vmem>>, vector<1x16xi32>,
        %swap3A_293 = vector.shape_cast %swap3A_292 : vector<1x16xi32> to vector<16xi32>
        %swap3A_294 = vector.shape_cast %add3A_288 : vector<16xi32> to vector<1x16xi32>
        tpu.vector_store %arg10[%swap3A_290, %swap3A_291], %swap3A_294 {strides = array<i32>} : memref<4x128xi32, #tpu.memory_space<vmem>>, vector<1x16xi32>,
        %get3A_295 = arith.constant 1 : i32
        %get3A_296 = arith.index_cast %get3A_295 : i32 to index
        %get3A_297 = arith.constant 80 : index
        %get3A_298 = tpu.vector_load %arg8[%get3A_296, %get3A_297] {strides = array<i32>} : memref<4x128xi32, #tpu.memory_space<vmem>>, vector<1x16xi32>,
        %get3A_299 = vector.shape_cast %get3A_298 : vector<1x16xi32> to vector<16xi32>
        %mul3A_300 = arith.constant 10000 : i32
        %mul3A_301 = arith.muli %add3A_74, %mul3A_300 : i32
        %add3A_302 = vector.broadcast %mul3A_301 : i32 to vector<16xi32>
        %add3A_303 = arith.addi %get3A_299, %add3A_302 : vector<16xi32>
        %swap3A_304 = arith.constant 1 : i32
        %swap3A_305 = arith.index_cast %swap3A_304 : i32 to index
        %swap3A_306 = arith.constant 80 : index
        %swap3A_307 = tpu.vector_load %arg10[%swap3A_305, %swap3A_306] {strides = array<i32>} : memref<4x128xi32, #tpu.memory_space<vmem>>, vector<1x16xi32>,
        %swap3A_308 = vector.shape_cast %swap3A_307 : vector<1x16xi32> to vector<16xi32>
        %swap3A_309 = vector.shape_cast %add3A_303 : vector<16xi32> to vector<1x16xi32>
        tpu.vector_store %arg10[%swap3A_305, %swap3A_306], %swap3A_309 {strides = array<i32>} : memref<4x128xi32, #tpu.memory_space<vmem>>, vector<1x16xi32>,
        %get3A_310 = arith.constant 1 : i32
        %get3A_311 = arith.index_cast %get3A_310 : i32 to index
        %get3A_312 = arith.constant 96 : index
        %get3A_313 = tpu.vector_load %arg8[%get3A_311, %get3A_312] {strides = array<i32>} : memref<4x128xi32, #tpu.memory_space<vmem>>, vector<1x16xi32>,
        %get3A_314 = vector.shape_cast %get3A_313 : vector<1x16xi32> to vector<16xi32>
        %mul3A_315 = arith.constant 10000 : i32
        %mul3A_316 = arith.muli %add3A_74, %mul3A_315 : i32
        %add3A_317 = vector.broadcast %mul3A_316 : i32 to vector<16xi32>
        %add3A_318 = arith.addi %get3A_314, %add3A_317 : vector<16xi32>
        %swap3A_319 = arith.constant 1 : i32
        %swap3A_320 = arith.index_cast %swap3A_319 : i32 to index
        %swap3A_321 = arith.constant 96 : index
        %swap3A_322 = tpu.vector_load %arg10[%swap3A_320, %swap3A_321] {strides = array<i32>} : memref<4x128xi32, #tpu.memory_space<vmem>>, vector<1x16xi32>,
        %swap3A_323 = vector.shape_cast %swap3A_322 : vector<1x16xi32> to vector<16xi32>
        %swap3A_324 = vector.shape_cast %add3A_318 : vector<16xi32> to vector<1x16xi32>
        tpu.vector_store %arg10[%swap3A_320, %swap3A_321], %swap3A_324 {strides = array<i32>} : memref<4x128xi32, #tpu.memory_space<vmem>>, vector<1x16xi32>,
        %get3A_325 = arith.constant 1 : i32
        %get3A_326 = arith.index_cast %get3A_325 : i32 to index
        %get3A_327 = arith.constant 112 : index
        %get3A_328 = tpu.vector_load %arg8[%get3A_326, %get3A_327] {strides = array<i32>} : memref<4x128xi32, #tpu.memory_space<vmem>>, vector<1x16xi32>,
        %get3A_329 = vector.shape_cast %get3A_328 : vector<1x16xi32> to vector<16xi32>
        %mul3A_330 = arith.constant 10000 : i32
        %mul3A_331 = arith.muli %add3A_74, %mul3A_330 : i32
        %add3A_332 = vector.broadcast %mul3A_331 : i32 to vector<16xi32>
        %add3A_333 = arith.addi %get3A_329, %add3A_332 : vector<16xi32>
        %swap3A_334 = arith.constant 1 : i32
        %swap3A_335 = arith.index_cast %swap3A_334 : i32 to index
        %swap3A_336 = arith.constant 112 : index
        %swap3A_337 = tpu.vector_load %arg10[%swap3A_335, %swap3A_336] {strides = array<i32>} : memref<4x128xi32, #tpu.memory_space<vmem>>, vector<1x16xi32>,
        %swap3A_338 = vector.shape_cast %swap3A_337 : vector<1x16xi32> to vector<16xi32>
        %swap3A_339 = vector.shape_cast %add3A_333 : vector<16xi32> to vector<1x16xi32>
        tpu.vector_store %arg10[%swap3A_335, %swap3A_336], %swap3A_339 {strides = array<i32>} : memref<4x128xi32, #tpu.memory_space<vmem>>, vector<1x16xi32>,
        %get3A_340 = arith.constant 2 : i32
        %get3A_341 = arith.index_cast %get3A_340 : i32 to index
        %get3A_342 = arith.constant 0 : index
        %get3A_343 = tpu.vector_load %arg8[%get3A_341, %get3A_342] {strides = array<i32>} : memref<4x128xi32, #tpu.memory_space<vmem>>, vector<1x16xi32>,
        %get3A_344 = vector.shape_cast %get3A_343 : vector<1x16xi32> to vector<16xi32>
        %mul3A_345 = arith.constant 10000 : i32
        %mul3A_346 = arith.muli %add3A_74, %mul3A_345 : i32
        %add3A_347 = vector.broadcast %mul3A_346 : i32 to vector<16xi32>
        %add3A_348 = arith.addi %get3A_344, %add3A_347 : vector<16xi32>
        %swap3A_349 = arith.constant 2 : i32
        %swap3A_350 = arith.index_cast %swap3A_349 : i32 to index
        %swap3A_351 = arith.constant 0 : index
        %swap3A_352 = tpu.vector_load %arg10[%swap3A_350, %swap3A_351] {strides = array<i32>} : memref<4x128xi32, #tpu.memory_space<vmem>>, vector<1x16xi32>,
        %swap3A_353 = vector.shape_cast %swap3A_352 : vector<1x16xi32> to vector<16xi32>
        %swap3A_354 = vector.shape_cast %add3A_348 : vector<16xi32> to vector<1x16xi32>
        tpu.vector_store %arg10[%swap3A_350, %swap3A_351], %swap3A_354 {strides = array<i32>} : memref<4x128xi32, #tpu.memory_space<vmem>>, vector<1x16xi32>,
        %get3A_355 = arith.constant 2 : i32
        %get3A_356 = arith.index_cast %get3A_355 : i32 to index
        %get3A_357 = arith.constant 16 : index
        %get3A_358 = tpu.vector_load %arg8[%get3A_356, %get3A_357] {strides = array<i32>} : memref<4x128xi32, #tpu.memory_space<vmem>>, vector<1x16xi32>,
        %get3A_359 = vector.shape_cast %get3A_358 : vector<1x16xi32> to vector<16xi32>
        %mul3A_360 = arith.constant 10000 : i32
        %mul3A_361 = arith.muli %add3A_74, %mul3A_360 : i32
        %add3A_362 = vector.broadcast %mul3A_361 : i32 to vector<16xi32>
        %add3A_363 = arith.addi %get3A_359, %add3A_362 : vector<16xi32>
        %swap3A_364 = arith.constant 2 : i32
        %swap3A_365 = arith.index_cast %swap3A_364 : i32 to index
        %swap3A_366 = arith.constant 16 : index
        %swap3A_367 = tpu.vector_load %arg10[%swap3A_365, %swap3A_366] {strides = array<i32>} : memref<4x128xi32, #tpu.memory_space<vmem>>, vector<1x16xi32>,
        %swap3A_368 = vector.shape_cast %swap3A_367 : vector<1x16xi32> to vector<16xi32>
        %swap3A_369 = vector.shape_cast %add3A_363 : vector<16xi32> to vector<1x16xi32>
        tpu.vector_store %arg10[%swap3A_365, %swap3A_366], %swap3A_369 {strides = array<i32>} : memref<4x128xi32, #tpu.memory_space<vmem>>, vector<1x16xi32>,
        %get3A_370 = arith.constant 2 : i32
        %get3A_371 = arith.index_cast %get3A_370 : i32 to index
        %get3A_372 = arith.constant 32 : index
        %get3A_373 = tpu.vector_load %arg8[%get3A_371, %get3A_372] {strides = array<i32>} : memref<4x128xi32, #tpu.memory_space<vmem>>, vector<1x16xi32>,
        %get3A_374 = vector.shape_cast %get3A_373 : vector<1x16xi32> to vector<16xi32>
        %mul3A_375 = arith.constant 10000 : i32
        %mul3A_376 = arith.muli %add3A_74, %mul3A_375 : i32
        %add3A_377 = vector.broadcast %mul3A_376 : i32 to vector<16xi32>
        %add3A_378 = arith.addi %get3A_374, %add3A_377 : vector<16xi32>
        %swap3A_379 = arith.constant 2 : i32
        %swap3A_380 = arith.index_cast %swap3A_379 : i32 to index
        %swap3A_381 = arith.constant 32 : index
        %swap3A_382 = tpu.vector_load %arg10[%swap3A_380, %swap3A_381] {strides = array<i32>} : memref<4x128xi32, #tpu.memory_space<vmem>>, vector<1x16xi32>,
        %swap3A_383 = vector.shape_cast %swap3A_382 : vector<1x16xi32> to vector<16xi32>
        %swap3A_384 = vector.shape_cast %add3A_378 : vector<16xi32> to vector<1x16xi32>
        tpu.vector_store %arg10[%swap3A_380, %swap3A_381], %swap3A_384 {strides = array<i32>} : memref<4x128xi32, #tpu.memory_space<vmem>>, vector<1x16xi32>,
        %get3A_385 = arith.constant 2 : i32
        %get3A_386 = arith.index_cast %get3A_385 : i32 to index
        %get3A_387 = arith.constant 48 : index
        %get3A_388 = tpu.vector_load %arg8[%get3A_386, %get3A_387] {strides = array<i32>} : memref<4x128xi32, #tpu.memory_space<vmem>>, vector<1x16xi32>,
        %get3A_389 = vector.shape_cast %get3A_388 : vector<1x16xi32> to vector<16xi32>
        %mul3A_390 = arith.constant 10000 : i32
        %mul3A_391 = arith.muli %add3A_74, %mul3A_390 : i32
        %add3A_392 = vector.broadcast %mul3A_391 : i32 to vector<16xi32>
        %add3A_393 = arith.addi %get3A_389, %add3A_392 : vector<16xi32>
        %swap3A_394 = arith.constant 2 : i32
        %swap3A_395 = arith.index_cast %swap3A_394 : i32 to index
        %swap3A_396 = arith.constant 48 : index
        %swap3A_397 = tpu.vector_load %arg10[%swap3A_395, %swap3A_396] {strides = array<i32>} : memref<4x128xi32, #tpu.memory_space<vmem>>, vector<1x16xi32>,
        %swap3A_398 = vector.shape_cast %swap3A_397 : vector<1x16xi32> to vector<16xi32>
        %swap3A_399 = vector.shape_cast %add3A_393 : vector<16xi32> to vector<1x16xi32>
        tpu.vector_store %arg10[%swap3A_395, %swap3A_396], %swap3A_399 {strides = array<i32>} : memref<4x128xi32, #tpu.memory_space<vmem>>, vector<1x16xi32>,
        %get3A_400 = arith.constant 2 : i32
        %get3A_401 = arith.index_cast %get3A_400 : i32 to index
        %get3A_402 = arith.constant 64 : index
        %get3A_403 = tpu.vector_load %arg8[%get3A_401, %get3A_402] {strides = array<i32>} : memref<4x128xi32, #tpu.memory_space<vmem>>, vector<1x16xi32>,
        %get3A_404 = vector.shape_cast %get3A_403 : vector<1x16xi32> to vector<16xi32>
        %mul3A_405 = arith.constant 10000 : i32
        %mul3A_406 = arith.muli %add3A_74, %mul3A_405 : i32
        %add3A_407 = vector.broadcast %mul3A_406 : i32 to vector<16xi32>
        %add3A_408 = arith.addi %get3A_404, %add3A_407 : vector<16xi32>
        %swap3A_409 = arith.constant 2 : i32
        %swap3A_410 = arith.index_cast %swap3A_409 : i32 to index
        %swap3A_411 = arith.constant 64 : index
        %swap3A_412 = tpu.vector_load %arg10[%swap3A_410, %swap3A_411] {strides = array<i32>} : memref<4x128xi32, #tpu.memory_space<vmem>>, vector<1x16xi32>,
        %swap3A_413 = vector.shape_cast %swap3A_412 : vector<1x16xi32> to vector<16xi32>
        %swap3A_414 = vector.shape_cast %add3A_408 : vector<16xi32> to vector<1x16xi32>
        tpu.vector_store %arg10[%swap3A_410, %swap3A_411], %swap3A_414 {strides = array<i32>} : memref<4x128xi32, #tpu.memory_space<vmem>>, vector<1x16xi32>,
        %get3A_415 = arith.constant 2 : i32
        %get3A_416 = arith.index_cast %get3A_415 : i32 to index
        %get3A_417 = arith.constant 80 : index
        %get3A_418 = tpu.vector_load %arg8[%get3A_416, %get3A_417] {strides = array<i32>} : memref<4x128xi32, #tpu.memory_space<vmem>>, vector<1x16xi32>,
        %get3A_419 = vector.shape_cast %get3A_418 : vector<1x16xi32> to vector<16xi32>
        %mul3A_420 = arith.constant 10000 : i32
        %mul3A_421 = arith.muli %add3A_74, %mul3A_420 : i32
        %add3A_422 = vector.broadcast %mul3A_421 : i32 to vector<16xi32>
        %add3A_423 = arith.addi %get3A_419, %add3A_422 : vector<16xi32>
        %swap3A_424 = arith.constant 2 : i32
        %swap3A_425 = arith.index_cast %swap3A_424 : i32 to index
        %swap3A_426 = arith.constant 80 : index
        %swap3A_427 = tpu.vector_load %arg10[%swap3A_425, %swap3A_426] {strides = array<i32>} : memref<4x128xi32, #tpu.memory_space<vmem>>, vector<1x16xi32>,
        %swap3A_428 = vector.shape_cast %swap3A_427 : vector<1x16xi32> to vector<16xi32>
        %swap3A_429 = vector.shape_cast %add3A_423 : vector<16xi32> to vector<1x16xi32>
        tpu.vector_store %arg10[%swap3A_425, %swap3A_426], %swap3A_429 {strides = array<i32>} : memref<4x128xi32, #tpu.memory_space<vmem>>, vector<1x16xi32>,
        %get3A_430 = arith.constant 2 : i32
        %get3A_431 = arith.index_cast %get3A_430 : i32 to index
        %get3A_432 = arith.constant 96 : index
        %get3A_433 = tpu.vector_load %arg8[%get3A_431, %get3A_432] {strides = array<i32>} : memref<4x128xi32, #tpu.memory_space<vmem>>, vector<1x16xi32>,
        %get3A_434 = vector.shape_cast %get3A_433 : vector<1x16xi32> to vector<16xi32>
        %mul3A_435 = arith.constant 10000 : i32
        %mul3A_436 = arith.muli %add3A_74, %mul3A_435 : i32
        %add3A_437 = vector.broadcast %mul3A_436 : i32 to vector<16xi32>
        %add3A_438 = arith.addi %get3A_434, %add3A_437 : vector<16xi32>
        %swap3A_439 = arith.constant 2 : i32
        %swap3A_440 = arith.index_cast %swap3A_439 : i32 to index
        %swap3A_441 = arith.constant 96 : index
        %swap3A_442 = tpu.vector_load %arg10[%swap3A_440, %swap3A_441] {strides = array<i32>} : memref<4x128xi32, #tpu.memory_space<vmem>>, vector<1x16xi32>,
        %swap3A_443 = vector.shape_cast %swap3A_442 : vector<1x16xi32> to vector<16xi32>
        %swap3A_444 = vector.shape_cast %add3A_438 : vector<16xi32> to vector<1x16xi32>
        tpu.vector_store %arg10[%swap3A_440, %swap3A_441], %swap3A_444 {strides = array<i32>} : memref<4x128xi32, #tpu.memory_space<vmem>>, vector<1x16xi32>,
        %get3A_445 = arith.constant 2 : i32
        %get3A_446 = arith.index_cast %get3A_445 : i32 to index
        %get3A_447 = arith.constant 112 : index
        %get3A_448 = tpu.vector_load %arg8[%get3A_446, %get3A_447] {strides = array<i32>} : memref<4x128xi32, #tpu.memory_space<vmem>>, vector<1x16xi32>,
        %get3A_449 = vector.shape_cast %get3A_448 : vector<1x16xi32> to vector<16xi32>
        %mul3A_450 = arith.constant 10000 : i32
        %mul3A_451 = arith.muli %add3A_74, %mul3A_450 : i32
        %add3A_452 = vector.broadcast %mul3A_451 : i32 to vector<16xi32>
        %add3A_453 = arith.addi %get3A_449, %add3A_452 : vector<16xi32>
        %swap3A_454 = arith.constant 2 : i32
        %swap3A_455 = arith.index_cast %swap3A_454 : i32 to index
        %swap3A_456 = arith.constant 112 : index
        %swap3A_457 = tpu.vector_load %arg10[%swap3A_455, %swap3A_456] {strides = array<i32>} : memref<4x128xi32, #tpu.memory_space<vmem>>, vector<1x16xi32>,
        %swap3A_458 = vector.shape_cast %swap3A_457 : vector<1x16xi32> to vector<16xi32>
        %swap3A_459 = vector.shape_cast %add3A_453 : vector<16xi32> to vector<1x16xi32>
        tpu.vector_store %arg10[%swap3A_455, %swap3A_456], %swap3A_459 {strides = array<i32>} : memref<4x128xi32, #tpu.memory_space<vmem>>, vector<1x16xi32>,
        %get3A_460 = arith.constant 3 : i32
        %get3A_461 = arith.index_cast %get3A_460 : i32 to index
        %get3A_462 = arith.constant 0 : index
        %get3A_463 = tpu.vector_load %arg8[%get3A_461, %get3A_462] {strides = array<i32>} : memref<4x128xi32, #tpu.memory_space<vmem>>, vector<1x16xi32>,
        %get3A_464 = vector.shape_cast %get3A_463 : vector<1x16xi32> to vector<16xi32>
        %mul3A_465 = arith.constant 10000 : i32
        %mul3A_466 = arith.muli %add3A_74, %mul3A_465 : i32
        %add3A_467 = vector.broadcast %mul3A_466 : i32 to vector<16xi32>
        %add3A_468 = arith.addi %get3A_464, %add3A_467 : vector<16xi32>
        %swap3A_469 = arith.constant 3 : i32
        %swap3A_470 = arith.index_cast %swap3A_469 : i32 to index
        %swap3A_471 = arith.constant 0 : index
        %swap3A_472 = tpu.vector_load %arg10[%swap3A_470, %swap3A_471] {strides = array<i32>} : memref<4x128xi32, #tpu.memory_space<vmem>>, vector<1x16xi32>,
        %swap3A_473 = vector.shape_cast %swap3A_472 : vector<1x16xi32> to vector<16xi32>
        %swap3A_474 = vector.shape_cast %add3A_468 : vector<16xi32> to vector<1x16xi32>
        tpu.vector_store %arg10[%swap3A_470, %swap3A_471], %swap3A_474 {strides = array<i32>} : memref<4x128xi32, #tpu.memory_space<vmem>>, vector<1x16xi32>,
        %get3A_475 = arith.constant 3 : i32
        %get3A_476 = arith.index_cast %get3A_475 : i32 to index
        %get3A_477 = arith.constant 16 : index
        %get3A_478 = tpu.vector_load %arg8[%get3A_476, %get3A_477] {strides = array<i32>} : memref<4x128xi32, #tpu.memory_space<vmem>>, vector<1x16xi32>,
        %get3A_479 = vector.shape_cast %get3A_478 : vector<1x16xi32> to vector<16xi32>
        %mul3A_480 = arith.constant 10000 : i32
        %mul3A_481 = arith.muli %add3A_74, %mul3A_480 : i32
        %add3A_482 = vector.broadcast %mul3A_481 : i32 to vector<16xi32>
        %add3A_483 = arith.addi %get3A_479, %add3A_482 : vector<16xi32>
        %swap3A_484 = arith.constant 3 : i32
        %swap3A_485 = arith.index_cast %swap3A_484 : i32 to index
        %swap3A_486 = arith.constant 16 : index
        %swap3A_487 = tpu.vector_load %arg10[%swap3A_485, %swap3A_486] {strides = array<i32>} : memref<4x128xi32, #tpu.memory_space<vmem>>, vector<1x16xi32>,
        %swap3A_488 = vector.shape_cast %swap3A_487 : vector<1x16xi32> to vector<16xi32>
        %swap3A_489 = vector.shape_cast %add3A_483 : vector<16xi32> to vector<1x16xi32>
        tpu.vector_store %arg10[%swap3A_485, %swap3A_486], %swap3A_489 {strides = array<i32>} : memref<4x128xi32, #tpu.memory_space<vmem>>, vector<1x16xi32>,
        %get3A_490 = arith.constant 3 : i32
        %get3A_491 = arith.index_cast %get3A_490 : i32 to index
        %get3A_492 = arith.constant 32 : index
        %get3A_493 = tpu.vector_load %arg8[%get3A_491, %get3A_492] {strides = array<i32>} : memref<4x128xi32, #tpu.memory_space<vmem>>, vector<1x16xi32>,
        %get3A_494 = vector.shape_cast %get3A_493 : vector<1x16xi32> to vector<16xi32>
        %mul3A_495 = arith.constant 10000 : i32
        %mul3A_496 = arith.muli %add3A_74, %mul3A_495 : i32
        %add3A_497 = vector.broadcast %mul3A_496 : i32 to vector<16xi32>
        %add3A_498 = arith.addi %get3A_494, %add3A_497 : vector<16xi32>
        %swap3A_499 = arith.constant 3 : i32
        %swap3A_500 = arith.index_cast %swap3A_499 : i32 to index
        %swap3A_501 = arith.constant 32 : index
        %swap3A_502 = tpu.vector_load %arg10[%swap3A_500, %swap3A_501] {strides = array<i32>} : memref<4x128xi32, #tpu.memory_space<vmem>>, vector<1x16xi32>,
        %swap3A_503 = vector.shape_cast %swap3A_502 : vector<1x16xi32> to vector<16xi32>
        %swap3A_504 = vector.shape_cast %add3A_498 : vector<16xi32> to vector<1x16xi32>
        tpu.vector_store %arg10[%swap3A_500, %swap3A_501], %swap3A_504 {strides = array<i32>} : memref<4x128xi32, #tpu.memory_space<vmem>>, vector<1x16xi32>,
        %get3A_505 = arith.constant 3 : i32
        %get3A_506 = arith.index_cast %get3A_505 : i32 to index
        %get3A_507 = arith.constant 48 : index
        %get3A_508 = tpu.vector_load %arg8[%get3A_506, %get3A_507] {strides = array<i32>} : memref<4x128xi32, #tpu.memory_space<vmem>>, vector<1x16xi32>,
        %get3A_509 = vector.shape_cast %get3A_508 : vector<1x16xi32> to vector<16xi32>
        %mul3A_510 = arith.constant 10000 : i32
        %mul3A_511 = arith.muli %add3A_74, %mul3A_510 : i32
        %add3A_512 = vector.broadcast %mul3A_511 : i32 to vector<16xi32>
        %add3A_513 = arith.addi %get3A_509, %add3A_512 : vector<16xi32>
        %swap3A_514 = arith.constant 3 : i32
        %swap3A_515 = arith.index_cast %swap3A_514 : i32 to index
        %swap3A_516 = arith.constant 48 : index
        %swap3A_517 = tpu.vector_load %arg10[%swap3A_515, %swap3A_516] {strides = array<i32>} : memref<4x128xi32, #tpu.memory_space<vmem>>, vector<1x16xi32>,
        %swap3A_518 = vector.shape_cast %swap3A_517 : vector<1x16xi32> to vector<16xi32>
        %swap3A_519 = vector.shape_cast %add3A_513 : vector<16xi32> to vector<1x16xi32>
        tpu.vector_store %arg10[%swap3A_515, %swap3A_516], %swap3A_519 {strides = array<i32>} : memref<4x128xi32, #tpu.memory_space<vmem>>, vector<1x16xi32>,
        %get3A_520 = arith.constant 3 : i32
        %get3A_521 = arith.index_cast %get3A_520 : i32 to index
        %get3A_522 = arith.constant 64 : index
        %get3A_523 = tpu.vector_load %arg8[%get3A_521, %get3A_522] {strides = array<i32>} : memref<4x128xi32, #tpu.memory_space<vmem>>, vector<1x16xi32>,
        %get3A_524 = vector.shape_cast %get3A_523 : vector<1x16xi32> to vector<16xi32>
        %mul3A_525 = arith.constant 10000 : i32
        %mul3A_526 = arith.muli %add3A_74, %mul3A_525 : i32
        %add3A_527 = vector.broadcast %mul3A_526 : i32 to vector<16xi32>
        %add3A_528 = arith.addi %get3A_524, %add3A_527 : vector<16xi32>
        %swap3A_529 = arith.constant 3 : i32
        %swap3A_530 = arith.index_cast %swap3A_529 : i32 to index
        %swap3A_531 = arith.constant 64 : index
        %swap3A_532 = tpu.vector_load %arg10[%swap3A_530, %swap3A_531] {strides = array<i32>} : memref<4x128xi32, #tpu.memory_space<vmem>>, vector<1x16xi32>,
        %swap3A_533 = vector.shape_cast %swap3A_532 : vector<1x16xi32> to vector<16xi32>
        %swap3A_534 = vector.shape_cast %add3A_528 : vector<16xi32> to vector<1x16xi32>
        tpu.vector_store %arg10[%swap3A_530, %swap3A_531], %swap3A_534 {strides = array<i32>} : memref<4x128xi32, #tpu.memory_space<vmem>>, vector<1x16xi32>,
        %get3A_535 = arith.constant 3 : i32
        %get3A_536 = arith.index_cast %get3A_535 : i32 to index
        %get3A_537 = arith.constant 80 : index
        %get3A_538 = tpu.vector_load %arg8[%get3A_536, %get3A_537] {strides = array<i32>} : memref<4x128xi32, #tpu.memory_space<vmem>>, vector<1x16xi32>,
        %get3A_539 = vector.shape_cast %get3A_538 : vector<1x16xi32> to vector<16xi32>
        %mul3A_540 = arith.constant 10000 : i32
        %mul3A_541 = arith.muli %add3A_74, %mul3A_540 : i32
        %add3A_542 = vector.broadcast %mul3A_541 : i32 to vector<16xi32>
        %add3A_543 = arith.addi %get3A_539, %add3A_542 : vector<16xi32>
        %swap3A_544 = arith.constant 3 : i32
        %swap3A_545 = arith.index_cast %swap3A_544 : i32 to index
        %swap3A_546 = arith.constant 80 : index
        %swap3A_547 = tpu.vector_load %arg10[%swap3A_545, %swap3A_546] {strides = array<i32>} : memref<4x128xi32, #tpu.memory_space<vmem>>, vector<1x16xi32>,
        %swap3A_548 = vector.shape_cast %swap3A_547 : vector<1x16xi32> to vector<16xi32>
        %swap3A_549 = vector.shape_cast %add3A_543 : vector<16xi32> to vector<1x16xi32>
        tpu.vector_store %arg10[%swap3A_545, %swap3A_546], %swap3A_549 {strides = array<i32>} : memref<4x128xi32, #tpu.memory_space<vmem>>, vector<1x16xi32>,
        %get3A_550 = arith.constant 3 : i32
        %get3A_551 = arith.index_cast %get3A_550 : i32 to index
        %get3A_552 = arith.constant 96 : index
        %get3A_553 = tpu.vector_load %arg8[%get3A_551, %get3A_552] {strides = array<i32>} : memref<4x128xi32, #tpu.memory_space<vmem>>, vector<1x16xi32>,
        %get3A_554 = vector.shape_cast %get3A_553 : vector<1x16xi32> to vector<16xi32>
        %mul3A_555 = arith.constant 10000 : i32
        %mul3A_556 = arith.muli %add3A_74, %mul3A_555 : i32
        %add3A_557 = vector.broadcast %mul3A_556 : i32 to vector<16xi32>
        %add3A_558 = arith.addi %get3A_554, %add3A_557 : vector<16xi32>
        %swap3A_559 = arith.constant 3 : i32
        %swap3A_560 = arith.index_cast %swap3A_559 : i32 to index
        %swap3A_561 = arith.constant 96 : index
        %swap3A_562 = tpu.vector_load %arg10[%swap3A_560, %swap3A_561] {strides = array<i32>} : memref<4x128xi32, #tpu.memory_space<vmem>>, vector<1x16xi32>,
        %swap3A_563 = vector.shape_cast %swap3A_562 : vector<1x16xi32> to vector<16xi32>
        %swap3A_564 = vector.shape_cast %add3A_558 : vector<16xi32> to vector<1x16xi32>
        tpu.vector_store %arg10[%swap3A_560, %swap3A_561], %swap3A_564 {strides = array<i32>} : memref<4x128xi32, #tpu.memory_space<vmem>>, vector<1x16xi32>,
        %get3A_565 = arith.constant 3 : i32
        %get3A_566 = arith.index_cast %get3A_565 : i32 to index
        %get3A_567 = arith.constant 112 : index
        %get3A_568 = tpu.vector_load %arg8[%get3A_566, %get3A_567] {strides = array<i32>} : memref<4x128xi32, #tpu.memory_space<vmem>>, vector<1x16xi32>,
        %get3A_569 = vector.shape_cast %get3A_568 : vector<1x16xi32> to vector<16xi32>
        %mul3A_570 = arith.constant 10000 : i32
        %mul3A_571 = arith.muli %add3A_74, %mul3A_570 : i32
        %add3A_572 = vector.broadcast %mul3A_571 : i32 to vector<16xi32>
        %add3A_573 = arith.addi %get3A_569, %add3A_572 : vector<16xi32>
        %swap3A_574 = arith.constant 3 : i32
        %swap3A_575 = arith.index_cast %swap3A_574 : i32 to index
        %swap3A_576 = arith.constant 112 : index
        %swap3A_577 = tpu.vector_load %arg10[%swap3A_575, %swap3A_576] {strides = array<i32>} : memref<4x128xi32, #tpu.memory_space<vmem>>, vector<1x16xi32>,
        %swap3A_578 = vector.shape_cast %swap3A_577 : vector<1x16xi32> to vector<16xi32>
        %swap3A_579 = vector.shape_cast %add3A_573 : vector<16xi32> to vector<1x16xi32>
        tpu.vector_store %arg10[%swap3A_575, %swap3A_576], %swap3A_579 {strides = array<i32>} : memref<4x128xi32, #tpu.memory_space<vmem>>, vector<1x16xi32>,
        %dma_start3A = arith.constant 0 : i32
        %dma_start3A_580 = arith.constant 0 : i32
        %dma_start3A_581 = tpu.memref_slice %arg10[%dma_start3A, %dma_start3A_580] : memref<4x128xi32, #tpu.memory_space<vmem>> -> memref<1x128xi32, #tpu.memory_space<vmem>>
        %dma_start3A_582 = tpu.memref_squeeze %dma_start3A_581 : memref<1x128xi32, #tpu.memory_space<vmem>> -> memref<128xi32, #tpu.memory_space<vmem>>
        %dma_start3A_583 = arith.constant 0 : i32
        %dma_start3A_584 = arith.constant 0 : i32
        %dma_start3A_585 = tpu.memref_slice %arg2[%dma_start3A_583, %dma_start3A_584] : memref<80000x128xf32, #tpu.memory_space<hbm>> -> memref<80000x128xf32, #tpu.memory_space<hbm>>
        tpu.enqueue_indirect_dma source(%dma_start3A_585 : memref<80000x128xf32, #tpu.memory_space<hbm>>) target(%arg11 : memref<128x128xf32, #tpu.memory_space<vmem>>) offsets(%dma_start3A_582 : memref<128xi32, #tpu.memory_space<vmem>>) semaphore(%arg14 : memref<!tpu.dma_semaphore, #tpu.memory_space<semaphore_mem>>)
        %dma_start3A_586 = arith.constant 1 : i32
        %dma_start3A_587 = arith.constant 0 : i32
        %dma_start3A_588 = tpu.memref_slice %arg10[%dma_start3A_586, %dma_start3A_587] : memref<4x128xi32, #tpu.memory_space<vmem>> -> memref<1x128xi32, #tpu.memory_space<vmem>>
        %dma_start3A_589 = tpu.memref_squeeze %dma_start3A_588 : memref<1x128xi32, #tpu.memory_space<vmem>> -> memref<128xi32, #tpu.memory_space<vmem>>
        %dma_start3A_590 = arith.constant 0 : i32
        %dma_start3A_591 = arith.constant 0 : i32
        %dma_start3A_592 = tpu.memref_slice %arg2[%dma_start3A_590, %dma_start3A_591] : memref<80000x128xf32, #tpu.memory_space<hbm>> -> memref<80000x128xf32, #tpu.memory_space<hbm>>
        tpu.enqueue_indirect_dma source(%dma_start3A_592 : memref<80000x128xf32, #tpu.memory_space<hbm>>) target(%arg12 : memref<128x128xf32, #tpu.memory_space<vmem>>) offsets(%dma_start3A_589 : memref<128xi32, #tpu.memory_space<vmem>>) semaphore(%arg15 : memref<!tpu.dma_semaphore, #tpu.memory_space<semaphore_mem>>)
        %dma_wait3A = arith.constant 0 : i32
        %dma_wait3A_593 = arith.constant 0 : i32
        %dma_wait3A_594 = tpu.memref_slice %arg10[%dma_wait3A, %dma_wait3A_593] : memref<4x128xi32, #tpu.memory_space<vmem>> -> memref<1x128xi32, #tpu.memory_space<vmem>>
        %dma_wait3A_595 = tpu.memref_squeeze %dma_wait3A_594 : memref<1x128xi32, #tpu.memory_space<vmem>> -> memref<128xi32, #tpu.memory_space<vmem>>
        %dma_wait3A_596 = arith.constant 0 : i32
        %dma_wait3A_597 = arith.constant 0 : i32
        %dma_wait3A_598 = tpu.memref_slice %arg2[%dma_wait3A_596, %dma_wait3A_597] : memref<80000x128xf32, #tpu.memory_space<hbm>> -> memref<80000x128xf32, #tpu.memory_space<hbm>>
        tpu.wait_indirect_dma semaphore(%arg14 : memref<!tpu.dma_semaphore, #tpu.memory_space<semaphore_mem>>) src(%dma_wait3A_598 : memref<80000x128xf32, #tpu.memory_space<hbm>>) dst(%arg11 : memref<128x128xf32, #tpu.memory_space<vmem>>)
        %run_scoped3A = arith.constant 0 : i32
        "tpu.region"() ({
          %run_scoped3A_637 = tpu.sem_alloc : memref<!tpu.dma_semaphore, #tpu.memory_space<semaphore_mem>>
          %dma_start3A_638 = arith.constant 0 : i32
          %dma_start3A_639 = tpu.memref_slice %arg9[%run_scoped3A, %dma_start3A_638] : memref<4x128xi32, #tpu.memory_space<vmem>> -> memref<1x128xi32, #tpu.memory_space<vmem>>
          %dma_start3A_640 = tpu.memref_squeeze %dma_start3A_639 : memref<1x128xi32, #tpu.memory_space<vmem>> -> memref<128xi32, #tpu.memory_space<vmem>>
          %dma_start3A_641 = arith.constant 0 : i32
          %dma_start3A_642 = arith.constant 0 : i32
          %dma_start3A_643 = tpu.memref_slice %arg7[%dma_start3A_641, %dma_start3A_642] : memref<10000x128xf32, #tpu.memory_space<vmem_shared>> -> memref<10000x128xf32, #tpu.memory_space<vmem_shared>>
          tpu.enqueue_indirect_dma source(%arg11 : memref<128x128xf32, #tpu.memory_space<vmem>>) target(%dma_start3A_643 : memref<10000x128xf32, #tpu.memory_space<vmem_shared>>) offsets(%dma_start3A_640 : memref<128xi32, #tpu.memory_space<vmem>>) semaphore(%run_scoped3A_637 : memref<!tpu.dma_semaphore, #tpu.memory_space<semaphore_mem>>) {add = true}
          %dma_wait3A_644 = arith.constant 0 : i32
          %dma_wait3A_645 = tpu.memref_slice %arg9[%run_scoped3A, %dma_wait3A_644] : memref<4x128xi32, #tpu.memory_space<vmem>> -> memref<1x128xi32, #tpu.memory_space<vmem>>
          %dma_wait3A_646 = tpu.memref_squeeze %dma_wait3A_645 : memref<1x128xi32, #tpu.memory_space<vmem>> -> memref<128xi32, #tpu.memory_space<vmem>>
          %dma_wait3A_647 = arith.constant 0 : i32
          %dma_wait3A_648 = arith.constant 0 : i32
          %dma_wait3A_649 = tpu.memref_slice %arg7[%dma_wait3A_647, %dma_wait3A_648] : memref<10000x128xf32, #tpu.memory_space<vmem_shared>> -> memref<10000x128xf32, #tpu.memory_space<vmem_shared>>
          tpu.wait_indirect_dma semaphore(%run_scoped3A_637 : memref<!tpu.dma_semaphore, #tpu.memory_space<semaphore_mem>>) src(%arg11 : memref<128x128xf32, #tpu.memory_space<vmem>>) dst(%dma_wait3A_649 : memref<10000x128xf32, #tpu.memory_space<vmem_shared>>)
          tpu.yield
        }) : () -> ()
        %dma_start3A_599 = arith.constant 2 : i32
        %dma_start3A_600 = arith.constant 0 : i32
        %dma_start3A_601 = tpu.memref_slice %arg10[%dma_start3A_599, %dma_start3A_600] : memref<4x128xi32, #tpu.memory_space<vmem>> -> memref<1x128xi32, #tpu.memory_space<vmem>>
        %dma_start3A_602 = tpu.memref_squeeze %dma_start3A_601 : memref<1x128xi32, #tpu.memory_space<vmem>> -> memref<128xi32, #tpu.memory_space<vmem>>
        %dma_start3A_603 = arith.constant 0 : i32
        %dma_start3A_604 = arith.constant 0 : i32
        %dma_start3A_605 = tpu.memref_slice %arg2[%dma_start3A_603, %dma_start3A_604] : memref<80000x128xf32, #tpu.memory_space<hbm>> -> memref<80000x128xf32, #tpu.memory_space<hbm>>
        tpu.enqueue_indirect_dma source(%dma_start3A_605 : memref<80000x128xf32, #tpu.memory_space<hbm>>) target(%arg11 : memref<128x128xf32, #tpu.memory_space<vmem>>) offsets(%dma_start3A_602 : memref<128xi32, #tpu.memory_space<vmem>>) semaphore(%arg14 : memref<!tpu.dma_semaphore, #tpu.memory_space<semaphore_mem>>)
        %dma_wait3A_606 = arith.constant 1 : i32
        %dma_wait3A_607 = arith.constant 0 : i32
        %dma_wait3A_608 = tpu.memref_slice %arg10[%dma_wait3A_606, %dma_wait3A_607] : memref<4x128xi32, #tpu.memory_space<vmem>> -> memref<1x128xi32, #tpu.memory_space<vmem>>
        %dma_wait3A_609 = tpu.memref_squeeze %dma_wait3A_608 : memref<1x128xi32, #tpu.memory_space<vmem>> -> memref<128xi32, #tpu.memory_space<vmem>>
        %dma_wait3A_610 = arith.constant 0 : i32
        %dma_wait3A_611 = arith.constant 0 : i32
        %dma_wait3A_612 = tpu.memref_slice %arg2[%dma_wait3A_610, %dma_wait3A_611] : memref<80000x128xf32, #tpu.memory_space<hbm>> -> memref<80000x128xf32, #tpu.memory_space<hbm>>
        tpu.wait_indirect_dma semaphore(%arg15 : memref<!tpu.dma_semaphore, #tpu.memory_space<semaphore_mem>>) src(%dma_wait3A_612 : memref<80000x128xf32, #tpu.memory_space<hbm>>) dst(%arg12 : memref<128x128xf32, #tpu.memory_space<vmem>>)
        %run_scoped3A_613 = arith.constant 1 : i32
        "tpu.region"() ({
          %run_scoped3A_637 = tpu.sem_alloc : memref<!tpu.dma_semaphore, #tpu.memory_space<semaphore_mem>>
          %dma_start3A_638 = arith.constant 0 : i32
          %dma_start3A_639 = tpu.memref_slice %arg9[%run_scoped3A_613, %dma_start3A_638] : memref<4x128xi32, #tpu.memory_space<vmem>> -> memref<1x128xi32, #tpu.memory_space<vmem>>
          %dma_start3A_640 = tpu.memref_squeeze %dma_start3A_639 : memref<1x128xi32, #tpu.memory_space<vmem>> -> memref<128xi32, #tpu.memory_space<vmem>>
          %dma_start3A_641 = arith.constant 0 : i32
          %dma_start3A_642 = arith.constant 0 : i32
          %dma_start3A_643 = tpu.memref_slice %arg7[%dma_start3A_641, %dma_start3A_642] : memref<10000x128xf32, #tpu.memory_space<vmem_shared>> -> memref<10000x128xf32, #tpu.memory_space<vmem_shared>>
          tpu.enqueue_indirect_dma source(%arg12 : memref<128x128xf32, #tpu.memory_space<vmem>>) target(%dma_start3A_643 : memref<10000x128xf32, #tpu.memory_space<vmem_shared>>) offsets(%dma_start3A_640 : memref<128xi32, #tpu.memory_space<vmem>>) semaphore(%run_scoped3A_637 : memref<!tpu.dma_semaphore, #tpu.memory_space<semaphore_mem>>) {add = true}
          %dma_wait3A_644 = arith.constant 0 : i32
          %dma_wait3A_645 = tpu.memref_slice %arg9[%run_scoped3A_613, %dma_wait3A_644] : memref<4x128xi32, #tpu.memory_space<vmem>> -> memref<1x128xi32, #tpu.memory_space<vmem>>
          %dma_wait3A_646 = tpu.memref_squeeze %dma_wait3A_645 : memref<1x128xi32, #tpu.memory_space<vmem>> -> memref<128xi32, #tpu.memory_space<vmem>>
          %dma_wait3A_647 = arith.constant 0 : i32
          %dma_wait3A_648 = arith.constant 0 : i32
          %dma_wait3A_649 = tpu.memref_slice %arg7[%dma_wait3A_647, %dma_wait3A_648] : memref<10000x128xf32, #tpu.memory_space<vmem_shared>> -> memref<10000x128xf32, #tpu.memory_space<vmem_shared>>
          tpu.wait_indirect_dma semaphore(%run_scoped3A_637 : memref<!tpu.dma_semaphore, #tpu.memory_space<semaphore_mem>>) src(%arg12 : memref<128x128xf32, #tpu.memory_space<vmem>>) dst(%dma_wait3A_649 : memref<10000x128xf32, #tpu.memory_space<vmem_shared>>)
          tpu.yield
        }) : () -> ()
        %dma_start3A_614 = arith.constant 3 : i32
        %dma_start3A_615 = arith.constant 0 : i32
        %dma_start3A_616 = tpu.memref_slice %arg10[%dma_start3A_614, %dma_start3A_615] : memref<4x128xi32, #tpu.memory_space<vmem>> -> memref<1x128xi32, #tpu.memory_space<vmem>>
        %dma_start3A_617 = tpu.memref_squeeze %dma_start3A_616 : memref<1x128xi32, #tpu.memory_space<vmem>> -> memref<128xi32, #tpu.memory_space<vmem>>
        %dma_start3A_618 = arith.constant 0 : i32
        %dma_start3A_619 = arith.constant 0 : i32
        %dma_start3A_620 = tpu.memref_slice %arg2[%dma_start3A_618, %dma_start3A_619] : memref<80000x128xf32, #tpu.memory_space<hbm>> -> memref<80000x128xf32, #tpu.memory_space<hbm>>
        tpu.enqueue_indirect_dma source(%dma_start3A_620 : memref<80000x128xf32, #tpu.memory_space<hbm>>) target(%arg12 : memref<128x128xf32, #tpu.memory_space<vmem>>) offsets(%dma_start3A_617 : memref<128xi32, #tpu.memory_space<vmem>>) semaphore(%arg15 : memref<!tpu.dma_semaphore, #tpu.memory_space<semaphore_mem>>)
        %dma_wait3A_621 = arith.constant 2 : i32
        %dma_wait3A_622 = arith.constant 0 : i32
        %dma_wait3A_623 = tpu.memref_slice %arg10[%dma_wait3A_621, %dma_wait3A_622] : memref<4x128xi32, #tpu.memory_space<vmem>> -> memref<1x128xi32, #tpu.memory_space<vmem>>
        %dma_wait3A_624 = tpu.memref_squeeze %dma_wait3A_623 : memref<1x128xi32, #tpu.memory_space<vmem>> -> memref<128xi32, #tpu.memory_space<vmem>>
        %dma_wait3A_625 = arith.constant 0 : i32
        %dma_wait3A_626 = arith.constant 0 : i32
        %dma_wait3A_627 = tpu.memref_slice %arg2[%dma_wait3A_625, %dma_wait3A_626] : memref<80000x128xf32, #tpu.memory_space<hbm>> -> memref<80000x128xf32, #tpu.memory_space<hbm>>
        tpu.wait_indirect_dma semaphore(%arg14 : memref<!tpu.dma_semaphore, #tpu.memory_space<semaphore_mem>>) src(%dma_wait3A_627 : memref<80000x128xf32, #tpu.memory_space<hbm>>) dst(%arg11 : memref<128x128xf32, #tpu.memory_space<vmem>>)
        %run_scoped3A_628 = arith.constant 2 : i32
        "tpu.region"() ({
          %run_scoped3A_637 = tpu.sem_alloc : memref<!tpu.dma_semaphore, #tpu.memory_space<semaphore_mem>>
          %dma_start3A_638 = arith.constant 0 : i32
          %dma_start3A_639 = tpu.memref_slice %arg9[%run_scoped3A_628, %dma_start3A_638] : memref<4x128xi32, #tpu.memory_space<vmem>> -> memref<1x128xi32, #tpu.memory_space<vmem>>
          %dma_start3A_640 = tpu.memref_squeeze %dma_start3A_639 : memref<1x128xi32, #tpu.memory_space<vmem>> -> memref<128xi32, #tpu.memory_space<vmem>>
          %dma_start3A_641 = arith.constant 0 : i32
          %dma_start3A_642 = arith.constant 0 : i32
          %dma_start3A_643 = tpu.memref_slice %arg7[%dma_start3A_641, %dma_start3A_642] : memref<10000x128xf32, #tpu.memory_space<vmem_shared>> -> memref<10000x128xf32, #tpu.memory_space<vmem_shared>>
          tpu.enqueue_indirect_dma source(%arg11 : memref<128x128xf32, #tpu.memory_space<vmem>>) target(%dma_start3A_643 : memref<10000x128xf32, #tpu.memory_space<vmem_shared>>) offsets(%dma_start3A_640 : memref<128xi32, #tpu.memory_space<vmem>>) semaphore(%run_scoped3A_637 : memref<!tpu.dma_semaphore, #tpu.memory_space<semaphore_mem>>) {add = true}
          %dma_wait3A_644 = arith.constant 0 : i32
          %dma_wait3A_645 = tpu.memref_slice %arg9[%run_scoped3A_628, %dma_wait3A_644] : memref<4x128xi32, #tpu.memory_space<vmem>> -> memref<1x128xi32, #tpu.memory_space<vmem>>
          %dma_wait3A_646 = tpu.memref_squeeze %dma_wait3A_645 : memref<1x128xi32, #tpu.memory_space<vmem>> -> memref<128xi32, #tpu.memory_space<vmem>>
          %dma_wait3A_647 = arith.constant 0 : i32
          %dma_wait3A_648 = arith.constant 0 : i32
          %dma_wait3A_649 = tpu.memref_slice %arg7[%dma_wait3A_647, %dma_wait3A_648] : memref<10000x128xf32, #tpu.memory_space<vmem_shared>> -> memref<10000x128xf32, #tpu.memory_space<vmem_shared>>
          tpu.wait_indirect_dma semaphore(%run_scoped3A_637 : memref<!tpu.dma_semaphore, #tpu.memory_space<semaphore_mem>>) src(%arg11 : memref<128x128xf32, #tpu.memory_space<vmem>>) dst(%dma_wait3A_649 : memref<10000x128xf32, #tpu.memory_space<vmem_shared>>)
          tpu.yield
        }) : () -> ()
        %dma_wait3A_629 = arith.constant 3 : i32
        %dma_wait3A_630 = arith.constant 0 : i32
        %dma_wait3A_631 = tpu.memref_slice %arg10[%dma_wait3A_629, %dma_wait3A_630] : memref<4x128xi32, #tpu.memory_space<vmem>> -> memref<1x128xi32, #tpu.memory_space<vmem>>
        %dma_wait3A_632 = tpu.memref_squeeze %dma_wait3A_631 : memref<1x128xi32, #tpu.memory_space<vmem>> -> memref<128xi32, #tpu.memory_space<vmem>>
        %dma_wait3A_633 = arith.constant 0 : i32
        %dma_wait3A_634 = arith.constant 0 : i32
        %dma_wait3A_635 = tpu.memref_slice %arg2[%dma_wait3A_633, %dma_wait3A_634] : memref<80000x128xf32, #tpu.memory_space<hbm>> -> memref<80000x128xf32, #tpu.memory_space<hbm>>
        tpu.wait_indirect_dma semaphore(%arg15 : memref<!tpu.dma_semaphore, #tpu.memory_space<semaphore_mem>>) src(%dma_wait3A_635 : memref<80000x128xf32, #tpu.memory_space<hbm>>) dst(%arg12 : memref<128x128xf32, #tpu.memory_space<vmem>>)
        %run_scoped3A_636 = arith.constant 3 : i32
        "tpu.region"() ({
          %run_scoped3A_637 = tpu.sem_alloc : memref<!tpu.dma_semaphore, #tpu.memory_space<semaphore_mem>>
          %dma_start3A_638 = arith.constant 0 : i32
          %dma_start3A_639 = tpu.memref_slice %arg9[%run_scoped3A_636, %dma_start3A_638] : memref<4x128xi32, #tpu.memory_space<vmem>> -> memref<1x128xi32, #tpu.memory_space<vmem>>
          %dma_start3A_640 = tpu.memref_squeeze %dma_start3A_639 : memref<1x128xi32, #tpu.memory_space<vmem>> -> memref<128xi32, #tpu.memory_space<vmem>>
          %dma_start3A_641 = arith.constant 0 : i32
          %dma_start3A_642 = arith.constant 0 : i32
          %dma_start3A_643 = tpu.memref_slice %arg7[%dma_start3A_641, %dma_start3A_642] : memref<10000x128xf32, #tpu.memory_space<vmem_shared>> -> memref<10000x128xf32, #tpu.memory_space<vmem_shared>>
          tpu.enqueue_indirect_dma source(%arg12 : memref<128x128xf32, #tpu.memory_space<vmem>>) target(%dma_start3A_643 : memref<10000x128xf32, #tpu.memory_space<vmem_shared>>) offsets(%dma_start3A_640 : memref<128xi32, #tpu.memory_space<vmem>>) semaphore(%run_scoped3A_637 : memref<!tpu.dma_semaphore, #tpu.memory_space<semaphore_mem>>) {add = true}
          %dma_wait3A_644 = arith.constant 0 : i32
          %dma_wait3A_645 = tpu.memref_slice %arg9[%run_scoped3A_636, %dma_wait3A_644] : memref<4x128xi32, #tpu.memory_space<vmem>> -> memref<1x128xi32, #tpu.memory_space<vmem>>
          %dma_wait3A_646 = tpu.memref_squeeze %dma_wait3A_645 : memref<1x128xi32, #tpu.memory_space<vmem>> -> memref<128xi32, #tpu.memory_space<vmem>>
          %dma_wait3A_647 = arith.constant 0 : i32
          %dma_wait3A_648 = arith.constant 0 : i32
          %dma_wait3A_649 = tpu.memref_slice %arg7[%dma_wait3A_647, %dma_wait3A_648] : memref<10000x128xf32, #tpu.memory_space<vmem_shared>> -> memref<10000x128xf32, #tpu.memory_space<vmem_shared>>
          tpu.wait_indirect_dma semaphore(%run_scoped3A_637 : memref<!tpu.dma_semaphore, #tpu.memory_space<semaphore_mem>>) src(%arg12 : memref<128x128xf32, #tpu.memory_space<vmem>>) dst(%dma_wait3A_649 : memref<10000x128xf32, #tpu.memory_space<vmem_shared>>)
          tpu.yield
        }) : () -> ()
      } else {
      }
    }
    %scan3A_87 = arith.constant 40 : i32
    %barrier3A_88 = arith.constant 0 : index
    tpu.barrier barrier_id(%barrier3A_88)
    %scan3A_89 = arith.constant 0 : i32
    %scan3A_90 = arith.constant 0 : i32
    %scan3A_91 = arith.constant 5 : i32
    %scan3A_92 = arith.addi %scan3A_90, %scan3A_91 : i32
    %scan3A_93 = arith.constant 1 : i32
    scf.for %scan3A_96 = %scan3A_90 to %scan3A_92 step %scan3A_93  : i32 {
      %mul3A_97 = arith.constant 16 : i32
      %mul3A_98 = arith.muli %scan3A_96, %mul3A_97 : i32
      %add3A_99 = arith.addi %arg1, %mul3A_98 : i32
      %lt3A = arith.constant 79 : i32
      %lt3A_100 = arith.cmpi slt, %add3A_99, %lt3A : i32
      %convert_element_type3A = arith.extui %lt3A_100 : i1 to i32
      %cond3A = arith.constant 0 : i32
      %cond3A_101 = arith.cmpi ne, %convert_element_type3A, %cond3A : i32
      scf.if %cond3A_101 {
        %mul3A_102 = arith.constant 128 : i32
        %mul3A_103 = arith.muli %add3A_99, %mul3A_102 : i32
        %min3A = arith.constant 9872 : i32
        %min3A_104 = arith.minsi %mul3A_103, %min3A : i32
        %iota3A = tpu.iota {dimensions = array<i32: 0>} : vector<16xi32>
        %add3A_105 = arith.constant 0 : i32
        %add3A_106 = arith.addi %min3A_104, %add3A_105 : i32
        %add3A_107 = vector.broadcast %add3A_106 : i32 to vector<16xi32>
        %add3A_108 = arith.addi %iota3A, %add3A_107 : vector<16xi32>
        %swap3A = arith.constant 0 : index
        %swap3A_109 = tpu.vector_load %arg13[%swap3A] {strides = array<i32>} : memref<128xi32, #tpu.memory_space<vmem>>, vector<16xi32>,
        %swap3A_110 = vector.shape_cast %swap3A_109 : vector<16xi32> to vector<16xi32>
        %swap3A_111 = vector.shape_cast %add3A_108 : vector<16xi32> to vector<16xi32>
        tpu.vector_store %arg13[%swap3A], %swap3A_111 {strides = array<i32>} : memref<128xi32, #tpu.memory_space<vmem>>, vector<16xi32>,
        %iota3A_112 = tpu.iota {dimensions = array<i32: 0>} : vector<16xi32>
        %add3A_113 = arith.constant 16 : i32
        %add3A_114 = arith.addi %min3A_104, %add3A_113 : i32
        %add3A_115 = vector.broadcast %add3A_114 : i32 to vector<16xi32>
        %add3A_116 = arith.addi %iota3A_112, %add3A_115 : vector<16xi32>
        %swap3A_117 = arith.constant 16 : index
        %swap3A_118 = tpu.vector_load %arg13[%swap3A_117] {strides = array<i32>} : memref<128xi32, #tpu.memory_space<vmem>>, vector<16xi32>,
        %swap3A_119 = vector.shape_cast %swap3A_118 : vector<16xi32> to vector<16xi32>
        %swap3A_120 = vector.shape_cast %add3A_116 : vector<16xi32> to vector<16xi32>
        tpu.vector_store %arg13[%swap3A_117], %swap3A_120 {strides = array<i32>} : memref<128xi32, #tpu.memory_space<vmem>>, vector<16xi32>,
        %iota3A_121 = tpu.iota {dimensions = array<i32: 0>} : vector<16xi32>
        %add3A_122 = arith.constant 32 : i32
        %add3A_123 = arith.addi %min3A_104, %add3A_122 : i32
        %add3A_124 = vector.broadcast %add3A_123 : i32 to vector<16xi32>
        %add3A_125 = arith.addi %iota3A_121, %add3A_124 : vector<16xi32>
        %swap3A_126 = arith.constant 32 : index
        %swap3A_127 = tpu.vector_load %arg13[%swap3A_126] {strides = array<i32>} : memref<128xi32, #tpu.memory_space<vmem>>, vector<16xi32>,
        %swap3A_128 = vector.shape_cast %swap3A_127 : vector<16xi32> to vector<16xi32>
        %swap3A_129 = vector.shape_cast %add3A_125 : vector<16xi32> to vector<16xi32>
        tpu.vector_store %arg13[%swap3A_126], %swap3A_129 {strides = array<i32>} : memref<128xi32, #tpu.memory_space<vmem>>, vector<16xi32>,
        %iota3A_130 = tpu.iota {dimensions = array<i32: 0>} : vector<16xi32>
        %add3A_131 = arith.constant 48 : i32
        %add3A_132 = arith.addi %min3A_104, %add3A_131 : i32
        %add3A_133 = vector.broadcast %add3A_132 : i32 to vector<16xi32>
        %add3A_134 = arith.addi %iota3A_130, %add3A_133 : vector<16xi32>
        %swap3A_135 = arith.constant 48 : index
        %swap3A_136 = tpu.vector_load %arg13[%swap3A_135] {strides = array<i32>} : memref<128xi32, #tpu.memory_space<vmem>>, vector<16xi32>,
        %swap3A_137 = vector.shape_cast %swap3A_136 : vector<16xi32> to vector<16xi32>
        %swap3A_138 = vector.shape_cast %add3A_134 : vector<16xi32> to vector<16xi32>
        tpu.vector_store %arg13[%swap3A_135], %swap3A_138 {strides = array<i32>} : memref<128xi32, #tpu.memory_space<vmem>>, vector<16xi32>,
        %iota3A_139 = tpu.iota {dimensions = array<i32: 0>} : vector<16xi32>
        %add3A_140 = arith.constant 64 : i32
        %add3A_141 = arith.addi %min3A_104, %add3A_140 : i32
        %add3A_142 = vector.broadcast %add3A_141 : i32 to vector<16xi32>
        %add3A_143 = arith.addi %iota3A_139, %add3A_142 : vector<16xi32>
        %swap3A_144 = arith.constant 64 : index
        %swap3A_145 = tpu.vector_load %arg13[%swap3A_144] {strides = array<i32>} : memref<128xi32, #tpu.memory_space<vmem>>, vector<16xi32>,
        %swap3A_146 = vector.shape_cast %swap3A_145 : vector<16xi32> to vector<16xi32>
        %swap3A_147 = vector.shape_cast %add3A_143 : vector<16xi32> to vector<16xi32>
        tpu.vector_store %arg13[%swap3A_144], %swap3A_147 {strides = array<i32>} : memref<128xi32, #tpu.memory_space<vmem>>, vector<16xi32>,
        %iota3A_148 = tpu.iota {dimensions = array<i32: 0>} : vector<16xi32>
        %add3A_149 = arith.constant 80 : i32
        %add3A_150 = arith.addi %min3A_104, %add3A_149 : i32
        %add3A_151 = vector.broadcast %add3A_150 : i32 to vector<16xi32>
        %add3A_152 = arith.addi %iota3A_148, %add3A_151 : vector<16xi32>
        %swap3A_153 = arith.constant 80 : index
        %swap3A_154 = tpu.vector_load %arg13[%swap3A_153] {strides = array<i32>} : memref<128xi32, #tpu.memory_space<vmem>>, vector<16xi32>,
        %swap3A_155 = vector.shape_cast %swap3A_154 : vector<16xi32> to vector<16xi32>
        %swap3A_156 = vector.shape_cast %add3A_152 : vector<16xi32> to vector<16xi32>
        tpu.vector_store %arg13[%swap3A_153], %swap3A_156 {strides = array<i32>} : memref<128xi32, #tpu.memory_space<vmem>>, vector<16xi32>,
        %iota3A_157 = tpu.iota {dimensions = array<i32: 0>} : vector<16xi32>
        %add3A_158 = arith.constant 96 : i32
        %add3A_159 = arith.addi %min3A_104, %add3A_158 : i32
        %add3A_160 = vector.broadcast %add3A_159 : i32 to vector<16xi32>
        %add3A_161 = arith.addi %iota3A_157, %add3A_160 : vector<16xi32>
        %swap3A_162 = arith.constant 96 : index
        %swap3A_163 = tpu.vector_load %arg13[%swap3A_162] {strides = array<i32>} : memref<128xi32, #tpu.memory_space<vmem>>, vector<16xi32>,
        %swap3A_164 = vector.shape_cast %swap3A_163 : vector<16xi32> to vector<16xi32>
        %swap3A_165 = vector.shape_cast %add3A_161 : vector<16xi32> to vector<16xi32>
        tpu.vector_store %arg13[%swap3A_162], %swap3A_165 {strides = array<i32>} : memref<128xi32, #tpu.memory_space<vmem>>, vector<16xi32>,
        %iota3A_166 = tpu.iota {dimensions = array<i32: 0>} : vector<16xi32>
        %add3A_167 = arith.constant 112 : i32
        %add3A_168 = arith.addi %min3A_104, %add3A_167 : i32
        %add3A_169 = vector.broadcast %add3A_168 : i32 to vector<16xi32>
        %add3A_170 = arith.addi %iota3A_166, %add3A_169 : vector<16xi32>
        %swap3A_171 = arith.constant 112 : index
        %swap3A_172 = tpu.vector_load %arg13[%swap3A_171] {strides = array<i32>} : memref<128xi32, #tpu.memory_space<vmem>>, vector<16xi32>,
        %swap3A_173 = vector.shape_cast %swap3A_172 : vector<16xi32> to vector<16xi32>
        %swap3A_174 = vector.shape_cast %add3A_170 : vector<16xi32> to vector<16xi32>
        tpu.vector_store %arg13[%swap3A_171], %swap3A_174 {strides = array<i32>} : memref<128xi32, #tpu.memory_space<vmem>>, vector<16xi32>,
        "tpu.region"() ({
          %run_scoped3A = tpu.sem_alloc : memref<!tpu.dma_semaphore, #tpu.memory_space<semaphore_mem>>
          %dma_start3A = arith.constant 0 : i32
          %dma_start3A_178 = arith.constant 0 : i32
          %dma_start3A_179 = tpu.memref_slice %arg7[%dma_start3A, %dma_start3A_178] : memref<10000x128xf32, #tpu.memory_space<vmem_shared>> -> memref<10000x128xf32, #tpu.memory_space<vmem_shared>>
          tpu.enqueue_indirect_dma source(%dma_start3A_179 : memref<10000x128xf32, #tpu.memory_space<vmem_shared>>) target(%arg11 : memref<128x128xf32, #tpu.memory_space<vmem>>) offsets(%arg13 : memref<128xi32, #tpu.memory_space<vmem>>) semaphore(%run_scoped3A : memref<!tpu.dma_semaphore, #tpu.memory_space<semaphore_mem>>)
          %dma_wait3A = arith.constant 0 : i32
          %dma_wait3A_180 = arith.constant 0 : i32
          %dma_wait3A_181 = tpu.memref_slice %arg7[%dma_wait3A, %dma_wait3A_180] : memref<10000x128xf32, #tpu.memory_space<vmem_shared>> -> memref<10000x128xf32, #tpu.memory_space<vmem_shared>>
          tpu.wait_indirect_dma semaphore(%run_scoped3A : memref<!tpu.dma_semaphore, #tpu.memory_space<semaphore_mem>>) src(%dma_wait3A_181 : memref<10000x128xf32, #tpu.memory_space<vmem_shared>>) dst(%arg11 : memref<128x128xf32, #tpu.memory_space<vmem>>)
          tpu.yield
        }) : () -> ()
        %mul3A_175 = arith.constant 10000 : i32
        %mul3A_176 = arith.muli %add3A_74, %mul3A_175 : i32
        %add3A_177 = arith.addi %mul3A_176, %min3A_104 : i32
        "tpu.region"() ({
          %run_scoped3A = tpu.sem_alloc : memref<!tpu.dma_semaphore, #tpu.memory_space<semaphore_mem>>
          %dma_start3A = arith.constant 0 : i32
          %dma_start3A_178 = tpu.memref_slice %arg6[%add3A_177, %dma_start3A] : memref<80000x128xf32, #tpu.memory_space<hbm>> -> memref<128x128xf32, #tpu.memory_space<hbm>>
          %dma_start3A_179 = arith.constant 0 : i32
          %dma_start3A_180 = tpu.memref_slice %arg6[%add3A_177, %dma_start3A_179] : memref<80000x128xf32, #tpu.memory_space<hbm>> -> memref<128x128xf32, #tpu.memory_space<hbm>>
          tpu.enqueue_dma source(%arg11 : memref<128x128xf32, #tpu.memory_space<vmem>>) target(%dma_start3A_180 : memref<128x128xf32, #tpu.memory_space<hbm>>) target_semaphore(%run_scoped3A : memref<!tpu.dma_semaphore, #tpu.memory_space<semaphore_mem>>)
          %dma_wait3A = arith.constant 0 : i32
          %dma_wait3A_181 = tpu.memref_slice %arg6[%add3A_177, %dma_wait3A] : memref<80000x128xf32, #tpu.memory_space<hbm>> -> memref<128x128xf32, #tpu.memory_space<hbm>>
          %dma_wait3A_182 = arith.constant 0 : i32
          %dma_wait3A_183 = tpu.memref_slice %arg6[%add3A_177, %dma_wait3A_182] : memref<80000x128xf32, #tpu.memory_space<hbm>> -> memref<128x128xf32, #tpu.memory_space<hbm>>
          tpu.wait_dma2 semaphore(%run_scoped3A : memref<!tpu.dma_semaphore, #tpu.memory_space<semaphore_mem>>) src(%arg11 : memref<128x128xf32, #tpu.memory_space<vmem>>) dst(%dma_wait3A_183 : memref<128x128xf32, #tpu.memory_space<hbm>>)
          tpu.yield
        }) : () -> ()
      } else {
      }
    }
    %scan3A_94 = arith.constant 5 : i32
    %barrier3A_95 = arith.constant 0 : index
    tpu.barrier barrier_id(%barrier3A_95)
    return
  }
}

module attributes {stable_mosaic.version = 14 : i64} {
  func.func @_mm1_body(%arg0: i32, %arg1: i32, %arg2: memref<1000x128xf32, #tpu.memory_space<vmem>>, %arg3: memref<2x1000x128xf32, #tpu.memory_space<vmem>>, %arg4: memref<2x1000x128xf32, #tpu.memory_space<vmem>>, %arg5: memref<128x128xf32, #tpu.memory_space<vmem>>, %arg6: memref<1x1x128xf32, #tpu.memory_space<vmem>>, %arg7: memref<128x128xf32, #tpu.memory_space<vmem>>, %arg8: memref<1x1000x128xf32, #tpu.memory_space<vmem>>, %arg9: memref<1000x16xf32, #tpu.memory_space<vmem>>) attributes {dimension_semantics = [#tpu.dimension_semantics<arbitrary>, #tpu.dimension_semantics<arbitrary>], iteration_bounds = array<i64: 10, 8>, scalar_prefetch = 0 : i64, scratch_operands = 0 : i64, tpu.core_type = #tpu.core_type<tc>, window_params = [{transform_indices = @transform_0, window_bounds = array<i64: 1000, 128>}, {transform_indices = @transform_1, window_bounds = array<i64: 2, 1000, 128>}, {transform_indices = @transform_2, window_bounds = array<i64: 2, 1000, 128>}, {transform_indices = @transform_3, window_bounds = array<i64: 128, 128>}, {transform_indices = @transform_4, window_bounds = array<i64: 1, 1, 128>}, {transform_indices = @transform_5, window_bounds = array<i64: 128, 128>}, {transform_indices = @transform_6, window_bounds = array<i64: 1, 1000, 128>}, {transform_indices = @transform_7, window_bounds = array<i64: 1000, 16>}]} {
    %get3A = arith.constant 0 : index
    %get3A_0 = arith.constant 0 : index
    %get3A_1 = arith.constant 0 : index
    %get3A_2 = vector.load %arg4[%get3A, %get3A_0, %get3A_1] : memref<2x1000x128xf32, #tpu.memory_space<vmem>>, vector<1x1000x1xf32>
    %get3A_3 = vector.shape_cast %get3A_2 : vector<1x1000x1xf32> to vector<1000xf32>
    %get3A_4 = arith.constant 1 : index
    %get3A_5 = arith.constant 0 : index
    %get3A_6 = arith.constant 0 : index
    %get3A_7 = vector.load %arg4[%get3A_4, %get3A_5, %get3A_6] : memref<2x1000x128xf32, #tpu.memory_space<vmem>>, vector<1x1000x1xf32>
    %get3A_8 = vector.shape_cast %get3A_7 : vector<1x1000x1xf32> to vector<1000xf32>
    %add3A = arith.addf %get3A_3, %get3A_8 : vector<1000xf32>
    %max3A = arith.constant 1.000000e+00 : f32
    %max3A_9 = vector.broadcast %max3A : f32 to vector<1000xf32>
    %max3A_10 = arith.maximumf %add3A, %max3A_9 : vector<1000xf32>
    %div3A = arith.constant 1.000000e+00 : f32
    %div3A_11 = vector.broadcast %div3A : f32 to vector<1000xf32>
    %div3A_12 = arith.divf %div3A_11, %max3A_10 : vector<1000xf32>
    %get3A_13 = arith.constant 0 : index
    %get3A_14 = arith.constant 0 : index
    %get3A_15 = arith.constant 0 : index
    %get3A_16 = vector.load %arg3[%get3A_13, %get3A_14, %get3A_15] : memref<2x1000x128xf32, #tpu.memory_space<vmem>>, vector<1x1000x128xf32>
    %get3A_17 = vector.shape_cast %get3A_16 : vector<1x1000x128xf32> to vector<1000x128xf32>
    %get3A_18 = arith.constant 1 : index
    %get3A_19 = arith.constant 0 : index
    %get3A_20 = arith.constant 0 : index
    %get3A_21 = vector.load %arg3[%get3A_18, %get3A_19, %get3A_20] : memref<2x1000x128xf32, #tpu.memory_space<vmem>>, vector<1x1000x128xf32>
    %get3A_22 = vector.shape_cast %get3A_21 : vector<1x1000x128xf32> to vector<1000x128xf32>
    %add3A_23 = arith.addf %get3A_17, %get3A_22 : vector<1000x128xf32>
    %broadcast_in_dim3A = vector.shape_cast %div3A_12 : vector<1000xf32> to vector<1000x1xf32>
    %mul3A = vector.broadcast %broadcast_in_dim3A : vector<1000x1xf32> to vector<1000x128xf32>
    %mul3A_24 = arith.mulf %add3A_23, %mul3A : vector<1000x128xf32>
    %get3A_25 = arith.constant 0 : index
    %get3A_26 = arith.constant 0 : index
    %get3A_27 = vector.load %arg5[%get3A_25, %get3A_26] : memref<128x128xf32, #tpu.memory_space<vmem>>, vector<128x128xf32>
    %dot_general3A = arith.constant dense<0.000000e+00> : vector<1000x128xf32>
    %dot_general3A_28 = tpu.matmul %mul3A_24, %get3A_27, %dot_general3A {dimension_numbers = #tpu.dot_dimension_numbers<[1], [0], [0], [1], [0, 0, 1, 1], [], []>, transpose_lhs_hint = false} : vector<1000x128xf32>, vector<128x128xf32>, vector<1000x128xf32> -> vector<1000x128xf32>
    %get3A_29 = arith.constant 0 : index
    %get3A_30 = arith.constant 0 : index
    %get3A_31 = arith.constant 0 : index
    %get3A_32 = vector.load %arg6[%get3A_29, %get3A_30, %get3A_31] : memref<1x1x128xf32, #tpu.memory_space<vmem>>, vector<1x1x128xf32>
    %get3A_33 = vector.shape_cast %get3A_32 : vector<1x1x128xf32> to vector<128xf32>
    %broadcast_in_dim3A_34 = vector.shape_cast %get3A_33 : vector<128xf32> to vector<1x128xf32>
    %add3A_35 = vector.broadcast %broadcast_in_dim3A_34 : vector<1x128xf32> to vector<1000x128xf32>
    %add3A_36 = arith.addf %dot_general3A_28, %add3A_35 : vector<1000x128xf32>
    %get3A_37 = arith.constant 0 : index
    %get3A_38 = arith.constant 0 : index
    %get3A_39 = vector.load %arg2[%get3A_37, %get3A_38] : memref<1000x128xf32, #tpu.memory_space<vmem>>, vector<1000x128xf32>
    %get3A_40 = arith.constant 0 : index
    %get3A_41 = arith.constant 0 : index
    %get3A_42 = vector.load %arg7[%get3A_40, %get3A_41] : memref<128x128xf32, #tpu.memory_space<vmem>>, vector<128x128xf32>
    %dot_general3A_43 = arith.constant dense<0.000000e+00> : vector<1000x128xf32>
    %dot_general3A_44 = tpu.matmul %get3A_39, %get3A_42, %dot_general3A_43 {dimension_numbers = #tpu.dot_dimension_numbers<[1], [0], [0], [1], [0, 0, 1, 1], [], []>, transpose_lhs_hint = false} : vector<1000x128xf32>, vector<128x128xf32>, vector<1000x128xf32> -> vector<1000x128xf32>
    %add3A_45 = arith.addf %add3A_36, %dot_general3A_44 : vector<1000x128xf32>
    %tanh3A = math.tanh %add3A_45 : vector<1000x128xf32>
    %swap3A = arith.constant 0 : index
    %swap3A_46 = arith.constant 0 : index
    %swap3A_47 = arith.constant 0 : index
    %swap3A_48 = vector.load %arg8[%swap3A, %swap3A_46, %swap3A_47] : memref<1x1000x128xf32, #tpu.memory_space<vmem>>, vector<1x1000x128xf32>
    %swap3A_49 = vector.shape_cast %swap3A_48 : vector<1x1000x128xf32> to vector<1000x128xf32>
    %swap3A_50 = vector.shape_cast %tanh3A : vector<1000x128xf32> to vector<1x1000x128xf32>
    tpu.vector_store %arg8[%swap3A, %swap3A_46, %swap3A_47], %swap3A_50 {strides = array<i32>} : memref<1x1000x128xf32, #tpu.memory_space<vmem>>, vector<1x1000x128xf32>,
    %broadcast_in_dim3A_51 = vector.shape_cast %div3A_12 : vector<1000xf32> to vector<1000x1xf32>
    %broadcast_in_dim3A_52 = vector.shape_cast %broadcast_in_dim3A_51 : vector<1000x1xf32> to vector<1000x1xf32>
    %broadcast_in_dim3A_53 = vector.broadcast %broadcast_in_dim3A_52 : vector<1000x1xf32> to vector<1000x16xf32>
    %swap3A_54 = arith.constant 0 : index
    %swap3A_55 = arith.constant 0 : index
    %swap3A_56 = vector.load %arg9[%swap3A_54, %swap3A_55] : memref<1000x16xf32, #tpu.memory_space<vmem>>, vector<1000x16xf32>
    tpu.vector_store %arg9[%swap3A_54, %swap3A_55], %broadcast_in_dim3A_53 {strides = array<i32>} : memref<1000x16xf32, #tpu.memory_space<vmem>>, vector<1000x16xf32>,
    return
  }
  func.func @transform_0(%arg0: i32, %arg1: i32) -> (i32, i32) {
    %c0_i32 = arith.constant 0 : i32
    %c0_i32_0 = arith.constant 0 : i32
    return %arg0, %c0_i32 : i32, i32
  }
  func.func @transform_1(%arg0: i32, %arg1: i32) -> (i32, i32, i32) {
    %c0_i32 = arith.constant 0 : i32
    %c0_i32_0 = arith.constant 0 : i32
    %c0_i32_1 = arith.constant 0 : i32
    return %c0_i32, %arg0, %c0_i32_0 : i32, i32, i32
  }
  func.func @transform_2(%arg0: i32, %arg1: i32) -> (i32, i32, i32) {
    %c0_i32 = arith.constant 0 : i32
    %c0_i32_0 = arith.constant 0 : i32
    %c0_i32_1 = arith.constant 0 : i32
    return %c0_i32, %arg0, %c0_i32_0 : i32, i32, i32
  }
  func.func @transform_3(%arg0: i32, %arg1: i32) -> (i32, i32) {
    %c0_i32 = arith.constant 0 : i32
    %c0_i32_0 = arith.constant 0 : i32
    return %c0_i32, %arg1 : i32, i32
  }
  func.func @transform_4(%arg0: i32, %arg1: i32) -> (i32, i32, i32) {
    %c0_i32 = arith.constant 0 : i32
    %c0_i32_0 = arith.constant 0 : i32
    %c0_i32_1 = arith.constant 0 : i32
    return %arg1, %c0_i32, %c0_i32_0 : i32, i32, i32
  }
  func.func @transform_5(%arg0: i32, %arg1: i32) -> (i32, i32) {
    %c0_i32 = arith.constant 0 : i32
    %c0_i32_0 = arith.constant 0 : i32
    return %c0_i32, %arg1 : i32, i32
  }
  func.func @transform_6(%arg0: i32, %arg1: i32) -> (i32, i32, i32) {
    %c0_i32 = arith.constant 0 : i32
    %c0_i32_0 = arith.constant 0 : i32
    return %arg1, %arg0, %c0_i32 : i32, i32, i32
  }
  func.func @transform_7(%arg0: i32, %arg1: i32) -> (i32, i32) {
    %c0_i32 = arith.constant 0 : i32
    %c0_i32_0 = arith.constant 0 : i32
    return %arg0, %c0_i32 : i32, i32
  }
}

module attributes {stable_mosaic.version = 14 : i64} {
  func.func @_mm2_body(%arg0: i32, %arg1: memref<8x1000x128xf32, #tpu.memory_space<vmem>>, %arg2: memref<8x1000x128xf32, #tpu.memory_space<vmem>>, %arg3: memref<1000x16xf32, #tpu.memory_space<vmem>>, %arg4: memref<1024x1024xf32, #tpu.memory_space<vmem>>, %arg5: memref<1x1024xf32, #tpu.memory_space<vmem>>, %arg6: memref<1024x1024xf32, #tpu.memory_space<vmem>>, %arg7: memref<1x1x1000xi32, #tpu.memory_space<vmem>>, %arg8: memref<64x1024xf32, #tpu.memory_space<vmem>>) attributes {dimension_semantics = [#tpu.dimension_semantics<arbitrary>], iteration_bounds = array<i64: 10>, scalar_prefetch = 0 : i64, scratch_operands = 0 : i64, tpu.core_type = #tpu.core_type<tc>, window_params = [{transform_indices = @transform_0, window_bounds = array<i64: 8, 1000, 128>}, {transform_indices = @transform_1, window_bounds = array<i64: 8, 1000, 128>}, {transform_indices = @transform_2, window_bounds = array<i64: 1000, 16>}, {pipeline_mode = #tpu.pipeline_mode<synchronous>, transform_indices = @transform_3, window_bounds = array<i64: 1024, 1024>}, {pipeline_mode = #tpu.pipeline_mode<synchronous>, transform_indices = @transform_4, window_bounds = array<i64: 1, 1024>}, {pipeline_mode = #tpu.pipeline_mode<synchronous>, transform_indices = @transform_5, window_bounds = array<i64: 1024, 1024>}, {transform_indices = @transform_6, window_bounds = array<i64: 1, 1, 1000>}, {pipeline_mode = #tpu.pipeline_mode<synchronous>, transform_indices = @transform_7, window_bounds = array<i64: 64, 1024>}]} {
    %get3A = arith.constant 0 : index
    %get3A_0 = arith.constant 0 : index
    %get3A_1 = vector.load %arg3[%get3A, %get3A_0] : memref<1000x16xf32, #tpu.memory_space<vmem>>, vector<1000x1xf32>
    %get3A_2 = vector.shape_cast %get3A_1 : vector<1000x1xf32> to vector<1000xf32>
    %broadcast_in_dim3A = arith.constant 0.000000e+00 : f32
    %broadcast_in_dim3A_3 = vector.broadcast %broadcast_in_dim3A : f32 to vector<1000x1024xf32>
    %broadcast_in_dim3A_4 = arith.constant 0.000000e+00 : f32
    %broadcast_in_dim3A_5 = vector.broadcast %broadcast_in_dim3A_4 : f32 to vector<1000x1024xf32>
    %get3A_6 = arith.constant 0 : index
    %get3A_7 = arith.constant 0 : index
    %get3A_8 = vector.load %arg4[%get3A_6, %get3A_7] : memref<1024x1024xf32, #tpu.memory_space<vmem>>, vector<128x1024xf32>
    %get3A_9 = arith.constant 0 : index
    %get3A_10 = arith.constant 0 : index
    %get3A_11 = vector.load %arg6[%get3A_9, %get3A_10] : memref<1024x1024xf32, #tpu.memory_space<vmem>>, vector<128x1024xf32>
    %get3A_12 = arith.constant 0 : index
    %get3A_13 = arith.constant 0 : index
    %get3A_14 = arith.constant 0 : index
    %get3A_15 = vector.load %arg2[%get3A_12, %get3A_13, %get3A_14] : memref<8x1000x128xf32, #tpu.memory_space<vmem>>, vector<1x1000x128xf32>
    %get3A_16 = vector.shape_cast %get3A_15 : vector<1x1000x128xf32> to vector<1000x128xf32>
    %dot_general3A = arith.constant dense<0.000000e+00> : vector<1000x1024xf32>
    %dot_general3A_17 = tpu.matmul %get3A_16, %get3A_8, %dot_general3A {dimension_numbers = #tpu.dot_dimension_numbers<[1], [0], [0], [1], [0, 0, 1, 1], [], []>, transpose_lhs_hint = false} : vector<1000x128xf32>, vector<128x1024xf32>, vector<1000x1024xf32> -> vector<1000x1024xf32>
    %add3A = arith.addf %broadcast_in_dim3A_3, %dot_general3A_17 : vector<1000x1024xf32>
    %get3A_18 = arith.constant 0 : index
    %get3A_19 = arith.constant 0 : index
    %get3A_20 = arith.constant 0 : index
    %get3A_21 = vector.load %arg1[%get3A_18, %get3A_19, %get3A_20] : memref<8x1000x128xf32, #tpu.memory_space<vmem>>, vector<1x1000x128xf32>
    %get3A_22 = vector.shape_cast %get3A_21 : vector<1x1000x128xf32> to vector<1000x128xf32>
    %dot_general3A_23 = arith.constant dense<0.000000e+00> : vector<1000x1024xf32>
    %dot_general3A_24 = tpu.matmul %get3A_22, %get3A_11, %dot_general3A_23 {dimension_numbers = #tpu.dot_dimension_numbers<[1], [0], [0], [1], [0, 0, 1, 1], [], []>, transpose_lhs_hint = false} : vector<1000x128xf32>, vector<128x1024xf32>, vector<1000x1024xf32> -> vector<1000x1024xf32>
    %add3A_25 = arith.addf %broadcast_in_dim3A_5, %dot_general3A_24 : vector<1000x1024xf32>
    %get3A_26 = arith.constant 128 : index
    %get3A_27 = arith.constant 0 : index
    %get3A_28 = vector.load %arg4[%get3A_26, %get3A_27] : memref<1024x1024xf32, #tpu.memory_space<vmem>>, vector<128x1024xf32>
    %get3A_29 = arith.constant 128 : index
    %get3A_30 = arith.constant 0 : index
    %get3A_31 = vector.load %arg6[%get3A_29, %get3A_30] : memref<1024x1024xf32, #tpu.memory_space<vmem>>, vector<128x1024xf32>
    %get3A_32 = arith.constant 1 : index
    %get3A_33 = arith.constant 0 : index
    %get3A_34 = arith.constant 0 : index
    %get3A_35 = vector.load %arg2[%get3A_32, %get3A_33, %get3A_34] : memref<8x1000x128xf32, #tpu.memory_space<vmem>>, vector<1x1000x128xf32>
    %get3A_36 = vector.shape_cast %get3A_35 : vector<1x1000x128xf32> to vector<1000x128xf32>
    %dot_general3A_37 = arith.constant dense<0.000000e+00> : vector<1000x1024xf32>
    %dot_general3A_38 = tpu.matmul %get3A_36, %get3A_28, %dot_general3A_37 {dimension_numbers = #tpu.dot_dimension_numbers<[1], [0], [0], [1], [0, 0, 1, 1], [], []>, transpose_lhs_hint = false} : vector<1000x128xf32>, vector<128x1024xf32>, vector<1000x1024xf32> -> vector<1000x1024xf32>
    %add3A_39 = arith.addf %add3A, %dot_general3A_38 : vector<1000x1024xf32>
    %get3A_40 = arith.constant 1 : index
    %get3A_41 = arith.constant 0 : index
    %get3A_42 = arith.constant 0 : index
    %get3A_43 = vector.load %arg1[%get3A_40, %get3A_41, %get3A_42] : memref<8x1000x128xf32, #tpu.memory_space<vmem>>, vector<1x1000x128xf32>
    %get3A_44 = vector.shape_cast %get3A_43 : vector<1x1000x128xf32> to vector<1000x128xf32>
    %dot_general3A_45 = arith.constant dense<0.000000e+00> : vector<1000x1024xf32>
    %dot_general3A_46 = tpu.matmul %get3A_44, %get3A_31, %dot_general3A_45 {dimension_numbers = #tpu.dot_dimension_numbers<[1], [0], [0], [1], [0, 0, 1, 1], [], []>, transpose_lhs_hint = false} : vector<1000x128xf32>, vector<128x1024xf32>, vector<1000x1024xf32> -> vector<1000x1024xf32>
    %add3A_47 = arith.addf %add3A_25, %dot_general3A_46 : vector<1000x1024xf32>
    %get3A_48 = arith.constant 256 : index
    %get3A_49 = arith.constant 0 : index
    %get3A_50 = vector.load %arg4[%get3A_48, %get3A_49] : memref<1024x1024xf32, #tpu.memory_space<vmem>>, vector<128x1024xf32>
    %get3A_51 = arith.constant 256 : index
    %get3A_52 = arith.constant 0 : index
    %get3A_53 = vector.load %arg6[%get3A_51, %get3A_52] : memref<1024x1024xf32, #tpu.memory_space<vmem>>, vector<128x1024xf32>
    %get3A_54 = arith.constant 2 : index
    %get3A_55 = arith.constant 0 : index
    %get3A_56 = arith.constant 0 : index
    %get3A_57 = vector.load %arg2[%get3A_54, %get3A_55, %get3A_56] : memref<8x1000x128xf32, #tpu.memory_space<vmem>>, vector<1x1000x128xf32>
    %get3A_58 = vector.shape_cast %get3A_57 : vector<1x1000x128xf32> to vector<1000x128xf32>
    %dot_general3A_59 = arith.constant dense<0.000000e+00> : vector<1000x1024xf32>
    %dot_general3A_60 = tpu.matmul %get3A_58, %get3A_50, %dot_general3A_59 {dimension_numbers = #tpu.dot_dimension_numbers<[1], [0], [0], [1], [0, 0, 1, 1], [], []>, transpose_lhs_hint = false} : vector<1000x128xf32>, vector<128x1024xf32>, vector<1000x1024xf32> -> vector<1000x1024xf32>
    %add3A_61 = arith.addf %add3A_39, %dot_general3A_60 : vector<1000x1024xf32>
    %get3A_62 = arith.constant 2 : index
    %get3A_63 = arith.constant 0 : index
    %get3A_64 = arith.constant 0 : index
    %get3A_65 = vector.load %arg1[%get3A_62, %get3A_63, %get3A_64] : memref<8x1000x128xf32, #tpu.memory_space<vmem>>, vector<1x1000x128xf32>
    %get3A_66 = vector.shape_cast %get3A_65 : vector<1x1000x128xf32> to vector<1000x128xf32>
    %dot_general3A_67 = arith.constant dense<0.000000e+00> : vector<1000x1024xf32>
    %dot_general3A_68 = tpu.matmul %get3A_66, %get3A_53, %dot_general3A_67 {dimension_numbers = #tpu.dot_dimension_numbers<[1], [0], [0], [1], [0, 0, 1, 1], [], []>, transpose_lhs_hint = false} : vector<1000x128xf32>, vector<128x1024xf32>, vector<1000x1024xf32> -> vector<1000x1024xf32>
    %add3A_69 = arith.addf %add3A_47, %dot_general3A_68 : vector<1000x1024xf32>
    %get3A_70 = arith.constant 384 : index
    %get3A_71 = arith.constant 0 : index
    %get3A_72 = vector.load %arg4[%get3A_70, %get3A_71] : memref<1024x1024xf32, #tpu.memory_space<vmem>>, vector<128x1024xf32>
    %get3A_73 = arith.constant 384 : index
    %get3A_74 = arith.constant 0 : index
    %get3A_75 = vector.load %arg6[%get3A_73, %get3A_74] : memref<1024x1024xf32, #tpu.memory_space<vmem>>, vector<128x1024xf32>
    %get3A_76 = arith.constant 3 : index
    %get3A_77 = arith.constant 0 : index
    %get3A_78 = arith.constant 0 : index
    %get3A_79 = vector.load %arg2[%get3A_76, %get3A_77, %get3A_78] : memref<8x1000x128xf32, #tpu.memory_space<vmem>>, vector<1x1000x128xf32>
    %get3A_80 = vector.shape_cast %get3A_79 : vector<1x1000x128xf32> to vector<1000x128xf32>
    %dot_general3A_81 = arith.constant dense<0.000000e+00> : vector<1000x1024xf32>
    %dot_general3A_82 = tpu.matmul %get3A_80, %get3A_72, %dot_general3A_81 {dimension_numbers = #tpu.dot_dimension_numbers<[1], [0], [0], [1], [0, 0, 1, 1], [], []>, transpose_lhs_hint = false} : vector<1000x128xf32>, vector<128x1024xf32>, vector<1000x1024xf32> -> vector<1000x1024xf32>
    %add3A_83 = arith.addf %add3A_61, %dot_general3A_82 : vector<1000x1024xf32>
    %get3A_84 = arith.constant 3 : index
    %get3A_85 = arith.constant 0 : index
    %get3A_86 = arith.constant 0 : index
    %get3A_87 = vector.load %arg1[%get3A_84, %get3A_85, %get3A_86] : memref<8x1000x128xf32, #tpu.memory_space<vmem>>, vector<1x1000x128xf32>
    %get3A_88 = vector.shape_cast %get3A_87 : vector<1x1000x128xf32> to vector<1000x128xf32>
    %dot_general3A_89 = arith.constant dense<0.000000e+00> : vector<1000x1024xf32>
    %dot_general3A_90 = tpu.matmul %get3A_88, %get3A_75, %dot_general3A_89 {dimension_numbers = #tpu.dot_dimension_numbers<[1], [0], [0], [1], [0, 0, 1, 1], [], []>, transpose_lhs_hint = false} : vector<1000x128xf32>, vector<128x1024xf32>, vector<1000x1024xf32> -> vector<1000x1024xf32>
    %add3A_91 = arith.addf %add3A_69, %dot_general3A_90 : vector<1000x1024xf32>
    %get3A_92 = arith.constant 512 : index
    %get3A_93 = arith.constant 0 : index
    %get3A_94 = vector.load %arg4[%get3A_92, %get3A_93] : memref<1024x1024xf32, #tpu.memory_space<vmem>>, vector<128x1024xf32>
    %get3A_95 = arith.constant 512 : index
    %get3A_96 = arith.constant 0 : index
    %get3A_97 = vector.load %arg6[%get3A_95, %get3A_96] : memref<1024x1024xf32, #tpu.memory_space<vmem>>, vector<128x1024xf32>
    %get3A_98 = arith.constant 4 : index
    %get3A_99 = arith.constant 0 : index
    %get3A_100 = arith.constant 0 : index
    %get3A_101 = vector.load %arg2[%get3A_98, %get3A_99, %get3A_100] : memref<8x1000x128xf32, #tpu.memory_space<vmem>>, vector<1x1000x128xf32>
    %get3A_102 = vector.shape_cast %get3A_101 : vector<1x1000x128xf32> to vector<1000x128xf32>
    %dot_general3A_103 = arith.constant dense<0.000000e+00> : vector<1000x1024xf32>
    %dot_general3A_104 = tpu.matmul %get3A_102, %get3A_94, %dot_general3A_103 {dimension_numbers = #tpu.dot_dimension_numbers<[1], [0], [0], [1], [0, 0, 1, 1], [], []>, transpose_lhs_hint = false} : vector<1000x128xf32>, vector<128x1024xf32>, vector<1000x1024xf32> -> vector<1000x1024xf32>
    %add3A_105 = arith.addf %add3A_83, %dot_general3A_104 : vector<1000x1024xf32>
    %get3A_106 = arith.constant 4 : index
    %get3A_107 = arith.constant 0 : index
    %get3A_108 = arith.constant 0 : index
    %get3A_109 = vector.load %arg1[%get3A_106, %get3A_107, %get3A_108] : memref<8x1000x128xf32, #tpu.memory_space<vmem>>, vector<1x1000x128xf32>
    %get3A_110 = vector.shape_cast %get3A_109 : vector<1x1000x128xf32> to vector<1000x128xf32>
    %dot_general3A_111 = arith.constant dense<0.000000e+00> : vector<1000x1024xf32>
    %dot_general3A_112 = tpu.matmul %get3A_110, %get3A_97, %dot_general3A_111 {dimension_numbers = #tpu.dot_dimension_numbers<[1], [0], [0], [1], [0, 0, 1, 1], [], []>, transpose_lhs_hint = false} : vector<1000x128xf32>, vector<128x1024xf32>, vector<1000x1024xf32> -> vector<1000x1024xf32>
    %add3A_113 = arith.addf %add3A_91, %dot_general3A_112 : vector<1000x1024xf32>
    %get3A_114 = arith.constant 640 : index
    %get3A_115 = arith.constant 0 : index
    %get3A_116 = vector.load %arg4[%get3A_114, %get3A_115] : memref<1024x1024xf32, #tpu.memory_space<vmem>>, vector<128x1024xf32>
    %get3A_117 = arith.constant 640 : index
    %get3A_118 = arith.constant 0 : index
    %get3A_119 = vector.load %arg6[%get3A_117, %get3A_118] : memref<1024x1024xf32, #tpu.memory_space<vmem>>, vector<128x1024xf32>
    %get3A_120 = arith.constant 5 : index
    %get3A_121 = arith.constant 0 : index
    %get3A_122 = arith.constant 0 : index
    %get3A_123 = vector.load %arg2[%get3A_120, %get3A_121, %get3A_122] : memref<8x1000x128xf32, #tpu.memory_space<vmem>>, vector<1x1000x128xf32>
    %get3A_124 = vector.shape_cast %get3A_123 : vector<1x1000x128xf32> to vector<1000x128xf32>
    %dot_general3A_125 = arith.constant dense<0.000000e+00> : vector<1000x1024xf32>
    %dot_general3A_126 = tpu.matmul %get3A_124, %get3A_116, %dot_general3A_125 {dimension_numbers = #tpu.dot_dimension_numbers<[1], [0], [0], [1], [0, 0, 1, 1], [], []>, transpose_lhs_hint = false} : vector<1000x128xf32>, vector<128x1024xf32>, vector<1000x1024xf32> -> vector<1000x1024xf32>
    %add3A_127 = arith.addf %add3A_105, %dot_general3A_126 : vector<1000x1024xf32>
    %get3A_128 = arith.constant 5 : index
    %get3A_129 = arith.constant 0 : index
    %get3A_130 = arith.constant 0 : index
    %get3A_131 = vector.load %arg1[%get3A_128, %get3A_129, %get3A_130] : memref<8x1000x128xf32, #tpu.memory_space<vmem>>, vector<1x1000x128xf32>
    %get3A_132 = vector.shape_cast %get3A_131 : vector<1x1000x128xf32> to vector<1000x128xf32>
    %dot_general3A_133 = arith.constant dense<0.000000e+00> : vector<1000x1024xf32>
    %dot_general3A_134 = tpu.matmul %get3A_132, %get3A_119, %dot_general3A_133 {dimension_numbers = #tpu.dot_dimension_numbers<[1], [0], [0], [1], [0, 0, 1, 1], [], []>, transpose_lhs_hint = false} : vector<1000x128xf32>, vector<128x1024xf32>, vector<1000x1024xf32> -> vector<1000x1024xf32>
    %add3A_135 = arith.addf %add3A_113, %dot_general3A_134 : vector<1000x1024xf32>
    %get3A_136 = arith.constant 768 : index
    %get3A_137 = arith.constant 0 : index
    %get3A_138 = vector.load %arg4[%get3A_136, %get3A_137] : memref<1024x1024xf32, #tpu.memory_space<vmem>>, vector<128x1024xf32>
    %get3A_139 = arith.constant 768 : index
    %get3A_140 = arith.constant 0 : index
    %get3A_141 = vector.load %arg6[%get3A_139, %get3A_140] : memref<1024x1024xf32, #tpu.memory_space<vmem>>, vector<128x1024xf32>
    %get3A_142 = arith.constant 6 : index
    %get3A_143 = arith.constant 0 : index
    %get3A_144 = arith.constant 0 : index
    %get3A_145 = vector.load %arg2[%get3A_142, %get3A_143, %get3A_144] : memref<8x1000x128xf32, #tpu.memory_space<vmem>>, vector<1x1000x128xf32>
    %get3A_146 = vector.shape_cast %get3A_145 : vector<1x1000x128xf32> to vector<1000x128xf32>
    %dot_general3A_147 = arith.constant dense<0.000000e+00> : vector<1000x1024xf32>
    %dot_general3A_148 = tpu.matmul %get3A_146, %get3A_138, %dot_general3A_147 {dimension_numbers = #tpu.dot_dimension_numbers<[1], [0], [0], [1], [0, 0, 1, 1], [], []>, transpose_lhs_hint = false} : vector<1000x128xf32>, vector<128x1024xf32>, vector<1000x1024xf32> -> vector<1000x1024xf32>
    %add3A_149 = arith.addf %add3A_127, %dot_general3A_148 : vector<1000x1024xf32>
    %get3A_150 = arith.constant 6 : index
    %get3A_151 = arith.constant 0 : index
    %get3A_152 = arith.constant 0 : index
    %get3A_153 = vector.load %arg1[%get3A_150, %get3A_151, %get3A_152] : memref<8x1000x128xf32, #tpu.memory_space<vmem>>, vector<1x1000x128xf32>
    %get3A_154 = vector.shape_cast %get3A_153 : vector<1x1000x128xf32> to vector<1000x128xf32>
    %dot_general3A_155 = arith.constant dense<0.000000e+00> : vector<1000x1024xf32>
    %dot_general3A_156 = tpu.matmul %get3A_154, %get3A_141, %dot_general3A_155 {dimension_numbers = #tpu.dot_dimension_numbers<[1], [0], [0], [1], [0, 0, 1, 1], [], []>, transpose_lhs_hint = false} : vector<1000x128xf32>, vector<128x1024xf32>, vector<1000x1024xf32> -> vector<1000x1024xf32>
    %add3A_157 = arith.addf %add3A_135, %dot_general3A_156 : vector<1000x1024xf32>
    %get3A_158 = arith.constant 896 : index
    %get3A_159 = arith.constant 0 : index
    %get3A_160 = vector.load %arg4[%get3A_158, %get3A_159] : memref<1024x1024xf32, #tpu.memory_space<vmem>>, vector<128x1024xf32>
    %get3A_161 = arith.constant 896 : index
    %get3A_162 = arith.constant 0 : index
    %get3A_163 = vector.load %arg6[%get3A_161, %get3A_162] : memref<1024x1024xf32, #tpu.memory_space<vmem>>, vector<128x1024xf32>
    %get3A_164 = arith.constant 7 : index
    %get3A_165 = arith.constant 0 : index
    %get3A_166 = arith.constant 0 : index
    %get3A_167 = vector.load %arg2[%get3A_164, %get3A_165, %get3A_166] : memref<8x1000x128xf32, #tpu.memory_space<vmem>>, vector<1x1000x128xf32>
    %get3A_168 = vector.shape_cast %get3A_167 : vector<1x1000x128xf32> to vector<1000x128xf32>
    %dot_general3A_169 = arith.constant dense<0.000000e+00> : vector<1000x1024xf32>
    %dot_general3A_170 = tpu.matmul %get3A_168, %get3A_160, %dot_general3A_169 {dimension_numbers = #tpu.dot_dimension_numbers<[1], [0], [0], [1], [0, 0, 1, 1], [], []>, transpose_lhs_hint = false} : vector<1000x128xf32>, vector<128x1024xf32>, vector<1000x1024xf32> -> vector<1000x1024xf32>
    %add3A_171 = arith.addf %add3A_149, %dot_general3A_170 : vector<1000x1024xf32>
    %get3A_172 = arith.constant 7 : index
    %get3A_173 = arith.constant 0 : index
    %get3A_174 = arith.constant 0 : index
    %get3A_175 = vector.load %arg1[%get3A_172, %get3A_173, %get3A_174] : memref<8x1000x128xf32, #tpu.memory_space<vmem>>, vector<1x1000x128xf32>
    %get3A_176 = vector.shape_cast %get3A_175 : vector<1x1000x128xf32> to vector<1000x128xf32>
    %dot_general3A_177 = arith.constant dense<0.000000e+00> : vector<1000x1024xf32>
    %dot_general3A_178 = tpu.matmul %get3A_176, %get3A_163, %dot_general3A_177 {dimension_numbers = #tpu.dot_dimension_numbers<[1], [0], [0], [1], [0, 0, 1, 1], [], []>, transpose_lhs_hint = false} : vector<1000x128xf32>, vector<128x1024xf32>, vector<1000x1024xf32> -> vector<1000x1024xf32>
    %add3A_179 = arith.addf %add3A_157, %dot_general3A_178 : vector<1000x1024xf32>
    %broadcast_in_dim3A_180 = vector.shape_cast %get3A_2 : vector<1000xf32> to vector<1000x1xf32>
    %mul3A = vector.broadcast %broadcast_in_dim3A_180 : vector<1000x1xf32> to vector<1000x1024xf32>
    %mul3A_181 = arith.mulf %add3A_171, %mul3A : vector<1000x1024xf32>
    %get3A_182 = arith.constant 0 : index
    %get3A_183 = arith.constant 0 : index
    %get3A_184 = vector.load %arg5[%get3A_182, %get3A_183] : memref<1x1024xf32, #tpu.memory_space<vmem>>, vector<1x1024xf32>
    %get3A_185 = vector.shape_cast %get3A_184 : vector<1x1024xf32> to vector<1024xf32>
    %broadcast_in_dim3A_186 = vector.shape_cast %get3A_185 : vector<1024xf32> to vector<1x1024xf32>
    %add3A_187 = vector.broadcast %broadcast_in_dim3A_186 : vector<1x1024xf32> to vector<1000x1024xf32>
    %add3A_188 = arith.addf %mul3A_181, %add3A_187 : vector<1000x1024xf32>
    %add3A_189 = arith.addf %add3A_188, %add3A_179 : vector<1000x1024xf32>
    %tanh3A = math.tanh %add3A_189 : vector<1000x1024xf32>
    %get3A_190 = arith.constant 0 : index
    %get3A_191 = arith.constant 0 : index
    %get3A_192 = arith.constant 0 : index
    %get3A_193 = vector.load %arg7[%get3A_190, %get3A_191, %get3A_192] : memref<1x1x1000xi32, #tpu.memory_space<vmem>>, vector<1x1x1000xi32>
    %get3A_194 = vector.shape_cast %get3A_193 : vector<1x1x1000xi32> to vector<1000xi32>
    %broadcast_in_dim3A_195 = vector.shape_cast %get3A_194 : vector<1000xi32> to vector<1x1000xi32>
    %iota3A = tpu.iota {dimensions = array<i32: 0>} : vector<64x1000xi32>
    %eq3A = vector.broadcast %broadcast_in_dim3A_195 : vector<1x1000xi32> to vector<64x1000xi32>
    %eq3A_196 = arith.cmpi eq, %eq3A, %iota3A : vector<64x1000xi32>
    %convert_element_type3A = arith.extui %eq3A_196 : vector<64x1000xi1> to vector<64x1000xi32>
    %convert_element_type3A_197 = arith.sitofp %convert_element_type3A : vector<64x1000xi32> to vector<64x1000xf32>
    %dot_general3A_198 = arith.constant dense<0.000000e+00> : vector<64x1024xf32>
    %dot_general3A_199 = tpu.matmul %convert_element_type3A_197, %tanh3A, %dot_general3A_198 {dimension_numbers = #tpu.dot_dimension_numbers<[1], [0], [0], [1], [0, 0, 1, 1], [], []>, transpose_lhs_hint = false} : vector<64x1000xf32>, vector<1000x1024xf32>, vector<64x1024xf32> -> vector<64x1024xf32>
    %eq3A_200 = arith.constant 0 : i32
    %eq3A_201 = arith.cmpi eq, %arg0, %eq3A_200 : i32
    %convert_element_type3A_202 = arith.extui %eq3A_201 : i1 to i32
    %cond3A = arith.constant 0 : i32
    %cond3A_203 = arith.cmpi ne, %convert_element_type3A_202, %cond3A : i32
    scf.if %cond3A_203 {
      %broadcast_in_dim3A_210 = arith.constant 0.000000e+00 : f32
      %broadcast_in_dim3A_211 = vector.broadcast %broadcast_in_dim3A_210 : f32 to vector<64x1024xf32>
      %swap3A_212 = arith.constant 0 : index
      %swap3A_213 = arith.constant 0 : index
      %swap3A_214 = vector.load %arg8[%swap3A_212, %swap3A_213] : memref<64x1024xf32, #tpu.memory_space<vmem>>, vector<64x1024xf32>
      tpu.vector_store %arg8[%swap3A_212, %swap3A_213], %broadcast_in_dim3A_211 {strides = array<i32>} : memref<64x1024xf32, #tpu.memory_space<vmem>>, vector<64x1024xf32>,
    } else {
    }
    %get3A_204 = arith.constant 0 : index
    %get3A_205 = arith.constant 0 : index
    %get3A_206 = vector.load %arg8[%get3A_204, %get3A_205] : memref<64x1024xf32, #tpu.memory_space<vmem>>, vector<64x1024xf32>
    %add3A_207 = arith.addf %get3A_206, %dot_general3A_199 : vector<64x1024xf32>
    %swap3A = arith.constant 0 : index
    %swap3A_208 = arith.constant 0 : index
    %swap3A_209 = vector.load %arg8[%swap3A, %swap3A_208] : memref<64x1024xf32, #tpu.memory_space<vmem>>, vector<64x1024xf32>
    tpu.vector_store %arg8[%swap3A, %swap3A_208], %add3A_207 {strides = array<i32>} : memref<64x1024xf32, #tpu.memory_space<vmem>>, vector<64x1024xf32>,
    return
  }
  func.func @transform_0(%arg0: i32) -> (i32, i32, i32) {
    %c0_i32 = arith.constant 0 : i32
    %c0_i32_0 = arith.constant 0 : i32
    %c0_i32_1 = arith.constant 0 : i32
    return %c0_i32, %arg0, %c0_i32_0 : i32, i32, i32
  }
  func.func @transform_1(%arg0: i32) -> (i32, i32, i32) {
    %c0_i32 = arith.constant 0 : i32
    %c0_i32_0 = arith.constant 0 : i32
    %c0_i32_1 = arith.constant 0 : i32
    return %c0_i32, %arg0, %c0_i32_0 : i32, i32, i32
  }
  func.func @transform_2(%arg0: i32) -> (i32, i32) {
    %c0_i32 = arith.constant 0 : i32
    %c0_i32_0 = arith.constant 0 : i32
    return %arg0, %c0_i32 : i32, i32
  }
  func.func @transform_3(%arg0: i32) -> (i32, i32) {
    %c0_i32 = arith.constant 0 : i32
    %c0_i32_0 = arith.constant 0 : i32
    %c0_i32_1 = arith.constant 0 : i32
    return %c0_i32, %c0_i32_0 : i32, i32
  }
  func.func @transform_4(%arg0: i32) -> (i32, i32) {
    %c0_i32 = arith.constant 0 : i32
    %c0_i32_0 = arith.constant 0 : i32
    %c0_i32_1 = arith.constant 0 : i32
    return %c0_i32, %c0_i32_0 : i32, i32
  }
  func.func @transform_5(%arg0: i32) -> (i32, i32) {
    %c0_i32 = arith.constant 0 : i32
    %c0_i32_0 = arith.constant 0 : i32
    %c0_i32_1 = arith.constant 0 : i32
    return %c0_i32, %c0_i32_0 : i32, i32
  }
  func.func @transform_6(%arg0: i32) -> (i32, i32, i32) {
    %c0_i32 = arith.constant 0 : i32
    %c0_i32_0 = arith.constant 0 : i32
    %c0_i32_1 = arith.constant 0 : i32
    return %arg0, %c0_i32, %c0_i32_0 : i32, i32, i32
  }
  func.func @transform_7(%arg0: i32) -> (i32, i32) {
    %c0_i32 = arith.constant 0 : i32
    %c0_i32_0 = arith.constant 0 : i32
    %c0_i32_1 = arith.constant 0 : i32
    return %c0_i32, %c0_i32_0 : i32, i32
  }
}

module attributes {stable_mosaic.version = 14 : i64} {
  func.func @_mm3_body(%arg0: memref<64x1024xf32, #tpu.memory_space<vmem>>, %arg1: memref<1024x128xf32, #tpu.memory_space<vmem>>, %arg2: memref<1x128xf32, #tpu.memory_space<vmem>>, %arg3: memref<128x1xf32, #tpu.memory_space<vmem>>, %arg4: memref<1x1xf32, #tpu.memory_space<vmem>>, %arg5: memref<64x1xf32, #tpu.memory_space<vmem>>) attributes {dimension_semantics = [], scalar_prefetch = 0 : i64, scratch_operands = 0 : i64, tpu.core_type = #tpu.core_type<tc>} {
    %get3A = arith.constant 0 : index
    %get3A_0 = arith.constant 0 : index
    %get3A_1 = vector.load %arg0[%get3A, %get3A_0] : memref<64x1024xf32, #tpu.memory_space<vmem>>, vector<64x1024xf32>
    %get3A_2 = arith.constant 0 : index
    %get3A_3 = arith.constant 0 : index
    %get3A_4 = vector.load %arg1[%get3A_2, %get3A_3] : memref<1024x128xf32, #tpu.memory_space<vmem>>, vector<1024x128xf32>
    %dot_general3A = arith.constant dense<0.000000e+00> : vector<64x128xf32>
    %dot_general3A_5 = tpu.matmul %get3A_1, %get3A_4, %dot_general3A {dimension_numbers = #tpu.dot_dimension_numbers<[1], [0], [0], [1], [0, 0, 1, 1], [], []>, transpose_lhs_hint = false} : vector<64x1024xf32>, vector<1024x128xf32>, vector<64x128xf32> -> vector<64x128xf32>
    %get3A_6 = arith.constant 0 : index
    %get3A_7 = arith.constant 0 : index
    %get3A_8 = vector.load %arg2[%get3A_6, %get3A_7] : memref<1x128xf32, #tpu.memory_space<vmem>>, vector<1x128xf32>
    %get3A_9 = vector.shape_cast %get3A_8 : vector<1x128xf32> to vector<128xf32>
    %broadcast_in_dim3A = vector.shape_cast %get3A_9 : vector<128xf32> to vector<1x128xf32>
    %add3A = vector.broadcast %broadcast_in_dim3A : vector<1x128xf32> to vector<64x128xf32>
    %add3A_10 = arith.addf %dot_general3A_5, %add3A : vector<64x128xf32>
    %ge3A = arith.constant 0.000000e+00 : f32
    %ge3A_11 = vector.broadcast %ge3A : f32 to vector<64x128xf32>
    %ge3A_12 = arith.cmpf oge, %add3A_10, %ge3A_11 : vector<64x128xf32>
    %mul3A = arith.constant 2.000000e-01 : f32
    %mul3A_13 = vector.broadcast %mul3A : f32 to vector<64x128xf32>
    %mul3A_14 = arith.mulf %mul3A_13, %add3A_10 : vector<64x128xf32>
    %select_n3A = arith.select %ge3A_12, %add3A_10, %mul3A_14 : vector<64x128xi1>, vector<64x128xf32>
    %get3A_15 = arith.constant 0 : index
    %get3A_16 = arith.constant 0 : index
    %get3A_17 = vector.load %arg3[%get3A_15, %get3A_16] : memref<128x1xf32, #tpu.memory_space<vmem>>, vector<128x1xf32>
    %dot_general3A_18 = arith.constant dense<0.000000e+00> : vector<64x1xf32>
    %dot_general3A_19 = tpu.matmul %select_n3A, %get3A_17, %dot_general3A_18 {dimension_numbers = #tpu.dot_dimension_numbers<[1], [0], [0], [1], [0, 0, 1, 1], [], []>, transpose_lhs_hint = false} : vector<64x128xf32>, vector<128x1xf32>, vector<64x1xf32> -> vector<64x1xf32>
    %get3A_20 = arith.constant 0 : index
    %get3A_21 = arith.constant 0 : index
    %get3A_22 = vector.load %arg4[%get3A_20, %get3A_21] : memref<1x1xf32, #tpu.memory_space<vmem>>, vector<1x1xf32>
    %get3A_23 = vector.shape_cast %get3A_22 : vector<1x1xf32> to vector<1xf32>
    %broadcast_in_dim3A_24 = vector.shape_cast %get3A_23 : vector<1xf32> to vector<1x1xf32>
    %add3A_25 = vector.broadcast %broadcast_in_dim3A_24 : vector<1x1xf32> to vector<64x1xf32>
    %add3A_26 = arith.addf %dot_general3A_19, %add3A_25 : vector<64x1xf32>
    %swap3A = arith.constant 0 : index
    %swap3A_27 = arith.constant 0 : index
    %swap3A_28 = vector.load %arg5[%swap3A, %swap3A_27] : memref<64x1xf32, #tpu.memory_space<vmem>>, vector<64x1xf32>
    tpu.vector_store %arg5[%swap3A, %swap3A_27], %add3A_26 {strides = array<i32>} : memref<64x1xf32, #tpu.memory_space<vmem>>, vector<64x1xf32>,
    return
  }
}

</mosaic_0001>

<sc_bundles>
// kernel: kernel.10.cloned.1.call-start
scs
__scs_entry_jumppad:
0x0: {  	(pc) =	sbr.rel $0x88, $3  }
0x1: {  	(tag) =	ssettag $0x0;
	lr =	simm.s32 $0x1  }
0x2: {  	[smem:$0x3F94] =	sst lr;
	_ =	strace $0xD0000000  }
0x3: {  	_ = 	snop  }
0x4: {  	_ = 	snop  }
0x5: {  	_ = 	snop  }
0x6: {  	_ = 	snop  }
0x7: {  	_ = 	snop  }
__scs_overlays_trampoline_lowered:
0x8: {  	[smem:$0x3FA3] =	sst s0  }
0x9: {  	[smem:$0x3FA4] =	sst s1  }
0xa: {  	[smem:$0x3FA5] =	sst s2  }
0xb: {  	[smem:$0x3FA6] =	sst s3  }
0xc: {  	[smem:$0x3FA7] =	sst s4  }
0xd: {  	[smem:$0x3FA8] =	sst s5  }
0xe: {  	[smem:$0x3FA9] =	sst s6  }
0xf: {  	[smem:$0x3FAA] =	sst s7  }
0x10: {  	[smem:$0x3FAB] =	sst s8  }
0x11: {  	[smem:$0x3FAC] =	sst s9;
	s0 =	simm.s32 @!p0 $0x0  }
0x12: {  	s1 =	sld [smem:$0x3F92];
	s0 =	simm.s32 @p0 $0x1  }
0x13: {  	[smem:$0x3FAD] =	sst s0;
	s0 =	simm.s32 @!p1 $0x0  }
0x14: {  	s2 =	sld [smem:$0x3F91];
	s0 =	simm.s32 @p1 $0x1  }
0x15: {  	[smem:$0x3FAE] =	sst s0;
	s0 =	simm.s32 @!p2 $0x0  }
0x16: {  	s3 =	sld [smem:$0x3FDB];
	s0 =	simm.s32 @p2 $0x1  }
0x17: {  	s4 =	simm.s32 $0x1BF5;
	[smem:$0x3FB0] =	sst s0  }
0x18: {  	s0 =	sld [smem:$0x3F93];
	_ =	swait.ge [sflag:s4], $0x0  }
0x19: {  	s7 =	sld [smem:$0x3F94]  }
0x1a: {  	s8 =	sadd.s32 $0xFFFFE003, lr  }
0x1b: {  	s9 =	sadd.s32 $0xFFFFFEF7, lr;
	s5 =	simm.s32 $0xFFFFFFFF;
	p2 =	slt.u32 s8, $0xFFFFF086  }
0x1c: {  	p1 =	slt.u32 s9, $0xF7A;
	s5 =	simm.s32 @!p2 $0x0  }
0x1d: {  	s5 =	simm.s32 @p1 $0x1;
	p0 =	seq.s32 s7, s2  }
0x1e: {  	s7 =	smul.u32 @!p0 $0xF7A, s2;
	p2 =	seq.s32 @!p0 s5, $0x0  }
0x1f: {  	s9 =	smul.u32 $0xF7A, s1;
	s8 =	simm.s32 @!p0 $0x1BF5;
	p2 =	por !p2, p0  }
0x20: {  	[sflag:s8] =	ssyncset.s32 @!p0 $0xFFFFF086;
	s6 =	sadd.s32 @!p0 s3, s7;
	s7 =	simm.s32 @!p0 $0x108  }
0x21: {  	s3 =	sadd.s32 s3, s9;
	s6 =	sadd.s32 @!p0 $0x88, s6;
	s7 =	simm.s32 @p2 $0x1082  }
0x22: {  	[simem:s7], [sflag:s8] =	dma.local @!p0 [hbm:s6], $0xF7A  }
0x23: {  	s9 =	sor.u32 $0xD0000000, s2;
	s6 =	simm.s32 $0x108;
	_ =	swait.ge @!p0 [sflag:s8], $0x0  }
0x24: {  	s3 =	sadd.s32 $0x88, s3;
	s6 =	simm.s32 @!p1 $0x1082;
	[sflag:s4] =	ssyncset.s32 $0xFFFFF086  }
0x25: {  	[simem:s6], [sflag:s4] =	dma.local [hbm:s3], $0xF7A  }
0x26: {  	[smem:$0x3F94] =	sst s1;
	(tag) =	ssettag s2;
	_ =	strace s9  }
0x27: {  	s1 =	sld [smem:$0x3FA4]  }
0x28: {  	s2 =	sld [smem:$0x3FA5]  }
0x29: {  	s4 =	sld [smem:$0x3FA7]  }
0x2a: {  	p0 =	seq.s32 s5, $0x0;
	s5 =	sld [smem:$0x3FA8]  }
0x2b: {  	s6 =	sld [smem:$0x3FA9]  }
0x2c: {  	s7 =	sld [smem:$0x3FAA]  }
0x2d: {  	s3 =	simm.s32 $0x108;
	s8 =	sld [smem:$0x3FAB]  }
0x2e: {  	s3 =	simm.s32 @!p0 $0x1082;
	s9 =	sld [smem:$0x3FAC]  }
0x2f: {  	lr =	sadd.s32 s0, s3;
	s0 =	sld [smem:$0x3FA3]  }
0x30: {  	s3 =	sld [smem:$0x3FA6]  }
0x31: {  	[smem:$0x3FAF] =	sst s10  }
0x32: {  	s10 =	sld [smem:$0x3FAD];
	_ =	sdelay $0x3  }
0x33: {  	p0 =	seq.s32 s10, $0x1;
	s10 =	sld [smem:$0x3FAF];
	_ =	sdelay $0x3  }
0x34: {  	[smem:$0x3FAF] =	sst s10  }
0x35: {  	s10 =	sld [smem:$0x3FAE];
	_ =	sdelay $0x3  }
0x36: {  	p1 =	seq.s32 s10, $0x1;
	s10 =	sld [smem:$0x3FAF];
	_ =	sdelay $0x3  }
0x37: {  	[smem:$0x3FAF] =	sst s10  }
0x38: {  	s10 =	sld [smem:$0x3FB0]  }
0x39: {  	_ = 	snop;
	(pc) =	sbr.ind lr, $3  }
0x3a: {  	_ = 	snop  }
0x3b: {  	_ = 	snop  }
0x3c: {  	p2 =	seq.s32 s10, $0x1;
	s10 =	sld [smem:$0x3FAF]  }
0x3d: {  	_ =	shalt  }
0x3e: {  	_ =	shalt  }
0x3f: {  	_ =	shalt  }
0x40: {  	_ =	shalt  }
0x41: {  	_ =	shalt  }
0x42: {  	_ =	shalt  }
0x43: {  	_ =	shalt  }
0x44: {  	_ =	shalt  }
0x45: {  	_ =	shalt  }
0x46: {  	_ =	shalt  }
0x47: {  	_ =	shalt  }
0x48: {  	_ =	shalt  }
0x49: {  	_ =	shalt  }
0x4a: {  	_ =	shalt  }
0x4b: {  	_ =	shalt  }
0x4c: {  	_ =	shalt  }
0x4d: {  	_ =	shalt  }
0x4e: {  	_ =	shalt  }
0x4f: {  	_ =	shalt  }
0x50: {  	_ =	shalt  }
0x51: {  	_ =	shalt  }
0x52: {  	_ =	shalt  }
0x53: {  	_ =	shalt  }
0x54: {  	_ =	shalt  }
0x55: {  	_ =	shalt  }
0x56: {  	_ =	shalt  }
0x57: {  	_ =	shalt  }
0x58: {  	_ =	shalt  }
0x59: {  	_ =	shalt  }
0x5a: {  	_ =	shalt  }
0x5b: {  	_ =	shalt  }
0x5c: {  	_ =	shalt  }
0x5d: {  	_ =	shalt  }
0x5e: {  	_ =	shalt  }
0x5f: {  	_ =	shalt  }
0x60: {  	_ =	shalt  }
0x61: {  	_ =	shalt  }
0x62: {  	_ =	shalt  }
0x63: {  	_ =	shalt  }
0x64: {  	_ =	shalt  }
0x65: {  	_ =	shalt  }
0x66: {  	_ =	shalt  }
0x67: {  	_ =	shalt  }
0x68: {  	_ =	shalt  }
0x69: {  	_ =	shalt  }
0x6a: {  	_ =	shalt  }
0x6b: {  	_ =	shalt  }
0x6c: {  	_ =	shalt  }
0x6d: {  	_ =	shalt  }
0x6e: {  	_ =	shalt  }
0x6f: {  	_ =	shalt  }
0x70: {  	_ =	shalt  }
0x71: {  	_ =	shalt  }
0x72: {  	_ =	shalt  }
0x73: {  	_ =	shalt  }
0x74: {  	_ =	shalt  }
0x75: {  	_ =	shalt  }
0x76: {  	_ =	shalt  }
0x77: {  	_ =	shalt  }
0x78: {  	_ =	shalt  }
0x79: {  	_ =	shalt  }
0x7a: {  	_ =	shalt  }
0x7b: {  	_ =	shalt  }
0x7c: {  	_ =	shalt  }
0x7d: {  	_ =	shalt  }
0x7e: {  	_ =	shalt  }
0x7f: {  	_ =	shalt  }
0x80: {  	_ =	shalt  }
0x81: {  	_ =	shalt  }
0x82: {  	_ =	shalt  }
0x83: {  	_ =	shalt  }
0x84: {  	_ =	shalt  }
0x85: {  	_ =	shalt  }
0x86: {  	_ =	shalt  }
0x87: {  	_ =	shalt  }
.Lfunc_end0:
.L_simem_size_0:
called_computation.1_lowered:
.L_overlay_start_0:
0x88: {  	s2 =	sld [smem:$0x3FD9]  }
0x89: {  	s3 =	sld [smem:$0x3FFE];
	_ =	sdelay $0x1  }
0x8a: {  	s1 =	srdreg.scid  }
0x8b: {  	s0 =	sand.u32 $0x1, s1  }
0x8c: {  	s16 =	sshll.u32 s0, $0xA;
	s2 =	sadd.s32 s3, s2  }
0x8d: {  	s2 =	sadd.s32 s2, s16  }
0x8e: {  	[smem:$0x3FBB] =	sst s2  }
0x8f: {  	_ = 	snop  }
0x90: {  	(tm) =	ssettm $0x1  }
0x91: {  	s17 =	sld [smem:$0x3FFB];
	_ =	sdelay $0x3  }
0x92: {  	_ =	strace s17  }
0x93: {  	s2 =	sld [smem:$0x3FFC];
	_ =	sdelay $0x3  }
0x94: {  	_ =	strace s2  }
0x95: {  	s2 =	sld [smem:$0x3FFD];
	_ =	sdelay $0x3  }
0x96: {  	_ =	strace s2  }
0x97: {  	_ =	strace $0x8FFFFFFF  }
0x98: {  	s18 =	sld [smem:$0x3FDB];
	_ =	sdelay $0x1  }
0x99: {  	s19 =	simm.s32 $_scs_section_size  }
0x9a: {  	s4 =	simm.s32 $_size__tile_overlayer_lowered;
	s5 =	simm.s32 $_tile_overlayer_lowered  }
0x9b: {  	s22 =	simm.s32 $0x1BFF;
	s21 =	sshll.u32 s5, $0x1;
	s2 =	sadd.s32 s19, s18  }
0x9c: {  	s6 =	simm.s32 $0x0;
	s20 =	sshll.u32 s4, $0x1;
	s4 =	sadd.s32 s21, s2  }
0x9d: {  	[timem:s6], [sflag:s22] =	dma.local [hbm:s4], s20  }
0x9e: {  	_ =	swait.ge [sflag:s22], s20  }
0x9f: {  	s3 =	ssub.s32 $0x0, s20;
	[sflag:s22] =	ssyncset.done $0x0  }
0xa0: {  	[sflag:s22] =	ssyncadd.s32 s3;
	_ =	sdelay $0x1  }
0xa1: {  	s23 =	simm.s32 $0x1B8B  }
0xa2: {  	_ =	swait.ge [sflag:s23], $0x1  }
0xa3: {  	[sflag:s23] =	ssyncset.done $0x0  }
0xa4: {  	s25 =	simm.s32 $0x1B8E;
	s24 =	sld [smem:$0x3FFE];
	[sflag:s23] =	ssyncadd.s32 $0xFFFFFFFF  }
0xa5: {  	s26 =	simm.s32 $execute0_lowered;
	[smem:$0x3FD2] =	sst s25  }
0xa6: {  	s4 =	sshll.u32 s26, $0x1;
	_ =	strace $0x80000049;
	[dreg:$0x1] =	wrdreg $0xFFFFFFFF  }
0xa7: {  	s28 =	simm.s32 $_size_execute0_lowered;
	s2 =	sadd.s32 s2, s4;
	[dreg:$0x0] =	wrdreg $0x0  }
0xa8: {  	s4 =	sshll.u32 s28, $0x1;
	[dreg:$0x2] =	wrdreg s2  }
0xa9: {  	[dreg:$0x3] =	wrdreg s4  }
0xaa: {  	[dreg:$0x4] =	wrdreg $0xC0  }
0xab: {  	_ =	task [dreg:s6], $0x5FFFF  }
0xac: {  	[dreg:$0x1] =	wrdreg $0xFFFFFFFF  }
0xad: {  	[dreg:$0x0] =	wrdreg $0x60  }
0xae: {  	[dreg:$0x2] =	wrdreg s24  }
0xaf: {  	[dreg:$0x3] =	wrdreg $0x0  }
0xb0: {  	[dreg:$0x4] =	wrdreg $0x9  }
0xb1: {  	_ =	task.clear_ibuf [dreg:s6], $0x5FFFF;
	_ =	strace $0x90000049  }
0xb2: {  	s29 =	simm.s32 $0x9;
	_ =	strace $0x8000004B  }
0xb3: {  	_ =	swait.ge [sflag:s29], $0x1  }
0xb4: {  	[sflag:s29] =	ssyncadd.s32 $0xFFFFFFFF  }
0xb5: {  	_ =	strace $0x9000004B  }
0xb6: {  	_ =	sfence  }
0xb7: {  	s30 =	sld [smem:$0x0];
	_ =	sdelay $0x2  }
0xb8: {  	s31 =	sshll.u32 s1, $0xD;
	s1 =	sshrl.u32 s1, $0x2  }
0xb9: {  	s3 =	sand.u32 $0x4000, s31;
	s1 =	sadd.s32 s1, s30  }
0xba: {  	s0 =	sor.u32 s3, s0;
	s1 =	sshll.u32 s1, $0x11  }
0xbb: {  	s0 =	sor.u32 s1, s0  }
0xbc: {  	s0 =	sadd.s32 $0x8F2B, s0  }
0xbd: {  	[sflag:s0] =	ssyncadd.remote.s32 $0x1  }
0xbe: {  	_ =	sfence.sel $0xFFFF  }
0xbf: {  	[dreg:$0x0] =	wrdreg $0xFFFFFFFF;
	(pc) =	sbr.abs _section_cstart, $3  }
0xc0: {  	[dreg:$0x1] =	wrdreg $0xFFFFFFFF  }
0xc1: {  	_ =	task.clear_ibuf [dreg:s6], $0x2FFFF;
	_ =	strace $0x9FFFFFFF  }
0xc2: {  	(tm) =	ssettm $0x7FFFFFFF  }
0xc3: {  	_ =	shalt  }
tec
execute0_lowered:
.L_overlay_start_1:
0x0: {  	(tag) =	ssettag $0x1  }
0x1: {  	s0 =	rddreg [dreg:$0x0]  }
0x2: {  	s1 =	rddreg [dreg:$0x1]  }
0x3: {  	s3 =	simm.s32 $0x0;
	s4 =	srdreg.scid;
	s2 =	stileid.u32  }
0x4: {  	s15 =	simm.s32 $0x13E80;
	s16 =	simm.s32 $0x3;
	s18 =	simm.s32 $0x4  }
0x5: {  	s19 =	simm.s32 $0x13A80;
	s20 =	simm.s32 $0x80;
	s23 =	simm.s32 $0x17E80  }
0x6: {  	s24 =	simm.s32 $0x1;
	s28 =	simm.s32 $0x13B00;
	s29 =	simm.s32 $0x13E00  }
0x7: {  	s30 =	simm.s32 $0x13B80;
	s31 =	simm.s32 $0x13C00;
	[smem:$0x7FF] =	sst s3  }
0x8: {  	s5 =	sand.u32 $0x1, s4;
	s4 =	sadd.s32 $0xC7000, s0;
	s6 =	sshll.u32 s2, $0x6  }
0x9: {  	s7 =	sadd.s32 $0x29C00, s0;
	s26 =	sshll.u32 s2, $0x7;
	_ =	strace $0x8000004A  }
0xa: {  	s8 =	ssub.s32 $0x2, s5;
	s6 =	sadd.s32 s6, s0;
	[dreg:$0x3] =	wrdreg s7  }
0xb: {  	s5 =	smul.u32 $0x9C40, s5;
	s7 =	sadd.s32 $0x1FF800, s0;
	[dreg:$0x5] =	wrdreg s26  }
0xc: {  	s26 =	simm.s32 $0x2;
	s9 =	sshrl.u32 s8, $0x1;
	s13 =	sadd.s32 $0x16000, s6  }
0xd: {  	s14 =	sadd.s32 $0x1FE00, s6;
	s25 =	ssub.s32 s8, s9;
	s8 =	sadd.s32 $0x2710, s5  }
0xe: {  	s9 =	sadd.s32 $0x4E20, s5;
	s10 =	sadd.s32 $0x7530, s5;
	v0 =	vmov s5;
	s0 =	smax.u32 s25, $0x1  }
0xf: {  	s6 =	simm.s32 $0x0;
	s25 =	simm.s32 $0x13D80;
	v1 =	vmov s8;
	v2 =	vmov s9;
	v3 =	vmov s10;
	[dreg:$0x4] =	wrdreg s0  }
.LBB2_1:
0x10: {  	[dreg:$0x6] =	wrdreg s6  }
0x11: {  	s0 =	rddreg [dreg:$0x3]  }
0x12: {  	[tilespmem:s15], [sflag:$0x3] =	stream.linear.gather [hbm4b:s0+s3], $0x4000, $0x38;
	[tilespmem:$0x1BF00] =	vst v63  }
0x13: {  	s22 =	sadd.s32 $0x0, s2;
	_ =	swait.ge [sflag:s16], $0x4000  }
0x14: {  	p0 =	sgt.u32 s22, $0x4E;
	s21 =	rddreg [dreg:$0x5]  }
0x15: {  	v4 =	vlaneseq.u32 @!p0;
	[sflag:s16] =	ssyncset.done $0x0;
	s0 =	smin.u32 @!p0 s21, $0x2690  }
0x16: {  	[sflag:s16] =	ssyncadd.s32 $0xFFFFC000;
	v5 =	vor.u32 @!p0 s0, v4;
	s6 =	sadd.s32 @!p0 $0x70, s0;
	p0 =	por p0, p0  }
0x17: {  	[tilespmem:$0x1BE80] =	vst @!p0 v5;
	s11 =	sor.u32 @!p0 $0x60, s0;
	v5 =	vor.u32 @!p0 s6, v4  }
0x18: {  	s6 =	sadd.s32 @!p0 $0x50, s0;
	v6 =	vor.u32 @!p0 s11, v4;
	[tilespmem:$0x1BEF0] =	vst @!p0 v5  }
0x19: {  	s11 =	sor.u32 @!p0 $0x40, s0;
	v5 =	vor.u32 @!p0 s6, v4;
	[tilespmem:$0x1BEE0] =	vst @!p0 v6  }
0x1a: {  	s17 =	sadd.s32 @!p0 $0x30, s0;
	v6 =	vor.u32 @!p0 s11, v4;
	[tilespmem:$0x1BED0] =	vst @!p0 v5  }
0x1b: {  	s12 =	sor.u32 @!p0 $0x20, s0;
	s6 =	simm.s32 $0x10;
	v5 =	vor.u32 @!p0 s17, v4;
	s11 =	smov.u32 s21;
	[tilespmem:$0x1BEC0] =	vst @!p0 v6  }
.LBB2_2:
0x1c: {  	s17 =	sadd.s32 s6, s2;
	s0 =	sadd.s32 @!p0 $0x10, s0;
	v6 =	vor.u32 @!p0 s12, v4;
	[tilespmem:$0x1BEB0] =	vst @!p0 v5;
	s12 =	simm.s32 @!p0 $0x3  }
0x1d: {  	s21 =	simm.s32 @!p0 $0x1BE80;
	s22 =	simm.s32 @!p0 $0x13E80;
	v4 =	vor.u32 @!p0 s0, v4;
	[tilespmem:$0x1BEA0] =	vst @!p0 v6;
	s0 =	simm.s32 @!p0 $0x80  }
0x1e: {  	s11 =	sadd.s32 $0x800, s11;
	p1 =	sgt.u32 s17, $0x4E;
	[tilespmem:$0x1BE90] =	vst @!p0 v4  }
0x1f: {  	[spmem:s1] =	stream.indirect.scatter @!p0 [tilespmem:s22], [sflag:$0x3], $0x80, s21, s0, $0xb8;
	[tilespmem:$0x1BF00] =	vst v63  }
0x20: {  	s0 =	smin.u32 @!p1 s11, $0x2690;
	_ =	swait.ge @!p0 [sflag:s12], $0x4000  }
0x21: {  	s6 =	sadd.s32 $0x10, s6;
	v4 =	vlaneseq.u32 @!p1;
	s17 =	sadd.s32 @!p1 $0x70, s0;
	[sflag:s12] =	ssyncset.done @!p0 $0x0  }
0x22: {  	v5 =	vor.u32 @!p1 s0, v4;
	[sflag:s12] =	ssyncadd.s32 @!p0 $0xFFFFC000;
	p0 =	por p1, p1;
	p1 =	sne.s32 s6, $0x50  }
.Ltmp0:
0x23: {  	[tilespmem:$0x1BE80] =	vst @!p0 v5;
	s12 =	sor.u32 @!p0 $0x60, s0;
	v5 =	vor.u32 @!p0 s17, v4;
	(pc) =	sbr.rel @p1 .LBB2_2-.Ltmp0, $4  }
0x24: {  	s17 =	sadd.s32 @!p0 $0x50, s0;
	v6 =	vor.u32 @!p0 s12, v4;
	[tilespmem:$0x1BEF0] =	vst @!p0 v5  }
0x25: {  	s12 =	sor.u32 @!p0 $0x40, s0;
	v5 =	vor.u32 @!p0 s17, v4;
	[tilespmem:$0x1BEE0] =	vst @!p0 v6  }
0x26: {  	s17 =	sadd.s32 @!p0 $0x30, s0;
	v6 =	vor.u32 @!p0 s12, v4;
	[tilespmem:$0x1BED0] =	vst @!p0 v5  }
0x27: {  	s12 =	sor.u32 @!p0 $0x20, s0;
	v5 =	vor.u32 @!p0 s17, v4;
	[tilespmem:$0x1BEC0] =	vst @!p0 v6  }
0x28: {  	s0 =	sadd.s32 @!p0 $0x10, s0;
	v6 =	vor.u32 @!p0 s12, v4;
	[tilespmem:$0x1BEB0] =	vst @!p0 v5  }
0x29: {  	s6 =	simm.s32 @!p0 $0x3;
	v4 =	vor.u32 @!p0 s0, v4;
	[tilespmem:$0x1BEA0] =	vst @!p0 v6  }
0x2a: {  	s11 =	simm.s32 @!p0 $0x1BE80;
	s12 =	simm.s32 @!p0 $0x13E80;
	s0 =	simm.s32 @!p0 $0x80;
	[tilespmem:$0x1BE90] =	vst @!p0 v4  }
0x2b: {  	[spmem:s1] =	stream.indirect.scatter @!p0 [tilespmem:s12], [sflag:$0x3], $0x80, s11, s0, $0xb8;
	[tilespmem:$0x1BF00] =	vst v63  }
.Ltmp1:
0x2c: {  	_ =	swait.ge @!p0 [sflag:s6], $0x4000;
	(pc) =	sbr.rel .LBB2_4-.Ltmp1, $4  }
0x2d: {  	[sflag:s6] =	ssyncset.done @!p0 $0x0  }
0x2e: {  	[sflag:s6] =	ssyncadd.s32 @!p0 $0xFFFFC000  }
0x2f: {  	s17 =	simm.s32 $0x13C80;
	s21 =	simm.s32 $0x13D00;
	[bflag:$0x0] =	sbarrier.arrive $0xFFFF  }
0x30: {  	s11 =	simm.s32 $0x0;
	s12 =	simm.s32 $0x13880;
	s6 =	stileid.u32  }
.LBB2_6:
0x31: {  	s11 =	sadd.s32 $0x400, s11  }
0x32: {  	p0 =	sne.s32 s11, $0xA000  }
.Ltmp2:
0x33: {  	_ = 	snop;
	(pc) =	sbr.rel @!p0 .LBB2_7-.Ltmp2, $2  }
0x34: {  	_ =	sdelay $0x2  }
0x35: {  	s6 =	sadd.s32 $0x10, s6  }
.LBB2_4:
0x36: {  	p0 =	sgt.u32 s6, $0x270  }
.Ltmp3:
0x37: {  	_ = 	snop;
	(pc) =	sbr.rel @p0 .LBB2_6-.Ltmp3, $1  }
0x38: {  	_ =	sdelay $0x3  }
0x39: {  	s0 =	sadd.s32 s11, s14  }
0x3a: {  	[tilespmem:s12], [sflag:$0x4] =	stream.linear.gather [hbm4b:s0+s3], $0x200, $0x38;
	[tilespmem:$0x1BF00] =	vst v63  }
0x3b: {  	_ =	swait.ge [sflag:s18], $0x200  }
0x3c: {  	[sflag:s18] =	ssyncset.done $0x0  }
0x3d: {  	s22 =	sadd.s32 s11, s13;
	[sflag:s18] =	ssyncadd.s32 $0xFFFFFE00  }
0x3e: {  	[tilespmem:s19], [sflag:$0x4] =	stream.linear.gather [hbm4b:s22+s3], $0x200, $0x38;
	[tilespmem:$0x1BF00] =	vst v63  }
0x3f: {  	_ =	swait.ge [sflag:s18], $0x200  }
0x40: {  	[sflag:s18] =	ssyncset.done $0x0  }
0x41: {  	[sflag:s18] =	ssyncadd.s32 $0xFFFFFE00  }
0x42: {  	v4 =	vld [tilespmem:$0x13880]  }
0x43: {  	v5 =	vld [tilespmem:$0x13890]  }
0x44: {  	v6 =	vld [tilespmem:$0x138A0]  }
0x45: {  	v7 =	vld [tilespmem:$0x138B0]  }
0x46: {  	v8 =	vld [tilespmem:$0x138C0]  }
0x47: {  	v9 =	vld [tilespmem:$0x138D0];
	v4 =	vadd.s32 v0, v4  }
0x48: {  	[tilespmem:$0x13C80] =	vst v4;
	v4 =	vadd.s32 v0, v5;
	v5 =	vld [tilespmem:$0x138E0]  }
0x49: {  	v44 =	vld [tilespmem:$0x138F0];
	[tilespmem:$0x13C90] =	vst v4;
	v4 =	vadd.s32 v0, v6  }
0x4a: {  	v45 =	vld [tilespmem:$0x13900];
	[tilespmem:$0x13CA0] =	vst v4;
	v4 =	vadd.s32 v0, v7  }
0x4b: {  	v46 =	vld [tilespmem:$0x13910];
	[tilespmem:$0x13CB0] =	vst v4;
	v4 =	vadd.s32 v0, v8  }
0x4c: {  	v47 =	vld [tilespmem:$0x13920];
	[tilespmem:$0x13CC0] =	vst v4;
	v4 =	vadd.s32 v0, v9  }
0x4d: {  	[tilespmem:$0x13CD0] =	vst v4;
	v4 =	vadd.s32 v0, v5;
	v5 =	vld [tilespmem:$0x13930]  }
0x4e: {  	v48 =	vld [tilespmem:$0x13940];
	[tilespmem:$0x13CE0] =	vst v4;
	v4 =	vadd.s32 v0, v44  }
0x4f: {  	v49 =	vld [tilespmem:$0x13950];
	[tilespmem:$0x13CF0] =	vst v4;
	v4 =	vadd.s32 v0, v45  }
0x50: {  	v50 =	vld [tilespmem:$0x13960];
	[tilespmem:$0x13D00] =	vst v4;
	v4 =	vadd.s32 v0, v46  }
0x51: {  	v51 =	vld [tilespmem:$0x13970];
	[tilespmem:$0x13D10] =	vst v4;
	v4 =	vadd.s32 v0, v47  }
0x52: {  	[tilespmem:$0x13D20] =	vst v4;
	v4 =	vadd.s32 v0, v5;
	v5 =	vld [tilespmem:$0x13980]  }
0x53: {  	v52 =	vld [tilespmem:$0x13990];
	[tilespmem:$0x13D30] =	vst v4;
	v4 =	vadd.s32 v0, v48  }
0x54: {  	v53 =	vld [tilespmem:$0x139A0];
	[tilespmem:$0x13D40] =	vst v4;
	v4 =	vadd.s32 v0, v49  }
0x55: {  	v54 =	vld [tilespmem:$0x139B0];
	[tilespmem:$0x13D50] =	vst v4;
	v4 =	vadd.s32 v0, v50  }
0x56: {  	v55 =	vld [tilespmem:$0x139C0];
	[tilespmem:$0x13D60] =	vst v4;
	v4 =	vadd.s32 v0, v51  }
0x57: {  	[tilespmem:$0x13D70] =	vst v4;
	v4 =	vadd.s32 v0, v5;
	v5 =	vld [tilespmem:$0x139D0]  }
0x58: {  	v56 =	vld [tilespmem:$0x139E0];
	[tilespmem:$0x13D80] =	vst v4;
	v4 =	vadd.s32 v0, v52  }
0x59: {  	v57 =	vld [tilespmem:$0x139F0];
	[tilespmem:$0x13D90] =	vst v4;
	v4 =	vadd.s32 v0, v53  }
0x5a: {  	v58 =	vld [tilespmem:$0x13A00];
	[tilespmem:$0x13DA0] =	vst v4;
	v4 =	vadd.s32 v0, v54  }
0x5b: {  	v59 =	vld [tilespmem:$0x13A10];
	[tilespmem:$0x13DB0] =	vst v4;
	v4 =	vadd.s32 v0, v55  }
0x5c: {  	[tilespmem:$0x13DC0] =	vst v4;
	v4 =	vadd.s32 v0, v5;
	v5 =	vld [tilespmem:$0x13A20]  }
0x5d: {  	v60 =	vld [tilespmem:$0x13A30];
	[tilespmem:$0x13DD0] =	vst v4;
	v4 =	vadd.s32 v0, v56  }
0x5e: {  	v61 =	vld [tilespmem:$0x13A40];
	[tilespmem:$0x13DE0] =	vst v4;
	v4 =	vadd.s32 v0, v57  }
0x5f: {  	v62 =	vld [tilespmem:$0x13A50];
	[tilespmem:$0x13DF0] =	vst v4;
	v4 =	vadd.s32 v0, v58  }
0x60: {  	v63 =	vld [tilespmem:$0x13A60];
	[tilespmem:$0x13E00] =	vst v4;
	v4 =	vadd.s32 v0, v59  }
0x61: {  	[tilespmem:$0x13E10] =	vst v4;
	v4 =	vadd.s32 v0, v5;
	v5 =	vld [tilespmem:$0x13A70]  }
0x62: {  	[tilespmem:$0x13E20] =	vst v4;
	v4 =	vadd.s32 v0, v60  }
0x63: {  	[tilespmem:$0x13E30] =	vst v4;
	v4 =	vadd.s32 v0, v61  }
0x64: {  	[tilespmem:$0x13E40] =	vst v4;
	v4 =	vadd.s32 v0, v62  }
0x65: {  	[tilespmem:$0x13E50] =	vst v4;
	v4 =	vadd.s32 v0, v63  }
0x66: {  	[tilespmem:$0x13E60] =	vst v4;
	v4 =	vadd.s32 v0, v5  }
0x67: {  	[tilespmem:$0x13E70] =	vst v4  }
0x68: {  	[tilespmem:s15], [sflag:$0x1] =	stream.indirect.gather [hbm4b:s4+s20], $0x80, s17, s20, $0xb8;
	[tilespmem:$0x1BF00] =	vst v63  }
0x69: {  	_ = 	snop  }
0x6a: {  	[tilespmem:s23], [sflag:$0x2] =	stream.indirect.gather [hbm4b:s4+s20], $0x80, s21, s20, $0xb8;
	[tilespmem:$0x1BF00] =	vst v63  }
0x6b: {  	_ =	swait.ge [sflag:s24], $0x4000  }
0x6c: {  	[sflag:s24] =	ssyncset.done $0x0  }
0x6d: {  	[sflag:s24] =	ssyncadd.s32 $0xFFFFC000  }
0x6e: {  	[spmem:s1] =	stream.indirect.scatter.add.f32 [tilespmem:s15], [sflag:$0x4], $0x80, s19, s20, $0xb8;
	[tilespmem:$0x1BF00] =	vst v63  }
0x6f: {  	_ =	swait.ge [sflag:s18], $0x4000  }
0x70: {  	[sflag:s18] =	ssyncset.done $0x0  }
0x71: {  	[sflag:s18] =	ssyncadd.s32 $0xFFFFC000  }
0x72: {  	[tilespmem:s15], [sflag:$0x1] =	stream.indirect.gather [hbm4b:s4+s20], $0x80, s25, s20, $0xb8;
	[tilespmem:$0x1BF00] =	vst v63  }
0x73: {  	_ =	swait.ge [sflag:s26], $0x4000  }
0x74: {  	[sflag:s26] =	ssyncset.done $0x0  }
0x75: {  	[sflag:s26] =	ssyncadd.s32 $0xFFFFC000  }
0x76: {  	[spmem:s1] =	stream.indirect.scatter.add.f32 [tilespmem:s23], [sflag:$0x4], $0x80, s28, s20, $0xb8;
	[tilespmem:$0x1BF00] =	vst v63  }
0x77: {  	_ =	swait.ge [sflag:s18], $0x4000  }
0x78: {  	[sflag:s18] =	ssyncset.done $0x0  }
0x79: {  	[sflag:s18] =	ssyncadd.s32 $0xFFFFC000  }
0x7a: {  	[tilespmem:s23], [sflag:$0x2] =	stream.indirect.gather [hbm4b:s4+s20], $0x80, s29, s20, $0xb8;
	[tilespmem:$0x1BF00] =	vst v63  }
0x7b: {  	_ =	swait.ge [sflag:s24], $0x4000  }
0x7c: {  	[sflag:s24] =	ssyncset.done $0x0  }
0x7d: {  	[sflag:s24] =	ssyncadd.s32 $0xFFFFC000  }
0x7e: {  	[spmem:s1] =	stream.indirect.scatter.add.f32 [tilespmem:s15], [sflag:$0x4], $0x80, s30, s20, $0xb8;
	[tilespmem:$0x1BF00] =	vst v63  }
0x7f: {  	_ =	swait.ge [sflag:s18], $0x4000  }
0x80: {  	[sflag:s18] =	ssyncset.done $0x0  }
0x81: {  	[sflag:s18] =	ssyncadd.s32 $0xFFFFC000  }
0x82: {  	_ =	swait.ge [sflag:s26], $0x4000  }
0x83: {  	[sflag:s26] =	ssyncset.done $0x0  }
.Ltmp4:
0x84: {  	[sflag:s26] =	ssyncadd.s32 $0xFFFFC000;
	(pc) =	sbr.rel .LBB2_6-.Ltmp4, $4  }
0x85: {  	[spmem:s1] =	stream.indirect.scatter.add.f32 [tilespmem:s23], [sflag:$0x3], $0x80, s31, s20, $0xb8;
	[tilespmem:$0x1BF00] =	vst v63  }
0x86: {  	_ =	swait.ge [sflag:s16], $0x4000  }
0x87: {  	[sflag:s16] =	ssyncset.done $0x0  }
0x88: {  	[sflag:s16] =	ssyncadd.s32 $0xFFFFC000  }
.LBB2_7:
0x89: {  	s0 =	sadd.s32 $0x0, s2  }
0x8a: {  	s17 =	rddreg [dreg:$0x5];
	p1 =	sgt.u32 s0, $0x4E  }
0x8b: {  	s0 =	smin.u32 @!p1 s17, $0x2690;
	v4 =	vlaneseq.u32 @!p1  }
0x8c: {  	[bflag:$0x0] =	sbarrier.arrive $0xFFFF;
	s6 =	sadd.s32 @!p1 $0x10, s0;
	v5 =	vor.u32 @!p1 s0, v4  }
0x8d: {  	s11 =	sor.u32 @!p1 $0x20, s0;
	v6 =	vor.u32 @!p1 s6, v4;
	[tilespmem:$0x1BE80] =	vst @!p1 v5  }
0x8e: {  	p0 =	por p1, p1;
	v5 =	vor.u32 @!p1 s11, v4;
	s6 =	sadd.s32 @!p1 $0x50, s0;
	[tilespmem:$0x1BE90] =	vst @!p1 v6  }
0x8f: {  	v6 =	vor.u32 @!p1 s6, v4;
	s6 =	sadd.s32 @!p1 $0x70, s0;
	[tilespmem:$0x1BEA0] =	vst @!p0 v5  }
0x90: {  	s11 =	sadd.s32 @!p1 $0x30, s0;
	v5 =	vor.u32 @!p1 s6, v4;
	[tilespmem:$0x1BED0] =	vst @!p0 v6  }
0x91: {  	s12 =	sor.u32 @!p1 $0x40, s0;
	s21 =	simm.s32 @!p0 $0x80;
	v6 =	vor.u32 @!p1 s11, v4;
	[tilespmem:$0x1BEF0] =	vst @!p0 v5  }
0x92: {  	s22 =	simm.s32 @!p0 $0x1BE80;
	s11 =	sadd.s32 @!p1 s5, s0;
	s0 =	sor.u32 @!p1 $0x60, s0;
	v5 =	vor.u32 @!p1 s12, v4;
	[tilespmem:$0x1BEB0] =	vst @!p0 v6  }
0x93: {  	s6 =	simm.s32 @!p1 $0x4;
	s12 =	sshll.u32 @!p0 s11, $0x4;
	v4 =	vor.u32 @!p1 s0, v4;
	s11 =	simm.s32 $0x10;
	[tilespmem:$0x1BEC0] =	vst @!p0 v5  }
0x94: {  	s0 =	sadd.s32 $0x800, s17;
	s17 =	simm.s32 @!p0 $0x13E80;
	s12 =	sadd.s32 @!p0 s7, s12;
	[tilespmem:$0x1BEE0] =	vst @!p0 v4  }
.LBB2_8:
0x95: {  	[tilespmem:s17], [sflag:$0x4] =	stream.indirect.gather @!p0 [spmem:s1], $0x80, s22, s21, $0xb8;
	[tilespmem:$0x1BF00] =	vst v63  }
0x96: {  	s21 =	smov.u32 s11  }
0x97: {  	s11 =	sadd.s32 $0x10, s11;
	s22 =	simm.s32 @!p0 $0x3;
	_ =	swait.ge @!p0 [sflag:s6], $0x4000  }
0x98: {  	s21 =	sadd.s32 s21, s2;
	p1 =	sne.s32 s11, $0x50;
	[sflag:s6] =	ssyncset.done @!p0 $0x0  }
0x99: {  	p2 =	sgt.u32 s21, $0x4E;
	[sflag:s6] =	ssyncadd.s32 @!p0 $0xFFFFC000;
	s6 =	simm.s32 @!p0 $0x0  }
0x9a: {  	[hbm4b:s12+s6] =	stream.linear.scatter @!p0 [tilespmem:s17], [sflag:$0x3], $0x4000, $0x38;
	[tilespmem:$0x1BF00] =	vst v63  }
0x9b: {  	s12 =	smin.u32 @!p2 s0, $0x2690;
	s6 =	simm.s32 @!p2 $0x4;
	_ =	swait.ge @!p0 [sflag:s22], $0x4000  }
0x9c: {  	v4 =	vlaneseq.u32 @!p2;
	s17 =	sadd.s32 @!p2 $0x10, s12;
	s21 =	sor.u32 @!p2 $0x20, s12;
	[sflag:s22] =	ssyncset.done @!p0 $0x0  }
0x9d: {  	v5 =	vor.u32 @!p2 s12, v4;
	v6 =	vor.u32 @!p2 s17, v4;
	v7 =	vor.u32 @!p2 s21, v4;
	s17 =	sor.u32 @!p2 $0x40, s12;
	s21 =	sadd.s32 @!p2 $0x50, s12;
	[sflag:s22] =	ssyncadd.s32 @!p0 $0xFFFFC000  }
0x9e: {  	s22 =	sadd.s32 @!p2 $0x30, s12;
	v8 =	vor.u32 @!p2 s21, v4;
	s21 =	sadd.s32 @!p2 $0x70, s12;
	[tilespmem:$0x1BE80] =	vst @!p2 v5;
	v5 =	vor.u32 @!p2 s17, v4;
	s17 =	sor.u32 @!p2 $0x60, s12  }
0x9f: {  	p0 =	por p2, p2;
	s12 =	sadd.s32 @!p2 s5, s12;
	[tilespmem:$0x1BE90] =	vst @!p2 v6;
	v6 =	vor.u32 @!p2 s22, v4;
	v9 =	vor.u32 @!p2 s17, v4;
	v4 =	vor.u32 @!p2 s21, v4  }
0xa0: {  	s12 =	sshll.u32 @!p0 s12, $0x4;
	[tilespmem:$0x1BEA0] =	vst @!p0 v7  }
.Ltmp5:
0xa1: {  	s12 =	sadd.s32 @!p0 s7, s12;
	[tilespmem:$0x1BED0] =	vst @!p0 v8;
	(pc) =	sbr.rel @p1 .LBB2_8-.Ltmp5, $4  }
0xa2: {  	[tilespmem:$0x1BEF0] =	vst @!p0 v4  }
0xa3: {  	[tilespmem:$0x1BEB0] =	vst @!p0 v6  }
0xa4: {  	s0 =	sadd.s32 $0x800, s0;
	[tilespmem:$0x1BEC0] =	vst @!p0 v5  }
0xa5: {  	s21 =	simm.s32 @!p0 $0x80;
	s22 =	simm.s32 @!p0 $0x1BE80;
	s17 =	simm.s32 @!p0 $0x13E80;
	[tilespmem:$0x1BEE0] =	vst @!p0 v9  }
0xa6: {  	[tilespmem:s17], [sflag:$0x4] =	stream.indirect.gather @!p0 [spmem:s1], $0x80, s22, s21, $0xb8;
	[tilespmem:$0x1BF00] =	vst v63  }
0xa7: {  	_ =	swait.ge @!p0 [sflag:s6], $0x4000  }
0xa8: {  	[sflag:s6] =	ssyncset.done @!p0 $0x0  }
0xa9: {  	s0 =	simm.s32 @!p0 $0x3;
	[sflag:s6] =	ssyncadd.s32 @!p0 $0xFFFFC000;
	s6 =	simm.s32 @!p0 $0x0  }
0xaa: {  	[hbm4b:s12+s6] =	stream.linear.scatter @!p0 [tilespmem:s17], [sflag:$0x3], $0x4000, $0x38;
	[tilespmem:$0x1BF00] =	vst v63  }
0xab: {  	_ =	swait.ge @!p0 [sflag:s0], $0x4000  }
0xac: {  	[sflag:s0] =	ssyncset.done @!p0 $0x0  }
0xad: {  	[sflag:s0] =	ssyncadd.s32 @!p0 $0xFFFFC000  }
0xae: {  	[bflag:$0x0] =	sbarrier.arrive $0xFFFF  }
0xaf: {  	s17 =	simm.s32 $0x0;
	s21 =	rddreg [dreg:$0x3]  }
0xb0: {  	[tilespmem:s15], [sflag:$0x3] =	stream.linear.gather [hbm4b:s21+s17], $0x4000, $0x38;
	[tilespmem:$0x1BF00] =	vst v63  }
0xb1: {  	s22 =	sadd.s32 $0x0, s2;
	_ =	swait.ge [sflag:s16], $0x4000  }
0xb2: {  	p0 =	sgt.u32 s22, $0x4E;
	s21 =	rddreg [dreg:$0x5]  }
0xb3: {  	v4 =	vlaneseq.u32 @!p0;
	[sflag:s16] =	ssyncset.done $0x0;
	s0 =	smin.u32 @!p0 s21, $0x2690  }
0xb4: {  	[sflag:s16] =	ssyncadd.s32 $0xFFFFC000;
	v5 =	vor.u32 @!p0 s0, v4;
	s6 =	sadd.s32 @!p0 $0x70, s0;
	p0 =	por p0, p0  }
0xb5: {  	[tilespmem:$0x1BE80] =	vst @!p0 v5;
	s11 =	sor.u32 @!p0 $0x60, s0;
	v5 =	vor.u32 @!p0 s6, v4  }
0xb6: {  	s6 =	sadd.s32 @!p0 $0x50, s0;
	v6 =	vor.u32 @!p0 s11, v4;
	[tilespmem:$0x1BEF0] =	vst @!p0 v5  }
0xb7: {  	s11 =	sor.u32 @!p0 $0x40, s0;
	v5 =	vor.u32 @!p0 s6, v4;
	[tilespmem:$0x1BEE0] =	vst @!p0 v6  }
0xb8: {  	s17 =	sadd.s32 @!p0 $0x30, s0;
	v6 =	vor.u32 @!p0 s11, v4;
	[tilespmem:$0x1BED0] =	vst @!p0 v5  }
0xb9: {  	s12 =	sor.u32 @!p0 $0x20, s0;
	s6 =	simm.s32 $0x10;
	v5 =	vor.u32 @!p0 s17, v4;
	s11 =	smov.u32 s21;
	[tilespmem:$0x1BEC0] =	vst @!p0 v6  }
.LBB2_10:
0xba: {  	s17 =	sadd.s32 s6, s2;
	s0 =	sadd.s32 @!p0 $0x10, s0;
	v6 =	vor.u32 @!p0 s12, v4;
	[tilespmem:$0x1BEB0] =	vst @!p0 v5;
	s12 =	simm.s32 @!p0 $0x3  }
0xbb: {  	s21 =	simm.s32 @!p0 $0x1BE80;
	s22 =	simm.s32 @!p0 $0x13E80;
	v4 =	vor.u32 @!p0 s0, v4;
	[tilespmem:$0x1BEA0] =	vst @!p0 v6;
	s0 =	simm.s32 @!p0 $0x80  }
0xbc: {  	s11 =	sadd.s32 $0x800, s11;
	p1 =	sgt.u32 s17, $0x4E;
	[tilespmem:$0x1BE90] =	vst @!p0 v4  }
0xbd: {  	[spmem:s1] =	stream.indirect.scatter @!p0 [tilespmem:s22], [sflag:$0x3], $0x80, s21, s0, $0xb8;
	[tilespmem:$0x1BF00] =	vst v63  }
0xbe: {  	s0 =	smin.u32 @!p1 s11, $0x2690;
	_ =	swait.ge @!p0 [sflag:s12], $0x4000  }
0xbf: {  	s6 =	sadd.s32 $0x10, s6;
	v4 =	vlaneseq.u32 @!p1;
	s17 =	sadd.s32 @!p1 $0x70, s0;
	[sflag:s12] =	ssyncset.done @!p0 $0x0  }
0xc0: {  	v5 =	vor.u32 @!p1 s0, v4;
	[sflag:s12] =	ssyncadd.s32 @!p0 $0xFFFFC000;
	p0 =	por p1, p1;
	p1 =	sne.s32 s6, $0x50  }
.Ltmp6:
0xc1: {  	[tilespmem:$0x1BE80] =	vst @!p0 v5;
	s12 =	sor.u32 @!p0 $0x60, s0;
	v5 =	vor.u32 @!p0 s17, v4;
	(pc) =	sbr.rel @p1 .LBB2_10-.Ltmp6, $4  }
0xc2: {  	s17 =	sadd.s32 @!p0 $0x50, s0;
	v6 =	vor.u32 @!p0 s12, v4;
	[tilespmem:$0x1BEF0] =	vst @!p0 v5  }
0xc3: {  	s12 =	sor.u32 @!p0 $0x40, s0;
	v5 =	vor.u32 @!p0 s17, v4;
	[tilespmem:$0x1BEE0] =	vst @!p0 v6  }
0xc4: {  	s17 =	sadd.s32 @!p0 $0x30, s0;
	v6 =	vor.u32 @!p0 s12, v4;
	[tilespmem:$0x1BED0] =	vst @!p0 v5  }
0xc5: {  	s12 =	sor.u32 @!p0 $0x20, s0;
	v5 =	vor.u32 @!p0 s17, v4;
	[tilespmem:$0x1BEC0] =	vst @!p0 v6  }
0xc6: {  	s0 =	sadd.s32 @!p0 $0x10, s0;
	v6 =	vor.u32 @!p0 s12, v4;
	[tilespmem:$0x1BEB0] =	vst @!p0 v5  }
0xc7: {  	s6 =	simm.s32 @!p0 $0x3;
	v4 =	vor.u32 @!p0 s0, v4;
	[tilespmem:$0x1BEA0] =	vst @!p0 v6  }
0xc8: {  	s11 =	simm.s32 @!p0 $0x1BE80;
	s12 =	simm.s32 @!p0 $0x13E80;
	s0 =	simm.s32 @!p0 $0x80;
	[tilespmem:$0x1BE90] =	vst @!p0 v4  }
0xc9: {  	[spmem:s1] =	stream.indirect.scatter @!p0 [tilespmem:s12], [sflag:$0x3], $0x80, s11, s0, $0xb8;
	[tilespmem:$0x1BF00] =	vst v63  }
.Ltmp7:
0xca: {  	_ =	swait.ge @!p0 [sflag:s6], $0x4000;
	(pc) =	sbr.rel .LBB2_12-.Ltmp7, $4  }
0xcb: {  	[sflag:s6] =	ssyncset.done @!p0 $0x0  }
0xcc: {  	[sflag:s6] =	ssyncadd.s32 @!p0 $0xFFFFC000  }
0xcd: {  	s17 =	simm.s32 $0x13C80;
	s21 =	simm.s32 $0x13D00;
	[bflag:$0x0] =	sbarrier.arrive $0xFFFF  }
0xce: {  	s11 =	simm.s32 $0x0;
	s12 =	simm.s32 $0x13880;
	s6 =	stileid.u32  }
.LBB2_14:
0xcf: {  	s11 =	sadd.s32 $0x400, s11  }
0xd0: {  	p0 =	sne.s32 s11, $0xA000  }
.Ltmp8:
0xd1: {  	_ = 	snop;
	(pc) =	sbr.rel @!p0 .LBB2_15-.Ltmp8, $2  }
0xd2: {  	_ =	sdelay $0x2  }
0xd3: {  	s6 =	sadd.s32 $0x10, s6  }
.LBB2_12:
0xd4: {  	p0 =	sgt.u32 s6, $0x270  }
.Ltmp9:
0xd5: {  	_ = 	snop;
	(pc) =	sbr.rel @p0 .LBB2_14-.Ltmp9, $1  }
0xd6: {  	_ =	sdelay $0x3  }
0xd7: {  	s0 =	sadd.s32 s11, s14  }
0xd8: {  	[tilespmem:s12], [sflag:$0x4] =	stream.linear.gather [hbm4b:s0+s3], $0x200, $0x38;
	[tilespmem:$0x1BF00] =	vst v63  }
0xd9: {  	_ =	swait.ge [sflag:s18], $0x200  }
0xda: {  	[sflag:s18] =	ssyncset.done $0x0  }
0xdb: {  	s22 =	sadd.s32 s11, s13;
	[sflag:s18] =	ssyncadd.s32 $0xFFFFFE00  }
0xdc: {  	[tilespmem:s19], [sflag:$0x4] =	stream.linear.gather [hbm4b:s22+s3], $0x200, $0x38;
	[tilespmem:$0x1BF00] =	vst v63  }
0xdd: {  	_ =	swait.ge [sflag:s18], $0x200  }
0xde: {  	[sflag:s18] =	ssyncset.done $0x0  }
0xdf: {  	[sflag:s18] =	ssyncadd.s32 $0xFFFFFE00  }
0xe0: {  	v4 =	vld [tilespmem:$0x13880]  }
0xe1: {  	v5 =	vld [tilespmem:$0x13890]  }
0xe2: {  	v6 =	vld [tilespmem:$0x138A0]  }
0xe3: {  	v7 =	vld [tilespmem:$0x138B0]  }
0xe4: {  	v8 =	vld [tilespmem:$0x138C0]  }
0xe5: {  	v9 =	vld [tilespmem:$0x138D0];
	v4 =	vadd.s32 v1, v4  }
0xe6: {  	[tilespmem:$0x13C80] =	vst v4;
	v4 =	vadd.s32 v1, v5;
	v5 =	vld [tilespmem:$0x138E0]  }
0xe7: {  	v44 =	vld [tilespmem:$0x138F0];
	[tilespmem:$0x13C90] =	vst v4;
	v4 =	vadd.s32 v1, v6  }
0xe8: {  	v45 =	vld [tilespmem:$0x13900];
	[tilespmem:$0x13CA0] =	vst v4;
	v4 =	vadd.s32 v1, v7  }
0xe9: {  	v46 =	vld [tilespmem:$0x13910];
	[tilespmem:$0x13CB0] =	vst v4;
	v4 =	vadd.s32 v1, v8  }
0xea: {  	v47 =	vld [tilespmem:$0x13920];
	[tilespmem:$0x13CC0] =	vst v4;
	v4 =	vadd.s32 v1, v9  }
0xeb: {  	[tilespmem:$0x13CD0] =	vst v4;
	v4 =	vadd.s32 v1, v5;
	v5 =	vld [tilespmem:$0x13930]  }
0xec: {  	v48 =	vld [tilespmem:$0x13940];
	[tilespmem:$0x13CE0] =	vst v4;
	v4 =	vadd.s32 v1, v44  }
0xed: {  	v49 =	vld [tilespmem:$0x13950];
	[tilespmem:$0x13CF0] =	vst v4;
	v4 =	vadd.s32 v1, v45  }
0xee: {  	v50 =	vld [tilespmem:$0x13960];
	[tilespmem:$0x13D00] =	vst v4;
	v4 =	vadd.s32 v1, v46  }
0xef: {  	v51 =	vld [tilespmem:$0x13970];
	[tilespmem:$0x13D10] =	vst v4;
	v4 =	vadd.s32 v1, v47  }
0xf0: {  	[tilespmem:$0x13D20] =	vst v4;
	v4 =	vadd.s32 v1, v5;
	v5 =	vld [tilespmem:$0x13980]  }
0xf1: {  	v52 =	vld [tilespmem:$0x13990];
	[tilespmem:$0x13D30] =	vst v4;
	v4 =	vadd.s32 v1, v48  }
0xf2: {  	v53 =	vld [tilespmem:$0x139A0];
	[tilespmem:$0x13D40] =	vst v4;
	v4 =	vadd.s32 v1, v49  }
0xf3: {  	v54 =	vld [tilespmem:$0x139B0];
	[tilespmem:$0x13D50] =	vst v4;
	v4 =	vadd.s32 v1, v50  }
0xf4: {  	v55 =	vld [tilespmem:$0x139C0];
	[tilespmem:$0x13D60] =	vst v4;
	v4 =	vadd.s32 v1, v51  }
0xf5: {  	[tilespmem:$0x13D70] =	vst v4;
	v4 =	vadd.s32 v1, v5;
	v5 =	vld [tilespmem:$0x139D0]  }
0xf6: {  	v56 =	vld [tilespmem:$0x139E0];
	[tilespmem:$0x13D80] =	vst v4;
	v4 =	vadd.s32 v1, v52  }
0xf7: {  	v57 =	vld [tilespmem:$0x139F0];
	[tilespmem:$0x13D90] =	vst v4;
	v4 =	vadd.s32 v1, v53  }
0xf8: {  	v58 =	vld [tilespmem:$0x13A00];
	[tilespmem:$0x13DA0] =	vst v4;
	v4 =	vadd.s32 v1, v54  }
0xf9: {  	v59 =	vld [tilespmem:$0x13A10];
	[tilespmem:$0x13DB0] =	vst v4;
	v4 =	vadd.s32 v1, v55  }
0xfa: {  	[tilespmem:$0x13DC0] =	vst v4;
	v4 =	vadd.s32 v1, v5;
	v5 =	vld [tilespmem:$0x13A20]  }
0xfb: {  	v60 =	vld [tilespmem:$0x13A30];
	[tilespmem:$0x13DD0] =	vst v4;
	v4 =	vadd.s32 v1, v56  }
0xfc: {  	v61 =	vld [tilespmem:$0x13A40];
	[tilespmem:$0x13DE0] =	vst v4;
	v4 =	vadd.s32 v1, v57  }
0xfd: {  	v62 =	vld [tilespmem:$0x13A50];
	[tilespmem:$0x13DF0] =	vst v4;
	v4 =	vadd.s32 v1, v58  }
0xfe: {  	v63 =	vld [tilespmem:$0x13A60];
	[tilespmem:$0x13E00] =	vst v4;
	v4 =	vadd.s32 v1, v59  }
0xff: {  	[tilespmem:$0x13E10] =	vst v4;
	v4 =	vadd.s32 v1, v5;
	v5 =	vld [tilespmem:$0x13A70]  }
0x100: {  	[tilespmem:$0x13E20] =	vst v4;
	v4 =	vadd.s32 v1, v60  }
0x101: {  	[tilespmem:$0x13E30] =	vst v4;
	v4 =	vadd.s32 v1, v61  }
0x102: {  	[tilespmem:$0x13E40] =	vst v4;
	v4 =	vadd.s32 v1, v62  }
0x103: {  	[tilespmem:$0x13E50] =	vst v4;
	v4 =	vadd.s32 v1, v63  }
0x104: {  	[tilespmem:$0x13E60] =	vst v4;
	v4 =	vadd.s32 v1, v5  }
0x105: {  	[tilespmem:$0x13E70] =	vst v4  }
0x106: {  	[tilespmem:s15], [sflag:$0x1] =	stream.indirect.gather [hbm4b:s4+s20], $0x80, s17, s20, $0xb8;
	[tilespmem:$0x1BF00] =	vst v63  }
0x107: {  	_ = 	snop  }
0x108: {  	[tilespmem:s23], [sflag:$0x2] =	stream.indirect.gather [hbm4b:s4+s20], $0x80, s21, s20, $0xb8;
	[tilespmem:$0x1BF00] =	vst v63  }
0x109: {  	_ =	swait.ge [sflag:s24], $0x4000  }
0x10a: {  	[sflag:s24] =	ssyncset.done $0x0  }
0x10b: {  	[sflag:s24] =	ssyncadd.s32 $0xFFFFC000  }
0x10c: {  	[spmem:s1] =	stream.indirect.scatter.add.f32 [tilespmem:s15], [sflag:$0x4], $0x80, s19, s20, $0xb8;
	[tilespmem:$0x1BF00] =	vst v63  }
0x10d: {  	_ =	swait.ge [sflag:s18], $0x4000  }
0x10e: {  	[sflag:s18] =	ssyncset.done $0x0  }
0x10f: {  	[sflag:s18] =	ssyncadd.s32 $0xFFFFC000  }
0x110: {  	[tilespmem:s15], [sflag:$0x1] =	stream.indirect.gather [hbm4b:s4+s20], $0x80, s25, s20, $0xb8;
	[tilespmem:$0x1BF00] =	vst v63  }
0x111: {  	_ =	swait.ge [sflag:s26], $0x4000  }
0x112: {  	[sflag:s26] =	ssyncset.done $0x0  }
0x113: {  	[sflag:s26] =	ssyncadd.s32 $0xFFFFC000  }
0x114: {  	[spmem:s1] =	stream.indirect.scatter.add.f32 [tilespmem:s23], [sflag:$0x4], $0x80, s28, s20, $0xb8;
	[tilespmem:$0x1BF00] =	vst v63  }
0x115: {  	_ =	swait.ge [sflag:s18], $0x4000  }
0x116: {  	[sflag:s18] =	ssyncset.done $0x0  }
0x117: {  	[sflag:s18] =	ssyncadd.s32 $0xFFFFC000  }
0x118: {  	[tilespmem:s23], [sflag:$0x2] =	stream.indirect.gather [hbm4b:s4+s20], $0x80, s29, s20, $0xb8;
	[tilespmem:$0x1BF00] =	vst v63  }
0x119: {  	_ =	swait.ge [sflag:s24], $0x4000  }
0x11a: {  	[sflag:s24] =	ssyncset.done $0x0  }
0x11b: {  	[sflag:s24] =	ssyncadd.s32 $0xFFFFC000  }
0x11c: {  	[spmem:s1] =	stream.indirect.scatter.add.f32 [tilespmem:s15], [sflag:$0x4], $0x80, s30, s20, $0xb8;
	[tilespmem:$0x1BF00] =	vst v63  }
0x11d: {  	_ =	swait.ge [sflag:s18], $0x4000  }
0x11e: {  	[sflag:s18] =	ssyncset.done $0x0  }
0x11f: {  	[sflag:s18] =	ssyncadd.s32 $0xFFFFC000  }
0x120: {  	_ =	swait.ge [sflag:s26], $0x4000  }
0x121: {  	[sflag:s26] =	ssyncset.done $0x0  }
.Ltmp10:
0x122: {  	[sflag:s26] =	ssyncadd.s32 $0xFFFFC000;
	(pc) =	sbr.rel .LBB2_14-.Ltmp10, $4  }
0x123: {  	[spmem:s1] =	stream.indirect.scatter.add.f32 [tilespmem:s23], [sflag:$0x3], $0x80, s31, s20, $0xb8;
	[tilespmem:$0x1BF00] =	vst v63  }
0x124: {  	_ =	swait.ge [sflag:s16], $0x4000  }
0x125: {  	[sflag:s16] =	ssyncset.done $0x0  }
0x126: {  	[sflag:s16] =	ssyncadd.s32 $0xFFFFC000  }
.LBB2_15:
0x127: {  	s0 =	sadd.s32 $0x0, s2  }
0x128: {  	s17 =	rddreg [dreg:$0x5];
	p1 =	sgt.u32 s0, $0x4E  }
0x129: {  	s0 =	smin.u32 @!p1 s17, $0x2690;
	v4 =	vlaneseq.u32 @!p1  }
0x12a: {  	[bflag:$0x0] =	sbarrier.arrive $0xFFFF;
	s6 =	sadd.s32 @!p1 $0x10, s0;
	v5 =	vor.u32 @!p1 s0, v4  }
0x12b: {  	s11 =	sor.u32 @!p1 $0x20, s0;
	v6 =	vor.u32 @!p1 s6, v4;
	[tilespmem:$0x1BE80] =	vst @!p1 v5  }
0x12c: {  	p0 =	por p1, p1;
	v5 =	vor.u32 @!p1 s11, v4;
	s6 =	sadd.s32 @!p1 $0x50, s0;
	[tilespmem:$0x1BE90] =	vst @!p1 v6  }
0x12d: {  	v6 =	vor.u32 @!p1 s6, v4;
	s6 =	sadd.s32 @!p1 $0x70, s0;
	[tilespmem:$0x1BEA0] =	vst @!p0 v5  }
0x12e: {  	s11 =	sadd.s32 @!p1 $0x30, s0;
	v5 =	vor.u32 @!p1 s6, v4;
	[tilespmem:$0x1BED0] =	vst @!p0 v6  }
0x12f: {  	s12 =	sor.u32 @!p1 $0x40, s0;
	s21 =	simm.s32 @!p0 $0x80;
	v6 =	vor.u32 @!p1 s11, v4;
	[tilespmem:$0x1BEF0] =	vst @!p0 v5  }
0x130: {  	s22 =	simm.s32 @!p0 $0x1BE80;
	s11 =	sadd.s32 @!p1 s8, s0;
	s0 =	sor.u32 @!p1 $0x60, s0;
	v5 =	vor.u32 @!p1 s12, v4;
	[tilespmem:$0x1BEB0] =	vst @!p0 v6  }
0x131: {  	s6 =	simm.s32 @!p1 $0x4;
	s12 =	sshll.u32 @!p0 s11, $0x4;
	v4 =	vor.u32 @!p1 s0, v4;
	s11 =	simm.s32 $0x10;
	[tilespmem:$0x1BEC0] =	vst @!p0 v5  }
0x132: {  	s0 =	sadd.s32 $0x800, s17;
	s17 =	simm.s32 @!p0 $0x13E80;
	s12 =	sadd.s32 @!p0 s7, s12;
	[tilespmem:$0x1BEE0] =	vst @!p0 v4  }
.LBB2_16:
0x133: {  	[tilespmem:s17], [sflag:$0x4] =	stream.indirect.gather @!p0 [spmem:s1], $0x80, s22, s21, $0xb8;
	[tilespmem:$0x1BF00] =	vst v63  }
0x134: {  	s21 =	smov.u32 s11  }
0x135: {  	s11 =	sadd.s32 $0x10, s11;
	s22 =	simm.s32 @!p0 $0x3;
	_ =	swait.ge @!p0 [sflag:s6], $0x4000  }
0x136: {  	s21 =	sadd.s32 s21, s2;
	p1 =	sne.s32 s11, $0x50;
	[sflag:s6] =	ssyncset.done @!p0 $0x0  }
0x137: {  	p2 =	sgt.u32 s21, $0x4E;
	[sflag:s6] =	ssyncadd.s32 @!p0 $0xFFFFC000;
	s6 =	simm.s32 @!p0 $0x0  }
0x138: {  	[hbm4b:s12+s6] =	stream.linear.scatter @!p0 [tilespmem:s17], [sflag:$0x3], $0x4000, $0x38;
	[tilespmem:$0x1BF00] =	vst v63  }
0x139: {  	s12 =	smin.u32 @!p2 s0, $0x2690;
	s6 =	simm.s32 @!p2 $0x4;
	_ =	swait.ge @!p0 [sflag:s22], $0x4000  }
0x13a: {  	v4 =	vlaneseq.u32 @!p2;
	s17 =	sadd.s32 @!p2 $0x10, s12;
	s21 =	sor.u32 @!p2 $0x20, s12;
	[sflag:s22] =	ssyncset.done @!p0 $0x0  }
0x13b: {  	v5 =	vor.u32 @!p2 s12, v4;
	v6 =	vor.u32 @!p2 s17, v4;
	v7 =	vor.u32 @!p2 s21, v4;
	s17 =	sor.u32 @!p2 $0x40, s12;
	s21 =	sadd.s32 @!p2 $0x50, s12;
	[sflag:s22] =	ssyncadd.s32 @!p0 $0xFFFFC000  }
0x13c: {  	s22 =	sadd.s32 @!p2 $0x30, s12;
	v8 =	vor.u32 @!p2 s21, v4;
	s21 =	sadd.s32 @!p2 $0x70, s12;
	[tilespmem:$0x1BE80] =	vst @!p2 v5;
	v5 =	vor.u32 @!p2 s17, v4;
	s17 =	sor.u32 @!p2 $0x60, s12  }
0x13d: {  	p0 =	por p2, p2;
	s12 =	sadd.s32 @!p2 s8, s12;
	[tilespmem:$0x1BE90] =	vst @!p2 v6;
	v6 =	vor.u32 @!p2 s22, v4;
	v9 =	vor.u32 @!p2 s17, v4;
	v4 =	vor.u32 @!p2 s21, v4  }
0x13e: {  	s12 =	sshll.u32 @!p0 s12, $0x4;
	[tilespmem:$0x1BEA0] =	vst @!p0 v7  }
.Ltmp11:
0x13f: {  	s12 =	sadd.s32 @!p0 s7, s12;
	[tilespmem:$0x1BED0] =	vst @!p0 v8;
	(pc) =	sbr.rel @p1 .LBB2_16-.Ltmp11, $4  }
0x140: {  	[tilespmem:$0x1BEF0] =	vst @!p0 v4  }
0x141: {  	[tilespmem:$0x1BEB0] =	vst @!p0 v6  }
0x142: {  	s0 =	sadd.s32 $0x800, s0;
	[tilespmem:$0x1BEC0] =	vst @!p0 v5  }
0x143: {  	s21 =	simm.s32 @!p0 $0x80;
	s22 =	simm.s32 @!p0 $0x1BE80;
	s17 =	simm.s32 @!p0 $0x13E80;
	[tilespmem:$0x1BEE0] =	vst @!p0 v9  }
0x144: {  	[tilespmem:s17], [sflag:$0x4] =	stream.indirect.gather @!p0 [spmem:s1], $0x80, s22, s21, $0xb8;
	[tilespmem:$0x1BF00] =	vst v63  }
0x145: {  	_ =	swait.ge @!p0 [sflag:s6], $0x4000  }
0x146: {  	[sflag:s6] =	ssyncset.done @!p0 $0x0  }
0x147: {  	s0 =	simm.s32 @!p0 $0x3;
	[sflag:s6] =	ssyncadd.s32 @!p0 $0xFFFFC000;
	s6 =	simm.s32 @!p0 $0x0  }
0x148: {  	[hbm4b:s12+s6] =	stream.linear.scatter @!p0 [tilespmem:s17], [sflag:$0x3], $0x4000, $0x38;
	[tilespmem:$0x1BF00] =	vst v63  }
0x149: {  	_ =	swait.ge @!p0 [sflag:s0], $0x4000  }
0x14a: {  	[sflag:s0] =	ssyncset.done @!p0 $0x0  }
0x14b: {  	[sflag:s0] =	ssyncadd.s32 @!p0 $0xFFFFC000  }
0x14c: {  	[bflag:$0x0] =	sbarrier.arrive $0xFFFF  }
0x14d: {  	s17 =	simm.s32 $0x0;
	s21 =	rddreg [dreg:$0x3]  }
0x14e: {  	[tilespmem:s15], [sflag:$0x3] =	stream.linear.gather [hbm4b:s21+s17], $0x4000, $0x38;
	[tilespmem:$0x1BF00] =	vst v63  }
0x14f: {  	s22 =	sadd.s32 $0x0, s2;
	_ =	swait.ge [sflag:s16], $0x4000  }
0x150: {  	p0 =	sgt.u32 s22, $0x4E;
	s21 =	rddreg [dreg:$0x5]  }
0x151: {  	v4 =	vlaneseq.u32 @!p0;
	[sflag:s16] =	ssyncset.done $0x0;
	s0 =	smin.u32 @!p0 s21, $0x2690  }
0x152: {  	[sflag:s16] =	ssyncadd.s32 $0xFFFFC000;
	v5 =	vor.u32 @!p0 s0, v4;
	s6 =	sadd.s32 @!p0 $0x70, s0;
	p0 =	por p0, p0  }
0x153: {  	[tilespmem:$0x1BE80] =	vst @!p0 v5;
	s11 =	sor.u32 @!p0 $0x60, s0;
	v5 =	vor.u32 @!p0 s6, v4  }
0x154: {  	s6 =	sadd.s32 @!p0 $0x50, s0;
	v6 =	vor.u32 @!p0 s11, v4;
	[tilespmem:$0x1BEF0] =	vst @!p0 v5  }
0x155: {  	s11 =	sor.u32 @!p0 $0x40, s0;
	v5 =	vor.u32 @!p0 s6, v4;
	[tilespmem:$0x1BEE0] =	vst @!p0 v6  }
0x156: {  	s17 =	sadd.s32 @!p0 $0x30, s0;
	v6 =	vor.u32 @!p0 s11, v4;
	[tilespmem:$0x1BED0] =	vst @!p0 v5  }
0x157: {  	s12 =	sor.u32 @!p0 $0x20, s0;
	s6 =	simm.s32 $0x10;
	v5 =	vor.u32 @!p0 s17, v4;
	s11 =	smov.u32 s21;
	[tilespmem:$0x1BEC0] =	vst @!p0 v6  }
.LBB2_18:
0x158: {  	s17 =	sadd.s32 s6, s2;
	s0 =	sadd.s32 @!p0 $0x10, s0;
	v6 =	vor.u32 @!p0 s12, v4;
	[tilespmem:$0x1BEB0] =	vst @!p0 v5;
	s12 =	simm.s32 @!p0 $0x3  }
0x159: {  	s21 =	simm.s32 @!p0 $0x1BE80;
	s22 =	simm.s32 @!p0 $0x13E80;
	v4 =	vor.u32 @!p0 s0, v4;
	[tilespmem:$0x1BEA0] =	vst @!p0 v6;
	s0 =	simm.s32 @!p0 $0x80  }
0x15a: {  	s11 =	sadd.s32 $0x800, s11;
	p1 =	sgt.u32 s17, $0x4E;
	[tilespmem:$0x1BE90] =	vst @!p0 v4  }
0x15b: {  	[spmem:s1] =	stream.indirect.scatter @!p0 [tilespmem:s22], [sflag:$0x3], $0x80, s21, s0, $0xb8;
	[tilespmem:$0x1BF00] =	vst v63  }
0x15c: {  	s0 =	smin.u32 @!p1 s11, $0x2690;
	_ =	swait.ge @!p0 [sflag:s12], $0x4000  }
0x15d: {  	s6 =	sadd.s32 $0x10, s6;
	v4 =	vlaneseq.u32 @!p1;
	s17 =	sadd.s32 @!p1 $0x70, s0;
	[sflag:s12] =	ssyncset.done @!p0 $0x0  }
0x15e: {  	v5 =	vor.u32 @!p1 s0, v4;
	[sflag:s12] =	ssyncadd.s32 @!p0 $0xFFFFC000;
	p0 =	por p1, p1;
	p1 =	sne.s32 s6, $0x50  }
.Ltmp12:
0x15f: {  	[tilespmem:$0x1BE80] =	vst @!p0 v5;
	s12 =	sor.u32 @!p0 $0x60, s0;
	v5 =	vor.u32 @!p0 s17, v4;
	(pc) =	sbr.rel @p1 .LBB2_18-.Ltmp12, $4  }
0x160: {  	s17 =	sadd.s32 @!p0 $0x50, s0;
	v6 =	vor.u32 @!p0 s12, v4;
	[tilespmem:$0x1BEF0] =	vst @!p0 v5  }
0x161: {  	s12 =	sor.u32 @!p0 $0x40, s0;
	v5 =	vor.u32 @!p0 s17, v4;
	[tilespmem:$0x1BEE0] =	vst @!p0 v6  }
0x162: {  	s17 =	sadd.s32 @!p0 $0x30, s0;
	v6 =	vor.u32 @!p0 s12, v4;
	[tilespmem:$0x1BED0] =	vst @!p0 v5  }
0x163: {  	s12 =	sor.u32 @!p0 $0x20, s0;
	v5 =	vor.u32 @!p0 s17, v4;
	[tilespmem:$0x1BEC0] =	vst @!p0 v6  }
0x164: {  	s0 =	sadd.s32 @!p0 $0x10, s0;
	v6 =	vor.u32 @!p0 s12, v4;
	[tilespmem:$0x1BEB0] =	vst @!p0 v5  }
0x165: {  	s6 =	simm.s32 @!p0 $0x3;
	v4 =	vor.u32 @!p0 s0, v4;
	[tilespmem:$0x1BEA0] =	vst @!p0 v6  }
0x166: {  	s11 =	simm.s32 @!p0 $0x1BE80;
	s12 =	simm.s32 @!p0 $0x13E80;
	s0 =	simm.s32 @!p0 $0x80;
	[tilespmem:$0x1BE90] =	vst @!p0 v4  }
0x167: {  	[spmem:s1] =	stream.indirect.scatter @!p0 [tilespmem:s12], [sflag:$0x3], $0x80, s11, s0, $0xb8;
	[tilespmem:$0x1BF00] =	vst v63  }
.Ltmp13:
0x168: {  	_ =	swait.ge @!p0 [sflag:s6], $0x4000;
	(pc) =	sbr.rel .LBB2_20-.Ltmp13, $4  }
0x169: {  	[sflag:s6] =	ssyncset.done @!p0 $0x0  }
0x16a: {  	[sflag:s6] =	ssyncadd.s32 @!p0 $0xFFFFC000  }
0x16b: {  	s17 =	simm.s32 $0x13C80;
	s21 =	simm.s32 $0x13D00;
	[bflag:$0x0] =	sbarrier.arrive $0xFFFF  }
0x16c: {  	s11 =	simm.s32 $0x0;
	s12 =	simm.s32 $0x13880;
	s6 =	stileid.u32  }
.LBB2_22:
0x16d: {  	s11 =	sadd.s32 $0x400, s11  }
0x16e: {  	p0 =	sne.s32 s11, $0xA000  }
.Ltmp14:
0x16f: {  	_ = 	snop;
	(pc) =	sbr.rel @!p0 .LBB2_23-.Ltmp14, $2  }
0x170: {  	_ =	sdelay $0x2  }
0x171: {  	s6 =	sadd.s32 $0x10, s6  }
.LBB2_20:
0x172: {  	p0 =	sgt.u32 s6, $0x270  }
.Ltmp15:
0x173: {  	_ = 	snop;
	(pc) =	sbr.rel @p0 .LBB2_22-.Ltmp15, $1  }
0x174: {  	_ =	sdelay $0x3  }
0x175: {  	s0 =	sadd.s32 s11, s14  }
0x176: {  	[tilespmem:s12], [sflag:$0x4] =	stream.linear.gather [hbm4b:s0+s3], $0x200, $0x38;
	[tilespmem:$0x1BF00] =	vst v63  }
0x177: {  	_ =	swait.ge [sflag:s18], $0x200  }
0x178: {  	[sflag:s18] =	ssyncset.done $0x0  }
0x179: {  	s22 =	sadd.s32 s11, s13;
	[sflag:s18] =	ssyncadd.s32 $0xFFFFFE00  }
0x17a: {  	[tilespmem:s19], [sflag:$0x4] =	stream.linear.gather [hbm4b:s22+s3], $0x200, $0x38;
	[tilespmem:$0x1BF00] =	vst v63  }
0x17b: {  	_ =	swait.ge [sflag:s18], $0x200  }
0x17c: {  	[sflag:s18] =	ssyncset.done $0x0  }
0x17d: {  	[sflag:s18] =	ssyncadd.s32 $0xFFFFFE00  }
0x17e: {  	v4 =	vld [tilespmem:$0x13880]  }
0x17f: {  	v5 =	vld [tilespmem:$0x13890]  }
0x180: {  	v6 =	vld [tilespmem:$0x138A0]  }
0x181: {  	v7 =	vld [tilespmem:$0x138B0]  }
0x182: {  	v8 =	vld [tilespmem:$0x138C0]  }
0x183: {  	v9 =	vld [tilespmem:$0x138D0];
	v4 =	vadd.s32 v2, v4  }
0x184: {  	[tilespmem:$0x13C80] =	vst v4;
	v4 =	vadd.s32 v2, v5;
	v5 =	vld [tilespmem:$0x138E0]  }
0x185: {  	v44 =	vld [tilespmem:$0x138F0];
	[tilespmem:$0x13C90] =	vst v4;
	v4 =	vadd.s32 v2, v6  }
0x186: {  	v45 =	vld [tilespmem:$0x13900];
	[tilespmem:$0x13CA0] =	vst v4;
	v4 =	vadd.s32 v2, v7  }
0x187: {  	v46 =	vld [tilespmem:$0x13910];
	[tilespmem:$0x13CB0] =	vst v4;
	v4 =	vadd.s32 v2, v8  }
0x188: {  	v47 =	vld [tilespmem:$0x13920];
	[tilespmem:$0x13CC0] =	vst v4;
	v4 =	vadd.s32 v2, v9  }
0x189: {  	[tilespmem:$0x13CD0] =	vst v4;
	v4 =	vadd.s32 v2, v5;
	v5 =	vld [tilespmem:$0x13930]  }
0x18a: {  	v48 =	vld [tilespmem:$0x13940];
	[tilespmem:$0x13CE0] =	vst v4;
	v4 =	vadd.s32 v2, v44  }
0x18b: {  	v49 =	vld [tilespmem:$0x13950];
	[tilespmem:$0x13CF0] =	vst v4;
	v4 =	vadd.s32 v2, v45  }
0x18c: {  	v50 =	vld [tilespmem:$0x13960];
	[tilespmem:$0x13D00] =	vst v4;
	v4 =	vadd.s32 v2, v46  }
0x18d: {  	v51 =	vld [tilespmem:$0x13970];
	[tilespmem:$0x13D10] =	vst v4;
	v4 =	vadd.s32 v2, v47  }
0x18e: {  	[tilespmem:$0x13D20] =	vst v4;
	v4 =	vadd.s32 v2, v5;
	v5 =	vld [tilespmem:$0x13980]  }
0x18f: {  	v52 =	vld [tilespmem:$0x13990];
	[tilespmem:$0x13D30] =	vst v4;
	v4 =	vadd.s32 v2, v48  }
0x190: {  	v53 =	vld [tilespmem:$0x139A0];
	[tilespmem:$0x13D40] =	vst v4;
	v4 =	vadd.s32 v2, v49  }
0x191: {  	v54 =	vld [tilespmem:$0x139B0];
	[tilespmem:$0x13D50] =	vst v4;
	v4 =	vadd.s32 v2, v50  }
0x192: {  	v55 =	vld [tilespmem:$0x139C0];
	[tilespmem:$0x13D60] =	vst v4;
	v4 =	vadd.s32 v2, v51  }
0x193: {  	[tilespmem:$0x13D70] =	vst v4;
	v4 =	vadd.s32 v2, v5;
	v5 =	vld [tilespmem:$0x139D0]  }
0x194: {  	v56 =	vld [tilespmem:$0x139E0];
	[tilespmem:$0x13D80] =	vst v4;
	v4 =	vadd.s32 v2, v52  }
0x195: {  	v57 =	vld [tilespmem:$0x139F0];
	[tilespmem:$0x13D90] =	vst v4;
	v4 =	vadd.s32 v2, v53  }
0x196: {  	v58 =	vld [tilespmem:$0x13A00];
	[tilespmem:$0x13DA0] =	vst v4;
	v4 =	vadd.s32 v2, v54  }
0x197: {  	v59 =	vld [tilespmem:$0x13A10];
	[tilespmem:$0x13DB0] =	vst v4;
	v4 =	vadd.s32 v2, v55  }
0x198: {  	[tilespmem:$0x13DC0] =	vst v4;
	v4 =	vadd.s32 v2, v5;
	v5 =	vld [tilespmem:$0x13A20]  }
0x199: {  	v60 =	vld [tilespmem:$0x13A30];
	[tilespmem:$0x13DD0] =	vst v4;
	v4 =	vadd.s32 v2, v56  }
0x19a: {  	v61 =	vld [tilespmem:$0x13A40];
	[tilespmem:$0x13DE0] =	vst v4;
	v4 =	vadd.s32 v2, v57  }
0x19b: {  	v62 =	vld [tilespmem:$0x13A50];
	[tilespmem:$0x13DF0] =	vst v4;
	v4 =	vadd.s32 v2, v58  }
0x19c: {  	v63 =	vld [tilespmem:$0x13A60];
	[tilespmem:$0x13E00] =	vst v4;
	v4 =	vadd.s32 v2, v59  }
0x19d: {  	[tilespmem:$0x13E10] =	vst v4;
	v4 =	vadd.s32 v2, v5;
	v5 =	vld [tilespmem:$0x13A70]  }
0x19e: {  	[tilespmem:$0x13E20] =	vst v4;
	v4 =	vadd.s32 v2, v60  }
0x19f: {  	[tilespmem:$0x13E30] =	vst v4;
	v4 =	vadd.s32 v2, v61  }
0x1a0: {  	[tilespmem:$0x13E40] =	vst v4;
	v4 =	vadd.s32 v2, v62  }
0x1a1: {  	[tilespmem:$0x13E50] =	vst v4;
	v4 =	vadd.s32 v2, v63  }
0x1a2: {  	[tilespmem:$0x13E60] =	vst v4;
	v4 =	vadd.s32 v2, v5  }
0x1a3: {  	[tilespmem:$0x13E70] =	vst v4  }
0x1a4: {  	[tilespmem:s15], [sflag:$0x1] =	stream.indirect.gather [hbm4b:s4+s20], $0x80, s17, s20, $0xb8;
	[tilespmem:$0x1BF00] =	vst v63  }
0x1a5: {  	_ = 	snop  }
0x1a6: {  	[tilespmem:s23], [sflag:$0x2] =	stream.indirect.gather [hbm4b:s4+s20], $0x80, s21, s20, $0xb8;
	[tilespmem:$0x1BF00] =	vst v63  }
0x1a7: {  	_ =	swait.ge [sflag:s24], $0x4000  }
0x1a8: {  	[sflag:s24] =	ssyncset.done $0x0  }
0x1a9: {  	[sflag:s24] =	ssyncadd.s32 $0xFFFFC000  }
0x1aa: {  	[spmem:s1] =	stream.indirect.scatter.add.f32 [tilespmem:s15], [sflag:$0x4], $0x80, s19, s20, $0xb8;
	[tilespmem:$0x1BF00] =	vst v63  }
0x1ab: {  	_ =	swait.ge [sflag:s18], $0x4000  }
0x1ac: {  	[sflag:s18] =	ssyncset.done $0x0  }
0x1ad: {  	[sflag:s18] =	ssyncadd.s32 $0xFFFFC000  }
0x1ae: {  	[tilespmem:s15], [sflag:$0x1] =	stream.indirect.gather [hbm4b:s4+s20], $0x80, s25, s20, $0xb8;
	[tilespmem:$0x1BF00] =	vst v63  }
0x1af: {  	_ =	swait.ge [sflag:s26], $0x4000  }
0x1b0: {  	[sflag:s26] =	ssyncset.done $0x0  }
0x1b1: {  	[sflag:s26] =	ssyncadd.s32 $0xFFFFC000  }
0x1b2: {  	[spmem:s1] =	stream.indirect.scatter.add.f32 [tilespmem:s23], [sflag:$0x4], $0x80, s28, s20, $0xb8;
	[tilespmem:$0x1BF00] =	vst v63  }
0x1b3: {  	_ =	swait.ge [sflag:s18], $0x4000  }
0x1b4: {  	[sflag:s18] =	ssyncset.done $0x0  }
0x1b5: {  	[sflag:s18] =	ssyncadd.s32 $0xFFFFC000  }
0x1b6: {  	[tilespmem:s23], [sflag:$0x2] =	stream.indirect.gather [hbm4b:s4+s20], $0x80, s29, s20, $0xb8;
	[tilespmem:$0x1BF00] =	vst v63  }
0x1b7: {  	_ =	swait.ge [sflag:s24], $0x4000  }
0x1b8: {  	[sflag:s24] =	ssyncset.done $0x0  }
0x1b9: {  	[sflag:s24] =	ssyncadd.s32 $0xFFFFC000  }
0x1ba: {  	[spmem:s1] =	stream.indirect.scatter.add.f32 [tilespmem:s15], [sflag:$0x4], $0x80, s30, s20, $0xb8;
	[tilespmem:$0x1BF00] =	vst v63  }
0x1bb: {  	_ =	swait.ge [sflag:s18], $0x4000  }
0x1bc: {  	[sflag:s18] =	ssyncset.done $0x0  }
0x1bd: {  	[sflag:s18] =	ssyncadd.s32 $0xFFFFC000  }
0x1be: {  	_ =	swait.ge [sflag:s26], $0x4000  }
0x1bf: {  	[sflag:s26] =	ssyncset.done $0x0  }
.Ltmp16:
0x1c0: {  	[sflag:s26] =	ssyncadd.s32 $0xFFFFC000;
	(pc) =	sbr.rel .LBB2_22-.Ltmp16, $4  }
0x1c1: {  	[spmem:s1] =	stream.indirect.scatter.add.f32 [tilespmem:s23], [sflag:$0x3], $0x80, s31, s20, $0xb8;
	[tilespmem:$0x1BF00] =	vst v63  }
0x1c2: {  	_ =	swait.ge [sflag:s16], $0x4000  }
0x1c3: {  	[sflag:s16] =	ssyncset.done $0x0  }
0x1c4: {  	[sflag:s16] =	ssyncadd.s32 $0xFFFFC000  }
.LBB2_23:
0x1c5: {  	s0 =	sadd.s32 $0x0, s2  }
0x1c6: {  	s17 =	rddreg [dreg:$0x5];
	p1 =	sgt.u32 s0, $0x4E  }
0x1c7: {  	s0 =	smin.u32 @!p1 s17, $0x2690;
	v4 =	vlaneseq.u32 @!p1  }
0x1c8: {  	[bflag:$0x0] =	sbarrier.arrive $0xFFFF;
	s6 =	sadd.s32 @!p1 $0x10, s0;
	v5 =	vor.u32 @!p1 s0, v4  }
0x1c9: {  	s11 =	sor.u32 @!p1 $0x20, s0;
	v6 =	vor.u32 @!p1 s6, v4;
	[tilespmem:$0x1BE80] =	vst @!p1 v5  }
0x1ca: {  	p0 =	por p1, p1;
	v5 =	vor.u32 @!p1 s11, v4;
	s6 =	sadd.s32 @!p1 $0x50, s0;
	[tilespmem:$0x1BE90] =	vst @!p1 v6  }
0x1cb: {  	v6 =	vor.u32 @!p1 s6, v4;
	s6 =	sadd.s32 @!p1 $0x70, s0;
	[tilespmem:$0x1BEA0] =	vst @!p0 v5  }
0x1cc: {  	s11 =	sadd.s32 @!p1 $0x30, s0;
	v5 =	vor.u32 @!p1 s6, v4;
	[tilespmem:$0x1BED0] =	vst @!p0 v6  }
0x1cd: {  	s12 =	sor.u32 @!p1 $0x40, s0;
	s21 =	simm.s32 @!p0 $0x80;
	v6 =	vor.u32 @!p1 s11, v4;
	[tilespmem:$0x1BEF0] =	vst @!p0 v5  }
0x1ce: {  	s22 =	simm.s32 @!p0 $0x1BE80;
	s11 =	sadd.s32 @!p1 s9, s0;
	s0 =	sor.u32 @!p1 $0x60, s0;
	v5 =	vor.u32 @!p1 s12, v4;
	[tilespmem:$0x1BEB0] =	vst @!p0 v6  }
0x1cf: {  	s6 =	simm.s32 @!p1 $0x4;
	s12 =	sshll.u32 @!p0 s11, $0x4;
	v4 =	vor.u32 @!p1 s0, v4;
	s11 =	simm.s32 $0x10;
	[tilespmem:$0x1BEC0] =	vst @!p0 v5  }
0x1d0: {  	s0 =	sadd.s32 $0x800, s17;
	s17 =	simm.s32 @!p0 $0x13E80;
	s12 =	sadd.s32 @!p0 s7, s12;
	[tilespmem:$0x1BEE0] =	vst @!p0 v4  }
.LBB2_24:
0x1d1: {  	[tilespmem:s17], [sflag:$0x4] =	stream.indirect.gather @!p0 [spmem:s1], $0x80, s22, s21, $0xb8;
	[tilespmem:$0x1BF00] =	vst v63  }
0x1d2: {  	s21 =	smov.u32 s11  }
0x1d3: {  	s11 =	sadd.s32 $0x10, s11;
	s22 =	simm.s32 @!p0 $0x3;
	_ =	swait.ge @!p0 [sflag:s6], $0x4000  }
0x1d4: {  	s21 =	sadd.s32 s21, s2;
	p1 =	sne.s32 s11, $0x50;
	[sflag:s6] =	ssyncset.done @!p0 $0x0  }
0x1d5: {  	p2 =	sgt.u32 s21, $0x4E;
	[sflag:s6] =	ssyncadd.s32 @!p0 $0xFFFFC000;
	s6 =	simm.s32 @!p0 $0x0  }
0x1d6: {  	[hbm4b:s12+s6] =	stream.linear.scatter @!p0 [tilespmem:s17], [sflag:$0x3], $0x4000, $0x38;
	[tilespmem:$0x1BF00] =	vst v63  }
0x1d7: {  	s12 =	smin.u32 @!p2 s0, $0x2690;
	s6 =	simm.s32 @!p2 $0x4;
	_ =	swait.ge @!p0 [sflag:s22], $0x4000  }
0x1d8: {  	v4 =	vlaneseq.u32 @!p2;
	s17 =	sadd.s32 @!p2 $0x10, s12;
	s21 =	sor.u32 @!p2 $0x20, s12;
	[sflag:s22] =	ssyncset.done @!p0 $0x0  }
0x1d9: {  	v5 =	vor.u32 @!p2 s12, v4;
	v6 =	vor.u32 @!p2 s17, v4;
	v7 =	vor.u32 @!p2 s21, v4;
	s17 =	sor.u32 @!p2 $0x40, s12;
	s21 =	sadd.s32 @!p2 $0x50, s12;
	[sflag:s22] =	ssyncadd.s32 @!p0 $0xFFFFC000  }
0x1da: {  	s22 =	sadd.s32 @!p2 $0x30, s12;
	v8 =	vor.u32 @!p2 s21, v4;
	s21 =	sadd.s32 @!p2 $0x70, s12;
	[tilespmem:$0x1BE80] =	vst @!p2 v5;
	v5 =	vor.u32 @!p2 s17, v4;
	s17 =	sor.u32 @!p2 $0x60, s12  }
0x1db: {  	p0 =	por p2, p2;
	s12 =	sadd.s32 @!p2 s9, s12;
	[tilespmem:$0x1BE90] =	vst @!p2 v6;
	v6 =	vor.u32 @!p2 s22, v4;
	v9 =	vor.u32 @!p2 s17, v4;
	v4 =	vor.u32 @!p2 s21, v4  }
0x1dc: {  	s12 =	sshll.u32 @!p0 s12, $0x4;
	[tilespmem:$0x1BEA0] =	vst @!p0 v7  }
.Ltmp17:
0x1dd: {  	s12 =	sadd.s32 @!p0 s7, s12;
	[tilespmem:$0x1BED0] =	vst @!p0 v8;
	(pc) =	sbr.rel @p1 .LBB2_24-.Ltmp17, $4  }
0x1de: {  	[tilespmem:$0x1BEF0] =	vst @!p0 v4  }
0x1df: {  	[tilespmem:$0x1BEB0] =	vst @!p0 v6  }
0x1e0: {  	s0 =	sadd.s32 $0x800, s0;
	[tilespmem:$0x1BEC0] =	vst @!p0 v5  }
0x1e1: {  	s21 =	simm.s32 @!p0 $0x80;
	s22 =	simm.s32 @!p0 $0x1BE80;
	s17 =	simm.s32 @!p0 $0x13E80;
	[tilespmem:$0x1BEE0] =	vst @!p0 v9  }
0x1e2: {  	[tilespmem:s17], [sflag:$0x4] =	stream.indirect.gather @!p0 [spmem:s1], $0x80, s22, s21, $0xb8;
	[tilespmem:$0x1BF00] =	vst v63  }
0x1e3: {  	_ =	swait.ge @!p0 [sflag:s6], $0x4000  }
0x1e4: {  	[sflag:s6] =	ssyncset.done @!p0 $0x0  }
0x1e5: {  	s0 =	simm.s32 @!p0 $0x3;
	[sflag:s6] =	ssyncadd.s32 @!p0 $0xFFFFC000;
	s6 =	simm.s32 @!p0 $0x0  }
0x1e6: {  	[hbm4b:s12+s6] =	stream.linear.scatter @!p0 [tilespmem:s17], [sflag:$0x3], $0x4000, $0x38;
	[tilespmem:$0x1BF00] =	vst v63  }
0x1e7: {  	_ =	swait.ge @!p0 [sflag:s0], $0x4000  }
0x1e8: {  	[sflag:s0] =	ssyncset.done @!p0 $0x0  }
0x1e9: {  	[sflag:s0] =	ssyncadd.s32 @!p0 $0xFFFFC000  }
0x1ea: {  	[bflag:$0x0] =	sbarrier.arrive $0xFFFF  }
0x1eb: {  	s17 =	simm.s32 $0x0;
	s21 =	rddreg [dreg:$0x3]  }
0x1ec: {  	[tilespmem:s15], [sflag:$0x3] =	stream.linear.gather [hbm4b:s21+s17], $0x4000, $0x38;
	[tilespmem:$0x1BF00] =	vst v63  }
0x1ed: {  	s22 =	sadd.s32 $0x0, s2;
	_ =	swait.ge [sflag:s16], $0x4000  }
0x1ee: {  	p0 =	sgt.u32 s22, $0x4E;
	s21 =	rddreg [dreg:$0x5]  }
0x1ef: {  	v4 =	vlaneseq.u32 @!p0;
	[sflag:s16] =	ssyncset.done $0x0;
	s0 =	smin.u32 @!p0 s21, $0x2690  }
0x1f0: {  	[sflag:s16] =	ssyncadd.s32 $0xFFFFC000;
	v5 =	vor.u32 @!p0 s0, v4;
	s6 =	sadd.s32 @!p0 $0x70, s0;
	p0 =	por p0, p0  }
0x1f1: {  	[tilespmem:$0x1BE80] =	vst @!p0 v5;
	s11 =	sor.u32 @!p0 $0x60, s0;
	v5 =	vor.u32 @!p0 s6, v4  }
0x1f2: {  	s6 =	sadd.s32 @!p0 $0x50, s0;
	v6 =	vor.u32 @!p0 s11, v4;
	[tilespmem:$0x1BEF0] =	vst @!p0 v5  }
0x1f3: {  	s11 =	sor.u32 @!p0 $0x40, s0;
	v5 =	vor.u32 @!p0 s6, v4;
	[tilespmem:$0x1BEE0] =	vst @!p0 v6  }
0x1f4: {  	s17 =	sadd.s32 @!p0 $0x30, s0;
	v6 =	vor.u32 @!p0 s11, v4;
	[tilespmem:$0x1BED0] =	vst @!p0 v5  }
0x1f5: {  	s12 =	sor.u32 @!p0 $0x20, s0;
	s6 =	simm.s32 $0x10;
	v5 =	vor.u32 @!p0 s17, v4;
	s11 =	smov.u32 s21;
	[tilespmem:$0x1BEC0] =	vst @!p0 v6  }
.LBB2_26:
0x1f6: {  	s17 =	sadd.s32 s6, s2;
	s0 =	sadd.s32 @!p0 $0x10, s0;
	v6 =	vor.u32 @!p0 s12, v4;
	[tilespmem:$0x1BEB0] =	vst @!p0 v5;
	s12 =	simm.s32 @!p0 $0x3  }
0x1f7: {  	s21 =	simm.s32 @!p0 $0x1BE80;
	s22 =	simm.s32 @!p0 $0x13E80;
	v4 =	vor.u32 @!p0 s0, v4;
	[tilespmem:$0x1BEA0] =	vst @!p0 v6;
	s0 =	simm.s32 @!p0 $0x80  }
0x1f8: {  	s11 =	sadd.s32 $0x800, s11;
	p1 =	sgt.u32 s17, $0x4E;
	[tilespmem:$0x1BE90] =	vst @!p0 v4  }
0x1f9: {  	[spmem:s1] =	stream.indirect.scatter @!p0 [tilespmem:s22], [sflag:$0x3], $0x80, s21, s0, $0xb8;
	[tilespmem:$0x1BF00] =	vst v63  }
0x1fa: {  	s0 =	smin.u32 @!p1 s11, $0x2690;
	_ =	swait.ge @!p0 [sflag:s12], $0x4000  }
0x1fb: {  	s6 =	sadd.s32 $0x10, s6;
	v4 =	vlaneseq.u32 @!p1;
	s17 =	sadd.s32 @!p1 $0x70, s0;
	[sflag:s12] =	ssyncset.done @!p0 $0x0  }
0x1fc: {  	v5 =	vor.u32 @!p1 s0, v4;
	[sflag:s12] =	ssyncadd.s32 @!p0 $0xFFFFC000;
	p0 =	por p1, p1;
	p1 =	sne.s32 s6, $0x50  }
.Ltmp18:
0x1fd: {  	[tilespmem:$0x1BE80] =	vst @!p0 v5;
	s12 =	sor.u32 @!p0 $0x60, s0;
	v5 =	vor.u32 @!p0 s17, v4;
	(pc) =	sbr.rel @p1 .LBB2_26-.Ltmp18, $4  }
0x1fe: {  	s17 =	sadd.s32 @!p0 $0x50, s0;
	v6 =	vor.u32 @!p0 s12, v4;
	[tilespmem:$0x1BEF0] =	vst @!p0 v5  }
0x1ff: {  	s12 =	sor.u32 @!p0 $0x40, s0;
	v5 =	vor.u32 @!p0 s17, v4;
	[tilespmem:$0x1BEE0] =	vst @!p0 v6  }
0x200: {  	s17 =	sadd.s32 @!p0 $0x30, s0;
	v6 =	vor.u32 @!p0 s12, v4;
	[tilespmem:$0x1BED0] =	vst @!p0 v5  }
0x201: {  	s12 =	sor.u32 @!p0 $0x20, s0;
	v5 =	vor.u32 @!p0 s17, v4;
	[tilespmem:$0x1BEC0] =	vst @!p0 v6  }
0x202: {  	s0 =	sadd.s32 @!p0 $0x10, s0;
	v6 =	vor.u32 @!p0 s12, v4;
	[tilespmem:$0x1BEB0] =	vst @!p0 v5  }
0x203: {  	s6 =	simm.s32 @!p0 $0x3;
	v4 =	vor.u32 @!p0 s0, v4;
	[tilespmem:$0x1BEA0] =	vst @!p0 v6  }
0x204: {  	s11 =	simm.s32 @!p0 $0x1BE80;
	s12 =	simm.s32 @!p0 $0x13E80;
	s0 =	simm.s32 @!p0 $0x80;
	[tilespmem:$0x1BE90] =	vst @!p0 v4  }
0x205: {  	[spmem:s1] =	stream.indirect.scatter @!p0 [tilespmem:s12], [sflag:$0x3], $0x80, s11, s0, $0xb8;
	[tilespmem:$0x1BF00] =	vst v63  }
.Ltmp19:
0x206: {  	_ =	swait.ge @!p0 [sflag:s6], $0x4000;
	(pc) =	sbr.rel .LBB2_28-.Ltmp19, $4  }
0x207: {  	[sflag:s6] =	ssyncset.done @!p0 $0x0  }
0x208: {  	[sflag:s6] =	ssyncadd.s32 @!p0 $0xFFFFC000  }
0x209: {  	s17 =	simm.s32 $0x13C80;
	s21 =	simm.s32 $0x13D00;
	[bflag:$0x0] =	sbarrier.arrive $0xFFFF  }
0x20a: {  	s11 =	simm.s32 $0x0;
	s12 =	simm.s32 $0x13880;
	s6 =	stileid.u32  }
.LBB2_30:
0x20b: {  	s11 =	sadd.s32 $0x400, s11  }
0x20c: {  	p0 =	sne.s32 s11, $0xA000  }
.Ltmp20:
0x20d: {  	_ = 	snop;
	(pc) =	sbr.rel @!p0 .LBB2_31-.Ltmp20, $2  }
0x20e: {  	_ =	sdelay $0x2  }
0x20f: {  	s6 =	sadd.s32 $0x10, s6  }
.LBB2_28:
0x210: {  	p0 =	sgt.u32 s6, $0x270  }
.Ltmp21:
0x211: {  	_ = 	snop;
	(pc) =	sbr.rel @p0 .LBB2_30-.Ltmp21, $1  }
0x212: {  	_ =	sdelay $0x3  }
0x213: {  	s0 =	sadd.s32 s11, s14  }
0x214: {  	[tilespmem:s12], [sflag:$0x4] =	stream.linear.gather [hbm4b:s0+s3], $0x200, $0x38;
	[tilespmem:$0x1BF00] =	vst v63  }
0x215: {  	_ =	swait.ge [sflag:s18], $0x200  }
0x216: {  	[sflag:s18] =	ssyncset.done $0x0  }
0x217: {  	s22 =	sadd.s32 s11, s13;
	[sflag:s18] =	ssyncadd.s32 $0xFFFFFE00  }
0x218: {  	[tilespmem:s19], [sflag:$0x4] =	stream.linear.gather [hbm4b:s22+s3], $0x200, $0x38;
	[tilespmem:$0x1BF00] =	vst v63  }
0x219: {  	_ =	swait.ge [sflag:s18], $0x200  }
0x21a: {  	[sflag:s18] =	ssyncset.done $0x0  }
0x21b: {  	[sflag:s18] =	ssyncadd.s32 $0xFFFFFE00  }
0x21c: {  	v4 =	vld [tilespmem:$0x13880]  }
0x21d: {  	v5 =	vld [tilespmem:$0x13890]  }
0x21e: {  	v6 =	vld [tilespmem:$0x138A0]  }
0x21f: {  	v7 =	vld [tilespmem:$0x138B0]  }
0x220: {  	v8 =	vld [tilespmem:$0x138C0]  }
0x221: {  	v9 =	vld [tilespmem:$0x138D0];
	v4 =	vadd.s32 v3, v4  }
0x222: {  	[tilespmem:$0x13C80] =	vst v4;
	v4 =	vadd.s32 v3, v5;
	v5 =	vld [tilespmem:$0x138E0]  }
0x223: {  	v44 =	vld [tilespmem:$0x138F0];
	[tilespmem:$0x13C90] =	vst v4;
	v4 =	vadd.s32 v3, v6  }
0x224: {  	v45 =	vld [tilespmem:$0x13900];
	[tilespmem:$0x13CA0] =	vst v4;
	v4 =	vadd.s32 v3, v7  }
0x225: {  	v46 =	vld [tilespmem:$0x13910];
	[tilespmem:$0x13CB0] =	vst v4;
	v4 =	vadd.s32 v3, v8  }
0x226: {  	v47 =	vld [tilespmem:$0x13920];
	[tilespmem:$0x13CC0] =	vst v4;
	v4 =	vadd.s32 v3, v9  }
0x227: {  	[tilespmem:$0x13CD0] =	vst v4;
	v4 =	vadd.s32 v3, v5;
	v5 =	vld [tilespmem:$0x13930]  }
0x228: {  	v48 =	vld [tilespmem:$0x13940];
	[tilespmem:$0x13CE0] =	vst v4;
	v4 =	vadd.s32 v3, v44  }
0x229: {  	v49 =	vld [tilespmem:$0x13950];
	[tilespmem:$0x13CF0] =	vst v4;
	v4 =	vadd.s32 v3, v45  }
0x22a: {  	v50 =	vld [tilespmem:$0x13960];
	[tilespmem:$0x13D00] =	vst v4;
	v4 =	vadd.s32 v3, v46  }
0x22b: {  	v51 =	vld [tilespmem:$0x13970];
	[tilespmem:$0x13D10] =	vst v4;
	v4 =	vadd.s32 v3, v47  }
0x22c: {  	[tilespmem:$0x13D20] =	vst v4;
	v4 =	vadd.s32 v3, v5;
	v5 =	vld [tilespmem:$0x13980]  }
0x22d: {  	v52 =	vld [tilespmem:$0x13990];
	[tilespmem:$0x13D30] =	vst v4;
	v4 =	vadd.s32 v3, v48  }
0x22e: {  	v53 =	vld [tilespmem:$0x139A0];
	[tilespmem:$0x13D40] =	vst v4;
	v4 =	vadd.s32 v3, v49  }
0x22f: {  	v54 =	vld [tilespmem:$0x139B0];
	[tilespmem:$0x13D50] =	vst v4;
	v4 =	vadd.s32 v3, v50  }
0x230: {  	v55 =	vld [tilespmem:$0x139C0];
	[tilespmem:$0x13D60] =	vst v4;
	v4 =	vadd.s32 v3, v51  }
0x231: {  	[tilespmem:$0x13D70] =	vst v4;
	v4 =	vadd.s32 v3, v5;
	v5 =	vld [tilespmem:$0x139D0]  }
0x232: {  	v56 =	vld [tilespmem:$0x139E0];
	[tilespmem:$0x13D80] =	vst v4;
	v4 =	vadd.s32 v3, v52  }
0x233: {  	v57 =	vld [tilespmem:$0x139F0];
	[tilespmem:$0x13D90] =	vst v4;
	v4 =	vadd.s32 v3, v53  }
0x234: {  	v58 =	vld [tilespmem:$0x13A00];
	[tilespmem:$0x13DA0] =	vst v4;
	v4 =	vadd.s32 v3, v54  }
0x235: {  	v59 =	vld [tilespmem:$0x13A10];
	[tilespmem:$0x13DB0] =	vst v4;
	v4 =	vadd.s32 v3, v55  }
0x236: {  	[tilespmem:$0x13DC0] =	vst v4;
	v4 =	vadd.s32 v3, v5;
	v5 =	vld [tilespmem:$0x13A20]  }
0x237: {  	v60 =	vld [tilespmem:$0x13A30];
	[tilespmem:$0x13DD0] =	vst v4;
	v4 =	vadd.s32 v3, v56  }
0x238: {  	v61 =	vld [tilespmem:$0x13A40];
	[tilespmem:$0x13DE0] =	vst v4;
	v4 =	vadd.s32 v3, v57  }
0x239: {  	v62 =	vld [tilespmem:$0x13A50];
	[tilespmem:$0x13DF0] =	vst v4;
	v4 =	vadd.s32 v3, v58  }
0x23a: {  	v63 =	vld [tilespmem:$0x13A60];
	[tilespmem:$0x13E00] =	vst v4;
	v4 =	vadd.s32 v3, v59  }
0x23b: {  	[tilespmem:$0x13E10] =	vst v4;
	v4 =	vadd.s32 v3, v5;
	v5 =	vld [tilespmem:$0x13A70]  }
0x23c: {  	[tilespmem:$0x13E20] =	vst v4;
	v4 =	vadd.s32 v3, v60  }
0x23d: {  	[tilespmem:$0x13E30] =	vst v4;
	v4 =	vadd.s32 v3, v61  }
0x23e: {  	[tilespmem:$0x13E40] =	vst v4;
	v4 =	vadd.s32 v3, v62  }
0x23f: {  	[tilespmem:$0x13E50] =	vst v4;
	v4 =	vadd.s32 v3, v63  }
0x240: {  	[tilespmem:$0x13E60] =	vst v4;
	v4 =	vadd.s32 v3, v5  }
0x241: {  	[tilespmem:$0x13E70] =	vst v4  }
0x242: {  	[tilespmem:s15], [sflag:$0x1] =	stream.indirect.gather [hbm4b:s4+s20], $0x80, s17, s20, $0xb8;
	[tilespmem:$0x1BF00] =	vst v63  }
0x243: {  	_ = 	snop  }
0x244: {  	[tilespmem:s23], [sflag:$0x2] =	stream.indirect.gather [hbm4b:s4+s20], $0x80, s21, s20, $0xb8;
	[tilespmem:$0x1BF00] =	vst v63  }
0x245: {  	_ =	swait.ge [sflag:s24], $0x4000  }
0x246: {  	[sflag:s24] =	ssyncset.done $0x0  }
0x247: {  	[sflag:s24] =	ssyncadd.s32 $0xFFFFC000  }
0x248: {  	[spmem:s1] =	stream.indirect.scatter.add.f32 [tilespmem:s15], [sflag:$0x4], $0x80, s19, s20, $0xb8;
	[tilespmem:$0x1BF00] =	vst v63  }
0x249: {  	_ =	swait.ge [sflag:s18], $0x4000  }
0x24a: {  	[sflag:s18] =	ssyncset.done $0x0  }
0x24b: {  	[sflag:s18] =	ssyncadd.s32 $0xFFFFC000  }
0x24c: {  	[tilespmem:s15], [sflag:$0x1] =	stream.indirect.gather [hbm4b:s4+s20], $0x80, s25, s20, $0xb8;
	[tilespmem:$0x1BF00] =	vst v63  }
0x24d: {  	_ =	swait.ge [sflag:s26], $0x4000  }
0x24e: {  	[sflag:s26] =	ssyncset.done $0x0  }
0x24f: {  	[sflag:s26] =	ssyncadd.s32 $0xFFFFC000  }
0x250: {  	[spmem:s1] =	stream.indirect.scatter.add.f32 [tilespmem:s23], [sflag:$0x4], $0x80, s28, s20, $0xb8;
	[tilespmem:$0x1BF00] =	vst v63  }
0x251: {  	_ =	swait.ge [sflag:s18], $0x4000  }
0x252: {  	[sflag:s18] =	ssyncset.done $0x0  }
0x253: {  	[sflag:s18] =	ssyncadd.s32 $0xFFFFC000  }
0x254: {  	[tilespmem:s23], [sflag:$0x2] =	stream.indirect.gather [hbm4b:s4+s20], $0x80, s29, s20, $0xb8;
	[tilespmem:$0x1BF00] =	vst v63  }
0x255: {  	_ =	swait.ge [sflag:s24], $0x4000  }
0x256: {  	[sflag:s24] =	ssyncset.done $0x0  }
0x257: {  	[sflag:s24] =	ssyncadd.s32 $0xFFFFC000  }
0x258: {  	[spmem:s1] =	stream.indirect.scatter.add.f32 [tilespmem:s15], [sflag:$0x4], $0x80, s30, s20, $0xb8;
	[tilespmem:$0x1BF00] =	vst v63  }
0x259: {  	_ =	swait.ge [sflag:s18], $0x4000  }
0x25a: {  	[sflag:s18] =	ssyncset.done $0x0  }
0x25b: {  	[sflag:s18] =	ssyncadd.s32 $0xFFFFC000  }
0x25c: {  	_ =	swait.ge [sflag:s26], $0x4000  }
0x25d: {  	[sflag:s26] =	ssyncset.done $0x0  }
.Ltmp22:
0x25e: {  	[sflag:s26] =	ssyncadd.s32 $0xFFFFC000;
	(pc) =	sbr.rel .LBB2_30-.Ltmp22, $4  }
0x25f: {  	[spmem:s1] =	stream.indirect.scatter.add.f32 [tilespmem:s23], [sflag:$0x3], $0x80, s31, s20, $0xb8;
	[tilespmem:$0x1BF00] =	vst v63  }
0x260: {  	_ =	swait.ge [sflag:s16], $0x4000  }
0x261: {  	[sflag:s16] =	ssyncset.done $0x0  }
0x262: {  	[sflag:s16] =	ssyncadd.s32 $0xFFFFC000  }
.LBB2_31:
0x263: {  	s0 =	sadd.s32 $0x0, s2  }
0x264: {  	s17 =	rddreg [dreg:$0x5];
	p1 =	sgt.u32 s0, $0x4E  }
0x265: {  	s0 =	smin.u32 @!p1 s17, $0x2690;
	v4 =	vlaneseq.u32 @!p1  }
0x266: {  	[bflag:$0x0] =	sbarrier.arrive $0xFFFF;
	s6 =	sadd.s32 @!p1 $0x10, s0;
	v5 =	vor.u32 @!p1 s0, v4  }
0x267: {  	s11 =	sor.u32 @!p1 $0x20, s0;
	v6 =	vor.u32 @!p1 s6, v4;
	[tilespmem:$0x1BE80] =	vst @!p1 v5  }
0x268: {  	p0 =	por p1, p1;
	v5 =	vor.u32 @!p1 s11, v4;
	s6 =	sadd.s32 @!p1 $0x50, s0;
	[tilespmem:$0x1BE90] =	vst @!p1 v6  }
0x269: {  	v6 =	vor.u32 @!p1 s6, v4;
	s6 =	sadd.s32 @!p1 $0x70, s0;
	[tilespmem:$0x1BEA0] =	vst @!p0 v5  }
0x26a: {  	s11 =	sadd.s32 @!p1 $0x30, s0;
	v5 =	vor.u32 @!p1 s6, v4;
	[tilespmem:$0x1BED0] =	vst @!p0 v6  }
0x26b: {  	s12 =	sor.u32 @!p1 $0x40, s0;
	s21 =	simm.s32 @!p0 $0x80;
	v6 =	vor.u32 @!p1 s11, v4;
	[tilespmem:$0x1BEF0] =	vst @!p0 v5  }
0x26c: {  	s22 =	simm.s32 @!p0 $0x1BE80;
	s11 =	sadd.s32 @!p1 s10, s0;
	s0 =	sor.u32 @!p1 $0x60, s0;
	v5 =	vor.u32 @!p1 s12, v4;
	[tilespmem:$0x1BEB0] =	vst @!p0 v6  }
0x26d: {  	s6 =	simm.s32 @!p1 $0x4;
	s12 =	sshll.u32 @!p0 s11, $0x4;
	v4 =	vor.u32 @!p1 s0, v4;
	s11 =	simm.s32 $0x10;
	[tilespmem:$0x1BEC0] =	vst @!p0 v5  }
0x26e: {  	s0 =	sadd.s32 $0x800, s17;
	s17 =	simm.s32 @!p0 $0x13E80;
	s12 =	sadd.s32 @!p0 s7, s12;
	[tilespmem:$0x1BEE0] =	vst @!p0 v4  }
.LBB2_32:
0x26f: {  	[tilespmem:s17], [sflag:$0x4] =	stream.indirect.gather @!p0 [spmem:s1], $0x80, s22, s21, $0xb8;
	[tilespmem:$0x1BF00] =	vst v63  }
0x270: {  	s21 =	smov.u32 s11  }
0x271: {  	s11 =	sadd.s32 $0x10, s11;
	s22 =	simm.s32 @!p0 $0x3;
	_ =	swait.ge @!p0 [sflag:s6], $0x4000  }
0x272: {  	s21 =	sadd.s32 s21, s2;
	p1 =	sne.s32 s11, $0x50;
	[sflag:s6] =	ssyncset.done @!p0 $0x0  }
0x273: {  	p2 =	sgt.u32 s21, $0x4E;
	[sflag:s6] =	ssyncadd.s32 @!p0 $0xFFFFC000;
	s6 =	simm.s32 @!p0 $0x0  }
0x274: {  	[hbm4b:s12+s6] =	stream.linear.scatter @!p0 [tilespmem:s17], [sflag:$0x3], $0x4000, $0x38;
	[tilespmem:$0x1BF00] =	vst v63  }
0x275: {  	s12 =	smin.u32 @!p2 s0, $0x2690;
	s6 =	simm.s32 @!p2 $0x4;
	_ =	swait.ge @!p0 [sflag:s22], $0x4000  }
0x276: {  	v4 =	vlaneseq.u32 @!p2;
	s17 =	sadd.s32 @!p2 $0x10, s12;
	s21 =	sor.u32 @!p2 $0x20, s12;
	[sflag:s22] =	ssyncset.done @!p0 $0x0  }
0x277: {  	v5 =	vor.u32 @!p2 s12, v4;
	v6 =	vor.u32 @!p2 s17, v4;
	v7 =	vor.u32 @!p2 s21, v4;
	s17 =	sor.u32 @!p2 $0x40, s12;
	s21 =	sadd.s32 @!p2 $0x50, s12;
	[sflag:s22] =	ssyncadd.s32 @!p0 $0xFFFFC000  }
0x278: {  	s22 =	sadd.s32 @!p2 $0x30, s12;
	v8 =	vor.u32 @!p2 s21, v4;
	s21 =	sadd.s32 @!p2 $0x70, s12;
	[tilespmem:$0x1BE80] =	vst @!p2 v5;
	v5 =	vor.u32 @!p2 s17, v4;
	s17 =	sor.u32 @!p2 $0x60, s12  }
0x279: {  	p0 =	por p2, p2;
	s12 =	sadd.s32 @!p2 s10, s12;
	[tilespmem:$0x1BE90] =	vst @!p2 v6;
	v6 =	vor.u32 @!p2 s22, v4;
	v9 =	vor.u32 @!p2 s17, v4;
	v4 =	vor.u32 @!p2 s21, v4  }
0x27a: {  	s12 =	sshll.u32 @!p0 s12, $0x4;
	[tilespmem:$0x1BEA0] =	vst @!p0 v7  }
.Ltmp23:
0x27b: {  	s12 =	sadd.s32 @!p0 s7, s12;
	[tilespmem:$0x1BED0] =	vst @!p0 v8;
	(pc) =	sbr.rel @p1 .LBB2_32-.Ltmp23, $4  }
0x27c: {  	[tilespmem:$0x1BEF0] =	vst @!p0 v4  }
0x27d: {  	[tilespmem:$0x1BEB0] =	vst @!p0 v6  }
0x27e: {  	s0 =	sadd.s32 $0x800, s0;
	[tilespmem:$0x1BEC0] =	vst @!p0 v5  }
0x27f: {  	s21 =	simm.s32 @!p0 $0x80;
	s22 =	simm.s32 @!p0 $0x1BE80;
	s17 =	simm.s32 @!p0 $0x13E80;
	[tilespmem:$0x1BEE0] =	vst @!p0 v9  }
0x280: {  	[tilespmem:s17], [sflag:$0x4] =	stream.indirect.gather @!p0 [spmem:s1], $0x80, s22, s21, $0xb8;
	[tilespmem:$0x1BF00] =	vst v63  }
0x281: {  	_ =	swait.ge @!p0 [sflag:s6], $0x4000  }
0x282: {  	[sflag:s6] =	ssyncset.done @!p0 $0x0  }
0x283: {  	s0 =	simm.s32 @!p0 $0x3;
	[sflag:s6] =	ssyncadd.s32 @!p0 $0xFFFFC000;
	s6 =	simm.s32 @!p0 $0x0  }
0x284: {  	[hbm4b:s12+s6] =	stream.linear.scatter @!p0 [tilespmem:s17], [sflag:$0x3], $0x4000, $0x38;
	[tilespmem:$0x1BF00] =	vst v63  }
0x285: {  	_ =	swait.ge @!p0 [sflag:s0], $0x4000  }
0x286: {  	s21 =	rddreg [dreg:$0x6]  }
0x287: {  	[sflag:s0] =	ssyncset.done @!p0 $0x0;
	s22 =	rddreg [dreg:$0x4];
	s6 =	sadd.s32 $0x1, s21  }
0x288: {  	[sflag:s0] =	ssyncadd.s32 @!p0 $0xFFFFC000;
	p0 =	sne.s32 s6, s22  }
.Ltmp24:
0x289: {  	_ = 	snop;
	(pc) =	sbr.rel @p0 .LBB2_1-.Ltmp24, $2  }
0x28a: {  	_ =	sdelay $0x1  }
0x28b: {  	[bflag:$0x0] =	sbarrier.arrive $0xFFFF;
	_ =	sdelay $0x1  }
0x28c: {  	_ =	sfence.sel $0x180000  }
0x28d: {  	[bflag:$0x0] =	sbarrier.arrive $0xFFFF  }
0x28e: {  	_ =	strace $0x9000004A  }
0x28f: {  	[bflag:$0x2] =	sbarrier.arrive $0xFFFF  }
0x290: {  	p0 =	sne.s32 s2, $0x0;
	s0 =	rddreg [dreg:$0x2]  }
0x291: {  	s0 =	sadd.s32 @!p0 $0x100000, s0  }
0x292: {  	[sflag:s0] =	ssyncadd.tile.s32 @!p0 $0x1;
	_ =	shalt  }
.Lfunc_end2:
_tile_overlayer_lowered:
.L_overlay_start_2:
0x293: {  	(tag) =	ssettag $0x2  }
0x294: {  	s0 =	rddreg [dreg:$0x0];
	s2 =	stileid.u32  }
0x295: {  	s1 =	rddreg [dreg:$0x1];
	p0 =	sne.s32 s2, $0x0  }
0x296: {  	s3 =	rddreg [dreg:$0x2];
	[bflag:$0x3] =	sbarrier.arrive $0xFFFF;
	s2 =	simm.s32 @!p0 $0x1C03  }
0x297: {  	[timem:s3], [sflag:s2] =	dma.local @!p0 [hbm:s0], s1  }
0x298: {  	s0 =	simm.s32 @!p0 $0x3  }
0x299: {  	_ =	swait.ge @!p0 [sflag:s0], s1  }
0x29a: {  	s1 =	ssub.s32 @!p0 $0x0, s1;
	[sflag:s0] =	ssyncset.done @!p0 $0x0  }
0x29b: {  	[sflag:s0] =	ssyncadd.s32 @!p0 s1  }
0x29c: {  	[bflag:$0x3] =	sbarrier.arrive $0xFFFF  }
0x29d: {  	_ =	shalt  }

// kernel: kernel.7.cloned.1.call-start
scs
__scs_entry_jumppad:
0x0: {  	(pc) =	sbr.rel $0x88, $3  }
0x1: {  	(tag) =	ssettag $0x0;
	lr =	simm.s32 $0x1  }
0x2: {  	[smem:$0x3F94] =	sst lr;
	_ =	strace $0xD0000000  }
0x3: {  	_ = 	snop  }
0x4: {  	_ = 	snop  }
0x5: {  	_ = 	snop  }
0x6: {  	_ = 	snop  }
0x7: {  	_ = 	snop  }
__scs_overlays_trampoline_lowered:
0x8: {  	[smem:$0x3FA3] =	sst s0  }
0x9: {  	[smem:$0x3FA4] =	sst s1  }
0xa: {  	[smem:$0x3FA5] =	sst s2  }
0xb: {  	[smem:$0x3FA6] =	sst s3  }
0xc: {  	[smem:$0x3FA7] =	sst s4  }
0xd: {  	[smem:$0x3FA8] =	sst s5  }
0xe: {  	[smem:$0x3FA9] =	sst s6  }
0xf: {  	[smem:$0x3FAA] =	sst s7  }
0x10: {  	[smem:$0x3FAB] =	sst s8  }
0x11: {  	[smem:$0x3FAC] =	sst s9;
	s0 =	simm.s32 @!p0 $0x0  }
0x12: {  	s1 =	sld [smem:$0x3F92];
	s0 =	simm.s32 @p0 $0x1  }
0x13: {  	[smem:$0x3FAD] =	sst s0;
	s0 =	simm.s32 @!p1 $0x0  }
0x14: {  	s2 =	sld [smem:$0x3F91];
	s0 =	simm.s32 @p1 $0x1  }
0x15: {  	[smem:$0x3FAE] =	sst s0;
	s0 =	simm.s32 @!p2 $0x0  }
0x16: {  	s3 =	sld [smem:$0x3FDB];
	s0 =	simm.s32 @p2 $0x1  }
0x17: {  	s4 =	simm.s32 $0x1BF5;
	[smem:$0x3FB0] =	sst s0  }
0x18: {  	s0 =	sld [smem:$0x3F93];
	_ =	swait.ge [sflag:s4], $0x0  }
0x19: {  	s7 =	sld [smem:$0x3F94]  }
0x1a: {  	s8 =	sadd.s32 $0xFFFFE003, lr  }
0x1b: {  	s9 =	sadd.s32 $0xFFFFFEF7, lr;
	s5 =	simm.s32 $0xFFFFFFFF;
	p2 =	slt.u32 s8, $0xFFFFF086  }
0x1c: {  	p1 =	slt.u32 s9, $0xF7A;
	s5 =	simm.s32 @!p2 $0x0  }
0x1d: {  	s5 =	simm.s32 @p1 $0x1;
	p0 =	seq.s32 s7, s2  }
0x1e: {  	s7 =	smul.u32 @!p0 $0xF7A, s2;
	p2 =	seq.s32 @!p0 s5, $0x0  }
0x1f: {  	s9 =	smul.u32 $0xF7A, s1;
	s8 =	simm.s32 @!p0 $0x1BF5;
	p2 =	por !p2, p0  }
0x20: {  	[sflag:s8] =	ssyncset.s32 @!p0 $0xFFFFF086;
	s6 =	sadd.s32 @!p0 s3, s7;
	s7 =	simm.s32 @!p0 $0x108  }
0x21: {  	s3 =	sadd.s32 s3, s9;
	s6 =	sadd.s32 @!p0 $0x88, s6;
	s7 =	simm.s32 @p2 $0x1082  }
0x22: {  	[simem:s7], [sflag:s8] =	dma.local @!p0 [hbm:s6], $0xF7A  }
0x23: {  	s9 =	sor.u32 $0xD0000000, s2;
	s6 =	simm.s32 $0x108;
	_ =	swait.ge @!p0 [sflag:s8], $0x0  }
0x24: {  	s3 =	sadd.s32 $0x88, s3;
	s6 =	simm.s32 @!p1 $0x1082;
	[sflag:s4] =	ssyncset.s32 $0xFFFFF086  }
0x25: {  	[simem:s6], [sflag:s4] =	dma.local [hbm:s3], $0xF7A  }
0x26: {  	[smem:$0x3F94] =	sst s1;
	(tag) =	ssettag s2;
	_ =	strace s9  }
0x27: {  	s1 =	sld [smem:$0x3FA4]  }
0x28: {  	s2 =	sld [smem:$0x3FA5]  }
0x29: {  	s4 =	sld [smem:$0x3FA7]  }
0x2a: {  	p0 =	seq.s32 s5, $0x0;
	s5 =	sld [smem:$0x3FA8]  }
0x2b: {  	s6 =	sld [smem:$0x3FA9]  }
0x2c: {  	s7 =	sld [smem:$0x3FAA]  }
0x2d: {  	s3 =	simm.s32 $0x108;
	s8 =	sld [smem:$0x3FAB]  }
0x2e: {  	s3 =	simm.s32 @!p0 $0x1082;
	s9 =	sld [smem:$0x3FAC]  }
0x2f: {  	lr =	sadd.s32 s0, s3;
	s0 =	sld [smem:$0x3FA3]  }
0x30: {  	s3 =	sld [smem:$0x3FA6]  }
0x31: {  	[smem:$0x3FAF] =	sst s10  }
0x32: {  	s10 =	sld [smem:$0x3FAD];
	_ =	sdelay $0x3  }
0x33: {  	p0 =	seq.s32 s10, $0x1;
	s10 =	sld [smem:$0x3FAF];
	_ =	sdelay $0x3  }
0x34: {  	[smem:$0x3FAF] =	sst s10  }
0x35: {  	s10 =	sld [smem:$0x3FAE];
	_ =	sdelay $0x3  }
0x36: {  	p1 =	seq.s32 s10, $0x1;
	s10 =	sld [smem:$0x3FAF];
	_ =	sdelay $0x3  }
0x37: {  	[smem:$0x3FAF] =	sst s10  }
0x38: {  	s10 =	sld [smem:$0x3FB0]  }
0x39: {  	_ = 	snop;
	(pc) =	sbr.ind lr, $3  }
0x3a: {  	_ = 	snop  }
0x3b: {  	_ = 	snop  }
0x3c: {  	p2 =	seq.s32 s10, $0x1;
	s10 =	sld [smem:$0x3FAF]  }
0x3d: {  	_ =	shalt  }
0x3e: {  	_ =	shalt  }
0x3f: {  	_ =	shalt  }
0x40: {  	_ =	shalt  }
0x41: {  	_ =	shalt  }
0x42: {  	_ =	shalt  }
0x43: {  	_ =	shalt  }
0x44: {  	_ =	shalt  }
0x45: {  	_ =	shalt  }
0x46: {  	_ =	shalt  }
0x47: {  	_ =	shalt  }
0x48: {  	_ =	shalt  }
0x49: {  	_ =	shalt  }
0x4a: {  	_ =	shalt  }
0x4b: {  	_ =	shalt  }
0x4c: {  	_ =	shalt  }
0x4d: {  	_ =	shalt  }
0x4e: {  	_ =	shalt  }
0x4f: {  	_ =	shalt  }
0x50: {  	_ =	shalt  }
0x51: {  	_ =	shalt  }
0x52: {  	_ =	shalt  }
0x53: {  	_ =	shalt  }
0x54: {  	_ =	shalt  }
0x55: {  	_ =	shalt  }
0x56: {  	_ =	shalt  }
0x57: {  	_ =	shalt  }
0x58: {  	_ =	shalt  }
0x59: {  	_ =	shalt  }
0x5a: {  	_ =	shalt  }
0x5b: {  	_ =	shalt  }
0x5c: {  	_ =	shalt  }
0x5d: {  	_ =	shalt  }
0x5e: {  	_ =	shalt  }
0x5f: {  	_ =	shalt  }
0x60: {  	_ =	shalt  }
0x61: {  	_ =	shalt  }
0x62: {  	_ =	shalt  }
0x63: {  	_ =	shalt  }
0x64: {  	_ =	shalt  }
0x65: {  	_ =	shalt  }
0x66: {  	_ =	shalt  }
0x67: {  	_ =	shalt  }
0x68: {  	_ =	shalt  }
0x69: {  	_ =	shalt  }
0x6a: {  	_ =	shalt  }
0x6b: {  	_ =	shalt  }
0x6c: {  	_ =	shalt  }
0x6d: {  	_ =	shalt  }
0x6e: {  	_ =	shalt  }
0x6f: {  	_ =	shalt  }
0x70: {  	_ =	shalt  }
0x71: {  	_ =	shalt  }
0x72: {  	_ =	shalt  }
0x73: {  	_ =	shalt  }
0x74: {  	_ =	shalt  }
0x75: {  	_ =	shalt  }
0x76: {  	_ =	shalt  }
0x77: {  	_ =	shalt  }
0x78: {  	_ =	shalt  }
0x79: {  	_ =	shalt  }
0x7a: {  	_ =	shalt  }
0x7b: {  	_ =	shalt  }
0x7c: {  	_ =	shalt  }
0x7d: {  	_ =	shalt  }
0x7e: {  	_ =	shalt  }
0x7f: {  	_ =	shalt  }
0x80: {  	_ =	shalt  }
0x81: {  	_ =	shalt  }
0x82: {  	_ =	shalt  }
0x83: {  	_ =	shalt  }
0x84: {  	_ =	shalt  }
0x85: {  	_ =	shalt  }
0x86: {  	_ =	shalt  }
0x87: {  	_ =	shalt  }
.Lfunc_end0:
.L_simem_size_0:
called_computation_lowered:
.L_overlay_start_0:
0x88: {  	s2 =	sld [smem:$0x3FD9]  }
0x89: {  	s3 =	sld [smem:$0x3FFE];
	_ =	sdelay $0x1  }
0x8a: {  	s1 =	srdreg.scid  }
0x8b: {  	s0 =	sand.u32 $0x1, s1  }
0x8c: {  	s17 =	sshll.u32 s0, $0xA;
	s2 =	sadd.s32 s3, s2  }
0x8d: {  	s2 =	sadd.s32 s2, s17  }
0x8e: {  	[smem:$0x3FBB] =	sst s2  }
0x8f: {  	_ = 	snop  }
0x90: {  	s2 =	sld [smem:$0x3FC9];
	(tm) =	ssettm $0x1  }
0x91: {  	s18 =	sld [smem:$0x3FFB];
	_ =	sdelay $0x3  }
0x92: {  	_ =	strace s18  }
0x93: {  	s3 =	sld [smem:$0x3FFC];
	_ =	sdelay $0x3  }
0x94: {  	_ =	strace s3  }
0x95: {  	s3 =	sld [smem:$0x3FFD];
	_ =	sdelay $0x3  }
0x96: {  	_ =	strace s3  }
0x97: {  	_ =	strace $0x8FFFFFFF  }
0x98: {  	s19 =	sld [smem:$0x3FDB];
	_ =	sdelay $0x1  }
0x99: {  	s4 =	simm.s32 $_scs_section_size  }
0x9a: {  	s5 =	simm.s32 $_size__tile_overlayer_lowered;
	s6 =	simm.s32 $_tile_overlayer_lowered  }
0x9b: {  	s22 =	simm.s32 $0x1BFF;
	s21 =	sshll.u32 s6, $0x1;
	s3 =	sadd.s32 s4, s19  }
0x9c: {  	s7 =	simm.s32 $0x0;
	s20 =	sshll.u32 s5, $0x1;
	s5 =	sadd.s32 s21, s3  }
0x9d: {  	[timem:s7], [sflag:s22] =	dma.local [hbm:s5], s20  }
0x9e: {  	_ =	swait.ge [sflag:s22], s20  }
0x9f: {  	s4 =	ssub.s32 $0x0, s20;
	[sflag:s22] =	ssyncset.done $0x0  }
0xa0: {  	[sflag:s22] =	ssyncadd.s32 s4;
	_ =	sdelay $0x1  }
0xa1: {  	s23 =	simm.s32 $0x1B8B  }
0xa2: {  	_ =	swait.ge [sflag:s23], $0x1  }
0xa3: {  	[sflag:s23] =	ssyncset.done $0x0  }
0xa4: {  	s25 =	simm.s32 $0x1B8E;
	s24 =	sld [smem:$0x3FFE];
	[sflag:s23] =	ssyncadd.s32 $0xFFFFFFFF  }
0xa5: {  	s26 =	simm.s32 $execute0_lowered;
	[smem:$0x3FD2] =	sst s25  }
0xa6: {  	s5 =	sshll.u32 s26, $0x1;
	_ =	strace $0x80000046;
	[dreg:$0x1] =	wrdreg $0xFFFFFFFF  }
0xa7: {  	s28 =	simm.s32 $_size_execute0_lowered;
	s3 =	sadd.s32 s3, s5;
	[dreg:$0x0] =	wrdreg $0x0  }
0xa8: {  	s5 =	sshll.u32 s28, $0x1;
	[dreg:$0x2] =	wrdreg s3  }
0xa9: {  	[dreg:$0x3] =	wrdreg s5  }
0xaa: {  	[dreg:$0x4] =	wrdreg $0xC0  }
0xab: {  	_ =	task [dreg:s7], $0x5FFFF  }
0xac: {  	[dreg:$0x1] =	wrdreg $0xFFFFFFFF  }
0xad: {  	[dreg:$0x0] =	wrdreg $0x60  }
0xae: {  	[dreg:$0x2] =	wrdreg s2  }
0xaf: {  	[dreg:$0x3] =	wrdreg s24  }
0xb0: {  	[dreg:$0x4] =	wrdreg $0x0  }
0xb1: {  	[dreg:$0x5] =	wrdreg $0x9  }
0xb2: {  	_ =	task.clear_ibuf [dreg:s7], $0x6FFFF;
	_ =	strace $0x90000046  }
0xb3: {  	s29 =	simm.s32 $0x9;
	_ =	strace $0x80000048  }
0xb4: {  	_ =	swait.ge [sflag:s29], $0x1  }
0xb5: {  	[sflag:s29] =	ssyncadd.s32 $0xFFFFFFFF  }
0xb6: {  	_ =	strace $0x90000048  }
0xb7: {  	_ =	sfence  }
0xb8: {  	s30 =	sld [smem:$0x0];
	_ =	sdelay $0x2  }
0xb9: {  	s31 =	sshll.u32 s1, $0xD;
	s1 =	sshrl.u32 s1, $0x2  }
0xba: {  	s3 =	sand.u32 $0x4000, s31;
	s1 =	sadd.s32 s1, s30  }
0xbb: {  	s0 =	sor.u32 s3, s0;
	s1 =	sshll.u32 s1, $0x11  }
0xbc: {  	s0 =	sor.u32 s1, s0  }
0xbd: {  	s0 =	sadd.s32 $0x8F2B, s0  }
0xbe: {  	[sflag:s0] =	ssyncadd.remote.s32 $0x1  }
0xbf: {  	_ =	sfence.sel $0xFFFF  }
0xc0: {  	[dreg:$0x0] =	wrdreg $0xFFFFFFFF;
	(pc) =	sbr.abs _section_cstart, $3  }
0xc1: {  	[dreg:$0x1] =	wrdreg $0xFFFFFFFF  }
0xc2: {  	_ =	task.clear_ibuf [dreg:s7], $0x2FFFF;
	_ =	strace $0x9FFFFFFF  }
0xc3: {  	(tm) =	ssettm $0x7FFFFFFF  }
tec
execute0_lowered:
.L_overlay_start_1:
0x0: {  	(tag) =	ssettag $0x1  }
0x1: {  	s1 =	rddreg [dreg:$0x0]  }
0x2: {  	s8 =	rddreg [dreg:$0x1]  }
0x3: {  	s3 =	rddreg [dreg:$0x2]  }
0x4: {  	s0 =	rddreg [dreg:$0x3]  }
0x5: {  	s4 =	simm.s32 $0x0;
	s2 =	stileid.u32;
	s5 =	srdreg.scid  }
0x6: {  	s16 =	simm.s32 $0x2;
	s17 =	simm.s32 $0x0;
	[smem:$0x7FF] =	sst s4  }
0x7: {  	s6 =	sshll.u32 s2, $0x5;
	s14 =	sand.u32 $0x1, s5;
	s5 =	sadd.s32 $0x29C00, s8  }
0x8: {  	s7 =	sadd.s32 $0x2AC00, s8;
	s15 =	sshll.u32 s2, $0x1;
	s11 =	sshll.u32 s2, $0x7  }
0x9: {  	_ =	strace $0x80000047;
	s12 =	sadd.s32 s6, s8;
	s9 =	ssub.s32 $0x2, s14  }
0xa: {  	s6 =	sadd.s32 $0x2A400, s8;
	s13 =	sshll.u32 s14, $0x4;
	s10 =	sshrl.u32 s9, $0x1  }
0xb: {  	s8 =	sadd.s32 $0x78E00, s8;
	s13 =	sadd.s32 s13, s12;
	s10 =	ssub.s32 s9, s10  }
0xc: {  	s9 =	smul.u32 $0x138800, s14;
	s12 =	sadd.s32 $0x2400, s13;
	s13 =	sadd.s32 $0xC200, s13  }
0xd: {  	s14 =	sor.u32 s14, s15;
	s15 =	simm.s32 $0x13980;
	s10 =	smax.u32 s10, $0x1  }
.LBB2_1:
0xe: {  	[tilespmem:s15], [sflag:$0x2] =	stream.linear.gather [hbm4b:s5+s4], $0x4000, $0x38;
	[tilespmem:$0x17A00] =	vst v63  }
0xf: {  	s18 =	sadd.s32 $0x0, s2  }
0x10: {  	_ =	swait.ge [sflag:s16], $0x4000;
	p0 =	sgt.u32 s18, $0x4E  }
0x11: {  	[sflag:s16] =	ssyncset.done $0x0;
	s18 =	smin.u32 @!p0 s11, $0x2690;
	v0 =	vlaneseq.u32 @!p0  }
0x12: {  	[sflag:s16] =	ssyncadd.s32 $0xFFFFC000;
	v1 =	vor.u32 @!p0 s18, v0;
	s19 =	sadd.s32 @!p0 $0x70, s18;
	p0 =	por p0, p0  }
0x13: {  	[tilespmem:$0x17980] =	vst @!p0 v1;
	s20 =	sor.u32 @!p0 $0x60, s18;
	v1 =	vor.u32 @!p0 s19, v0  }
0x14: {  	s19 =	sadd.s32 @!p0 $0x50, s18;
	v2 =	vor.u32 @!p0 s20, v0;
	[tilespmem:$0x179F0] =	vst @!p0 v1  }
0x15: {  	s20 =	sor.u32 @!p0 $0x40, s18;
	v1 =	vor.u32 @!p0 s19, v0;
	[tilespmem:$0x179E0] =	vst @!p0 v2  }
0x16: {  	s22 =	sadd.s32 @!p0 $0x30, s18;
	v2 =	vor.u32 @!p0 s20, v0;
	[tilespmem:$0x179D0] =	vst @!p0 v1  }
0x17: {  	s21 =	sor.u32 @!p0 $0x20, s18;
	s19 =	simm.s32 $0x10;
	v1 =	vor.u32 @!p0 s22, v0;
	s20 =	smov.u32 s11;
	[tilespmem:$0x179C0] =	vst @!p0 v2  }
.LBB2_2:
0x18: {  	s22 =	sadd.s32 s19, s2;
	s18 =	sadd.s32 @!p0 $0x10, s18;
	v2 =	vor.u32 @!p0 s21, v0;
	[tilespmem:$0x179B0] =	vst @!p0 v1;
	s21 =	simm.s32 @!p0 $0x2  }
0x19: {  	s23 =	simm.s32 @!p0 $0x17980;
	s24 =	simm.s32 @!p0 $0x13980;
	v0 =	vor.u32 @!p0 s18, v0;
	[tilespmem:$0x179A0] =	vst @!p0 v2;
	s18 =	simm.s32 @!p0 $0x80  }
0x1a: {  	s20 =	sadd.s32 $0x800, s20;
	p1 =	sgt.u32 s22, $0x4E;
	[tilespmem:$0x17990] =	vst @!p0 v0  }
0x1b: {  	[spmem:s3] =	stream.indirect.scatter @!p0 [tilespmem:s24], [sflag:$0x2], $0x80, s23, s18, $0xb8;
	[tilespmem:$0x17A00] =	vst v63  }
0x1c: {  	s18 =	smin.u32 @!p1 s20, $0x2690;
	_ =	swait.ge @!p0 [sflag:s21], $0x4000  }
0x1d: {  	s19 =	sadd.s32 $0x10, s19;
	v0 =	vlaneseq.u32 @!p1;
	s22 =	sadd.s32 @!p1 $0x70, s18;
	[sflag:s21] =	ssyncset.done @!p0 $0x0  }
0x1e: {  	v1 =	vor.u32 @!p1 s18, v0;
	[sflag:s21] =	ssyncadd.s32 @!p0 $0xFFFFC000;
	p0 =	por p1, p1;
	p1 =	sne.s32 s19, $0x50  }
.Ltmp0:
0x1f: {  	[tilespmem:$0x17980] =	vst @!p0 v1;
	s21 =	sor.u32 @!p0 $0x60, s18;
	v1 =	vor.u32 @!p0 s22, v0;
	(pc) =	sbr.rel @p1 .LBB2_2-.Ltmp0, $4  }
0x20: {  	s22 =	sadd.s32 @!p0 $0x50, s18;
	v2 =	vor.u32 @!p0 s21, v0;
	[tilespmem:$0x179F0] =	vst @!p0 v1  }
0x21: {  	s21 =	sor.u32 @!p0 $0x40, s18;
	v1 =	vor.u32 @!p0 s22, v0;
	[tilespmem:$0x179E0] =	vst @!p0 v2  }
0x22: {  	s22 =	sadd.s32 @!p0 $0x30, s18;
	v2 =	vor.u32 @!p0 s21, v0;
	[tilespmem:$0x179D0] =	vst @!p0 v1  }
0x23: {  	s21 =	sor.u32 @!p0 $0x20, s18;
	v1 =	vor.u32 @!p0 s22, v0;
	[tilespmem:$0x179C0] =	vst @!p0 v2  }
0x24: {  	s18 =	sadd.s32 @!p0 $0x10, s18;
	v2 =	vor.u32 @!p0 s21, v0;
	[tilespmem:$0x179B0] =	vst @!p0 v1  }
0x25: {  	s19 =	simm.s32 @!p0 $0x2;
	v0 =	vor.u32 @!p0 s18, v0;
	[tilespmem:$0x179A0] =	vst @!p0 v2  }
0x26: {  	s20 =	simm.s32 @!p0 $0x17980;
	s21 =	simm.s32 @!p0 $0x13980;
	s18 =	simm.s32 @!p0 $0x80;
	[tilespmem:$0x17990] =	vst @!p0 v0  }
0x27: {  	[spmem:s3] =	stream.indirect.scatter @!p0 [tilespmem:s21], [sflag:$0x2], $0x80, s20, s18, $0xb8;
	[tilespmem:$0x17A00] =	vst v63  }
0x28: {  	_ =	swait.ge @!p0 [sflag:s19], $0x4000  }
0x29: {  	[sflag:s19] =	ssyncset.done @!p0 $0x0  }
0x2a: {  	[sflag:s19] =	ssyncadd.s32 @!p0 $0xFFFFC000;
	p0 =	sgt.u32 s14, $0x9C3  }
0x2b: {  	[bflag:$0x0] =	sbarrier.arrive $0xFFFF;
	s18 =	sadd.s32 @!p0 $0x0, s13  }
0x2c: {  	s19 =	simm.s32 @!p0 $0x0;
	s20 =	simm.s32 @!p0 $0x13880;
	s21 =	simm.s32 @!p0 $0x3  }
0x2d: {  	[tilespmem:s20], [sflag:$0x3] =	stream.linear.gather @!p0 [hbm4b:s18+s19], $0x80, $0x38;
	[tilespmem:$0x17A00] =	vst v63  }
0x2e: {  	_ =	swait.ge @!p0 [sflag:s21], $0x80  }
0x2f: {  	[sflag:s21] =	ssyncset.done @!p0 $0x0  }
0x30: {  	s22 =	simm.s32 @!p0 $0x13900;
	s18 =	sadd.s32 @!p0 $0x0, s12;
	[sflag:s21] =	ssyncadd.s32 @!p0 $0xFFFFFF80  }
0x31: {  	[tilespmem:s22], [sflag:$0x3] =	stream.linear.gather @!p0 [hbm4b:s18+s19], $0x80, $0x38;
	[tilespmem:$0x17A00] =	vst v63  }
0x32: {  	_ =	swait.ge @!p0 [sflag:s21], $0x80;
	p0 =	por p0, p0  }
0x33: {  	[sflag:s21] =	ssyncset.done @!p0 $0x0;
	s18 =	simm.s32 @!p0 $0x80  }
0x34: {  	s19 =	simm.s32 @!p0 $0x13980;
	[sflag:s21] =	ssyncadd.s32 @!p0 $0xFFFFFF80;
	s21 =	simm.s32 @!p0 $0x1  }
0x35: {  	[tilespmem:s19], [sflag:$0x1] =	stream.indirect.gather @!p0 [hbm4b:s1+s18], $0x80, s20, s18, $0xb8;
	[tilespmem:$0x17A00] =	vst v63  }
0x36: {  	_ =	swait.ge @!p0 [sflag:s21], $0x4000  }
0x37: {  	[sflag:s21] =	ssyncset.done @!p0 $0x0  }
0x38: {  	[sflag:s21] =	ssyncadd.s32 @!p0 $0xFFFFC000  }
0x39: {  	[spmem:s3] =	stream.indirect.scatter.add.f32 @!p0 [tilespmem:s19], [sflag:$0x2], $0x80, s22, s18, $0xb8;
	[tilespmem:$0x17A00] =	vst v63  }
0x3a: {  	s20 =	simm.s32 $0x400;
	s21 =	simm.s32 @!p0 $0x2;
	s19 =	sadd.s32 $0x20, s14  }
0x3b: {  	s18 =	simm.s32 $0x200;
	p1 =	sgt.u32 s19, $0x9C3;
	_ =	swait.ge @!p0 [sflag:s21], $0x4000  }
.LBB2_4:
0x3c: {  	s22 =	sadd.s32 @!p1 s18, s13;
	s23 =	simm.s32 @!p1 $0x0;
	[sflag:s21] =	ssyncset.done @!p0 $0x0  }
0x3d: {  	s24 =	simm.s32 @!p1 $0x13880;
	s25 =	simm.s32 @!p1 $0x3;
	[sflag:s21] =	ssyncadd.s32 @!p0 $0xFFFFC000  }
0x3e: {  	[tilespmem:s24], [sflag:$0x3] =	stream.linear.gather @!p1 [hbm4b:s22+s23], $0x80, $0x38;
	[tilespmem:$0x17A00] =	vst v63  }
0x3f: {  	s21 =	smov.u32 s20;
	s20 =	sadd.s32 $0x200, s20;
	_ =	swait.ge @!p1 [sflag:s25], $0x80  }
0x40: {  	s26 =	simm.s32 @!p1 $0x13900;
	s22 =	sadd.s32 @!p1 s18, s12;
	[sflag:s25] =	ssyncset.done @!p1 $0x0  }
0x41: {  	p2 =	sne.s32 s20, $0x9E00;
	s18 =	smov.u32 s21;
	[sflag:s25] =	ssyncadd.s32 @!p1 $0xFFFFFF80  }
0x42: {  	[tilespmem:s26], [sflag:$0x3] =	stream.linear.gather @!p1 [hbm4b:s22+s23], $0x80, $0x38;
	[tilespmem:$0x17A00] =	vst v63  }
0x43: {  	p0 =	por p1, p1;
	_ =	swait.ge @!p1 [sflag:s25], $0x80  }
0x44: {  	s22 =	simm.s32 @!p0 $0x80;
	s23 =	simm.s32 @!p0 $0x13980;
	[sflag:s25] =	ssyncset.done @!p0 $0x0  }
0x45: {  	s21 =	simm.s32 @!p0 $0x1;
	[sflag:s25] =	ssyncadd.s32 @!p0 $0xFFFFFF80  }
0x46: {  	[tilespmem:s23], [sflag:$0x1] =	stream.indirect.gather @!p0 [hbm4b:s1+s22], $0x80, s24, s22, $0xb8;
	[tilespmem:$0x17A00] =	vst v63  }
.Ltmp1:
0x47: {  	_ =	swait.ge @!p0 [sflag:s21], $0x4000;
	(pc) =	sbr.rel @p2 .LBB2_4-.Ltmp1, $4  }
0x48: {  	[sflag:s21] =	ssyncset.done @!p0 $0x0  }
0x49: {  	s19 =	sadd.s32 $0x20, s19;
	[sflag:s21] =	ssyncadd.s32 @!p0 $0xFFFFC000;
	s21 =	simm.s32 @!p0 $0x2  }
0x4a: {  	[spmem:s3] =	stream.indirect.scatter.add.f32 @!p0 [tilespmem:s23], [sflag:$0x2], $0x80, s26, s22, $0xb8;
	[tilespmem:$0x17A00] =	vst v63  }
0x4b: {  	p1 =	sgt.u32 s19, $0x9C3;
	_ =	swait.ge @!p0 [sflag:s21], $0x4000  }
0x4c: {  	s19 =	sadd.s32 @!p1 s18, s13;
	s20 =	simm.s32 @!p1 $0x0;
	[sflag:s21] =	ssyncset.done @!p0 $0x0  }
0x4d: {  	s22 =	simm.s32 @!p1 $0x13880;
	s23 =	simm.s32 @!p1 $0x3;
	[sflag:s21] =	ssyncadd.s32 @!p0 $0xFFFFC000  }
0x4e: {  	[tilespmem:s22], [sflag:$0x3] =	stream.linear.gather @!p1 [hbm4b:s19+s20], $0x80, $0x38;
	[tilespmem:$0x17A00] =	vst v63  }
0x4f: {  	_ =	swait.ge @!p1 [sflag:s23], $0x80  }
0x50: {  	[sflag:s23] =	ssyncset.done @!p1 $0x0  }
0x51: {  	s18 =	sadd.s32 @!p1 s18, s12;
	s19 =	simm.s32 @!p1 $0x13900;
	[sflag:s23] =	ssyncadd.s32 @!p1 $0xFFFFFF80  }
0x52: {  	[tilespmem:s19], [sflag:$0x3] =	stream.linear.gather @!p1 [hbm4b:s18+s20], $0x80, $0x38;
	[tilespmem:$0x17A00] =	vst v63  }
0x53: {  	p0 =	por p1, p1;
	_ =	swait.ge @!p1 [sflag:s23], $0x80  }
0x54: {  	s21 =	simm.s32 @!p0 $0x1;
	[sflag:s23] =	ssyncset.done @!p0 $0x0  }
0x55: {  	s18 =	simm.s32 @!p0 $0x80;
	s20 =	simm.s32 @!p0 $0x13980;
	[sflag:s23] =	ssyncadd.s32 @!p0 $0xFFFFFF80  }
0x56: {  	[tilespmem:s20], [sflag:$0x1] =	stream.indirect.gather @!p0 [hbm4b:s1+s18], $0x80, s22, s18, $0xb8;
	[tilespmem:$0x17A00] =	vst v63  }
0x57: {  	_ =	swait.ge @!p0 [sflag:s21], $0x4000  }
0x58: {  	[sflag:s21] =	ssyncset.done @!p0 $0x0  }
0x59: {  	[sflag:s21] =	ssyncadd.s32 @!p0 $0xFFFFC000;
	s21 =	simm.s32 @!p0 $0x2  }
0x5a: {  	[spmem:s3] =	stream.indirect.scatter.add.f32 @!p0 [tilespmem:s20], [sflag:$0x2], $0x80, s19, s18, $0xb8;
	[tilespmem:$0x17A00] =	vst v63  }
0x5b: {  	s31 =	sadd.s32 $0x0, s2;
	_ =	swait.ge @!p0 [sflag:s21], $0x4000  }
0x5c: {  	p1 =	sgt.u32 s31, $0x4E;
	[sflag:s21] =	ssyncset.done @!p0 $0x0  }
0x5d: {  	v0 =	vlaneseq.u32 @!p1;
	s19 =	smin.u32 @!p1 s11, $0x2690;
	[sflag:s21] =	ssyncadd.s32 @!p0 $0xFFFFC000  }
0x5e: {  	s18 =	sadd.s32 @!p1 $0x10, s19;
	v1 =	vor.u32 @!p1 s19, v0;
	[bflag:$0x0] =	sbarrier.arrive $0xFFFF  }
0x5f: {  	s20 =	sor.u32 @!p1 $0x20, s19;
	v2 =	vor.u32 @!p1 s18, v0;
	[tilespmem:$0x17980] =	vst @!p1 v1  }
0x60: {  	s18 =	sadd.s32 @!p1 $0x50, s19;
	p0 =	por p1, p1;
	v1 =	vor.u32 @!p1 s20, v0;
	[tilespmem:$0x17990] =	vst @!p1 v2  }
0x61: {  	v2 =	vor.u32 @!p1 s18, v0;
	s18 =	sadd.s32 @!p1 $0x70, s19;
	[tilespmem:$0x179A0] =	vst @!p0 v1  }
0x62: {  	s20 =	sadd.s32 @!p1 $0x30, s19;
	v1 =	vor.u32 @!p1 s18, v0;
	[tilespmem:$0x179D0] =	vst @!p0 v2  }
0x63: {  	s21 =	sor.u32 @!p1 $0x40, s19;
	s23 =	simm.s32 @!p0 $0x80;
	s18 =	sshll.u32 @!p1 s19, $0x7;
	v2 =	vor.u32 @!p1 s20, v0;
	[tilespmem:$0x179F0] =	vst @!p0 v1  }
0x64: {  	s24 =	simm.s32 @!p0 $0x17980;
	s20 =	sadd.s32 @!p0 s9, s18;
	v1 =	vor.u32 @!p1 s21, v0;
	s21 =	sor.u32 @!p1 $0x60, s19;
	[tilespmem:$0x179B0] =	vst @!p0 v2  }
0x65: {  	s22 =	simm.s32 @!p0 $0x13980;
	s18 =	simm.s32 $0x10;
	s20 =	sshrl.u32 @!p0 s20, $0x3;
	v0 =	vor.u32 @!p1 s21, v0;
	[tilespmem:$0x179C0] =	vst @!p0 v1  }
0x66: {  	s19 =	simm.s32 @!p1 $0x3;
	s21 =	sadd.s32 @!p0 s7, s20;
	s20 =	sadd.s32 $0x800, s11;
	[tilespmem:$0x179E0] =	vst @!p0 v0  }
.LBB2_6:
0x67: {  	[tilespmem:s22], [sflag:$0x3] =	stream.indirect.gather @!p0 [spmem:s3], $0x80, s24, s23, $0xb8;
	[tilespmem:$0x17A00] =	vst v63  }
0x68: {  	s23 =	smov.u32 s18  }
0x69: {  	s18 =	sadd.s32 $0x10, s18;
	s24 =	simm.s32 @!p0 $0x2;
	_ =	swait.ge @!p0 [sflag:s19], $0x4000  }
0x6a: {  	s23 =	sadd.s32 s23, s2;
	p1 =	sne.s32 s18, $0x50;
	[sflag:s19] =	ssyncset.done @!p0 $0x0  }
0x6b: {  	p2 =	sgt.u32 s23, $0x4E;
	[sflag:s19] =	ssyncadd.s32 @!p0 $0xFFFFC000;
	s19 =	simm.s32 @!p0 $0x0  }
0x6c: {  	[hbm4b:s21+s19] =	stream.linear.scatter @!p0 [tilespmem:s22], [sflag:$0x2], $0x4000, $0x38;
	[tilespmem:$0x17A00] =	vst v63  }
0x6d: {  	s21 =	smin.u32 @!p2 s20, $0x2690;
	s19 =	simm.s32 @!p2 $0x3;
	_ =	swait.ge @!p0 [sflag:s24], $0x4000  }
0x6e: {  	v0 =	vlaneseq.u32 @!p2;
	s22 =	sadd.s32 @!p2 $0x10, s21;
	s23 =	sor.u32 @!p2 $0x20, s21;
	[sflag:s24] =	ssyncset.done @!p0 $0x0  }
0x6f: {  	v1 =	vor.u32 @!p2 s21, v0;
	v2 =	vor.u32 @!p2 s22, v0;
	v3 =	vor.u32 @!p2 s23, v0;
	s22 =	sor.u32 @!p2 $0x40, s21;
	s23 =	sadd.s32 @!p2 $0x50, s21;
	[sflag:s24] =	ssyncadd.s32 @!p0 $0xFFFFC000  }
0x70: {  	s24 =	sadd.s32 @!p2 $0x30, s21;
	v4 =	vor.u32 @!p2 s23, v0;
	s23 =	sadd.s32 @!p2 $0x70, s21;
	[tilespmem:$0x17980] =	vst @!p2 v1;
	v1 =	vor.u32 @!p2 s22, v0;
	s22 =	sor.u32 @!p2 $0x60, s21  }
0x71: {  	p0 =	por p2, p2;
	s21 =	sshll.u32 @!p2 s21, $0x7;
	[tilespmem:$0x17990] =	vst @!p2 v2;
	v2 =	vor.u32 @!p2 s24, v0;
	v5 =	vor.u32 @!p2 s22, v0;
	v0 =	vor.u32 @!p2 s23, v0  }
0x72: {  	s21 =	sadd.s32 @!p0 s9, s21;
	[tilespmem:$0x179A0] =	vst @!p0 v3  }
.Ltmp2:
0x73: {  	s21 =	sshrl.u32 @!p0 s21, $0x3;
	[tilespmem:$0x179D0] =	vst @!p0 v4;
	(pc) =	sbr.rel @p1 .LBB2_6-.Ltmp2, $4  }
0x74: {  	s21 =	sadd.s32 @!p0 s7, s21;
	[tilespmem:$0x179F0] =	vst @!p0 v0  }
0x75: {  	[tilespmem:$0x179B0] =	vst @!p0 v2  }
0x76: {  	s20 =	sadd.s32 $0x800, s20;
	[tilespmem:$0x179C0] =	vst @!p0 v1  }
0x77: {  	s23 =	simm.s32 @!p0 $0x80;
	s24 =	simm.s32 @!p0 $0x17980;
	s22 =	simm.s32 @!p0 $0x13980;
	[tilespmem:$0x179E0] =	vst @!p0 v5  }
0x78: {  	[tilespmem:s22], [sflag:$0x3] =	stream.indirect.gather @!p0 [spmem:s3], $0x80, s24, s23, $0xb8;
	[tilespmem:$0x17A00] =	vst v63  }
0x79: {  	_ =	swait.ge @!p0 [sflag:s19], $0x4000  }
0x7a: {  	[sflag:s19] =	ssyncset.done @!p0 $0x0  }
0x7b: {  	s18 =	simm.s32 @!p0 $0x2;
	[sflag:s19] =	ssyncadd.s32 @!p0 $0xFFFFC000;
	s19 =	simm.s32 @!p0 $0x0  }
0x7c: {  	[hbm4b:s21+s19] =	stream.linear.scatter @!p0 [tilespmem:s22], [sflag:$0x2], $0x4000, $0x38;
	[tilespmem:$0x17A00] =	vst v63  }
0x7d: {  	_ =	swait.ge @!p0 [sflag:s18], $0x4000  }
0x7e: {  	[sflag:s18] =	ssyncset.done @!p0 $0x0  }
0x7f: {  	s31 =	sadd.s32 $0x0, s2;
	[sflag:s18] =	ssyncadd.s32 @!p0 $0xFFFFC000  }
0x80: {  	s30 =	simm.s32 $0x0;
	p0 =	sgt.u32 s31, $0x4E;
	[bflag:$0x0] =	sbarrier.arrive $0xFFFF  }
0x81: {  	[tilespmem:s15], [sflag:$0x2] =	stream.linear.gather [hbm4b:s5+s30], $0x4000, $0x38;
	[tilespmem:$0x17A00] =	vst v63  }
0x82: {  	s18 =	smin.u32 @!p0 s11, $0x2690;
	v0 =	vlaneseq.u32 @!p0;
	_ =	swait.ge [sflag:s16], $0x4000  }
0x83: {  	v1 =	vor.u32 @!p0 s18, v0;
	s19 =	sadd.s32 @!p0 $0x70, s18;
	p0 =	por p0, p0;
	[sflag:s16] =	ssyncset.done $0x0  }
0x84: {  	s20 =	sor.u32 @!p0 $0x60, s18;
	[sflag:s16] =	ssyncadd.s32 $0xFFFFC000  }
0x85: {  	v2 =	vor.u32 @!p0 s20, v0;
	[tilespmem:$0x17980] =	vst @!p0 v1  }
0x86: {  	s20 =	sor.u32 @!p0 $0x40, s18;
	v1 =	vor.u32 @!p0 s19, v0;
	[tilespmem:$0x179E0] =	vst @!p0 v2  }
0x87: {  	s19 =	sadd.s32 @!p0 $0x50, s18;
	v2 =	vor.u32 @!p0 s20, v0;
	[tilespmem:$0x179F0] =	vst @!p0 v1  }
0x88: {  	s22 =	sadd.s32 @!p0 $0x30, s18;
	v1 =	vor.u32 @!p0 s19, v0;
	[tilespmem:$0x179C0] =	vst @!p0 v2  }
0x89: {  	s21 =	sor.u32 @!p0 $0x20, s18;
	s20 =	smov.u32 s11;
	s19 =	simm.s32 $0x10;
	[tilespmem:$0x179D0] =	vst @!p0 v1;
	v1 =	vor.u32 @!p0 s22, v0  }
.LBB2_8:
0x8a: {  	s22 =	sadd.s32 s19, s2;
	s18 =	sadd.s32 @!p0 $0x10, s18;
	v2 =	vor.u32 @!p0 s21, v0;
	[tilespmem:$0x179B0] =	vst @!p0 v1;
	s21 =	simm.s32 @!p0 $0x2  }
0x8b: {  	s23 =	simm.s32 @!p0 $0x17980;
	s24 =	simm.s32 @!p0 $0x13980;
	v0 =	vor.u32 @!p0 s18, v0;
	[tilespmem:$0x179A0] =	vst @!p0 v2;
	s18 =	simm.s32 @!p0 $0x80  }
0x8c: {  	s20 =	sadd.s32 $0x800, s20;
	p1 =	sgt.u32 s22, $0x4E;
	[tilespmem:$0x17990] =	vst @!p0 v0  }
0x8d: {  	[spmem:s3] =	stream.indirect.scatter @!p0 [tilespmem:s24], [sflag:$0x2], $0x80, s23, s18, $0xb8;
	[tilespmem:$0x17A00] =	vst v63  }
0x8e: {  	s18 =	smin.u32 @!p1 s20, $0x2690;
	_ =	swait.ge @!p0 [sflag:s21], $0x4000  }
0x8f: {  	s19 =	sadd.s32 $0x10, s19;
	v0 =	vlaneseq.u32 @!p1;
	s22 =	sadd.s32 @!p1 $0x70, s18;
	[sflag:s21] =	ssyncset.done @!p0 $0x0  }
0x90: {  	v1 =	vor.u32 @!p1 s18, v0;
	[sflag:s21] =	ssyncadd.s32 @!p0 $0xFFFFC000;
	p0 =	por p1, p1;
	p1 =	sne.s32 s19, $0x50  }
.Ltmp3:
0x91: {  	[tilespmem:$0x17980] =	vst @!p0 v1;
	s21 =	sor.u32 @!p0 $0x60, s18;
	v1 =	vor.u32 @!p0 s22, v0;
	(pc) =	sbr.rel @p1 .LBB2_8-.Ltmp3, $4  }
0x92: {  	s22 =	sadd.s32 @!p0 $0x50, s18;
	v2 =	vor.u32 @!p0 s21, v0;
	[tilespmem:$0x179F0] =	vst @!p0 v1  }
0x93: {  	s21 =	sor.u32 @!p0 $0x40, s18;
	v1 =	vor.u32 @!p0 s22, v0;
	[tilespmem:$0x179E0] =	vst @!p0 v2  }
0x94: {  	s22 =	sadd.s32 @!p0 $0x30, s18;
	v2 =	vor.u32 @!p0 s21, v0;
	[tilespmem:$0x179D0] =	vst @!p0 v1  }
0x95: {  	s21 =	sor.u32 @!p0 $0x20, s18;
	v1 =	vor.u32 @!p0 s22, v0;
	[tilespmem:$0x179C0] =	vst @!p0 v2  }
0x96: {  	s18 =	sadd.s32 @!p0 $0x10, s18;
	v2 =	vor.u32 @!p0 s21, v0;
	[tilespmem:$0x179B0] =	vst @!p0 v1  }
0x97: {  	s19 =	simm.s32 @!p0 $0x2;
	v0 =	vor.u32 @!p0 s18, v0;
	[tilespmem:$0x179A0] =	vst @!p0 v2  }
0x98: {  	s20 =	simm.s32 @!p0 $0x17980;
	s21 =	simm.s32 @!p0 $0x13980;
	s18 =	simm.s32 @!p0 $0x80;
	[tilespmem:$0x17990] =	vst @!p0 v0  }
0x99: {  	[spmem:s3] =	stream.indirect.scatter @!p0 [tilespmem:s21], [sflag:$0x2], $0x80, s20, s18, $0xb8;
	[tilespmem:$0x17A00] =	vst v63  }
0x9a: {  	_ =	swait.ge @!p0 [sflag:s19], $0x4000  }
0x9b: {  	[sflag:s19] =	ssyncset.done @!p0 $0x0  }
0x9c: {  	s29 =	simm.s32 $0x0;
	[sflag:s19] =	ssyncadd.s32 @!p0 $0xFFFFC000  }
0x9d: {  	[tilespmem:s15], [sflag:$0x2] =	stream.linear.gather [hbm4b:s6+s29], $0x4000, $0x38;
	[tilespmem:$0x17A00] =	vst v63  }
0x9e: {  	s30 =	sadd.s32 $0x0, s14;
	_ =	swait.ge [sflag:s16], $0x4000  }
0x9f: {  	p1 =	sgt.u32 s30, $0x9C3;
	[sflag:s16] =	ssyncset.done $0x0  }
0xa0: {  	s18 =	simm.s32 @!p1 $0x0;
	p0 =	por p1, p1;
	[sflag:s16] =	ssyncadd.s32 $0xFFFFC000  }
0xa1: {  	s19 =	simm.s32 @!p1 $0x13900;
	s20 =	simm.s32 @!p0 $0x3;
	[bflag:$0x0] =	sbarrier.arrive $0xFFFF  }
0xa2: {  	[tilespmem:s19], [sflag:$0x3] =	stream.linear.gather @!p0 [hbm4b:s12+s18], $0x80, $0x38;
	[tilespmem:$0x17A00] =	vst v63  }
0xa3: {  	_ =	swait.ge @!p0 [sflag:s20], $0x80  }
0xa4: {  	s31 =	sadd.s32 $0x20, s14;
	[sflag:s20] =	ssyncset.done @!p0 $0x0  }
0xa5: {  	s18 =	simm.s32 @!p0 $0x80;
	[sflag:s20] =	ssyncadd.s32 @!p0 $0xFFFFFF80;
	s20 =	simm.s32 @!p0 $0x13980  }
0xa6: {  	[spmem:s3] =	stream.indirect.scatter.add.f32 @!p0 [tilespmem:s20], [sflag:$0x2], $0x80, s19, s18, $0xb8;
	[tilespmem:$0x17A00] =	vst v63  }
0xa7: {  	p1 =	sgt.u32 s31, $0x9C3;
	s20 =	simm.s32 @!p0 $0x2  }
0xa8: {  	s19 =	simm.s32 $0x40;
	s18 =	sadd.s32 $0x200, s12;
	_ =	swait.ge @!p0 [sflag:s20], $0x4000  }
.LBB2_10:
0xa9: {  	s21 =	simm.s32 @!p1 $0x0  }
0xaa: {  	s22 =	simm.s32 @!p1 $0x13900;
	[sflag:s20] =	ssyncset.done @!p0 $0x0;
	s23 =	smov.u32 s19  }
0xab: {  	p2 =	por p0, p0;
	p0 =	por p1, p1;
	s19 =	sadd.s32 $0x20, s19  }
0xac: {  	s24 =	simm.s32 @!p0 $0x3;
	[sflag:s20] =	ssyncadd.s32 @!p2 $0xFFFFC000;
	p2 =	sne.s32 s19, $0x9E0  }
0xad: {  	[tilespmem:s22], [sflag:$0x3] =	stream.linear.gather @!p0 [hbm4b:s18+s21], $0x80, $0x38;
	[tilespmem:$0x17A00] =	vst v63  }
.Ltmp4:
0xae: {  	_ =	swait.ge @!p0 [sflag:s24], $0x80;
	(pc) =	sbr.rel @p2 .LBB2_10-.Ltmp4, $4  }
0xaf: {  	s20 =	simm.s32 @!p0 $0x2;
	s21 =	sadd.s32 s23, s14;
	[sflag:s24] =	ssyncset.done @!p0 $0x0  }
0xb0: {  	s23 =	simm.s32 @!p0 $0x80;
	[sflag:s24] =	ssyncadd.s32 @!p0 $0xFFFFFF80;
	s24 =	simm.s32 @!p0 $0x13980  }
0xb1: {  	[spmem:s3] =	stream.indirect.scatter.add.f32 @!p0 [tilespmem:s24], [sflag:$0x2], $0x80, s22, s23, $0xb8;
	[tilespmem:$0x17A00] =	vst v63  }
0xb2: {  	s18 =	sadd.s32 $0x200, s18;
	p1 =	sgt.u32 s21, $0x9C3;
	_ =	swait.ge @!p0 [sflag:s20], $0x4000  }
0xb3: {  	s19 =	simm.s32 @!p1 $0x0  }
0xb4: {  	[sflag:s20] =	ssyncset.done @!p0 $0x0;
	p2 =	por p0, p0;
	p0 =	por p1, p1  }
0xb5: {  	s21 =	simm.s32 @!p1 $0x13900;
	s22 =	simm.s32 @!p0 $0x3;
	[sflag:s20] =	ssyncadd.s32 @!p2 $0xFFFFC000  }
0xb6: {  	[tilespmem:s21], [sflag:$0x3] =	stream.linear.gather @!p0 [hbm4b:s18+s19], $0x80, $0x38;
	[tilespmem:$0x17A00] =	vst v63  }
0xb7: {  	_ =	swait.ge @!p0 [sflag:s22], $0x80  }
0xb8: {  	s20 =	simm.s32 @!p0 $0x13980;
	[sflag:s22] =	ssyncset.done @!p0 $0x0  }
0xb9: {  	s18 =	simm.s32 @!p0 $0x2;
	s19 =	simm.s32 @!p0 $0x80;
	[sflag:s22] =	ssyncadd.s32 @!p0 $0xFFFFFF80  }
0xba: {  	[spmem:s3] =	stream.indirect.scatter.add.f32 @!p0 [tilespmem:s20], [sflag:$0x2], $0x80, s21, s19, $0xb8;
	[tilespmem:$0x17A00] =	vst v63  }
0xbb: {  	s31 =	sadd.s32 $0x0, s2;
	_ =	swait.ge @!p0 [sflag:s18], $0x4000  }
0xbc: {  	p1 =	sgt.u32 s31, $0x4E;
	[sflag:s18] =	ssyncset.done @!p0 $0x0;
	p0 =	por p0, p0  }
0xbd: {  	v0 =	vlaneseq.u32 @!p1;
	s19 =	smin.u32 @!p1 s11, $0x2690;
	[sflag:s18] =	ssyncadd.s32 @!p0 $0xFFFFC000  }
0xbe: {  	v1 =	vor.u32 @!p1 s19, v0;
	s18 =	sadd.s32 @!p1 $0x10, s19;
	[bflag:$0x0] =	sbarrier.arrive $0xFFFF  }
0xbf: {  	s20 =	sor.u32 @!p1 $0x20, s19;
	v2 =	vor.u32 @!p1 s18, v0;
	[tilespmem:$0x17980] =	vst @!p1 v1  }
0xc0: {  	p0 =	por p1, p1;
	s18 =	sadd.s32 @!p1 $0x50, s19;
	v1 =	vor.u32 @!p1 s20, v0;
	[tilespmem:$0x17990] =	vst @!p1 v2  }
0xc1: {  	v2 =	vor.u32 @!p1 s18, v0;
	s18 =	sadd.s32 @!p1 $0x70, s19;
	[tilespmem:$0x179A0] =	vst @!p0 v1  }
0xc2: {  	s20 =	sadd.s32 @!p1 $0x30, s19;
	v1 =	vor.u32 @!p1 s18, v0;
	[tilespmem:$0x179D0] =	vst @!p0 v2  }
0xc3: {  	s21 =	sor.u32 @!p1 $0x40, s19;
	s23 =	simm.s32 @!p0 $0x80;
	s18 =	sshll.u32 @!p1 s19, $0x7;
	v2 =	vor.u32 @!p1 s20, v0;
	[tilespmem:$0x179F0] =	vst @!p0 v1  }
0xc4: {  	s24 =	simm.s32 @!p0 $0x17980;
	s20 =	sadd.s32 @!p0 s9, s18;
	v1 =	vor.u32 @!p1 s21, v0;
	s21 =	sor.u32 @!p1 $0x60, s19;
	[tilespmem:$0x179B0] =	vst @!p0 v2  }
0xc5: {  	s22 =	simm.s32 @!p0 $0x13980;
	s18 =	simm.s32 $0x10;
	s20 =	sshrl.u32 @!p0 s20, $0x3;
	v0 =	vor.u32 @!p1 s21, v0;
	[tilespmem:$0x179C0] =	vst @!p0 v1  }
0xc6: {  	s19 =	simm.s32 @!p1 $0x3;
	s21 =	sadd.s32 @!p0 s8, s20;
	s20 =	sadd.s32 $0x800, s11;
	[tilespmem:$0x179E0] =	vst @!p0 v0  }
.LBB2_12:
0xc7: {  	[tilespmem:s22], [sflag:$0x3] =	stream.indirect.gather @!p0 [spmem:s3], $0x80, s24, s23, $0xb8;
	[tilespmem:$0x17A00] =	vst v63  }
0xc8: {  	s23 =	smov.u32 s18  }
0xc9: {  	s18 =	sadd.s32 $0x10, s18;
	s24 =	simm.s32 @!p0 $0x2;
	_ =	swait.ge @!p0 [sflag:s19], $0x4000  }
0xca: {  	s23 =	sadd.s32 s23, s2;
	p1 =	sne.s32 s18, $0x50;
	[sflag:s19] =	ssyncset.done @!p0 $0x0  }
0xcb: {  	p2 =	sgt.u32 s23, $0x4E;
	[sflag:s19] =	ssyncadd.s32 @!p0 $0xFFFFC000;
	s19 =	simm.s32 @!p0 $0x0  }
0xcc: {  	[hbm4b:s21+s19] =	stream.linear.scatter @!p0 [tilespmem:s22], [sflag:$0x2], $0x4000, $0x38;
	[tilespmem:$0x17A00] =	vst v63  }
0xcd: {  	s21 =	smin.u32 @!p2 s20, $0x2690;
	s19 =	simm.s32 @!p2 $0x3;
	_ =	swait.ge @!p0 [sflag:s24], $0x4000  }
0xce: {  	v0 =	vlaneseq.u32 @!p2;
	s22 =	sadd.s32 @!p2 $0x10, s21;
	s23 =	sor.u32 @!p2 $0x20, s21;
	[sflag:s24] =	ssyncset.done @!p0 $0x0  }
0xcf: {  	v1 =	vor.u32 @!p2 s21, v0;
	v2 =	vor.u32 @!p2 s22, v0;
	v3 =	vor.u32 @!p2 s23, v0;
	s22 =	sor.u32 @!p2 $0x40, s21;
	s23 =	sadd.s32 @!p2 $0x50, s21;
	[sflag:s24] =	ssyncadd.s32 @!p0 $0xFFFFC000  }
0xd0: {  	s24 =	sadd.s32 @!p2 $0x30, s21;
	v4 =	vor.u32 @!p2 s23, v0;
	s23 =	sadd.s32 @!p2 $0x70, s21;
	[tilespmem:$0x17980] =	vst @!p2 v1;
	v1 =	vor.u32 @!p2 s22, v0;
	s22 =	sor.u32 @!p2 $0x60, s21  }
0xd1: {  	p0 =	por p2, p2;
	s21 =	sshll.u32 @!p2 s21, $0x7;
	[tilespmem:$0x17990] =	vst @!p2 v2;
	v2 =	vor.u32 @!p2 s24, v0;
	v5 =	vor.u32 @!p2 s22, v0;
	v0 =	vor.u32 @!p2 s23, v0  }
0xd2: {  	s21 =	sadd.s32 @!p0 s9, s21;
	[tilespmem:$0x179A0] =	vst @!p0 v3  }
.Ltmp5:
0xd3: {  	s21 =	sshrl.u32 @!p0 s21, $0x3;
	[tilespmem:$0x179D0] =	vst @!p0 v4;
	(pc) =	sbr.rel @p1 .LBB2_12-.Ltmp5, $4  }
0xd4: {  	s21 =	sadd.s32 @!p0 s8, s21;
	[tilespmem:$0x179F0] =	vst @!p0 v0  }
0xd5: {  	[tilespmem:$0x179B0] =	vst @!p0 v2  }
0xd6: {  	s20 =	sadd.s32 $0x800, s20;
	[tilespmem:$0x179C0] =	vst @!p0 v1  }
0xd7: {  	s23 =	simm.s32 @!p0 $0x80;
	s24 =	simm.s32 @!p0 $0x17980;
	s22 =	simm.s32 @!p0 $0x13980;
	[tilespmem:$0x179E0] =	vst @!p0 v5  }
0xd8: {  	[tilespmem:s22], [sflag:$0x3] =	stream.indirect.gather @!p0 [spmem:s3], $0x80, s24, s23, $0xb8;
	[tilespmem:$0x17A00] =	vst v63  }
0xd9: {  	s17 =	sadd.s32 $0x1, s17;
	_ =	swait.ge @!p0 [sflag:s19], $0x4000  }
0xda: {  	s18 =	simm.s32 @!p0 $0x2;
	p1 =	sne.s32 s17, s10;
	[sflag:s19] =	ssyncset.done @!p0 $0x0  }
.Ltmp6:
0xdb: {  	[sflag:s19] =	ssyncadd.s32 @!p0 $0xFFFFC000;
	s19 =	simm.s32 @!p0 $0x0;
	(pc) =	sbr.rel @p1 .LBB2_1-.Ltmp6, $4  }
0xdc: {  	[hbm4b:s21+s19] =	stream.linear.scatter @!p0 [tilespmem:s22], [sflag:$0x2], $0x4000, $0x38;
	[tilespmem:$0x17A00] =	vst v63  }
0xdd: {  	_ =	swait.ge @!p0 [sflag:s18], $0x4000  }
0xde: {  	[sflag:s18] =	ssyncset.done @!p0 $0x0  }
0xdf: {  	[sflag:s18] =	ssyncadd.s32 @!p0 $0xFFFFC000  }
0xe0: {  	_ =	sfence.sel $0x180000  }
0xe1: {  	[bflag:$0x0] =	sbarrier.arrive $0xFFFF  }
0xe2: {  	p0 =	sne.s32 s2, $0x0;
	_ =	strace $0x90000047  }
0xe3: {  	s0 =	sadd.s32 @!p0 $0x100000, s0;
	[bflag:$0x2] =	sbarrier.arrive $0xFFFF  }
0xe4: {  	[sflag:s0] =	ssyncadd.tile.s32 @!p0 $0x1;
	_ =	shalt  }
.Lfunc_end2:
_tile_overlayer_lowered:
.L_overlay_start_2:
0xe5: {  	(tag) =	ssettag $0x2  }
0xe6: {  	s0 =	rddreg [dreg:$0x0];
	s2 =	stileid.u32  }
0xe7: {  	s1 =	rddreg [dreg:$0x1];
	p0 =	sne.s32 s2, $0x0  }
0xe8: {  	s3 =	rddreg [dreg:$0x2];
	[bflag:$0x3] =	sbarrier.arrive $0xFFFF;
	s2 =	simm.s32 @!p0 $0x1C02  }
0xe9: {  	[timem:s3], [sflag:s2] =	dma.local @!p0 [hbm:s0], s1  }
0xea: {  	s0 =	simm.s32 @!p0 $0x2  }
0xeb: {  	_ =	swait.ge @!p0 [sflag:s0], s1  }
0xec: {  	s1 =	ssub.s32 @!p0 $0x0, s1;
	[sflag:s0] =	ssyncset.done @!p0 $0x0  }
0xed: {  	[sflag:s0] =	ssyncadd.s32 @!p0 s1  }
0xee: {  	[bflag:$0x3] =	sbarrier.arrive $0xFFFF  }
0xef: {  	_ =	shalt  }

</sc_bundles>
